<compile_context>
chip_gen: v7x
topology: tpu7x:2x2x1
jax: 0.10.2.dev20260603
libtpu: 0.0.44.dev20260713+nightly
codegen_flags: <defaults>
</compile_context>

<pallas_src>
import functools

import jax
import jax.numpy as jnp
from jax import lax
from jax.experimental import pallas as pl
from jax.experimental.pallas import tpu as pltpu
from jax.experimental.pallas import tpu_sc as plsc

_N = 10000
_E = 320000
_D = 128
_G = 64
_C = 10

_NC = 2
_NS = 16
_EPC = _E // _NC
_EPS = _EPC // _NS
_CHUNK = 128
_EPSP = 10240
_PAD = _EPSP - _EPS
_IB = 8
_NGRP = _EPSP // (_CHUNK * _IB)
_AROWS = _N + 16
_RPS = 624
_ZROWS = 16


def _seg_sum(h, pk):
  mesh = plsc.VectorSubcoreMesh(core_axis_name="c", subcore_axis_name="s")

  @functools.partial(
      pl.kernel,
      out_type=jax.ShapeDtypeStruct((_NC, _N, _D), jnp.float32),
      mesh=mesh,
      scratch_types=[
          pltpu.VMEM((_IB, 2, _CHUNK), jnp.int32),
          pltpu.VMEM((_IB, 2, _CHUNK), jnp.int32),
          pltpu.VMEM((_CHUNK, _D), jnp.float32),
          pltpu.VMEM((_CHUNK, _D), jnp.float32),
          pltpu.VMEM((_ZROWS, _D), jnp.float32),
          pltpu.VMEM_SHARED((_AROWS, _D), jnp.float32),
          pltpu.SemaphoreType.DMA,
          pltpu.SemaphoreType.DMA,
          pltpu.SemaphoreType.DMA,
      ],
  )
  def k(h_hbm, pk_hbm, out_hbm,
        iba, ibb, rows0, rows1, zero_v, acc_sh, sem0, sem1, semib):
    cid = lax.axis_index("c")
    sid = lax.axis_index("s")
    my_pk = pk_hbm.at[cid].at[sid]

    @pl.loop(0, _ZROWS)
    def _(r):
      @pl.loop(0, _D, step=16)
      def _(c0):
        zero_v[r, pl.ds(c0, 16)] = jnp.zeros((16,), jnp.float32)

    base = sid * _RPS

    @pl.loop(0, _RPS // _ZROWS)
    def _(i):
      pltpu.sync_copy(zero_v, acc_sh.at[pl.ds(base + i * _ZROWS, _ZROWS)])

    @pl.when(sid == _NS - 1)
    def _():
      pltpu.sync_copy(zero_v, acc_sh.at[pl.ds(base + _RPS, _ZROWS)])

    plsc.subcore_barrier()

    pltpu.sync_copy(my_pk.at[0], iba)
    pltpu.async_copy(h_hbm.at[iba.at[0].at[0]], rows0, sem0)

    @pl.loop(0, _NGRP, step=2)
    def _(g):
      for (cur, nxt, off) in ((iba, ibb, 0), (ibb, iba, 1)):
        gg = g + off

        @pl.when(gg + 1 < _NGRP)
        def _():
          pltpu.async_copy(my_pk.at[gg + 1], nxt, semib)

        @pl.loop(0, _IB, step=2)
        def _(t):
          pltpu.async_copy(h_hbm.at[cur.at[t + 1].at[0]], rows1, sem1)
          pltpu.make_async_copy(h_hbm.at[cur.at[t].at[0]], rows0, sem0).wait()
          pltpu.sync_copy(rows0, acc_sh.at[cur.at[t].at[1]], add=True)

          @pl.when(t < _IB - 2)
          def _():
            pltpu.async_copy(h_hbm.at[cur.at[t + 2].at[0]], rows0, sem0)

          @pl.when(jnp.logical_and(t == _IB - 2, gg + 1 < _NGRP))
          def _():
            pltpu.make_async_copy(my_pk.at[gg + 1], nxt, semib).wait()
            pltpu.async_copy(h_hbm.at[nxt.at[0].at[0]], rows0, sem0)

          pltpu.make_async_copy(h_hbm.at[cur.at[t + 1].at[0]], rows1, sem1).wait()
          pltpu.sync_copy(rows1, acc_sh.at[cur.at[t + 1].at[1]], add=True)

    plsc.subcore_barrier()

    my_out = out_hbm.at[cid]

    @pl.when(sid < _NS - 1)
    def _():
      pltpu.sync_copy(acc_sh.at[pl.ds(base, _RPS)],
                      my_out.at[pl.ds(base, _RPS)])

    @pl.when(sid == _NS - 1)
    def _():
      pltpu.sync_copy(acc_sh.at[pl.ds(base, _RPS + 16)],
                      my_out.at[pl.ds(base, _RPS + 16)])

  return k(h, pk)


_BLK = 1000


def _mlp_body(h_ref, p_ref, w1_ref, b1_ref, w2_ref, b2_ref, o_ref, *, relu_out):
  z = h_ref[...] + p_ref[0] + p_ref[1]
  z1 = lax.dot_general(z, w1_ref[...], (((1,), (1,)), ((), ())),
                       preferred_element_type=jnp.float32) + b1_ref[...]
  z1 = jnp.maximum(z1, 0.0)
  z2 = lax.dot_general(z1, w2_ref[...], (((1,), (1,)), ((), ())),
                       preferred_element_type=jnp.float32) + b2_ref[...]
  if relu_out:
    z2 = jnp.maximum(z2, 0.0)
  o_ref[...] = z2


def _gin_mlp(h, agg, W1, b1, W2, b2, relu_out):
  grid = _N // _BLK
  return pl.pallas_call(
      functools.partial(_mlp_body, relu_out=relu_out),
      grid=(grid,),
      in_specs=[
          pl.BlockSpec((_BLK, _D), lambda i: (i, 0)),
          pl.BlockSpec((_NC, _BLK, _D), lambda i: (0, i, 0)),
          pl.BlockSpec((_D, _D), lambda i: (0, 0)),
          pl.BlockSpec((1, _D), lambda i: (0, 0)),
          pl.BlockSpec((_D, _D), lambda i: (0, 0)),
          pl.BlockSpec((1, _D), lambda i: (0, 0)),
      ],
      out_specs=pl.BlockSpec((_BLK, _D), lambda i: (i, 0)),
      out_shape=jax.ShapeDtypeStruct((_N, _D), jnp.float32),
  )(h, agg, W1, b1.reshape(1, _D), W2, b2.reshape(1, _D))


def _pool_body(batch_ref, h_ref, wl_ref, bl_ref, o_ref, acc_ref, cnt_ref):
  i = pl.program_id(0)

  @pl.when(i == 0)
  def _():
    acc_ref[...] = jnp.zeros_like(acc_ref)
    cnt_ref[...] = jnp.zeros_like(cnt_ref)

  b = batch_ref[0]
  gid = lax.broadcasted_iota(jnp.int32, (_G, _BLK), 0)
  mask = jnp.where(gid == b, 1.0, 0.0).astype(jnp.float32)
  acc_ref[...] += lax.dot_general(mask, h_ref[...], (((1,), (0,)), ((), ())),
                                  preferred_element_type=jnp.float32)
  cnt_ref[...] += jnp.sum(mask, axis=1, keepdims=True)

  @pl.when(i == pl.num_programs(0) - 1)
  def _():
    pooled = acc_ref[...] / jnp.maximum(cnt_ref[...], 1.0)
    logits = lax.dot_general(pooled, wl_ref[...], (((1,), (1,)), ((), ())),
                             preferred_element_type=jnp.float32) + bl_ref[...]
    m = jnp.max(logits, axis=1, keepdims=True)
    ls = m + jnp.log(jnp.sum(jnp.exp(logits - m), axis=1, keepdims=True))
    o_ref[...] = logits - ls


def _pool_classify(h, batch3, Wl, bl):
  grid = _N // _BLK
  return pl.pallas_call(
      _pool_body,
      grid=(grid,),
      in_specs=[
          pl.BlockSpec((1, 1, _BLK), lambda i: (i, 0, 0)),
          pl.BlockSpec((_BLK, _D), lambda i: (i, 0)),
          pl.BlockSpec((_C, _D), lambda i: (0, 0)),
          pl.BlockSpec((1, _C), lambda i: (0, 0)),
      ],
      out_specs=pl.BlockSpec((_G, _C), lambda i: (0, 0)),
      out_shape=jax.ShapeDtypeStruct((_G, _C), jnp.float32),
      scratch_shapes=[
          pltpu.VMEM((_G, _D), jnp.float32),
          pltpu.VMEM((_G, 1), jnp.float32),
      ],
  )(batch3, h, Wl, bl.reshape(1, _C))


def kernel(x, edge_index, edge_attr, batch,
           W1_0, b1_0, W2_0, b2_0,
           W1_1, b1_1, W2_1, b2_1,
           W1_2, b1_2, W2_2, b2_2,
           Wl, bl):
  src = edge_index[0].astype(jnp.int32)
  dst = edge_index[1].astype(jnp.int32)
  pads = jnp.broadcast_to(lax.iota(jnp.int32, _PAD),
                          (_NC, _NS, _PAD))
  padt = _N + (lax.iota(jnp.int32, _PAD) & 15)
  padd = jnp.broadcast_to(padt, (_NC, _NS, _PAD))
  srcw = jnp.concatenate([src.reshape(_NC, _NS, _EPS), pads], axis=-1)
  dstw = jnp.concatenate([dst.reshape(_NC, _NS, _EPS), padd], axis=-1)
  srcw = srcw.reshape(_NC, _NS, _NGRP, _IB, _CHUNK)
  dstw = dstw.reshape(_NC, _NS, _NGRP, _IB, _CHUNK)
  pk = jnp.stack([srcw, dstw], axis=4)
  batch3 = batch.astype(jnp.int32).reshape(_N // _BLK, 1, _BLK)

  h = x
  params = [(W1_0, b1_0, W2_0, b2_0, True),
            (W1_1, b1_1, W2_1, b2_1, True),
            (W1_2, b1_2, W2_2, b2_2, False)]
  for (W1, b1, W2, b2, relu_out) in params:
    agg = _seg_sum(h, pk)
    h = _gin_mlp(h, agg, W1, b1, W2, b2, relu_out)

  return _pool_classify(h, batch3, Wl, bl)

# --- scband reference (transcript-rebuilt; emitter-appended) ---
"""Pipeline reference for scband-gin-12661563588773 (READ-ONLY COPY).

The authoritative reference and input builder live on the scoring server;
editing this copy changes nothing except your own understanding.
"""

import jax, jax.numpy as jnp
import numpy as np

N = 10000
E = 320000
D = 128
H = 128
C = 10
G = 64

def setup_inputs(seed: int = 0):
    key = jax.random.key(seed)
    ks = jax.random.split(key, 20)
    inp = {}
    inp['x'] = jax.random.normal(ks[0], (N, D), dtype=jnp.float32)
    inp['edge_index'] = jax.random.randint(ks[1], (2, E), 0, N)
    inp['edge_attr'] = jax.random.normal(ks[2], (E, 16), dtype=jnp.float32)
    inp['batch'] = jnp.sort(jax.random.randint(ks[3], (N,), 0, G))
    dims = [(D, H), (H, H), (H, H)]
    for i, (din, dh) in enumerate(dims):
        inp['W1_%d' % i] = jax.random.normal(ks[4 + 4 * i], (dh, din), dtype=jnp.float32) * 0.05
        inp['b1_%d' % i] = jnp.zeros((dh,), dtype=jnp.float32)
        inp['W2_%d' % i] = jax.random.normal(ks[5 + 4 * i], (dh, dh), dtype=jnp.float32) * 0.05
        inp['b2_%d' % i] = jnp.zeros((dh,), dtype=jnp.float32)
    inp['Wl'] = jax.random.normal(ks[16], (C, H), dtype=jnp.float32) * 0.05
    inp['bl'] = jnp.zeros((C,), dtype=jnp.float32)
    return inp

def _gin_conv(h, src, dst, W1, b1, W2, b2):
    # GINConv: mlp((1 + eps) * x + sum_{j in N(i)} x_j), eps = 0
    agg = jnp.zeros_like(h).at[dst].add(h[src])
    z = h + agg
    z = jnp.maximum(z @ W1.T + b1, 0.0)
    return z @ W2.T + b2

def reference(x, edge_index, edge_attr, batch, W1_0, b1_0, W2_0, b2_0, W1_1, b1_1, W2_1, b2_1, W1_2, b1_2, W2_2, b2_2, Wl, bl):
    # edge_attr is accepted by the torch forward but GINConv does not consume edge features
    src = edge_index[0]
    dst = edge_index[1]
    h = _gin_conv(x, src, dst, W1_0, b1_0, W2_0, b2_0)
    h = jnp.maximum(h, 0.0)  # inter-layer ReLU (dropout is identity at inference)
    h = _gin_conv(h, src, dst, W1_1, b1_1, W2_1, b2_1)
    h = jnp.maximum(h, 0.0)
    h = _gin_conv(h, src, dst, W1_2, b1_2, W2_2, b2_2)
    # global_mean_pool over graph ids
    counts = jnp.zeros((G,), dtype=h.dtype).at[batch].add(1.0)
    sums = jnp.zeros((G, h.shape[1]), dtype=h.dtype).at[batch].add(h)
    pooled = sums / jnp.clip(counts, 1.0)[:, None]
    logits = pooled @ Wl.T + bl
    return jax.nn.log_softmax(logits, axis=1)

if __name__ == "__main__":
    import jax
    _d = setup_inputs()
    print(jax.jit(kernel)(*tuple(_d.values())))

</pallas_src>

<mosaic_0001>
#map = affine_map<(d0, d1) -> (0, 0)>
#map1 = affine_map<(d0, d1) -> (0, 0, 0, 0, 0, 0)>
#map2 = affine_map<(d0, d1) -> (0, 0, 0)>
module attributes {stable_mosaic.version = 14 : i64} {
  func.func @k(%arg0: i32, %arg1: i32, %arg2: memref<10000x128xf32, #tpu.memory_space<hbm>>, %arg3: memref<2x16x10x8x2x128xi32, #tpu.memory_space<hbm>>, %arg4: memref<2x10000x128xf32, #tpu.memory_space<hbm>>, %arg5: memref<8x2x128xi32, #tpu.memory_space<vmem>>, %arg6: memref<8x2x128xi32, #tpu.memory_space<vmem>>, %arg7: memref<128x128xf32, #tpu.memory_space<vmem>>, %arg8: memref<128x128xf32, #tpu.memory_space<vmem>>, %arg9: memref<16x128xf32, #tpu.memory_space<vmem>>, %arg10: memref<10016x128xf32, #tpu.memory_space<vmem_shared>>, %arg11: memref<!tpu.dma_semaphore, #tpu.memory_space<semaphore_mem>>, %arg12: memref<!tpu.dma_semaphore, #tpu.memory_space<semaphore_mem>>, %arg13: memref<!tpu.dma_semaphore, #tpu.memory_space<semaphore_mem>>) attributes {dimension_semantics = [#tpu.dimension_semantics<core_parallel>, #tpu.dimension_semantics<subcore_parallel>], iteration_bounds = array<i64: 2, 16>, scalar_prefetch = 0 : i64, scratch_operands = 9 : i64, tpu.core_type = #tpu.core_type<sc_vector_subcore>, window_params = [{transform_indices = #map}, {transform_indices = #map1}, {transform_indices = #map2}]} {
    %scan3A = arith.constant 0 : i32
    %scan3A_0 = arith.constant 16 : i32
    %scan3A_1 = arith.addi %scan3A, %scan3A_0 : i32
    %scan3A_2 = arith.constant 1 : i32
    scf.for %scan3A_38 = %scan3A to %scan3A_1 step %scan3A_2  : i32 {
      %mul3A_39 = arith.constant 1 : i32
      %mul3A_40 = arith.muli %scan3A_38, %mul3A_39 : i32
      %add3A = arith.constant 0 : i32
      %add3A_41 = arith.addi %add3A, %mul3A_40 : i32
      %scan3A_42 = arith.constant 0 : i32
      %scan3A_43 = arith.constant 8 : i32
      %scan3A_44 = arith.addi %scan3A_42, %scan3A_43 : i32
      %scan3A_45 = arith.constant 1 : i32
      scf.for %scan3A_47 = %scan3A_42 to %scan3A_44 step %scan3A_45  : i32 {
        %mul3A_48 = arith.constant 16 : i32
        %mul3A_49 = arith.muli %scan3A_47, %mul3A_48 : i32
        %add3A_50 = arith.constant 0 : i32
        %add3A_51 = arith.addi %add3A_50, %mul3A_49 : i32
        %broadcast_in_dim3A = arith.constant 0.000000e+00 : f32
        %broadcast_in_dim3A_52 = vector.broadcast %broadcast_in_dim3A : f32 to vector<16xf32>
        %swap3A = arith.index_cast %add3A_41 : i32 to index
        %swap3A_53 = arith.index_cast %add3A_51 : i32 to index
        %swap3A_54 = tpu.vector_load %arg9[%swap3A, %swap3A_53] {strides = array<i32>} : memref<16x128xf32, #tpu.memory_space<vmem>>, vector<1x16xf32>,
        %swap3A_55 = vector.shape_cast %swap3A_54 : vector<1x16xf32> to vector<16xf32>
        %swap3A_56 = vector.shape_cast %broadcast_in_dim3A_52 : vector<16xf32> to vector<1x16xf32>
        tpu.vector_store %arg9[%swap3A, %swap3A_53], %swap3A_56 {strides = array<i32>} : memref<16x128xf32, #tpu.memory_space<vmem>>, vector<1x16xf32>,
      }
      %scan3A_46 = arith.constant 8 : i32
    }
    %scan3A_3 = arith.constant 16 : i32
    %mul3A = arith.constant 624 : i32
    %mul3A_4 = arith.muli %arg1, %mul3A : i32
    %scan3A_5 = arith.constant 0 : i32
    %scan3A_6 = arith.constant 39 : i32
    %scan3A_7 = arith.addi %scan3A_5, %scan3A_6 : i32
    %scan3A_8 = arith.constant 1 : i32
    scf.for %scan3A_38 = %scan3A_5 to %scan3A_7 step %scan3A_8  : i32 {
      %mul3A_39 = arith.constant 1 : i32
      %mul3A_40 = arith.muli %scan3A_38, %mul3A_39 : i32
      %add3A = arith.constant 0 : i32
      %add3A_41 = arith.addi %add3A, %mul3A_40 : i32
      %mul3A_42 = arith.constant 16 : i32
      %mul3A_43 = arith.muli %add3A_41, %mul3A_42 : i32
      %add3A_44 = arith.addi %mul3A_4, %mul3A_43 : i32
      "tpu.region"() ({
        %run_scoped3A_45 = tpu.sem_alloc : memref<!tpu.dma_semaphore, #tpu.memory_space<semaphore_mem>>
        %dma_start3A_46 = arith.constant 0 : i32
        %dma_start3A_47 = tpu.memref_slice %arg10[%add3A_44, %dma_start3A_46] : memref<10016x128xf32, #tpu.memory_space<vmem_shared>> -> memref<16x128xf32, #tpu.memory_space<vmem_shared>>
        %dma_start3A_48 = arith.constant 0 : i32
        %dma_start3A_49 = tpu.memref_slice %arg10[%add3A_44, %dma_start3A_48] : memref<10016x128xf32, #tpu.memory_space<vmem_shared>> -> memref<16x128xf32, #tpu.memory_space<vmem_shared>>
        tpu.enqueue_dma source(%arg9 : memref<16x128xf32, #tpu.memory_space<vmem>>) target(%dma_start3A_49 : memref<16x128xf32, #tpu.memory_space<vmem_shared>>) target_semaphore(%run_scoped3A_45 : memref<!tpu.dma_semaphore, #tpu.memory_space<semaphore_mem>>)
        %dma_wait3A = arith.constant 0 : i32
        %dma_wait3A_50 = tpu.memref_slice %arg10[%add3A_44, %dma_wait3A] : memref<10016x128xf32, #tpu.memory_space<vmem_shared>> -> memref<16x128xf32, #tpu.memory_space<vmem_shared>>
        %dma_wait3A_51 = arith.constant 0 : i32
        %dma_wait3A_52 = tpu.memref_slice %arg10[%add3A_44, %dma_wait3A_51] : memref<10016x128xf32, #tpu.memory_space<vmem_shared>> -> memref<16x128xf32, #tpu.memory_space<vmem_shared>>
        tpu.wait_dma2 semaphore(%run_scoped3A_45 : memref<!tpu.dma_semaphore, #tpu.memory_space<semaphore_mem>>) src(%arg9 : memref<16x128xf32, #tpu.memory_space<vmem>>) dst(%dma_wait3A_52 : memref<16x128xf32, #tpu.memory_space<vmem_shared>>)
        tpu.yield
      }) : () -> ()
    }
    %scan3A_9 = arith.constant 39 : i32
    %eq3A = arith.constant 15 : i32
    %eq3A_10 = arith.cmpi eq, %arg1, %eq3A : i32
    %convert_element_type3A = arith.extui %eq3A_10 : i1 to i32
    %cond3A = arith.constant 0 : i32
    %cond3A_11 = arith.cmpi ne, %convert_element_type3A, %cond3A : i32
    scf.if %cond3A_11 {
      %add3A = arith.constant 624 : i32
      %add3A_38 = arith.addi %mul3A_4, %add3A : i32
      "tpu.region"() ({
        %run_scoped3A_39 = tpu.sem_alloc : memref<!tpu.dma_semaphore, #tpu.memory_space<semaphore_mem>>
        %dma_start3A_40 = arith.constant 0 : i32
        %dma_start3A_41 = tpu.memref_slice %arg10[%add3A_38, %dma_start3A_40] : memref<10016x128xf32, #tpu.memory_space<vmem_shared>> -> memref<16x128xf32, #tpu.memory_space<vmem_shared>>
        %dma_start3A_42 = arith.constant 0 : i32
        %dma_start3A_43 = tpu.memref_slice %arg10[%add3A_38, %dma_start3A_42] : memref<10016x128xf32, #tpu.memory_space<vmem_shared>> -> memref<16x128xf32, #tpu.memory_space<vmem_shared>>
        tpu.enqueue_dma source(%arg9 : memref<16x128xf32, #tpu.memory_space<vmem>>) target(%dma_start3A_43 : memref<16x128xf32, #tpu.memory_space<vmem_shared>>) target_semaphore(%run_scoped3A_39 : memref<!tpu.dma_semaphore, #tpu.memory_space<semaphore_mem>>)
        %dma_wait3A = arith.constant 0 : i32
        %dma_wait3A_44 = tpu.memref_slice %arg10[%add3A_38, %dma_wait3A] : memref<10016x128xf32, #tpu.memory_space<vmem_shared>> -> memref<16x128xf32, #tpu.memory_space<vmem_shared>>
        %dma_wait3A_45 = arith.constant 0 : i32
        %dma_wait3A_46 = tpu.memref_slice %arg10[%add3A_38, %dma_wait3A_45] : memref<10016x128xf32, #tpu.memory_space<vmem_shared>> -> memref<16x128xf32, #tpu.memory_space<vmem_shared>>
        tpu.wait_dma2 semaphore(%run_scoped3A_39 : memref<!tpu.dma_semaphore, #tpu.memory_space<semaphore_mem>>) src(%arg9 : memref<16x128xf32, #tpu.memory_space<vmem>>) dst(%dma_wait3A_46 : memref<16x128xf32, #tpu.memory_space<vmem_shared>>)
        tpu.yield
      }) : () -> ()
    } else {
    }
    %barrier3A = arith.constant 0 : index
    tpu.barrier barrier_id(%barrier3A)
    %run_scoped3A = arith.constant 0 : i32
    "tpu.region"() ({
      %run_scoped3A_38 = tpu.sem_alloc : memref<!tpu.dma_semaphore, #tpu.memory_space<semaphore_mem>>
      %dma_start3A_39 = arith.constant 0 : i32
      %dma_start3A_40 = arith.constant 0 : i32
      %dma_start3A_41 = arith.constant 0 : i32
      %dma_start3A_42 = arith.constant 0 : i32
      %dma_start3A_43 = arith.constant 0 : i32
      %dma_start3A_44 = tpu.memref_slice %arg3[%arg0, %dma_start3A_39, %dma_start3A_40, %dma_start3A_41, %dma_start3A_42, %dma_start3A_43] : memref<2x16x10x8x2x128xi32, #tpu.memory_space<hbm>> -> memref<1x16x10x8x2x128xi32, #tpu.memory_space<hbm>>
      %dma_start3A_45 = tpu.memref_squeeze %dma_start3A_44 : memref<1x16x10x8x2x128xi32, #tpu.memory_space<hbm>> -> memref<16x10x8x2x128xi32, #tpu.memory_space<hbm>>
      %dma_start3A_46 = arith.constant 0 : i32
      %dma_start3A_47 = arith.constant 0 : i32
      %dma_start3A_48 = arith.constant 0 : i32
      %dma_start3A_49 = arith.constant 0 : i32
      %dma_start3A_50 = tpu.memref_slice %dma_start3A_45[%arg1, %dma_start3A_46, %dma_start3A_47, %dma_start3A_48, %dma_start3A_49] : memref<16x10x8x2x128xi32, #tpu.memory_space<hbm>> -> memref<1x10x8x2x128xi32, #tpu.memory_space<hbm>>
      %dma_start3A_51 = tpu.memref_squeeze %dma_start3A_50 : memref<1x10x8x2x128xi32, #tpu.memory_space<hbm>> -> memref<10x8x2x128xi32, #tpu.memory_space<hbm>>
      %dma_start3A_52 = arith.constant 0 : i32
      %dma_start3A_53 = arith.constant 0 : i32
      %dma_start3A_54 = arith.constant 0 : i32
      %dma_start3A_55 = tpu.memref_slice %dma_start3A_51[%run_scoped3A, %dma_start3A_52, %dma_start3A_53, %dma_start3A_54] : memref<10x8x2x128xi32, #tpu.memory_space<hbm>> -> memref<1x8x2x128xi32, #tpu.memory_space<hbm>>
      %dma_start3A_56 = tpu.memref_squeeze %dma_start3A_55 : memref<1x8x2x128xi32, #tpu.memory_space<hbm>> -> memref<8x2x128xi32, #tpu.memory_space<hbm>>
      %dma_start3A_57 = arith.constant 0 : i32
      %dma_start3A_58 = arith.constant 0 : i32
      %dma_start3A_59 = arith.constant 0 : i32
      %dma_start3A_60 = arith.constant 0 : i32
      %dma_start3A_61 = arith.constant 0 : i32
      %dma_start3A_62 = tpu.memref_slice %arg3[%arg0, %dma_start3A_57, %dma_start3A_58, %dma_start3A_59, %dma_start3A_60, %dma_start3A_61] : memref<2x16x10x8x2x128xi32, #tpu.memory_space<hbm>> -> memref<1x16x10x8x2x128xi32, #tpu.memory_space<hbm>>
      %dma_start3A_63 = tpu.memref_squeeze %dma_start3A_62 : memref<1x16x10x8x2x128xi32, #tpu.memory_space<hbm>> -> memref<16x10x8x2x128xi32, #tpu.memory_space<hbm>>
      %dma_start3A_64 = arith.constant 0 : i32
      %dma_start3A_65 = arith.constant 0 : i32
      %dma_start3A_66 = arith.constant 0 : i32
      %dma_start3A_67 = arith.constant 0 : i32
      %dma_start3A_68 = tpu.memref_slice %dma_start3A_63[%arg1, %dma_start3A_64, %dma_start3A_65, %dma_start3A_66, %dma_start3A_67] : memref<16x10x8x2x128xi32, #tpu.memory_space<hbm>> -> memref<1x10x8x2x128xi32, #tpu.memory_space<hbm>>
      %dma_start3A_69 = tpu.memref_squeeze %dma_start3A_68 : memref<1x10x8x2x128xi32, #tpu.memory_space<hbm>> -> memref<10x8x2x128xi32, #tpu.memory_space<hbm>>
      %dma_start3A_70 = arith.constant 0 : i32
      %dma_start3A_71 = arith.constant 0 : i32
      %dma_start3A_72 = arith.constant 0 : i32
      %dma_start3A_73 = tpu.memref_slice %dma_start3A_69[%run_scoped3A, %dma_start3A_70, %dma_start3A_71, %dma_start3A_72] : memref<10x8x2x128xi32, #tpu.memory_space<hbm>> -> memref<1x8x2x128xi32, #tpu.memory_space<hbm>>
      %dma_start3A_74 = tpu.memref_squeeze %dma_start3A_73 : memref<1x8x2x128xi32, #tpu.memory_space<hbm>> -> memref<8x2x128xi32, #tpu.memory_space<hbm>>
      tpu.enqueue_dma source(%dma_start3A_74 : memref<8x2x128xi32, #tpu.memory_space<hbm>>) target(%arg5 : memref<8x2x128xi32, #tpu.memory_space<vmem>>) target_semaphore(%run_scoped3A_38 : memref<!tpu.dma_semaphore, #tpu.memory_space<semaphore_mem>>)
      %dma_wait3A = arith.constant 0 : i32
      %dma_wait3A_75 = arith.constant 0 : i32
      %dma_wait3A_76 = arith.constant 0 : i32
      %dma_wait3A_77 = arith.constant 0 : i32
      %dma_wait3A_78 = arith.constant 0 : i32
      %dma_wait3A_79 = tpu.memref_slice %arg3[%arg0, %dma_wait3A, %dma_wait3A_75, %dma_wait3A_76, %dma_wait3A_77, %dma_wait3A_78] : memref<2x16x10x8x2x128xi32, #tpu.memory_space<hbm>> -> memref<1x16x10x8x2x128xi32, #tpu.memory_space<hbm>>
      %dma_wait3A_80 = tpu.memref_squeeze %dma_wait3A_79 : memref<1x16x10x8x2x128xi32, #tpu.memory_space<hbm>> -> memref<16x10x8x2x128xi32, #tpu.memory_space<hbm>>
      %dma_wait3A_81 = arith.constant 0 : i32
      %dma_wait3A_82 = arith.constant 0 : i32
      %dma_wait3A_83 = arith.constant 0 : i32
      %dma_wait3A_84 = arith.constant 0 : i32
      %dma_wait3A_85 = tpu.memref_slice %dma_wait3A_80[%arg1, %dma_wait3A_81, %dma_wait3A_82, %dma_wait3A_83, %dma_wait3A_84] : memref<16x10x8x2x128xi32, #tpu.memory_space<hbm>> -> memref<1x10x8x2x128xi32, #tpu.memory_space<hbm>>
      %dma_wait3A_86 = tpu.memref_squeeze %dma_wait3A_85 : memref<1x10x8x2x128xi32, #tpu.memory_space<hbm>> -> memref<10x8x2x128xi32, #tpu.memory_space<hbm>>
      %dma_wait3A_87 = arith.constant 0 : i32
      %dma_wait3A_88 = arith.constant 0 : i32
      %dma_wait3A_89 = arith.constant 0 : i32
      %dma_wait3A_90 = tpu.memref_slice %dma_wait3A_86[%run_scoped3A, %dma_wait3A_87, %dma_wait3A_88, %dma_wait3A_89] : memref<10x8x2x128xi32, #tpu.memory_space<hbm>> -> memref<1x8x2x128xi32, #tpu.memory_space<hbm>>
      %dma_wait3A_91 = tpu.memref_squeeze %dma_wait3A_90 : memref<1x8x2x128xi32, #tpu.memory_space<hbm>> -> memref<8x2x128xi32, #tpu.memory_space<hbm>>
      %dma_wait3A_92 = arith.constant 0 : i32
      %dma_wait3A_93 = arith.constant 0 : i32
      %dma_wait3A_94 = arith.constant 0 : i32
      %dma_wait3A_95 = arith.constant 0 : i32
      %dma_wait3A_96 = arith.constant 0 : i32
      %dma_wait3A_97 = tpu.memref_slice %arg3[%arg0, %dma_wait3A_92, %dma_wait3A_93, %dma_wait3A_94, %dma_wait3A_95, %dma_wait3A_96] : memref<2x16x10x8x2x128xi32, #tpu.memory_space<hbm>> -> memref<1x16x10x8x2x128xi32, #tpu.memory_space<hbm>>
      %dma_wait3A_98 = tpu.memref_squeeze %dma_wait3A_97 : memref<1x16x10x8x2x128xi32, #tpu.memory_space<hbm>> -> memref<16x10x8x2x128xi32, #tpu.memory_space<hbm>>
      %dma_wait3A_99 = arith.constant 0 : i32
      %dma_wait3A_100 = arith.constant 0 : i32
      %dma_wait3A_101 = arith.constant 0 : i32
      %dma_wait3A_102 = arith.constant 0 : i32
      %dma_wait3A_103 = tpu.memref_slice %dma_wait3A_98[%arg1, %dma_wait3A_99, %dma_wait3A_100, %dma_wait3A_101, %dma_wait3A_102] : memref<16x10x8x2x128xi32, #tpu.memory_space<hbm>> -> memref<1x10x8x2x128xi32, #tpu.memory_space<hbm>>
      %dma_wait3A_104 = tpu.memref_squeeze %dma_wait3A_103 : memref<1x10x8x2x128xi32, #tpu.memory_space<hbm>> -> memref<10x8x2x128xi32, #tpu.memory_space<hbm>>
      %dma_wait3A_105 = arith.constant 0 : i32
      %dma_wait3A_106 = arith.constant 0 : i32
      %dma_wait3A_107 = arith.constant 0 : i32
      %dma_wait3A_108 = tpu.memref_slice %dma_wait3A_104[%run_scoped3A, %dma_wait3A_105, %dma_wait3A_106, %dma_wait3A_107] : memref<10x8x2x128xi32, #tpu.memory_space<hbm>> -> memref<1x8x2x128xi32, #tpu.memory_space<hbm>>
      %dma_wait3A_109 = tpu.memref_squeeze %dma_wait3A_108 : memref<1x8x2x128xi32, #tpu.memory_space<hbm>> -> memref<8x2x128xi32, #tpu.memory_space<hbm>>
      tpu.wait_dma2 semaphore(%run_scoped3A_38 : memref<!tpu.dma_semaphore, #tpu.memory_space<semaphore_mem>>) src(%dma_wait3A_109 : memref<8x2x128xi32, #tpu.memory_space<hbm>>) dst(%arg5 : memref<8x2x128xi32, #tpu.memory_space<vmem>>)
      tpu.yield
    }) : () -> ()
    %dma_start3A = arith.constant 0 : i32
    %dma_start3A_12 = arith.constant 0 : i32
    %dma_start3A_13 = arith.constant 0 : i32
    %dma_start3A_14 = arith.constant 0 : i32
    %dma_start3A_15 = tpu.memref_slice %arg5[%dma_start3A, %dma_start3A_13, %dma_start3A_14] : memref<8x2x128xi32, #tpu.memory_space<vmem>> -> memref<1x2x128xi32, #tpu.memory_space<vmem>>
    %dma_start3A_16 = tpu.memref_squeeze %dma_start3A_15 : memref<1x2x128xi32, #tpu.memory_space<vmem>> -> memref<2x128xi32, #tpu.memory_space<vmem>>
    %dma_start3A_17 = arith.constant 0 : i32
    %dma_start3A_18 = tpu.memref_slice %dma_start3A_16[%dma_start3A_12, %dma_start3A_17] : memref<2x128xi32, #tpu.memory_space<vmem>> -> memref<1x128xi32, #tpu.memory_space<vmem>>
    %dma_start3A_19 = tpu.memref_squeeze %dma_start3A_18 : memref<1x128xi32, #tpu.memory_space<vmem>> -> memref<128xi32, #tpu.memory_space<vmem>>
    %dma_start3A_20 = arith.constant 0 : i32
    %dma_start3A_21 = arith.constant 0 : i32
    %dma_start3A_22 = tpu.memref_slice %arg2[%dma_start3A_20, %dma_start3A_21] : memref<10000x128xf32, #tpu.memory_space<hbm>> -> memref<10000x128xf32, #tpu.memory_space<hbm>>
    tpu.enqueue_indirect_dma source(%dma_start3A_22 : memref<10000x128xf32, #tpu.memory_space<hbm>>) target(%arg7 : memref<128x128xf32, #tpu.memory_space<vmem>>) offsets(%dma_start3A_19 : memref<128xi32, #tpu.memory_space<vmem>>) semaphore(%arg11 : memref<!tpu.dma_semaphore, #tpu.memory_space<semaphore_mem>>)
    %scan3A_23 = arith.constant 0 : i32
    %scan3A_24 = arith.constant 5 : i32
    %scan3A_25 = arith.addi %scan3A_23, %scan3A_24 : i32
    %scan3A_26 = arith.constant 1 : i32
    scf.for %scan3A_38 = %scan3A_23 to %scan3A_25 step %scan3A_26  : i32 {
      %mul3A_39 = arith.constant 2 : i32
      %mul3A_40 = arith.muli %scan3A_38, %mul3A_39 : i32
      %add3A = arith.constant 0 : i32
      %add3A_41 = arith.addi %add3A, %mul3A_40 : i32
      %add3A_42 = arith.constant 0 : i32
      %add3A_43 = arith.addi %add3A_41, %add3A_42 : i32
      %add3A_44 = arith.constant 1 : i32
      %add3A_45 = arith.addi %add3A_43, %add3A_44 : i32
      %lt3A_46 = arith.constant 10 : i32
      %lt3A_47 = arith.cmpi slt, %add3A_45, %lt3A_46 : i32
      %convert_element_type3A_48 = arith.extui %lt3A_47 : i1 to i32
      %cond3A_49 = arith.constant 0 : i32
      %cond3A_50 = arith.cmpi ne, %convert_element_type3A_48, %cond3A_49 : i32
      scf.if %cond3A_50 {
        %add3A_70 = arith.constant 1 : i32
        %add3A_71 = arith.addi %add3A_43, %add3A_70 : i32
        %dma_start3A_72 = arith.constant 0 : i32
        %dma_start3A_73 = arith.constant 0 : i32
        %dma_start3A_74 = arith.constant 0 : i32
        %dma_start3A_75 = arith.constant 0 : i32
        %dma_start3A_76 = arith.constant 0 : i32
        %dma_start3A_77 = tpu.memref_slice %arg3[%arg0, %dma_start3A_72, %dma_start3A_73, %dma_start3A_74, %dma_start3A_75, %dma_start3A_76] : memref<2x16x10x8x2x128xi32, #tpu.memory_space<hbm>> -> memref<1x16x10x8x2x128xi32, #tpu.memory_space<hbm>>
        %dma_start3A_78 = tpu.memref_squeeze %dma_start3A_77 : memref<1x16x10x8x2x128xi32, #tpu.memory_space<hbm>> -> memref<16x10x8x2x128xi32, #tpu.memory_space<hbm>>
        %dma_start3A_79 = arith.constant 0 : i32
        %dma_start3A_80 = arith.constant 0 : i32
        %dma_start3A_81 = arith.constant 0 : i32
        %dma_start3A_82 = arith.constant 0 : i32
        %dma_start3A_83 = tpu.memref_slice %dma_start3A_78[%arg1, %dma_start3A_79, %dma_start3A_80, %dma_start3A_81, %dma_start3A_82] : memref<16x10x8x2x128xi32, #tpu.memory_space<hbm>> -> memref<1x10x8x2x128xi32, #tpu.memory_space<hbm>>
        %dma_start3A_84 = tpu.memref_squeeze %dma_start3A_83 : memref<1x10x8x2x128xi32, #tpu.memory_space<hbm>> -> memref<10x8x2x128xi32, #tpu.memory_space<hbm>>
        %dma_start3A_85 = arith.constant 0 : i32
        %dma_start3A_86 = arith.constant 0 : i32
        %dma_start3A_87 = arith.constant 0 : i32
        %dma_start3A_88 = tpu.memref_slice %dma_start3A_84[%add3A_71, %dma_start3A_85, %dma_start3A_86, %dma_start3A_87] : memref<10x8x2x128xi32, #tpu.memory_space<hbm>> -> memref<1x8x2x128xi32, #tpu.memory_space<hbm>>
        %dma_start3A_89 = tpu.memref_squeeze %dma_start3A_88 : memref<1x8x2x128xi32, #tpu.memory_space<hbm>> -> memref<8x2x128xi32, #tpu.memory_space<hbm>>
        %dma_start3A_90 = arith.constant 0 : i32
        %dma_start3A_91 = arith.constant 0 : i32
        %dma_start3A_92 = arith.constant 0 : i32
        %dma_start3A_93 = arith.constant 0 : i32
        %dma_start3A_94 = arith.constant 0 : i32
        %dma_start3A_95 = tpu.memref_slice %arg3[%arg0, %dma_start3A_90, %dma_start3A_91, %dma_start3A_92, %dma_start3A_93, %dma_start3A_94] : memref<2x16x10x8x2x128xi32, #tpu.memory_space<hbm>> -> memref<1x16x10x8x2x128xi32, #tpu.memory_space<hbm>>
        %dma_start3A_96 = tpu.memref_squeeze %dma_start3A_95 : memref<1x16x10x8x2x128xi32, #tpu.memory_space<hbm>> -> memref<16x10x8x2x128xi32, #tpu.memory_space<hbm>>
        %dma_start3A_97 = arith.constant 0 : i32
        %dma_start3A_98 = arith.constant 0 : i32
        %dma_start3A_99 = arith.constant 0 : i32
        %dma_start3A_100 = arith.constant 0 : i32
        %dma_start3A_101 = tpu.memref_slice %dma_start3A_96[%arg1, %dma_start3A_97, %dma_start3A_98, %dma_start3A_99, %dma_start3A_100] : memref<16x10x8x2x128xi32, #tpu.memory_space<hbm>> -> memref<1x10x8x2x128xi32, #tpu.memory_space<hbm>>
        %dma_start3A_102 = tpu.memref_squeeze %dma_start3A_101 : memref<1x10x8x2x128xi32, #tpu.memory_space<hbm>> -> memref<10x8x2x128xi32, #tpu.memory_space<hbm>>
        %dma_start3A_103 = arith.constant 0 : i32
        %dma_start3A_104 = arith.constant 0 : i32
        %dma_start3A_105 = arith.constant 0 : i32
        %dma_start3A_106 = tpu.memref_slice %dma_start3A_102[%add3A_71, %dma_start3A_103, %dma_start3A_104, %dma_start3A_105] : memref<10x8x2x128xi32, #tpu.memory_space<hbm>> -> memref<1x8x2x128xi32, #tpu.memory_space<hbm>>
        %dma_start3A_107 = tpu.memref_squeeze %dma_start3A_106 : memref<1x8x2x128xi32, #tpu.memory_space<hbm>> -> memref<8x2x128xi32, #tpu.memory_space<hbm>>
        tpu.enqueue_dma source(%dma_start3A_107 : memref<8x2x128xi32, #tpu.memory_space<hbm>>) target(%arg6 : memref<8x2x128xi32, #tpu.memory_space<vmem>>) target_semaphore(%arg13 : memref<!tpu.dma_semaphore, #tpu.memory_space<semaphore_mem>>)
      } else {
      }
      %scan3A_51 = arith.constant 0 : i32
      %scan3A_52 = arith.constant 4 : i32
      %scan3A_53 = arith.addi %scan3A_51, %scan3A_52 : i32
      %scan3A_54 = arith.constant 1 : i32
      scf.for %scan3A_70 = %scan3A_51 to %scan3A_53 step %scan3A_54  : i32 {
        %mul3A_71 = arith.constant 2 : i32
        %mul3A_72 = arith.muli %scan3A_70, %mul3A_71 : i32
        %add3A_73 = arith.constant 0 : i32
        %add3A_74 = arith.addi %add3A_73, %mul3A_72 : i32
        %add3A_75 = arith.constant 1 : i32
        %add3A_76 = arith.addi %add3A_74, %add3A_75 : i32
        %dma_start3A_77 = arith.constant 0 : i32
        %dma_start3A_78 = arith.constant 0 : i32
        %dma_start3A_79 = arith.constant 0 : i32
        %dma_start3A_80 = tpu.memref_slice %arg5[%add3A_76, %dma_start3A_78, %dma_start3A_79] : memref<8x2x128xi32, #tpu.memory_space<vmem>> -> memref<1x2x128xi32, #tpu.memory_space<vmem>>
        %dma_start3A_81 = tpu.memref_squeeze %dma_start3A_80 : memref<1x2x128xi32, #tpu.memory_space<vmem>> -> memref<2x128xi32, #tpu.memory_space<vmem>>
        %dma_start3A_82 = arith.constant 0 : i32
        %dma_start3A_83 = tpu.memref_slice %dma_start3A_81[%dma_start3A_77, %dma_start3A_82] : memref<2x128xi32, #tpu.memory_space<vmem>> -> memref<1x128xi32, #tpu.memory_space<vmem>>
        %dma_start3A_84 = tpu.memref_squeeze %dma_start3A_83 : memref<1x128xi32, #tpu.memory_space<vmem>> -> memref<128xi32, #tpu.memory_space<vmem>>
        %dma_start3A_85 = arith.constant 0 : i32
        %dma_start3A_86 = arith.constant 0 : i32
        %dma_start3A_87 = tpu.memref_slice %arg2[%dma_start3A_85, %dma_start3A_86] : memref<10000x128xf32, #tpu.memory_space<hbm>> -> memref<10000x128xf32, #tpu.memory_space<hbm>>
        tpu.enqueue_indirect_dma source(%dma_start3A_87 : memref<10000x128xf32, #tpu.memory_space<hbm>>) target(%arg8 : memref<128x128xf32, #tpu.memory_space<vmem>>) offsets(%dma_start3A_84 : memref<128xi32, #tpu.memory_space<vmem>>) semaphore(%arg12 : memref<!tpu.dma_semaphore, #tpu.memory_space<semaphore_mem>>)
        %dma_wait3A = arith.constant 0 : i32
        %dma_wait3A_88 = arith.constant 0 : i32
        %dma_wait3A_89 = arith.constant 0 : i32
        %dma_wait3A_90 = tpu.memref_slice %arg5[%add3A_74, %dma_wait3A_88, %dma_wait3A_89] : memref<8x2x128xi32, #tpu.memory_space<vmem>> -> memref<1x2x128xi32, #tpu.memory_space<vmem>>
        %dma_wait3A_91 = tpu.memref_squeeze %dma_wait3A_90 : memref<1x2x128xi32, #tpu.memory_space<vmem>> -> memref<2x128xi32, #tpu.memory_space<vmem>>
        %dma_wait3A_92 = arith.constant 0 : i32
        %dma_wait3A_93 = tpu.memref_slice %dma_wait3A_91[%dma_wait3A, %dma_wait3A_92] : memref<2x128xi32, #tpu.memory_space<vmem>> -> memref<1x128xi32, #tpu.memory_space<vmem>>
        %dma_wait3A_94 = tpu.memref_squeeze %dma_wait3A_93 : memref<1x128xi32, #tpu.memory_space<vmem>> -> memref<128xi32, #tpu.memory_space<vmem>>
        %dma_wait3A_95 = arith.constant 0 : i32
        %dma_wait3A_96 = arith.constant 0 : i32
        %dma_wait3A_97 = tpu.memref_slice %arg2[%dma_wait3A_95, %dma_wait3A_96] : memref<10000x128xf32, #tpu.memory_space<hbm>> -> memref<10000x128xf32, #tpu.memory_space<hbm>>
        tpu.wait_indirect_dma semaphore(%arg11 : memref<!tpu.dma_semaphore, #tpu.memory_space<semaphore_mem>>) src(%dma_wait3A_97 : memref<10000x128xf32, #tpu.memory_space<hbm>>) dst(%arg7 : memref<128x128xf32, #tpu.memory_space<vmem>>)
        %run_scoped3A_98 = arith.constant 1 : i32
        "tpu.region"() ({
          %run_scoped3A_129 = tpu.sem_alloc : memref<!tpu.dma_semaphore, #tpu.memory_space<semaphore_mem>>
          %dma_start3A_130 = arith.constant 0 : i32
          %dma_start3A_131 = arith.constant 0 : i32
          %dma_start3A_132 = tpu.memref_slice %arg5[%add3A_74, %dma_start3A_130, %dma_start3A_131] : memref<8x2x128xi32, #tpu.memory_space<vmem>> -> memref<1x2x128xi32, #tpu.memory_space<vmem>>
          %dma_start3A_133 = tpu.memref_squeeze %dma_start3A_132 : memref<1x2x128xi32, #tpu.memory_space<vmem>> -> memref<2x128xi32, #tpu.memory_space<vmem>>
          %dma_start3A_134 = arith.constant 0 : i32
          %dma_start3A_135 = tpu.memref_slice %dma_start3A_133[%run_scoped3A_98, %dma_start3A_134] : memref<2x128xi32, #tpu.memory_space<vmem>> -> memref<1x128xi32, #tpu.memory_space<vmem>>
          %dma_start3A_136 = tpu.memref_squeeze %dma_start3A_135 : memref<1x128xi32, #tpu.memory_space<vmem>> -> memref<128xi32, #tpu.memory_space<vmem>>
          %dma_start3A_137 = arith.constant 0 : i32
          %dma_start3A_138 = arith.constant 0 : i32
          %dma_start3A_139 = tpu.memref_slice %arg10[%dma_start3A_137, %dma_start3A_138] : memref<10016x128xf32, #tpu.memory_space<vmem_shared>> -> memref<10016x128xf32, #tpu.memory_space<vmem_shared>>
          tpu.enqueue_indirect_dma source(%arg7 : memref<128x128xf32, #tpu.memory_space<vmem>>) target(%dma_start3A_139 : memref<10016x128xf32, #tpu.memory_space<vmem_shared>>) offsets(%dma_start3A_136 : memref<128xi32, #tpu.memory_space<vmem>>) semaphore(%run_scoped3A_129 : memref<!tpu.dma_semaphore, #tpu.memory_space<semaphore_mem>>) {add = true}
          %dma_wait3A_140 = arith.constant 0 : i32
          %dma_wait3A_141 = arith.constant 0 : i32
          %dma_wait3A_142 = tpu.memref_slice %arg5[%add3A_74, %dma_wait3A_140, %dma_wait3A_141] : memref<8x2x128xi32, #tpu.memory_space<vmem>> -> memref<1x2x128xi32, #tpu.memory_space<vmem>>
          %dma_wait3A_143 = tpu.memref_squeeze %dma_wait3A_142 : memref<1x2x128xi32, #tpu.memory_space<vmem>> -> memref<2x128xi32, #tpu.memory_space<vmem>>
          %dma_wait3A_144 = arith.constant 0 : i32
          %dma_wait3A_145 = tpu.memref_slice %dma_wait3A_143[%run_scoped3A_98, %dma_wait3A_144] : memref<2x128xi32, #tpu.memory_space<vmem>> -> memref<1x128xi32, #tpu.memory_space<vmem>>
          %dma_wait3A_146 = tpu.memref_squeeze %dma_wait3A_145 : memref<1x128xi32, #tpu.memory_space<vmem>> -> memref<128xi32, #tpu.memory_space<vmem>>
          %dma_wait3A_147 = arith.constant 0 : i32
          %dma_wait3A_148 = arith.constant 0 : i32
          %dma_wait3A_149 = tpu.memref_slice %arg10[%dma_wait3A_147, %dma_wait3A_148] : memref<10016x128xf32, #tpu.memory_space<vmem_shared>> -> memref<10016x128xf32, #tpu.memory_space<vmem_shared>>
          tpu.wait_indirect_dma semaphore(%run_scoped3A_129 : memref<!tpu.dma_semaphore, #tpu.memory_space<semaphore_mem>>) src(%arg7 : memref<128x128xf32, #tpu.memory_space<vmem>>) dst(%dma_wait3A_149 : memref<10016x128xf32, #tpu.memory_space<vmem_shared>>)
          tpu.yield
        }) : () -> ()
        %lt3A_99 = arith.constant 6 : i32
        %lt3A_100 = arith.cmpi slt, %add3A_74, %lt3A_99 : i32
        %convert_element_type3A_101 = arith.extui %lt3A_100 : i1 to i32
        %cond3A_102 = arith.constant 0 : i32
        %cond3A_103 = arith.cmpi ne, %convert_element_type3A_101, %cond3A_102 : i32
        scf.if %cond3A_103 {
          %add3A_129 = arith.constant 2 : i32
          %add3A_130 = arith.addi %add3A_74, %add3A_129 : i32
          %dma_start3A_131 = arith.constant 0 : i32
          %dma_start3A_132 = arith.constant 0 : i32
          %dma_start3A_133 = arith.constant 0 : i32
          %dma_start3A_134 = tpu.memref_slice %arg5[%add3A_130, %dma_start3A_132, %dma_start3A_133] : memref<8x2x128xi32, #tpu.memory_space<vmem>> -> memref<1x2x128xi32, #tpu.memory_space<vmem>>
          %dma_start3A_135 = tpu.memref_squeeze %dma_start3A_134 : memref<1x2x128xi32, #tpu.memory_space<vmem>> -> memref<2x128xi32, #tpu.memory_space<vmem>>
          %dma_start3A_136 = arith.constant 0 : i32
          %dma_start3A_137 = tpu.memref_slice %dma_start3A_135[%dma_start3A_131, %dma_start3A_136] : memref<2x128xi32, #tpu.memory_space<vmem>> -> memref<1x128xi32, #tpu.memory_space<vmem>>
          %dma_start3A_138 = tpu.memref_squeeze %dma_start3A_137 : memref<1x128xi32, #tpu.memory_space<vmem>> -> memref<128xi32, #tpu.memory_space<vmem>>
          %dma_start3A_139 = arith.constant 0 : i32
          %dma_start3A_140 = arith.constant 0 : i32
          %dma_start3A_141 = tpu.memref_slice %arg2[%dma_start3A_139, %dma_start3A_140] : memref<10000x128xf32, #tpu.memory_space<hbm>> -> memref<10000x128xf32, #tpu.memory_space<hbm>>
          tpu.enqueue_indirect_dma source(%dma_start3A_141 : memref<10000x128xf32, #tpu.memory_space<hbm>>) target(%arg7 : memref<128x128xf32, #tpu.memory_space<vmem>>) offsets(%dma_start3A_138 : memref<128xi32, #tpu.memory_space<vmem>>) semaphore(%arg11 : memref<!tpu.dma_semaphore, #tpu.memory_space<semaphore_mem>>)
        } else {
        }
        %eq3A_104 = arith.constant 6 : i32
        %eq3A_105 = arith.cmpi eq, %add3A_74, %eq3A_104 : i32
        %add3A_106 = arith.constant 1 : i32
        %add3A_107 = arith.addi %add3A_43, %add3A_106 : i32
        %lt3A_108 = arith.constant 10 : i32
        %lt3A_109 = arith.cmpi slt, %add3A_107, %lt3A_108 : i32
        %and3A = arith.andi %eq3A_105, %lt3A_109 : i1
        %convert_element_type3A_110 = arith.extui %and3A : i1 to i32
        %cond3A_111 = arith.constant 0 : i32
        %cond3A_112 = arith.cmpi ne, %convert_element_type3A_110, %cond3A_111 : i32
        scf.if %cond3A_112 {
          %add3A_129 = arith.constant 1 : i32
          %add3A_130 = arith.addi %add3A_43, %add3A_129 : i32
          %dma_wait3A_131 = arith.constant 0 : i32
          %dma_wait3A_132 = arith.constant 0 : i32
          %dma_wait3A_133 = arith.constant 0 : i32
          %dma_wait3A_134 = arith.constant 0 : i32
          %dma_wait3A_135 = arith.constant 0 : i32
          %dma_wait3A_136 = tpu.memref_slice %arg3[%arg0, %dma_wait3A_131, %dma_wait3A_132, %dma_wait3A_133, %dma_wait3A_134, %dma_wait3A_135] : memref<2x16x10x8x2x128xi32, #tpu.memory_space<hbm>> -> memref<1x16x10x8x2x128xi32, #tpu.memory_space<hbm>>
          %dma_wait3A_137 = tpu.memref_squeeze %dma_wait3A_136 : memref<1x16x10x8x2x128xi32, #tpu.memory_space<hbm>> -> memref<16x10x8x2x128xi32, #tpu.memory_space<hbm>>
          %dma_wait3A_138 = arith.constant 0 : i32
          %dma_wait3A_139 = arith.constant 0 : i32
          %dma_wait3A_140 = arith.constant 0 : i32
          %dma_wait3A_141 = arith.constant 0 : i32
          %dma_wait3A_142 = tpu.memref_slice %dma_wait3A_137[%arg1, %dma_wait3A_138, %dma_wait3A_139, %dma_wait3A_140, %dma_wait3A_141] : memref<16x10x8x2x128xi32, #tpu.memory_space<hbm>> -> memref<1x10x8x2x128xi32, #tpu.memory_space<hbm>>
          %dma_wait3A_143 = tpu.memref_squeeze %dma_wait3A_142 : memref<1x10x8x2x128xi32, #tpu.memory_space<hbm>> -> memref<10x8x2x128xi32, #tpu.memory_space<hbm>>
          %dma_wait3A_144 = arith.constant 0 : i32
          %dma_wait3A_145 = arith.constant 0 : i32
          %dma_wait3A_146 = arith.constant 0 : i32
          %dma_wait3A_147 = tpu.memref_slice %dma_wait3A_143[%add3A_130, %dma_wait3A_144, %dma_wait3A_145, %dma_wait3A_146] : memref<10x8x2x128xi32, #tpu.memory_space<hbm>> -> memref<1x8x2x128xi32, #tpu.memory_space<hbm>>
          %dma_wait3A_148 = tpu.memref_squeeze %dma_wait3A_147 : memref<1x8x2x128xi32, #tpu.memory_space<hbm>> -> memref<8x2x128xi32, #tpu.memory_space<hbm>>
          %dma_wait3A_149 = arith.constant 0 : i32
          %dma_wait3A_150 = arith.constant 0 : i32
          %dma_wait3A_151 = arith.constant 0 : i32
          %dma_wait3A_152 = arith.constant 0 : i32
          %dma_wait3A_153 = arith.constant 0 : i32
          %dma_wait3A_154 = tpu.memref_slice %arg3[%arg0, %dma_wait3A_149, %dma_wait3A_150, %dma_wait3A_151, %dma_wait3A_152, %dma_wait3A_153] : memref<2x16x10x8x2x128xi32, #tpu.memory_space<hbm>> -> memref<1x16x10x8x2x128xi32, #tpu.memory_space<hbm>>
          %dma_wait3A_155 = tpu.memref_squeeze %dma_wait3A_154 : memref<1x16x10x8x2x128xi32, #tpu.memory_space<hbm>> -> memref<16x10x8x2x128xi32, #tpu.memory_space<hbm>>
          %dma_wait3A_156 = arith.constant 0 : i32
          %dma_wait3A_157 = arith.constant 0 : i32
          %dma_wait3A_158 = arith.constant 0 : i32
          %dma_wait3A_159 = arith.constant 0 : i32
          %dma_wait3A_160 = tpu.memref_slice %dma_wait3A_155[%arg1, %dma_wait3A_156, %dma_wait3A_157, %dma_wait3A_158, %dma_wait3A_159] : memref<16x10x8x2x128xi32, #tpu.memory_space<hbm>> -> memref<1x10x8x2x128xi32, #tpu.memory_space<hbm>>
          %dma_wait3A_161 = tpu.memref_squeeze %dma_wait3A_160 : memref<1x10x8x2x128xi32, #tpu.memory_space<hbm>> -> memref<10x8x2x128xi32, #tpu.memory_space<hbm>>
          %dma_wait3A_162 = arith.constant 0 : i32
          %dma_wait3A_163 = arith.constant 0 : i32
          %dma_wait3A_164 = arith.constant 0 : i32
          %dma_wait3A_165 = tpu.memref_slice %dma_wait3A_161[%add3A_130, %dma_wait3A_162, %dma_wait3A_163, %dma_wait3A_164] : memref<10x8x2x128xi32, #tpu.memory_space<hbm>> -> memref<1x8x2x128xi32, #tpu.memory_space<hbm>>
          %dma_wait3A_166 = tpu.memref_squeeze %dma_wait3A_165 : memref<1x8x2x128xi32, #tpu.memory_space<hbm>> -> memref<8x2x128xi32, #tpu.memory_space<hbm>>
          tpu.wait_dma2 semaphore(%arg13 : memref<!tpu.dma_semaphore, #tpu.memory_space<semaphore_mem>>) src(%dma_wait3A_166 : memref<8x2x128xi32, #tpu.memory_space<hbm>>) dst(%arg6 : memref<8x2x128xi32, #tpu.memory_space<vmem>>)
          %dma_start3A_167 = arith.constant 0 : i32
          %dma_start3A_168 = arith.constant 0 : i32
          %dma_start3A_169 = arith.constant 0 : i32
          %dma_start3A_170 = arith.constant 0 : i32
          %dma_start3A_171 = tpu.memref_slice %arg6[%dma_start3A_167, %dma_start3A_169, %dma_start3A_170] : memref<8x2x128xi32, #tpu.memory_space<vmem>> -> memref<1x2x128xi32, #tpu.memory_space<vmem>>
          %dma_start3A_172 = tpu.memref_squeeze %dma_start3A_171 : memref<1x2x128xi32, #tpu.memory_space<vmem>> -> memref<2x128xi32, #tpu.memory_space<vmem>>
          %dma_start3A_173 = arith.constant 0 : i32
          %dma_start3A_174 = tpu.memref_slice %dma_start3A_172[%dma_start3A_168, %dma_start3A_173] : memref<2x128xi32, #tpu.memory_space<vmem>> -> memref<1x128xi32, #tpu.memory_space<vmem>>
          %dma_start3A_175 = tpu.memref_squeeze %dma_start3A_174 : memref<1x128xi32, #tpu.memory_space<vmem>> -> memref<128xi32, #tpu.memory_space<vmem>>
          %dma_start3A_176 = arith.constant 0 : i32
          %dma_start3A_177 = arith.constant 0 : i32
          %dma_start3A_178 = tpu.memref_slice %arg2[%dma_start3A_176, %dma_start3A_177] : memref<10000x128xf32, #tpu.memory_space<hbm>> -> memref<10000x128xf32, #tpu.memory_space<hbm>>
          tpu.enqueue_indirect_dma source(%dma_start3A_178 : memref<10000x128xf32, #tpu.memory_space<hbm>>) target(%arg7 : memref<128x128xf32, #tpu.memory_space<vmem>>) offsets(%dma_start3A_175 : memref<128xi32, #tpu.memory_space<vmem>>) semaphore(%arg11 : memref<!tpu.dma_semaphore, #tpu.memory_space<semaphore_mem>>)
        } else {
        }
        %add3A_113 = arith.constant 1 : i32
        %add3A_114 = arith.addi %add3A_74, %add3A_113 : i32
        %dma_wait3A_115 = arith.constant 0 : i32
        %dma_wait3A_116 = arith.constant 0 : i32
        %dma_wait3A_117 = arith.constant 0 : i32
        %dma_wait3A_118 = tpu.memref_slice %arg5[%add3A_114, %dma_wait3A_116, %dma_wait3A_117] : memref<8x2x128xi32, #tpu.memory_space<vmem>> -> memref<1x2x128xi32, #tpu.memory_space<vmem>>
        %dma_wait3A_119 = tpu.memref_squeeze %dma_wait3A_118 : memref<1x2x128xi32, #tpu.memory_space<vmem>> -> memref<2x128xi32, #tpu.memory_space<vmem>>
        %dma_wait3A_120 = arith.constant 0 : i32
        %dma_wait3A_121 = tpu.memref_slice %dma_wait3A_119[%dma_wait3A_115, %dma_wait3A_120] : memref<2x128xi32, #tpu.memory_space<vmem>> -> memref<1x128xi32, #tpu.memory_space<vmem>>
        %dma_wait3A_122 = tpu.memref_squeeze %dma_wait3A_121 : memref<1x128xi32, #tpu.memory_space<vmem>> -> memref<128xi32, #tpu.memory_space<vmem>>
        %dma_wait3A_123 = arith.constant 0 : i32
        %dma_wait3A_124 = arith.constant 0 : i32
        %dma_wait3A_125 = tpu.memref_slice %arg2[%dma_wait3A_123, %dma_wait3A_124] : memref<10000x128xf32, #tpu.memory_space<hbm>> -> memref<10000x128xf32, #tpu.memory_space<hbm>>
        tpu.wait_indirect_dma semaphore(%arg12 : memref<!tpu.dma_semaphore, #tpu.memory_space<semaphore_mem>>) src(%dma_wait3A_125 : memref<10000x128xf32, #tpu.memory_space<hbm>>) dst(%arg8 : memref<128x128xf32, #tpu.memory_space<vmem>>)
        %add3A_126 = arith.constant 1 : i32
        %add3A_127 = arith.addi %add3A_74, %add3A_126 : i32
        %run_scoped3A_128 = arith.constant 1 : i32
        "tpu.region"() ({
          %run_scoped3A_129 = tpu.sem_alloc : memref<!tpu.dma_semaphore, #tpu.memory_space<semaphore_mem>>
          %dma_start3A_130 = arith.constant 0 : i32
          %dma_start3A_131 = arith.constant 0 : i32
          %dma_start3A_132 = tpu.memref_slice %arg5[%add3A_127, %dma_start3A_130, %dma_start3A_131] : memref<8x2x128xi32, #tpu.memory_space<vmem>> -> memref<1x2x128xi32, #tpu.memory_space<vmem>>
          %dma_start3A_133 = tpu.memref_squeeze %dma_start3A_132 : memref<1x2x128xi32, #tpu.memory_space<vmem>> -> memref<2x128xi32, #tpu.memory_space<vmem>>
          %dma_start3A_134 = arith.constant 0 : i32
          %dma_start3A_135 = tpu.memref_slice %dma_start3A_133[%run_scoped3A_128, %dma_start3A_134] : memref<2x128xi32, #tpu.memory_space<vmem>> -> memref<1x128xi32, #tpu.memory_space<vmem>>
          %dma_start3A_136 = tpu.memref_squeeze %dma_start3A_135 : memref<1x128xi32, #tpu.memory_space<vmem>> -> memref<128xi32, #tpu.memory_space<vmem>>
          %dma_start3A_137 = arith.constant 0 : i32
          %dma_start3A_138 = arith.constant 0 : i32
          %dma_start3A_139 = tpu.memref_slice %arg10[%dma_start3A_137, %dma_start3A_138] : memref<10016x128xf32, #tpu.memory_space<vmem_shared>> -> memref<10016x128xf32, #tpu.memory_space<vmem_shared>>
          tpu.enqueue_indirect_dma source(%arg8 : memref<128x128xf32, #tpu.memory_space<vmem>>) target(%dma_start3A_139 : memref<10016x128xf32, #tpu.memory_space<vmem_shared>>) offsets(%dma_start3A_136 : memref<128xi32, #tpu.memory_space<vmem>>) semaphore(%run_scoped3A_129 : memref<!tpu.dma_semaphore, #tpu.memory_space<semaphore_mem>>) {add = true}
          %dma_wait3A_140 = arith.constant 0 : i32
          %dma_wait3A_141 = arith.constant 0 : i32
          %dma_wait3A_142 = tpu.memref_slice %arg5[%add3A_127, %dma_wait3A_140, %dma_wait3A_141] : memref<8x2x128xi32, #tpu.memory_space<vmem>> -> memref<1x2x128xi32, #tpu.memory_space<vmem>>
          %dma_wait3A_143 = tpu.memref_squeeze %dma_wait3A_142 : memref<1x2x128xi32, #tpu.memory_space<vmem>> -> memref<2x128xi32, #tpu.memory_space<vmem>>
          %dma_wait3A_144 = arith.constant 0 : i32
          %dma_wait3A_145 = tpu.memref_slice %dma_wait3A_143[%run_scoped3A_128, %dma_wait3A_144] : memref<2x128xi32, #tpu.memory_space<vmem>> -> memref<1x128xi32, #tpu.memory_space<vmem>>
          %dma_wait3A_146 = tpu.memref_squeeze %dma_wait3A_145 : memref<1x128xi32, #tpu.memory_space<vmem>> -> memref<128xi32, #tpu.memory_space<vmem>>
          %dma_wait3A_147 = arith.constant 0 : i32
          %dma_wait3A_148 = arith.constant 0 : i32
          %dma_wait3A_149 = tpu.memref_slice %arg10[%dma_wait3A_147, %dma_wait3A_148] : memref<10016x128xf32, #tpu.memory_space<vmem_shared>> -> memref<10016x128xf32, #tpu.memory_space<vmem_shared>>
          tpu.wait_indirect_dma semaphore(%run_scoped3A_129 : memref<!tpu.dma_semaphore, #tpu.memory_space<semaphore_mem>>) src(%arg8 : memref<128x128xf32, #tpu.memory_space<vmem>>) dst(%dma_wait3A_149 : memref<10016x128xf32, #tpu.memory_space<vmem_shared>>)
          tpu.yield
        }) : () -> ()
      }
      %scan3A_55 = arith.constant 4 : i32
      %add3A_56 = arith.constant 1 : i32
      %add3A_57 = arith.addi %add3A_41, %add3A_56 : i32
      %add3A_58 = arith.constant 1 : i32
      %add3A_59 = arith.addi %add3A_57, %add3A_58 : i32
      %lt3A_60 = arith.constant 10 : i32
      %lt3A_61 = arith.cmpi slt, %add3A_59, %lt3A_60 : i32
      %convert_element_type3A_62 = arith.extui %lt3A_61 : i1 to i32
      %cond3A_63 = arith.constant 0 : i32
      %cond3A_64 = arith.cmpi ne, %convert_element_type3A_62, %cond3A_63 : i32
      scf.if %cond3A_64 {
        %add3A_70 = arith.constant 1 : i32
        %add3A_71 = arith.addi %add3A_57, %add3A_70 : i32
        %dma_start3A_72 = arith.constant 0 : i32
        %dma_start3A_73 = arith.constant 0 : i32
        %dma_start3A_74 = arith.constant 0 : i32
        %dma_start3A_75 = arith.constant 0 : i32
        %dma_start3A_76 = arith.constant 0 : i32
        %dma_start3A_77 = tpu.memref_slice %arg3[%arg0, %dma_start3A_72, %dma_start3A_73, %dma_start3A_74, %dma_start3A_75, %dma_start3A_76] : memref<2x16x10x8x2x128xi32, #tpu.memory_space<hbm>> -> memref<1x16x10x8x2x128xi32, #tpu.memory_space<hbm>>
        %dma_start3A_78 = tpu.memref_squeeze %dma_start3A_77 : memref<1x16x10x8x2x128xi32, #tpu.memory_space<hbm>> -> memref<16x10x8x2x128xi32, #tpu.memory_space<hbm>>
        %dma_start3A_79 = arith.constant 0 : i32
        %dma_start3A_80 = arith.constant 0 : i32
        %dma_start3A_81 = arith.constant 0 : i32
        %dma_start3A_82 = arith.constant 0 : i32
        %dma_start3A_83 = tpu.memref_slice %dma_start3A_78[%arg1, %dma_start3A_79, %dma_start3A_80, %dma_start3A_81, %dma_start3A_82] : memref<16x10x8x2x128xi32, #tpu.memory_space<hbm>> -> memref<1x10x8x2x128xi32, #tpu.memory_space<hbm>>
        %dma_start3A_84 = tpu.memref_squeeze %dma_start3A_83 : memref<1x10x8x2x128xi32, #tpu.memory_space<hbm>> -> memref<10x8x2x128xi32, #tpu.memory_space<hbm>>
        %dma_start3A_85 = arith.constant 0 : i32
        %dma_start3A_86 = arith.constant 0 : i32
        %dma_start3A_87 = arith.constant 0 : i32
        %dma_start3A_88 = tpu.memref_slice %dma_start3A_84[%add3A_71, %dma_start3A_85, %dma_start3A_86, %dma_start3A_87] : memref<10x8x2x128xi32, #tpu.memory_space<hbm>> -> memref<1x8x2x128xi32, #tpu.memory_space<hbm>>
        %dma_start3A_89 = tpu.memref_squeeze %dma_start3A_88 : memref<1x8x2x128xi32, #tpu.memory_space<hbm>> -> memref<8x2x128xi32, #tpu.memory_space<hbm>>
        %dma_start3A_90 = arith.constant 0 : i32
        %dma_start3A_91 = arith.constant 0 : i32
        %dma_start3A_92 = arith.constant 0 : i32
        %dma_start3A_93 = arith.constant 0 : i32
        %dma_start3A_94 = arith.constant 0 : i32
        %dma_start3A_95 = tpu.memref_slice %arg3[%arg0, %dma_start3A_90, %dma_start3A_91, %dma_start3A_92, %dma_start3A_93, %dma_start3A_94] : memref<2x16x10x8x2x128xi32, #tpu.memory_space<hbm>> -> memref<1x16x10x8x2x128xi32, #tpu.memory_space<hbm>>
        %dma_start3A_96 = tpu.memref_squeeze %dma_start3A_95 : memref<1x16x10x8x2x128xi32, #tpu.memory_space<hbm>> -> memref<16x10x8x2x128xi32, #tpu.memory_space<hbm>>
        %dma_start3A_97 = arith.constant 0 : i32
        %dma_start3A_98 = arith.constant 0 : i32
        %dma_start3A_99 = arith.constant 0 : i32
        %dma_start3A_100 = arith.constant 0 : i32
        %dma_start3A_101 = tpu.memref_slice %dma_start3A_96[%arg1, %dma_start3A_97, %dma_start3A_98, %dma_start3A_99, %dma_start3A_100] : memref<16x10x8x2x128xi32, #tpu.memory_space<hbm>> -> memref<1x10x8x2x128xi32, #tpu.memory_space<hbm>>
        %dma_start3A_102 = tpu.memref_squeeze %dma_start3A_101 : memref<1x10x8x2x128xi32, #tpu.memory_space<hbm>> -> memref<10x8x2x128xi32, #tpu.memory_space<hbm>>
        %dma_start3A_103 = arith.constant 0 : i32
        %dma_start3A_104 = arith.constant 0 : i32
        %dma_start3A_105 = arith.constant 0 : i32
        %dma_start3A_106 = tpu.memref_slice %dma_start3A_102[%add3A_71, %dma_start3A_103, %dma_start3A_104, %dma_start3A_105] : memref<10x8x2x128xi32, #tpu.memory_space<hbm>> -> memref<1x8x2x128xi32, #tpu.memory_space<hbm>>
        %dma_start3A_107 = tpu.memref_squeeze %dma_start3A_106 : memref<1x8x2x128xi32, #tpu.memory_space<hbm>> -> memref<8x2x128xi32, #tpu.memory_space<hbm>>
        tpu.enqueue_dma source(%dma_start3A_107 : memref<8x2x128xi32, #tpu.memory_space<hbm>>) target(%arg5 : memref<8x2x128xi32, #tpu.memory_space<vmem>>) target_semaphore(%arg13 : memref<!tpu.dma_semaphore, #tpu.memory_space<semaphore_mem>>)
      } else {
      }
      %scan3A_65 = arith.constant 0 : i32
      %scan3A_66 = arith.constant 4 : i32
      %scan3A_67 = arith.addi %scan3A_65, %scan3A_66 : i32
      %scan3A_68 = arith.constant 1 : i32
      scf.for %scan3A_70 = %scan3A_65 to %scan3A_67 step %scan3A_68  : i32 {
        %mul3A_71 = arith.constant 2 : i32
        %mul3A_72 = arith.muli %scan3A_70, %mul3A_71 : i32
        %add3A_73 = arith.constant 0 : i32
        %add3A_74 = arith.addi %add3A_73, %mul3A_72 : i32
        %add3A_75 = arith.constant 1 : i32
        %add3A_76 = arith.addi %add3A_74, %add3A_75 : i32
        %dma_start3A_77 = arith.constant 0 : i32
        %dma_start3A_78 = arith.constant 0 : i32
        %dma_start3A_79 = arith.constant 0 : i32
        %dma_start3A_80 = tpu.memref_slice %arg6[%add3A_76, %dma_start3A_78, %dma_start3A_79] : memref<8x2x128xi32, #tpu.memory_space<vmem>> -> memref<1x2x128xi32, #tpu.memory_space<vmem>>
        %dma_start3A_81 = tpu.memref_squeeze %dma_start3A_80 : memref<1x2x128xi32, #tpu.memory_space<vmem>> -> memref<2x128xi32, #tpu.memory_space<vmem>>
        %dma_start3A_82 = arith.constant 0 : i32
        %dma_start3A_83 = tpu.memref_slice %dma_start3A_81[%dma_start3A_77, %dma_start3A_82] : memref<2x128xi32, #tpu.memory_space<vmem>> -> memref<1x128xi32, #tpu.memory_space<vmem>>
        %dma_start3A_84 = tpu.memref_squeeze %dma_start3A_83 : memref<1x128xi32, #tpu.memory_space<vmem>> -> memref<128xi32, #tpu.memory_space<vmem>>
        %dma_start3A_85 = arith.constant 0 : i32
        %dma_start3A_86 = arith.constant 0 : i32
        %dma_start3A_87 = tpu.memref_slice %arg2[%dma_start3A_85, %dma_start3A_86] : memref<10000x128xf32, #tpu.memory_space<hbm>> -> memref<10000x128xf32, #tpu.memory_space<hbm>>
        tpu.enqueue_indirect_dma source(%dma_start3A_87 : memref<10000x128xf32, #tpu.memory_space<hbm>>) target(%arg8 : memref<128x128xf32, #tpu.memory_space<vmem>>) offsets(%dma_start3A_84 : memref<128xi32, #tpu.memory_space<vmem>>) semaphore(%arg12 : memref<!tpu.dma_semaphore, #tpu.memory_space<semaphore_mem>>)
        %dma_wait3A = arith.constant 0 : i32
        %dma_wait3A_88 = arith.constant 0 : i32
        %dma_wait3A_89 = arith.constant 0 : i32
        %dma_wait3A_90 = tpu.memref_slice %arg6[%add3A_74, %dma_wait3A_88, %dma_wait3A_89] : memref<8x2x128xi32, #tpu.memory_space<vmem>> -> memref<1x2x128xi32, #tpu.memory_space<vmem>>
        %dma_wait3A_91 = tpu.memref_squeeze %dma_wait3A_90 : memref<1x2x128xi32, #tpu.memory_space<vmem>> -> memref<2x128xi32, #tpu.memory_space<vmem>>
        %dma_wait3A_92 = arith.constant 0 : i32
        %dma_wait3A_93 = tpu.memref_slice %dma_wait3A_91[%dma_wait3A, %dma_wait3A_92] : memref<2x128xi32, #tpu.memory_space<vmem>> -> memref<1x128xi32, #tpu.memory_space<vmem>>
        %dma_wait3A_94 = tpu.memref_squeeze %dma_wait3A_93 : memref<1x128xi32, #tpu.memory_space<vmem>> -> memref<128xi32, #tpu.memory_space<vmem>>
        %dma_wait3A_95 = arith.constant 0 : i32
        %dma_wait3A_96 = arith.constant 0 : i32
        %dma_wait3A_97 = tpu.memref_slice %arg2[%dma_wait3A_95, %dma_wait3A_96] : memref<10000x128xf32, #tpu.memory_space<hbm>> -> memref<10000x128xf32, #tpu.memory_space<hbm>>
        tpu.wait_indirect_dma semaphore(%arg11 : memref<!tpu.dma_semaphore, #tpu.memory_space<semaphore_mem>>) src(%dma_wait3A_97 : memref<10000x128xf32, #tpu.memory_space<hbm>>) dst(%arg7 : memref<128x128xf32, #tpu.memory_space<vmem>>)
        %run_scoped3A_98 = arith.constant 1 : i32
        "tpu.region"() ({
          %run_scoped3A_129 = tpu.sem_alloc : memref<!tpu.dma_semaphore, #tpu.memory_space<semaphore_mem>>
          %dma_start3A_130 = arith.constant 0 : i32
          %dma_start3A_131 = arith.constant 0 : i32
          %dma_start3A_132 = tpu.memref_slice %arg6[%add3A_74, %dma_start3A_130, %dma_start3A_131] : memref<8x2x128xi32, #tpu.memory_space<vmem>> -> memref<1x2x128xi32, #tpu.memory_space<vmem>>
          %dma_start3A_133 = tpu.memref_squeeze %dma_start3A_132 : memref<1x2x128xi32, #tpu.memory_space<vmem>> -> memref<2x128xi32, #tpu.memory_space<vmem>>
          %dma_start3A_134 = arith.constant 0 : i32
          %dma_start3A_135 = tpu.memref_slice %dma_start3A_133[%run_scoped3A_98, %dma_start3A_134] : memref<2x128xi32, #tpu.memory_space<vmem>> -> memref<1x128xi32, #tpu.memory_space<vmem>>
          %dma_start3A_136 = tpu.memref_squeeze %dma_start3A_135 : memref<1x128xi32, #tpu.memory_space<vmem>> -> memref<128xi32, #tpu.memory_space<vmem>>
          %dma_start3A_137 = arith.constant 0 : i32
          %dma_start3A_138 = arith.constant 0 : i32
          %dma_start3A_139 = tpu.memref_slice %arg10[%dma_start3A_137, %dma_start3A_138] : memref<10016x128xf32, #tpu.memory_space<vmem_shared>> -> memref<10016x128xf32, #tpu.memory_space<vmem_shared>>
          tpu.enqueue_indirect_dma source(%arg7 : memref<128x128xf32, #tpu.memory_space<vmem>>) target(%dma_start3A_139 : memref<10016x128xf32, #tpu.memory_space<vmem_shared>>) offsets(%dma_start3A_136 : memref<128xi32, #tpu.memory_space<vmem>>) semaphore(%run_scoped3A_129 : memref<!tpu.dma_semaphore, #tpu.memory_space<semaphore_mem>>) {add = true}
          %dma_wait3A_140 = arith.constant 0 : i32
          %dma_wait3A_141 = arith.constant 0 : i32
          %dma_wait3A_142 = tpu.memref_slice %arg6[%add3A_74, %dma_wait3A_140, %dma_wait3A_141] : memref<8x2x128xi32, #tpu.memory_space<vmem>> -> memref<1x2x128xi32, #tpu.memory_space<vmem>>
          %dma_wait3A_143 = tpu.memref_squeeze %dma_wait3A_142 : memref<1x2x128xi32, #tpu.memory_space<vmem>> -> memref<2x128xi32, #tpu.memory_space<vmem>>
          %dma_wait3A_144 = arith.constant 0 : i32
          %dma_wait3A_145 = tpu.memref_slice %dma_wait3A_143[%run_scoped3A_98, %dma_wait3A_144] : memref<2x128xi32, #tpu.memory_space<vmem>> -> memref<1x128xi32, #tpu.memory_space<vmem>>
          %dma_wait3A_146 = tpu.memref_squeeze %dma_wait3A_145 : memref<1x128xi32, #tpu.memory_space<vmem>> -> memref<128xi32, #tpu.memory_space<vmem>>
          %dma_wait3A_147 = arith.constant 0 : i32
          %dma_wait3A_148 = arith.constant 0 : i32
          %dma_wait3A_149 = tpu.memref_slice %arg10[%dma_wait3A_147, %dma_wait3A_148] : memref<10016x128xf32, #tpu.memory_space<vmem_shared>> -> memref<10016x128xf32, #tpu.memory_space<vmem_shared>>
          tpu.wait_indirect_dma semaphore(%run_scoped3A_129 : memref<!tpu.dma_semaphore, #tpu.memory_space<semaphore_mem>>) src(%arg7 : memref<128x128xf32, #tpu.memory_space<vmem>>) dst(%dma_wait3A_149 : memref<10016x128xf32, #tpu.memory_space<vmem_shared>>)
          tpu.yield
        }) : () -> ()
        %lt3A_99 = arith.constant 6 : i32
        %lt3A_100 = arith.cmpi slt, %add3A_74, %lt3A_99 : i32
        %convert_element_type3A_101 = arith.extui %lt3A_100 : i1 to i32
        %cond3A_102 = arith.constant 0 : i32
        %cond3A_103 = arith.cmpi ne, %convert_element_type3A_101, %cond3A_102 : i32
        scf.if %cond3A_103 {
          %add3A_129 = arith.constant 2 : i32
          %add3A_130 = arith.addi %add3A_74, %add3A_129 : i32
          %dma_start3A_131 = arith.constant 0 : i32
          %dma_start3A_132 = arith.constant 0 : i32
          %dma_start3A_133 = arith.constant 0 : i32
          %dma_start3A_134 = tpu.memref_slice %arg6[%add3A_130, %dma_start3A_132, %dma_start3A_133] : memref<8x2x128xi32, #tpu.memory_space<vmem>> -> memref<1x2x128xi32, #tpu.memory_space<vmem>>
          %dma_start3A_135 = tpu.memref_squeeze %dma_start3A_134 : memref<1x2x128xi32, #tpu.memory_space<vmem>> -> memref<2x128xi32, #tpu.memory_space<vmem>>
          %dma_start3A_136 = arith.constant 0 : i32
          %dma_start3A_137 = tpu.memref_slice %dma_start3A_135[%dma_start3A_131, %dma_start3A_136] : memref<2x128xi32, #tpu.memory_space<vmem>> -> memref<1x128xi32, #tpu.memory_space<vmem>>
          %dma_start3A_138 = tpu.memref_squeeze %dma_start3A_137 : memref<1x128xi32, #tpu.memory_space<vmem>> -> memref<128xi32, #tpu.memory_space<vmem>>
          %dma_start3A_139 = arith.constant 0 : i32
          %dma_start3A_140 = arith.constant 0 : i32
          %dma_start3A_141 = tpu.memref_slice %arg2[%dma_start3A_139, %dma_start3A_140] : memref<10000x128xf32, #tpu.memory_space<hbm>> -> memref<10000x128xf32, #tpu.memory_space<hbm>>
          tpu.enqueue_indirect_dma source(%dma_start3A_141 : memref<10000x128xf32, #tpu.memory_space<hbm>>) target(%arg7 : memref<128x128xf32, #tpu.memory_space<vmem>>) offsets(%dma_start3A_138 : memref<128xi32, #tpu.memory_space<vmem>>) semaphore(%arg11 : memref<!tpu.dma_semaphore, #tpu.memory_space<semaphore_mem>>)
        } else {
        }
        %eq3A_104 = arith.constant 6 : i32
        %eq3A_105 = arith.cmpi eq, %add3A_74, %eq3A_104 : i32
        %add3A_106 = arith.constant 1 : i32
        %add3A_107 = arith.addi %add3A_57, %add3A_106 : i32
        %lt3A_108 = arith.constant 10 : i32
        %lt3A_109 = arith.cmpi slt, %add3A_107, %lt3A_108 : i32
        %and3A = arith.andi %eq3A_105, %lt3A_109 : i1
        %convert_element_type3A_110 = arith.extui %and3A : i1 to i32
        %cond3A_111 = arith.constant 0 : i32
        %cond3A_112 = arith.cmpi ne, %convert_element_type3A_110, %cond3A_111 : i32
        scf.if %cond3A_112 {
          %add3A_129 = arith.constant 1 : i32
          %add3A_130 = arith.addi %add3A_57, %add3A_129 : i32
          %dma_wait3A_131 = arith.constant 0 : i32
          %dma_wait3A_132 = arith.constant 0 : i32
          %dma_wait3A_133 = arith.constant 0 : i32
          %dma_wait3A_134 = arith.constant 0 : i32
          %dma_wait3A_135 = arith.constant 0 : i32
          %dma_wait3A_136 = tpu.memref_slice %arg3[%arg0, %dma_wait3A_131, %dma_wait3A_132, %dma_wait3A_133, %dma_wait3A_134, %dma_wait3A_135] : memref<2x16x10x8x2x128xi32, #tpu.memory_space<hbm>> -> memref<1x16x10x8x2x128xi32, #tpu.memory_space<hbm>>
          %dma_wait3A_137 = tpu.memref_squeeze %dma_wait3A_136 : memref<1x16x10x8x2x128xi32, #tpu.memory_space<hbm>> -> memref<16x10x8x2x128xi32, #tpu.memory_space<hbm>>
          %dma_wait3A_138 = arith.constant 0 : i32
          %dma_wait3A_139 = arith.constant 0 : i32
          %dma_wait3A_140 = arith.constant 0 : i32
          %dma_wait3A_141 = arith.constant 0 : i32
          %dma_wait3A_142 = tpu.memref_slice %dma_wait3A_137[%arg1, %dma_wait3A_138, %dma_wait3A_139, %dma_wait3A_140, %dma_wait3A_141] : memref<16x10x8x2x128xi32, #tpu.memory_space<hbm>> -> memref<1x10x8x2x128xi32, #tpu.memory_space<hbm>>
          %dma_wait3A_143 = tpu.memref_squeeze %dma_wait3A_142 : memref<1x10x8x2x128xi32, #tpu.memory_space<hbm>> -> memref<10x8x2x128xi32, #tpu.memory_space<hbm>>
          %dma_wait3A_144 = arith.constant 0 : i32
          %dma_wait3A_145 = arith.constant 0 : i32
          %dma_wait3A_146 = arith.constant 0 : i32
          %dma_wait3A_147 = tpu.memref_slice %dma_wait3A_143[%add3A_130, %dma_wait3A_144, %dma_wait3A_145, %dma_wait3A_146] : memref<10x8x2x128xi32, #tpu.memory_space<hbm>> -> memref<1x8x2x128xi32, #tpu.memory_space<hbm>>
          %dma_wait3A_148 = tpu.memref_squeeze %dma_wait3A_147 : memref<1x8x2x128xi32, #tpu.memory_space<hbm>> -> memref<8x2x128xi32, #tpu.memory_space<hbm>>
          %dma_wait3A_149 = arith.constant 0 : i32
          %dma_wait3A_150 = arith.constant 0 : i32
          %dma_wait3A_151 = arith.constant 0 : i32
          %dma_wait3A_152 = arith.constant 0 : i32
          %dma_wait3A_153 = arith.constant 0 : i32
          %dma_wait3A_154 = tpu.memref_slice %arg3[%arg0, %dma_wait3A_149, %dma_wait3A_150, %dma_wait3A_151, %dma_wait3A_152, %dma_wait3A_153] : memref<2x16x10x8x2x128xi32, #tpu.memory_space<hbm>> -> memref<1x16x10x8x2x128xi32, #tpu.memory_space<hbm>>
          %dma_wait3A_155 = tpu.memref_squeeze %dma_wait3A_154 : memref<1x16x10x8x2x128xi32, #tpu.memory_space<hbm>> -> memref<16x10x8x2x128xi32, #tpu.memory_space<hbm>>
          %dma_wait3A_156 = arith.constant 0 : i32
          %dma_wait3A_157 = arith.constant 0 : i32
          %dma_wait3A_158 = arith.constant 0 : i32
          %dma_wait3A_159 = arith.constant 0 : i32
          %dma_wait3A_160 = tpu.memref_slice %dma_wait3A_155[%arg1, %dma_wait3A_156, %dma_wait3A_157, %dma_wait3A_158, %dma_wait3A_159] : memref<16x10x8x2x128xi32, #tpu.memory_space<hbm>> -> memref<1x10x8x2x128xi32, #tpu.memory_space<hbm>>
          %dma_wait3A_161 = tpu.memref_squeeze %dma_wait3A_160 : memref<1x10x8x2x128xi32, #tpu.memory_space<hbm>> -> memref<10x8x2x128xi32, #tpu.memory_space<hbm>>
          %dma_wait3A_162 = arith.constant 0 : i32
          %dma_wait3A_163 = arith.constant 0 : i32
          %dma_wait3A_164 = arith.constant 0 : i32
          %dma_wait3A_165 = tpu.memref_slice %dma_wait3A_161[%add3A_130, %dma_wait3A_162, %dma_wait3A_163, %dma_wait3A_164] : memref<10x8x2x128xi32, #tpu.memory_space<hbm>> -> memref<1x8x2x128xi32, #tpu.memory_space<hbm>>
          %dma_wait3A_166 = tpu.memref_squeeze %dma_wait3A_165 : memref<1x8x2x128xi32, #tpu.memory_space<hbm>> -> memref<8x2x128xi32, #tpu.memory_space<hbm>>
          tpu.wait_dma2 semaphore(%arg13 : memref<!tpu.dma_semaphore, #tpu.memory_space<semaphore_mem>>) src(%dma_wait3A_166 : memref<8x2x128xi32, #tpu.memory_space<hbm>>) dst(%arg5 : memref<8x2x128xi32, #tpu.memory_space<vmem>>)
          %dma_start3A_167 = arith.constant 0 : i32
          %dma_start3A_168 = arith.constant 0 : i32
          %dma_start3A_169 = arith.constant 0 : i32
          %dma_start3A_170 = arith.constant 0 : i32
          %dma_start3A_171 = tpu.memref_slice %arg5[%dma_start3A_167, %dma_start3A_169, %dma_start3A_170] : memref<8x2x128xi32, #tpu.memory_space<vmem>> -> memref<1x2x128xi32, #tpu.memory_space<vmem>>
          %dma_start3A_172 = tpu.memref_squeeze %dma_start3A_171 : memref<1x2x128xi32, #tpu.memory_space<vmem>> -> memref<2x128xi32, #tpu.memory_space<vmem>>
          %dma_start3A_173 = arith.constant 0 : i32
          %dma_start3A_174 = tpu.memref_slice %dma_start3A_172[%dma_start3A_168, %dma_start3A_173] : memref<2x128xi32, #tpu.memory_space<vmem>> -> memref<1x128xi32, #tpu.memory_space<vmem>>
          %dma_start3A_175 = tpu.memref_squeeze %dma_start3A_174 : memref<1x128xi32, #tpu.memory_space<vmem>> -> memref<128xi32, #tpu.memory_space<vmem>>
          %dma_start3A_176 = arith.constant 0 : i32
          %dma_start3A_177 = arith.constant 0 : i32
          %dma_start3A_178 = tpu.memref_slice %arg2[%dma_start3A_176, %dma_start3A_177] : memref<10000x128xf32, #tpu.memory_space<hbm>> -> memref<10000x128xf32, #tpu.memory_space<hbm>>
          tpu.enqueue_indirect_dma source(%dma_start3A_178 : memref<10000x128xf32, #tpu.memory_space<hbm>>) target(%arg7 : memref<128x128xf32, #tpu.memory_space<vmem>>) offsets(%dma_start3A_175 : memref<128xi32, #tpu.memory_space<vmem>>) semaphore(%arg11 : memref<!tpu.dma_semaphore, #tpu.memory_space<semaphore_mem>>)
        } else {
        }
        %add3A_113 = arith.constant 1 : i32
        %add3A_114 = arith.addi %add3A_74, %add3A_113 : i32
        %dma_wait3A_115 = arith.constant 0 : i32
        %dma_wait3A_116 = arith.constant 0 : i32
        %dma_wait3A_117 = arith.constant 0 : i32
        %dma_wait3A_118 = tpu.memref_slice %arg6[%add3A_114, %dma_wait3A_116, %dma_wait3A_117] : memref<8x2x128xi32, #tpu.memory_space<vmem>> -> memref<1x2x128xi32, #tpu.memory_space<vmem>>
        %dma_wait3A_119 = tpu.memref_squeeze %dma_wait3A_118 : memref<1x2x128xi32, #tpu.memory_space<vmem>> -> memref<2x128xi32, #tpu.memory_space<vmem>>
        %dma_wait3A_120 = arith.constant 0 : i32
        %dma_wait3A_121 = tpu.memref_slice %dma_wait3A_119[%dma_wait3A_115, %dma_wait3A_120] : memref<2x128xi32, #tpu.memory_space<vmem>> -> memref<1x128xi32, #tpu.memory_space<vmem>>
        %dma_wait3A_122 = tpu.memref_squeeze %dma_wait3A_121 : memref<1x128xi32, #tpu.memory_space<vmem>> -> memref<128xi32, #tpu.memory_space<vmem>>
        %dma_wait3A_123 = arith.constant 0 : i32
        %dma_wait3A_124 = arith.constant 0 : i32
        %dma_wait3A_125 = tpu.memref_slice %arg2[%dma_wait3A_123, %dma_wait3A_124] : memref<10000x128xf32, #tpu.memory_space<hbm>> -> memref<10000x128xf32, #tpu.memory_space<hbm>>
        tpu.wait_indirect_dma semaphore(%arg12 : memref<!tpu.dma_semaphore, #tpu.memory_space<semaphore_mem>>) src(%dma_wait3A_125 : memref<10000x128xf32, #tpu.memory_space<hbm>>) dst(%arg8 : memref<128x128xf32, #tpu.memory_space<vmem>>)
        %add3A_126 = arith.constant 1 : i32
        %add3A_127 = arith.addi %add3A_74, %add3A_126 : i32
        %run_scoped3A_128 = arith.constant 1 : i32
        "tpu.region"() ({
          %run_scoped3A_129 = tpu.sem_alloc : memref<!tpu.dma_semaphore, #tpu.memory_space<semaphore_mem>>
          %dma_start3A_130 = arith.constant 0 : i32
          %dma_start3A_131 = arith.constant 0 : i32
          %dma_start3A_132 = tpu.memref_slice %arg6[%add3A_127, %dma_start3A_130, %dma_start3A_131] : memref<8x2x128xi32, #tpu.memory_space<vmem>> -> memref<1x2x128xi32, #tpu.memory_space<vmem>>
          %dma_start3A_133 = tpu.memref_squeeze %dma_start3A_132 : memref<1x2x128xi32, #tpu.memory_space<vmem>> -> memref<2x128xi32, #tpu.memory_space<vmem>>
          %dma_start3A_134 = arith.constant 0 : i32
          %dma_start3A_135 = tpu.memref_slice %dma_start3A_133[%run_scoped3A_128, %dma_start3A_134] : memref<2x128xi32, #tpu.memory_space<vmem>> -> memref<1x128xi32, #tpu.memory_space<vmem>>
          %dma_start3A_136 = tpu.memref_squeeze %dma_start3A_135 : memref<1x128xi32, #tpu.memory_space<vmem>> -> memref<128xi32, #tpu.memory_space<vmem>>
          %dma_start3A_137 = arith.constant 0 : i32
          %dma_start3A_138 = arith.constant 0 : i32
          %dma_start3A_139 = tpu.memref_slice %arg10[%dma_start3A_137, %dma_start3A_138] : memref<10016x128xf32, #tpu.memory_space<vmem_shared>> -> memref<10016x128xf32, #tpu.memory_space<vmem_shared>>
          tpu.enqueue_indirect_dma source(%arg8 : memref<128x128xf32, #tpu.memory_space<vmem>>) target(%dma_start3A_139 : memref<10016x128xf32, #tpu.memory_space<vmem_shared>>) offsets(%dma_start3A_136 : memref<128xi32, #tpu.memory_space<vmem>>) semaphore(%run_scoped3A_129 : memref<!tpu.dma_semaphore, #tpu.memory_space<semaphore_mem>>) {add = true}
          %dma_wait3A_140 = arith.constant 0 : i32
          %dma_wait3A_141 = arith.constant 0 : i32
          %dma_wait3A_142 = tpu.memref_slice %arg6[%add3A_127, %dma_wait3A_140, %dma_wait3A_141] : memref<8x2x128xi32, #tpu.memory_space<vmem>> -> memref<1x2x128xi32, #tpu.memory_space<vmem>>
          %dma_wait3A_143 = tpu.memref_squeeze %dma_wait3A_142 : memref<1x2x128xi32, #tpu.memory_space<vmem>> -> memref<2x128xi32, #tpu.memory_space<vmem>>
          %dma_wait3A_144 = arith.constant 0 : i32
          %dma_wait3A_145 = tpu.memref_slice %dma_wait3A_143[%run_scoped3A_128, %dma_wait3A_144] : memref<2x128xi32, #tpu.memory_space<vmem>> -> memref<1x128xi32, #tpu.memory_space<vmem>>
          %dma_wait3A_146 = tpu.memref_squeeze %dma_wait3A_145 : memref<1x128xi32, #tpu.memory_space<vmem>> -> memref<128xi32, #tpu.memory_space<vmem>>
          %dma_wait3A_147 = arith.constant 0 : i32
          %dma_wait3A_148 = arith.constant 0 : i32
          %dma_wait3A_149 = tpu.memref_slice %arg10[%dma_wait3A_147, %dma_wait3A_148] : memref<10016x128xf32, #tpu.memory_space<vmem_shared>> -> memref<10016x128xf32, #tpu.memory_space<vmem_shared>>
          tpu.wait_indirect_dma semaphore(%run_scoped3A_129 : memref<!tpu.dma_semaphore, #tpu.memory_space<semaphore_mem>>) src(%arg8 : memref<128x128xf32, #tpu.memory_space<vmem>>) dst(%dma_wait3A_149 : memref<10016x128xf32, #tpu.memory_space<vmem_shared>>)
          tpu.yield
        }) : () -> ()
      }
      %scan3A_69 = arith.constant 4 : i32
    }
    %scan3A_27 = arith.constant 5 : i32
    %barrier3A_28 = arith.constant 0 : index
    tpu.barrier barrier_id(%barrier3A_28)
    %lt3A = arith.constant 15 : i32
    %lt3A_29 = arith.cmpi slt, %arg1, %lt3A : i32
    %convert_element_type3A_30 = arith.extui %lt3A_29 : i1 to i32
    %cond3A_31 = arith.constant 0 : i32
    %cond3A_32 = arith.cmpi ne, %convert_element_type3A_30, %cond3A_31 : i32
    scf.if %cond3A_32 {
      "tpu.region"() ({
        %run_scoped3A_38 = tpu.sem_alloc : memref<!tpu.dma_semaphore, #tpu.memory_space<semaphore_mem>>
        %dma_start3A_39 = arith.constant 0 : i32
        %dma_start3A_40 = arith.constant 0 : i32
        %dma_start3A_41 = tpu.memref_slice %arg4[%arg0, %dma_start3A_39, %dma_start3A_40] : memref<2x10000x128xf32, #tpu.memory_space<hbm>> -> memref<1x10000x128xf32, #tpu.memory_space<hbm>>
        %dma_start3A_42 = tpu.memref_squeeze %dma_start3A_41 : memref<1x10000x128xf32, #tpu.memory_space<hbm>> -> memref<10000x128xf32, #tpu.memory_space<hbm>>
        %dma_start3A_43 = arith.constant 0 : i32
        %dma_start3A_44 = tpu.memref_slice %dma_start3A_42[%mul3A_4, %dma_start3A_43] : memref<10000x128xf32, #tpu.memory_space<hbm>> -> memref<624x128xf32, #tpu.memory_space<hbm>>
        %dma_start3A_45 = arith.constant 0 : i32
        %dma_start3A_46 = tpu.memref_slice %arg10[%mul3A_4, %dma_start3A_45] : memref<10016x128xf32, #tpu.memory_space<vmem_shared>> -> memref<624x128xf32, #tpu.memory_space<vmem_shared>>
        tpu.enqueue_dma source(%dma_start3A_46 : memref<624x128xf32, #tpu.memory_space<vmem_shared>>) target(%dma_start3A_44 : memref<624x128xf32, #tpu.memory_space<hbm>>) target_semaphore(%run_scoped3A_38 : memref<!tpu.dma_semaphore, #tpu.memory_space<semaphore_mem>>)
        %dma_wait3A = arith.constant 0 : i32
        %dma_wait3A_47 = arith.constant 0 : i32
        %dma_wait3A_48 = tpu.memref_slice %arg4[%arg0, %dma_wait3A, %dma_wait3A_47] : memref<2x10000x128xf32, #tpu.memory_space<hbm>> -> memref<1x10000x128xf32, #tpu.memory_space<hbm>>
        %dma_wait3A_49 = tpu.memref_squeeze %dma_wait3A_48 : memref<1x10000x128xf32, #tpu.memory_space<hbm>> -> memref<10000x128xf32, #tpu.memory_space<hbm>>
        %dma_wait3A_50 = arith.constant 0 : i32
        %dma_wait3A_51 = tpu.memref_slice %dma_wait3A_49[%mul3A_4, %dma_wait3A_50] : memref<10000x128xf32, #tpu.memory_space<hbm>> -> memref<624x128xf32, #tpu.memory_space<hbm>>
        %dma_wait3A_52 = arith.constant 0 : i32
        %dma_wait3A_53 = tpu.memref_slice %arg10[%mul3A_4, %dma_wait3A_52] : memref<10016x128xf32, #tpu.memory_space<vmem_shared>> -> memref<624x128xf32, #tpu.memory_space<vmem_shared>>
        tpu.wait_dma2 semaphore(%run_scoped3A_38 : memref<!tpu.dma_semaphore, #tpu.memory_space<semaphore_mem>>) src(%dma_wait3A_53 : memref<624x128xf32, #tpu.memory_space<vmem_shared>>) dst(%dma_wait3A_51 : memref<624x128xf32, #tpu.memory_space<hbm>>)
        tpu.yield
      }) : () -> ()
    } else {
    }
    %eq3A_33 = arith.constant 15 : i32
    %eq3A_34 = arith.cmpi eq, %arg1, %eq3A_33 : i32
    %convert_element_type3A_35 = arith.extui %eq3A_34 : i1 to i32
    %cond3A_36 = arith.constant 0 : i32
    %cond3A_37 = arith.cmpi ne, %convert_element_type3A_35, %cond3A_36 : i32
    scf.if %cond3A_37 {
      "tpu.region"() ({
        %run_scoped3A_38 = tpu.sem_alloc : memref<!tpu.dma_semaphore, #tpu.memory_space<semaphore_mem>>
        %dma_start3A_39 = arith.constant 0 : i32
        %dma_start3A_40 = arith.constant 0 : i32
        %dma_start3A_41 = tpu.memref_slice %arg4[%arg0, %dma_start3A_39, %dma_start3A_40] : memref<2x10000x128xf32, #tpu.memory_space<hbm>> -> memref<1x10000x128xf32, #tpu.memory_space<hbm>>
        %dma_start3A_42 = tpu.memref_squeeze %dma_start3A_41 : memref<1x10000x128xf32, #tpu.memory_space<hbm>> -> memref<10000x128xf32, #tpu.memory_space<hbm>>
        %dma_start3A_43 = arith.constant 0 : i32
        %dma_start3A_44 = tpu.memref_slice %dma_start3A_42[%mul3A_4, %dma_start3A_43] : memref<10000x128xf32, #tpu.memory_space<hbm>> -> memref<640x128xf32, #tpu.memory_space<hbm>>
        %dma_start3A_45 = arith.constant 0 : i32
        %dma_start3A_46 = tpu.memref_slice %arg10[%mul3A_4, %dma_start3A_45] : memref<10016x128xf32, #tpu.memory_space<vmem_shared>> -> memref<640x128xf32, #tpu.memory_space<vmem_shared>>
        tpu.enqueue_dma source(%dma_start3A_46 : memref<640x128xf32, #tpu.memory_space<vmem_shared>>) target(%dma_start3A_44 : memref<640x128xf32, #tpu.memory_space<hbm>>) target_semaphore(%run_scoped3A_38 : memref<!tpu.dma_semaphore, #tpu.memory_space<semaphore_mem>>)
        %dma_wait3A = arith.constant 0 : i32
        %dma_wait3A_47 = arith.constant 0 : i32
        %dma_wait3A_48 = tpu.memref_slice %arg4[%arg0, %dma_wait3A, %dma_wait3A_47] : memref<2x10000x128xf32, #tpu.memory_space<hbm>> -> memref<1x10000x128xf32, #tpu.memory_space<hbm>>
        %dma_wait3A_49 = tpu.memref_squeeze %dma_wait3A_48 : memref<1x10000x128xf32, #tpu.memory_space<hbm>> -> memref<10000x128xf32, #tpu.memory_space<hbm>>
        %dma_wait3A_50 = arith.constant 0 : i32
        %dma_wait3A_51 = tpu.memref_slice %dma_wait3A_49[%mul3A_4, %dma_wait3A_50] : memref<10000x128xf32, #tpu.memory_space<hbm>> -> memref<640x128xf32, #tpu.memory_space<hbm>>
        %dma_wait3A_52 = arith.constant 0 : i32
        %dma_wait3A_53 = tpu.memref_slice %arg10[%mul3A_4, %dma_wait3A_52] : memref<10016x128xf32, #tpu.memory_space<vmem_shared>> -> memref<640x128xf32, #tpu.memory_space<vmem_shared>>
        tpu.wait_dma2 semaphore(%run_scoped3A_38 : memref<!tpu.dma_semaphore, #tpu.memory_space<semaphore_mem>>) src(%dma_wait3A_53 : memref<640x128xf32, #tpu.memory_space<vmem_shared>>) dst(%dma_wait3A_51 : memref<640x128xf32, #tpu.memory_space<hbm>>)
        tpu.yield
      }) : () -> ()
    } else {
    }
    return
  }
}

#map = affine_map<(d0, d1) -> (0, 0)>
#map1 = affine_map<(d0, d1) -> (0, 0, 0, 0, 0, 0)>
#map2 = affine_map<(d0, d1) -> (0, 0, 0)>
module attributes {stable_mosaic.version = 14 : i64} {
  func.func @k(%arg0: i32, %arg1: i32, %arg2: memref<10000x128xf32, #tpu.memory_space<hbm>>, %arg3: memref<2x16x10x8x2x128xi32, #tpu.memory_space<hbm>>, %arg4: memref<2x10000x128xf32, #tpu.memory_space<hbm>>, %arg5: memref<8x2x128xi32, #tpu.memory_space<vmem>>, %arg6: memref<8x2x128xi32, #tpu.memory_space<vmem>>, %arg7: memref<128x128xf32, #tpu.memory_space<vmem>>, %arg8: memref<128x128xf32, #tpu.memory_space<vmem>>, %arg9: memref<16x128xf32, #tpu.memory_space<vmem>>, %arg10: memref<10016x128xf32, #tpu.memory_space<vmem_shared>>, %arg11: memref<!tpu.dma_semaphore, #tpu.memory_space<semaphore_mem>>, %arg12: memref<!tpu.dma_semaphore, #tpu.memory_space<semaphore_mem>>, %arg13: memref<!tpu.dma_semaphore, #tpu.memory_space<semaphore_mem>>) attributes {dimension_semantics = [#tpu.dimension_semantics<core_parallel>, #tpu.dimension_semantics<subcore_parallel>], iteration_bounds = array<i64: 2, 16>, scalar_prefetch = 0 : i64, scratch_operands = 9 : i64, tpu.core_type = #tpu.core_type<sc_vector_subcore>, window_params = [{transform_indices = #map}, {transform_indices = #map1}, {transform_indices = #map2}]} {
    %scan3A = arith.constant 0 : i32
    %scan3A_0 = arith.constant 16 : i32
    %scan3A_1 = arith.addi %scan3A, %scan3A_0 : i32
    %scan3A_2 = arith.constant 1 : i32
    scf.for %scan3A_38 = %scan3A to %scan3A_1 step %scan3A_2  : i32 {
      %mul3A_39 = arith.constant 1 : i32
      %mul3A_40 = arith.muli %scan3A_38, %mul3A_39 : i32
      %add3A = arith.constant 0 : i32
      %add3A_41 = arith.addi %add3A, %mul3A_40 : i32
      %scan3A_42 = arith.constant 0 : i32
      %scan3A_43 = arith.constant 8 : i32
      %scan3A_44 = arith.addi %scan3A_42, %scan3A_43 : i32
      %scan3A_45 = arith.constant 1 : i32
      scf.for %scan3A_47 = %scan3A_42 to %scan3A_44 step %scan3A_45  : i32 {
        %mul3A_48 = arith.constant 16 : i32
        %mul3A_49 = arith.muli %scan3A_47, %mul3A_48 : i32
        %add3A_50 = arith.constant 0 : i32
        %add3A_51 = arith.addi %add3A_50, %mul3A_49 : i32
        %broadcast_in_dim3A = arith.constant 0.000000e+00 : f32
        %broadcast_in_dim3A_52 = vector.broadcast %broadcast_in_dim3A : f32 to vector<16xf32>
        %swap3A = arith.index_cast %add3A_41 : i32 to index
        %swap3A_53 = arith.index_cast %add3A_51 : i32 to index
        %swap3A_54 = tpu.vector_load %arg9[%swap3A, %swap3A_53] {strides = array<i32>} : memref<16x128xf32, #tpu.memory_space<vmem>>, vector<1x16xf32>,
        %swap3A_55 = vector.shape_cast %swap3A_54 : vector<1x16xf32> to vector<16xf32>
        %swap3A_56 = vector.shape_cast %broadcast_in_dim3A_52 : vector<16xf32> to vector<1x16xf32>
        tpu.vector_store %arg9[%swap3A, %swap3A_53], %swap3A_56 {strides = array<i32>} : memref<16x128xf32, #tpu.memory_space<vmem>>, vector<1x16xf32>,
      }
      %scan3A_46 = arith.constant 8 : i32
    }
    %scan3A_3 = arith.constant 16 : i32
    %mul3A = arith.constant 624 : i32
    %mul3A_4 = arith.muli %arg1, %mul3A : i32
    %scan3A_5 = arith.constant 0 : i32
    %scan3A_6 = arith.constant 39 : i32
    %scan3A_7 = arith.addi %scan3A_5, %scan3A_6 : i32
    %scan3A_8 = arith.constant 1 : i32
    scf.for %scan3A_38 = %scan3A_5 to %scan3A_7 step %scan3A_8  : i32 {
      %mul3A_39 = arith.constant 1 : i32
      %mul3A_40 = arith.muli %scan3A_38, %mul3A_39 : i32
      %add3A = arith.constant 0 : i32
      %add3A_41 = arith.addi %add3A, %mul3A_40 : i32
      %mul3A_42 = arith.constant 16 : i32
      %mul3A_43 = arith.muli %add3A_41, %mul3A_42 : i32
      %add3A_44 = arith.addi %mul3A_4, %mul3A_43 : i32
      "tpu.region"() ({
        %run_scoped3A_45 = tpu.sem_alloc : memref<!tpu.dma_semaphore, #tpu.memory_space<semaphore_mem>>
        %dma_start3A_46 = arith.constant 0 : i32
        %dma_start3A_47 = tpu.memref_slice %arg10[%add3A_44, %dma_start3A_46] : memref<10016x128xf32, #tpu.memory_space<vmem_shared>> -> memref<16x128xf32, #tpu.memory_space<vmem_shared>>
        %dma_start3A_48 = arith.constant 0 : i32
        %dma_start3A_49 = tpu.memref_slice %arg10[%add3A_44, %dma_start3A_48] : memref<10016x128xf32, #tpu.memory_space<vmem_shared>> -> memref<16x128xf32, #tpu.memory_space<vmem_shared>>
        tpu.enqueue_dma source(%arg9 : memref<16x128xf32, #tpu.memory_space<vmem>>) target(%dma_start3A_49 : memref<16x128xf32, #tpu.memory_space<vmem_shared>>) target_semaphore(%run_scoped3A_45 : memref<!tpu.dma_semaphore, #tpu.memory_space<semaphore_mem>>)
        %dma_wait3A = arith.constant 0 : i32
        %dma_wait3A_50 = tpu.memref_slice %arg10[%add3A_44, %dma_wait3A] : memref<10016x128xf32, #tpu.memory_space<vmem_shared>> -> memref<16x128xf32, #tpu.memory_space<vmem_shared>>
        %dma_wait3A_51 = arith.constant 0 : i32
        %dma_wait3A_52 = tpu.memref_slice %arg10[%add3A_44, %dma_wait3A_51] : memref<10016x128xf32, #tpu.memory_space<vmem_shared>> -> memref<16x128xf32, #tpu.memory_space<vmem_shared>>
        tpu.wait_dma2 semaphore(%run_scoped3A_45 : memref<!tpu.dma_semaphore, #tpu.memory_space<semaphore_mem>>) src(%arg9 : memref<16x128xf32, #tpu.memory_space<vmem>>) dst(%dma_wait3A_52 : memref<16x128xf32, #tpu.memory_space<vmem_shared>>)
        tpu.yield
      }) : () -> ()
    }
    %scan3A_9 = arith.constant 39 : i32
    %eq3A = arith.constant 15 : i32
    %eq3A_10 = arith.cmpi eq, %arg1, %eq3A : i32
    %convert_element_type3A = arith.extui %eq3A_10 : i1 to i32
    %cond3A = arith.constant 0 : i32
    %cond3A_11 = arith.cmpi ne, %convert_element_type3A, %cond3A : i32
    scf.if %cond3A_11 {
      %add3A = arith.constant 624 : i32
      %add3A_38 = arith.addi %mul3A_4, %add3A : i32
      "tpu.region"() ({
        %run_scoped3A_39 = tpu.sem_alloc : memref<!tpu.dma_semaphore, #tpu.memory_space<semaphore_mem>>
        %dma_start3A_40 = arith.constant 0 : i32
        %dma_start3A_41 = tpu.memref_slice %arg10[%add3A_38, %dma_start3A_40] : memref<10016x128xf32, #tpu.memory_space<vmem_shared>> -> memref<16x128xf32, #tpu.memory_space<vmem_shared>>
        %dma_start3A_42 = arith.constant 0 : i32
        %dma_start3A_43 = tpu.memref_slice %arg10[%add3A_38, %dma_start3A_42] : memref<10016x128xf32, #tpu.memory_space<vmem_shared>> -> memref<16x128xf32, #tpu.memory_space<vmem_shared>>
        tpu.enqueue_dma source(%arg9 : memref<16x128xf32, #tpu.memory_space<vmem>>) target(%dma_start3A_43 : memref<16x128xf32, #tpu.memory_space<vmem_shared>>) target_semaphore(%run_scoped3A_39 : memref<!tpu.dma_semaphore, #tpu.memory_space<semaphore_mem>>)
        %dma_wait3A = arith.constant 0 : i32
        %dma_wait3A_44 = tpu.memref_slice %arg10[%add3A_38, %dma_wait3A] : memref<10016x128xf32, #tpu.memory_space<vmem_shared>> -> memref<16x128xf32, #tpu.memory_space<vmem_shared>>
        %dma_wait3A_45 = arith.constant 0 : i32
        %dma_wait3A_46 = tpu.memref_slice %arg10[%add3A_38, %dma_wait3A_45] : memref<10016x128xf32, #tpu.memory_space<vmem_shared>> -> memref<16x128xf32, #tpu.memory_space<vmem_shared>>
        tpu.wait_dma2 semaphore(%run_scoped3A_39 : memref<!tpu.dma_semaphore, #tpu.memory_space<semaphore_mem>>) src(%arg9 : memref<16x128xf32, #tpu.memory_space<vmem>>) dst(%dma_wait3A_46 : memref<16x128xf32, #tpu.memory_space<vmem_shared>>)
        tpu.yield
      }) : () -> ()
    } else {
    }
    %barrier3A = arith.constant 0 : index
    tpu.barrier barrier_id(%barrier3A)
    %run_scoped3A = arith.constant 0 : i32
    "tpu.region"() ({
      %run_scoped3A_38 = tpu.sem_alloc : memref<!tpu.dma_semaphore, #tpu.memory_space<semaphore_mem>>
      %dma_start3A_39 = arith.constant 0 : i32
      %dma_start3A_40 = arith.constant 0 : i32
      %dma_start3A_41 = arith.constant 0 : i32
      %dma_start3A_42 = arith.constant 0 : i32
      %dma_start3A_43 = arith.constant 0 : i32
      %dma_start3A_44 = tpu.memref_slice %arg3[%arg0, %dma_start3A_39, %dma_start3A_40, %dma_start3A_41, %dma_start3A_42, %dma_start3A_43] : memref<2x16x10x8x2x128xi32, #tpu.memory_space<hbm>> -> memref<1x16x10x8x2x128xi32, #tpu.memory_space<hbm>>
      %dma_start3A_45 = tpu.memref_squeeze %dma_start3A_44 : memref<1x16x10x8x2x128xi32, #tpu.memory_space<hbm>> -> memref<16x10x8x2x128xi32, #tpu.memory_space<hbm>>
      %dma_start3A_46 = arith.constant 0 : i32
      %dma_start3A_47 = arith.constant 0 : i32
      %dma_start3A_48 = arith.constant 0 : i32
      %dma_start3A_49 = arith.constant 0 : i32
      %dma_start3A_50 = tpu.memref_slice %dma_start3A_45[%arg1, %dma_start3A_46, %dma_start3A_47, %dma_start3A_48, %dma_start3A_49] : memref<16x10x8x2x128xi32, #tpu.memory_space<hbm>> -> memref<1x10x8x2x128xi32, #tpu.memory_space<hbm>>
      %dma_start3A_51 = tpu.memref_squeeze %dma_start3A_50 : memref<1x10x8x2x128xi32, #tpu.memory_space<hbm>> -> memref<10x8x2x128xi32, #tpu.memory_space<hbm>>
      %dma_start3A_52 = arith.constant 0 : i32
      %dma_start3A_53 = arith.constant 0 : i32
      %dma_start3A_54 = arith.constant 0 : i32
      %dma_start3A_55 = tpu.memref_slice %dma_start3A_51[%run_scoped3A, %dma_start3A_52, %dma_start3A_53, %dma_start3A_54] : memref<10x8x2x128xi32, #tpu.memory_space<hbm>> -> memref<1x8x2x128xi32, #tpu.memory_space<hbm>>
      %dma_start3A_56 = tpu.memref_squeeze %dma_start3A_55 : memref<1x8x2x128xi32, #tpu.memory_space<hbm>> -> memref<8x2x128xi32, #tpu.memory_space<hbm>>
      %dma_start3A_57 = arith.constant 0 : i32
      %dma_start3A_58 = arith.constant 0 : i32
      %dma_start3A_59 = arith.constant 0 : i32
      %dma_start3A_60 = arith.constant 0 : i32
      %dma_start3A_61 = arith.constant 0 : i32
      %dma_start3A_62 = tpu.memref_slice %arg3[%arg0, %dma_start3A_57, %dma_start3A_58, %dma_start3A_59, %dma_start3A_60, %dma_start3A_61] : memref<2x16x10x8x2x128xi32, #tpu.memory_space<hbm>> -> memref<1x16x10x8x2x128xi32, #tpu.memory_space<hbm>>
      %dma_start3A_63 = tpu.memref_squeeze %dma_start3A_62 : memref<1x16x10x8x2x128xi32, #tpu.memory_space<hbm>> -> memref<16x10x8x2x128xi32, #tpu.memory_space<hbm>>
      %dma_start3A_64 = arith.constant 0 : i32
      %dma_start3A_65 = arith.constant 0 : i32
      %dma_start3A_66 = arith.constant 0 : i32
      %dma_start3A_67 = arith.constant 0 : i32
      %dma_start3A_68 = tpu.memref_slice %dma_start3A_63[%arg1, %dma_start3A_64, %dma_start3A_65, %dma_start3A_66, %dma_start3A_67] : memref<16x10x8x2x128xi32, #tpu.memory_space<hbm>> -> memref<1x10x8x2x128xi32, #tpu.memory_space<hbm>>
      %dma_start3A_69 = tpu.memref_squeeze %dma_start3A_68 : memref<1x10x8x2x128xi32, #tpu.memory_space<hbm>> -> memref<10x8x2x128xi32, #tpu.memory_space<hbm>>
      %dma_start3A_70 = arith.constant 0 : i32
      %dma_start3A_71 = arith.constant 0 : i32
      %dma_start3A_72 = arith.constant 0 : i32
      %dma_start3A_73 = tpu.memref_slice %dma_start3A_69[%run_scoped3A, %dma_start3A_70, %dma_start3A_71, %dma_start3A_72] : memref<10x8x2x128xi32, #tpu.memory_space<hbm>> -> memref<1x8x2x128xi32, #tpu.memory_space<hbm>>
      %dma_start3A_74 = tpu.memref_squeeze %dma_start3A_73 : memref<1x8x2x128xi32, #tpu.memory_space<hbm>> -> memref<8x2x128xi32, #tpu.memory_space<hbm>>
      tpu.enqueue_dma source(%dma_start3A_74 : memref<8x2x128xi32, #tpu.memory_space<hbm>>) target(%arg5 : memref<8x2x128xi32, #tpu.memory_space<vmem>>) target_semaphore(%run_scoped3A_38 : memref<!tpu.dma_semaphore, #tpu.memory_space<semaphore_mem>>)
      %dma_wait3A = arith.constant 0 : i32
      %dma_wait3A_75 = arith.constant 0 : i32
      %dma_wait3A_76 = arith.constant 0 : i32
      %dma_wait3A_77 = arith.constant 0 : i32
      %dma_wait3A_78 = arith.constant 0 : i32
      %dma_wait3A_79 = tpu.memref_slice %arg3[%arg0, %dma_wait3A, %dma_wait3A_75, %dma_wait3A_76, %dma_wait3A_77, %dma_wait3A_78] : memref<2x16x10x8x2x128xi32, #tpu.memory_space<hbm>> -> memref<1x16x10x8x2x128xi32, #tpu.memory_space<hbm>>
      %dma_wait3A_80 = tpu.memref_squeeze %dma_wait3A_79 : memref<1x16x10x8x2x128xi32, #tpu.memory_space<hbm>> -> memref<16x10x8x2x128xi32, #tpu.memory_space<hbm>>
      %dma_wait3A_81 = arith.constant 0 : i32
      %dma_wait3A_82 = arith.constant 0 : i32
      %dma_wait3A_83 = arith.constant 0 : i32
      %dma_wait3A_84 = arith.constant 0 : i32
      %dma_wait3A_85 = tpu.memref_slice %dma_wait3A_80[%arg1, %dma_wait3A_81, %dma_wait3A_82, %dma_wait3A_83, %dma_wait3A_84] : memref<16x10x8x2x128xi32, #tpu.memory_space<hbm>> -> memref<1x10x8x2x128xi32, #tpu.memory_space<hbm>>
      %dma_wait3A_86 = tpu.memref_squeeze %dma_wait3A_85 : memref<1x10x8x2x128xi32, #tpu.memory_space<hbm>> -> memref<10x8x2x128xi32, #tpu.memory_space<hbm>>
      %dma_wait3A_87 = arith.constant 0 : i32
      %dma_wait3A_88 = arith.constant 0 : i32
      %dma_wait3A_89 = arith.constant 0 : i32
      %dma_wait3A_90 = tpu.memref_slice %dma_wait3A_86[%run_scoped3A, %dma_wait3A_87, %dma_wait3A_88, %dma_wait3A_89] : memref<10x8x2x128xi32, #tpu.memory_space<hbm>> -> memref<1x8x2x128xi32, #tpu.memory_space<hbm>>
      %dma_wait3A_91 = tpu.memref_squeeze %dma_wait3A_90 : memref<1x8x2x128xi32, #tpu.memory_space<hbm>> -> memref<8x2x128xi32, #tpu.memory_space<hbm>>
      %dma_wait3A_92 = arith.constant 0 : i32
      %dma_wait3A_93 = arith.constant 0 : i32
      %dma_wait3A_94 = arith.constant 0 : i32
      %dma_wait3A_95 = arith.constant 0 : i32
      %dma_wait3A_96 = arith.constant 0 : i32
      %dma_wait3A_97 = tpu.memref_slice %arg3[%arg0, %dma_wait3A_92, %dma_wait3A_93, %dma_wait3A_94, %dma_wait3A_95, %dma_wait3A_96] : memref<2x16x10x8x2x128xi32, #tpu.memory_space<hbm>> -> memref<1x16x10x8x2x128xi32, #tpu.memory_space<hbm>>
      %dma_wait3A_98 = tpu.memref_squeeze %dma_wait3A_97 : memref<1x16x10x8x2x128xi32, #tpu.memory_space<hbm>> -> memref<16x10x8x2x128xi32, #tpu.memory_space<hbm>>
      %dma_wait3A_99 = arith.constant 0 : i32
      %dma_wait3A_100 = arith.constant 0 : i32
      %dma_wait3A_101 = arith.constant 0 : i32
      %dma_wait3A_102 = arith.constant 0 : i32
      %dma_wait3A_103 = tpu.memref_slice %dma_wait3A_98[%arg1, %dma_wait3A_99, %dma_wait3A_100, %dma_wait3A_101, %dma_wait3A_102] : memref<16x10x8x2x128xi32, #tpu.memory_space<hbm>> -> memref<1x10x8x2x128xi32, #tpu.memory_space<hbm>>
      %dma_wait3A_104 = tpu.memref_squeeze %dma_wait3A_103 : memref<1x10x8x2x128xi32, #tpu.memory_space<hbm>> -> memref<10x8x2x128xi32, #tpu.memory_space<hbm>>
      %dma_wait3A_105 = arith.constant 0 : i32
      %dma_wait3A_106 = arith.constant 0 : i32
      %dma_wait3A_107 = arith.constant 0 : i32
      %dma_wait3A_108 = tpu.memref_slice %dma_wait3A_104[%run_scoped3A, %dma_wait3A_105, %dma_wait3A_106, %dma_wait3A_107] : memref<10x8x2x128xi32, #tpu.memory_space<hbm>> -> memref<1x8x2x128xi32, #tpu.memory_space<hbm>>
      %dma_wait3A_109 = tpu.memref_squeeze %dma_wait3A_108 : memref<1x8x2x128xi32, #tpu.memory_space<hbm>> -> memref<8x2x128xi32, #tpu.memory_space<hbm>>
      tpu.wait_dma2 semaphore(%run_scoped3A_38 : memref<!tpu.dma_semaphore, #tpu.memory_space<semaphore_mem>>) src(%dma_wait3A_109 : memref<8x2x128xi32, #tpu.memory_space<hbm>>) dst(%arg5 : memref<8x2x128xi32, #tpu.memory_space<vmem>>)
      tpu.yield
    }) : () -> ()
    %dma_start3A = arith.constant 0 : i32
    %dma_start3A_12 = arith.constant 0 : i32
    %dma_start3A_13 = arith.constant 0 : i32
    %dma_start3A_14 = arith.constant 0 : i32
    %dma_start3A_15 = tpu.memref_slice %arg5[%dma_start3A, %dma_start3A_13, %dma_start3A_14] : memref<8x2x128xi32, #tpu.memory_space<vmem>> -> memref<1x2x128xi32, #tpu.memory_space<vmem>>
    %dma_start3A_16 = tpu.memref_squeeze %dma_start3A_15 : memref<1x2x128xi32, #tpu.memory_space<vmem>> -> memref<2x128xi32, #tpu.memory_space<vmem>>
    %dma_start3A_17 = arith.constant 0 : i32
    %dma_start3A_18 = tpu.memref_slice %dma_start3A_16[%dma_start3A_12, %dma_start3A_17] : memref<2x128xi32, #tpu.memory_space<vmem>> -> memref<1x128xi32, #tpu.memory_space<vmem>>
    %dma_start3A_19 = tpu.memref_squeeze %dma_start3A_18 : memref<1x128xi32, #tpu.memory_space<vmem>> -> memref<128xi32, #tpu.memory_space<vmem>>
    %dma_start3A_20 = arith.constant 0 : i32
    %dma_start3A_21 = arith.constant 0 : i32
    %dma_start3A_22 = tpu.memref_slice %arg2[%dma_start3A_20, %dma_start3A_21] : memref<10000x128xf32, #tpu.memory_space<hbm>> -> memref<10000x128xf32, #tpu.memory_space<hbm>>
    tpu.enqueue_indirect_dma source(%dma_start3A_22 : memref<10000x128xf32, #tpu.memory_space<hbm>>) target(%arg7 : memref<128x128xf32, #tpu.memory_space<vmem>>) offsets(%dma_start3A_19 : memref<128xi32, #tpu.memory_space<vmem>>) semaphore(%arg11 : memref<!tpu.dma_semaphore, #tpu.memory_space<semaphore_mem>>)
    %scan3A_23 = arith.constant 0 : i32
    %scan3A_24 = arith.constant 5 : i32
    %scan3A_25 = arith.addi %scan3A_23, %scan3A_24 : i32
    %scan3A_26 = arith.constant 1 : i32
    scf.for %scan3A_38 = %scan3A_23 to %scan3A_25 step %scan3A_26  : i32 {
      %mul3A_39 = arith.constant 2 : i32
      %mul3A_40 = arith.muli %scan3A_38, %mul3A_39 : i32
      %add3A = arith.constant 0 : i32
      %add3A_41 = arith.addi %add3A, %mul3A_40 : i32
      %add3A_42 = arith.constant 0 : i32
      %add3A_43 = arith.addi %add3A_41, %add3A_42 : i32
      %add3A_44 = arith.constant 1 : i32
      %add3A_45 = arith.addi %add3A_43, %add3A_44 : i32
      %lt3A_46 = arith.constant 10 : i32
      %lt3A_47 = arith.cmpi slt, %add3A_45, %lt3A_46 : i32
      %convert_element_type3A_48 = arith.extui %lt3A_47 : i1 to i32
      %cond3A_49 = arith.constant 0 : i32
      %cond3A_50 = arith.cmpi ne, %convert_element_type3A_48, %cond3A_49 : i32
      scf.if %cond3A_50 {
        %add3A_70 = arith.constant 1 : i32
        %add3A_71 = arith.addi %add3A_43, %add3A_70 : i32
        %dma_start3A_72 = arith.constant 0 : i32
        %dma_start3A_73 = arith.constant 0 : i32
        %dma_start3A_74 = arith.constant 0 : i32
        %dma_start3A_75 = arith.constant 0 : i32
        %dma_start3A_76 = arith.constant 0 : i32
        %dma_start3A_77 = tpu.memref_slice %arg3[%arg0, %dma_start3A_72, %dma_start3A_73, %dma_start3A_74, %dma_start3A_75, %dma_start3A_76] : memref<2x16x10x8x2x128xi32, #tpu.memory_space<hbm>> -> memref<1x16x10x8x2x128xi32, #tpu.memory_space<hbm>>
        %dma_start3A_78 = tpu.memref_squeeze %dma_start3A_77 : memref<1x16x10x8x2x128xi32, #tpu.memory_space<hbm>> -> memref<16x10x8x2x128xi32, #tpu.memory_space<hbm>>
        %dma_start3A_79 = arith.constant 0 : i32
        %dma_start3A_80 = arith.constant 0 : i32
        %dma_start3A_81 = arith.constant 0 : i32
        %dma_start3A_82 = arith.constant 0 : i32
        %dma_start3A_83 = tpu.memref_slice %dma_start3A_78[%arg1, %dma_start3A_79, %dma_start3A_80, %dma_start3A_81, %dma_start3A_82] : memref<16x10x8x2x128xi32, #tpu.memory_space<hbm>> -> memref<1x10x8x2x128xi32, #tpu.memory_space<hbm>>
        %dma_start3A_84 = tpu.memref_squeeze %dma_start3A_83 : memref<1x10x8x2x128xi32, #tpu.memory_space<hbm>> -> memref<10x8x2x128xi32, #tpu.memory_space<hbm>>
        %dma_start3A_85 = arith.constant 0 : i32
        %dma_start3A_86 = arith.constant 0 : i32
        %dma_start3A_87 = arith.constant 0 : i32
        %dma_start3A_88 = tpu.memref_slice %dma_start3A_84[%add3A_71, %dma_start3A_85, %dma_start3A_86, %dma_start3A_87] : memref<10x8x2x128xi32, #tpu.memory_space<hbm>> -> memref<1x8x2x128xi32, #tpu.memory_space<hbm>>
        %dma_start3A_89 = tpu.memref_squeeze %dma_start3A_88 : memref<1x8x2x128xi32, #tpu.memory_space<hbm>> -> memref<8x2x128xi32, #tpu.memory_space<hbm>>
        %dma_start3A_90 = arith.constant 0 : i32
        %dma_start3A_91 = arith.constant 0 : i32
        %dma_start3A_92 = arith.constant 0 : i32
        %dma_start3A_93 = arith.constant 0 : i32
        %dma_start3A_94 = arith.constant 0 : i32
        %dma_start3A_95 = tpu.memref_slice %arg3[%arg0, %dma_start3A_90, %dma_start3A_91, %dma_start3A_92, %dma_start3A_93, %dma_start3A_94] : memref<2x16x10x8x2x128xi32, #tpu.memory_space<hbm>> -> memref<1x16x10x8x2x128xi32, #tpu.memory_space<hbm>>
        %dma_start3A_96 = tpu.memref_squeeze %dma_start3A_95 : memref<1x16x10x8x2x128xi32, #tpu.memory_space<hbm>> -> memref<16x10x8x2x128xi32, #tpu.memory_space<hbm>>
        %dma_start3A_97 = arith.constant 0 : i32
        %dma_start3A_98 = arith.constant 0 : i32
        %dma_start3A_99 = arith.constant 0 : i32
        %dma_start3A_100 = arith.constant 0 : i32
        %dma_start3A_101 = tpu.memref_slice %dma_start3A_96[%arg1, %dma_start3A_97, %dma_start3A_98, %dma_start3A_99, %dma_start3A_100] : memref<16x10x8x2x128xi32, #tpu.memory_space<hbm>> -> memref<1x10x8x2x128xi32, #tpu.memory_space<hbm>>
        %dma_start3A_102 = tpu.memref_squeeze %dma_start3A_101 : memref<1x10x8x2x128xi32, #tpu.memory_space<hbm>> -> memref<10x8x2x128xi32, #tpu.memory_space<hbm>>
        %dma_start3A_103 = arith.constant 0 : i32
        %dma_start3A_104 = arith.constant 0 : i32
        %dma_start3A_105 = arith.constant 0 : i32
        %dma_start3A_106 = tpu.memref_slice %dma_start3A_102[%add3A_71, %dma_start3A_103, %dma_start3A_104, %dma_start3A_105] : memref<10x8x2x128xi32, #tpu.memory_space<hbm>> -> memref<1x8x2x128xi32, #tpu.memory_space<hbm>>
        %dma_start3A_107 = tpu.memref_squeeze %dma_start3A_106 : memref<1x8x2x128xi32, #tpu.memory_space<hbm>> -> memref<8x2x128xi32, #tpu.memory_space<hbm>>
        tpu.enqueue_dma source(%dma_start3A_107 : memref<8x2x128xi32, #tpu.memory_space<hbm>>) target(%arg6 : memref<8x2x128xi32, #tpu.memory_space<vmem>>) target_semaphore(%arg13 : memref<!tpu.dma_semaphore, #tpu.memory_space<semaphore_mem>>)
      } else {
      }
      %scan3A_51 = arith.constant 0 : i32
      %scan3A_52 = arith.constant 4 : i32
      %scan3A_53 = arith.addi %scan3A_51, %scan3A_52 : i32
      %scan3A_54 = arith.constant 1 : i32
      scf.for %scan3A_70 = %scan3A_51 to %scan3A_53 step %scan3A_54  : i32 {
        %mul3A_71 = arith.constant 2 : i32
        %mul3A_72 = arith.muli %scan3A_70, %mul3A_71 : i32
        %add3A_73 = arith.constant 0 : i32
        %add3A_74 = arith.addi %add3A_73, %mul3A_72 : i32
        %add3A_75 = arith.constant 1 : i32
        %add3A_76 = arith.addi %add3A_74, %add3A_75 : i32
        %dma_start3A_77 = arith.constant 0 : i32
        %dma_start3A_78 = arith.constant 0 : i32
        %dma_start3A_79 = arith.constant 0 : i32
        %dma_start3A_80 = tpu.memref_slice %arg5[%add3A_76, %dma_start3A_78, %dma_start3A_79] : memref<8x2x128xi32, #tpu.memory_space<vmem>> -> memref<1x2x128xi32, #tpu.memory_space<vmem>>
        %dma_start3A_81 = tpu.memref_squeeze %dma_start3A_80 : memref<1x2x128xi32, #tpu.memory_space<vmem>> -> memref<2x128xi32, #tpu.memory_space<vmem>>
        %dma_start3A_82 = arith.constant 0 : i32
        %dma_start3A_83 = tpu.memref_slice %dma_start3A_81[%dma_start3A_77, %dma_start3A_82] : memref<2x128xi32, #tpu.memory_space<vmem>> -> memref<1x128xi32, #tpu.memory_space<vmem>>
        %dma_start3A_84 = tpu.memref_squeeze %dma_start3A_83 : memref<1x128xi32, #tpu.memory_space<vmem>> -> memref<128xi32, #tpu.memory_space<vmem>>
        %dma_start3A_85 = arith.constant 0 : i32
        %dma_start3A_86 = arith.constant 0 : i32
        %dma_start3A_87 = tpu.memref_slice %arg2[%dma_start3A_85, %dma_start3A_86] : memref<10000x128xf32, #tpu.memory_space<hbm>> -> memref<10000x128xf32, #tpu.memory_space<hbm>>
        tpu.enqueue_indirect_dma source(%dma_start3A_87 : memref<10000x128xf32, #tpu.memory_space<hbm>>) target(%arg8 : memref<128x128xf32, #tpu.memory_space<vmem>>) offsets(%dma_start3A_84 : memref<128xi32, #tpu.memory_space<vmem>>) semaphore(%arg12 : memref<!tpu.dma_semaphore, #tpu.memory_space<semaphore_mem>>)
        %dma_wait3A = arith.constant 0 : i32
        %dma_wait3A_88 = arith.constant 0 : i32
        %dma_wait3A_89 = arith.constant 0 : i32
        %dma_wait3A_90 = tpu.memref_slice %arg5[%add3A_74, %dma_wait3A_88, %dma_wait3A_89] : memref<8x2x128xi32, #tpu.memory_space<vmem>> -> memref<1x2x128xi32, #tpu.memory_space<vmem>>
        %dma_wait3A_91 = tpu.memref_squeeze %dma_wait3A_90 : memref<1x2x128xi32, #tpu.memory_space<vmem>> -> memref<2x128xi32, #tpu.memory_space<vmem>>
        %dma_wait3A_92 = arith.constant 0 : i32
        %dma_wait3A_93 = tpu.memref_slice %dma_wait3A_91[%dma_wait3A, %dma_wait3A_92] : memref<2x128xi32, #tpu.memory_space<vmem>> -> memref<1x128xi32, #tpu.memory_space<vmem>>
        %dma_wait3A_94 = tpu.memref_squeeze %dma_wait3A_93 : memref<1x128xi32, #tpu.memory_space<vmem>> -> memref<128xi32, #tpu.memory_space<vmem>>
        %dma_wait3A_95 = arith.constant 0 : i32
        %dma_wait3A_96 = arith.constant 0 : i32
        %dma_wait3A_97 = tpu.memref_slice %arg2[%dma_wait3A_95, %dma_wait3A_96] : memref<10000x128xf32, #tpu.memory_space<hbm>> -> memref<10000x128xf32, #tpu.memory_space<hbm>>
        tpu.wait_indirect_dma semaphore(%arg11 : memref<!tpu.dma_semaphore, #tpu.memory_space<semaphore_mem>>) src(%dma_wait3A_97 : memref<10000x128xf32, #tpu.memory_space<hbm>>) dst(%arg7 : memref<128x128xf32, #tpu.memory_space<vmem>>)
        %run_scoped3A_98 = arith.constant 1 : i32
        "tpu.region"() ({
          %run_scoped3A_129 = tpu.sem_alloc : memref<!tpu.dma_semaphore, #tpu.memory_space<semaphore_mem>>
          %dma_start3A_130 = arith.constant 0 : i32
          %dma_start3A_131 = arith.constant 0 : i32
          %dma_start3A_132 = tpu.memref_slice %arg5[%add3A_74, %dma_start3A_130, %dma_start3A_131] : memref<8x2x128xi32, #tpu.memory_space<vmem>> -> memref<1x2x128xi32, #tpu.memory_space<vmem>>
          %dma_start3A_133 = tpu.memref_squeeze %dma_start3A_132 : memref<1x2x128xi32, #tpu.memory_space<vmem>> -> memref<2x128xi32, #tpu.memory_space<vmem>>
          %dma_start3A_134 = arith.constant 0 : i32
          %dma_start3A_135 = tpu.memref_slice %dma_start3A_133[%run_scoped3A_98, %dma_start3A_134] : memref<2x128xi32, #tpu.memory_space<vmem>> -> memref<1x128xi32, #tpu.memory_space<vmem>>
          %dma_start3A_136 = tpu.memref_squeeze %dma_start3A_135 : memref<1x128xi32, #tpu.memory_space<vmem>> -> memref<128xi32, #tpu.memory_space<vmem>>
          %dma_start3A_137 = arith.constant 0 : i32
          %dma_start3A_138 = arith.constant 0 : i32
          %dma_start3A_139 = tpu.memref_slice %arg10[%dma_start3A_137, %dma_start3A_138] : memref<10016x128xf32, #tpu.memory_space<vmem_shared>> -> memref<10016x128xf32, #tpu.memory_space<vmem_shared>>
          tpu.enqueue_indirect_dma source(%arg7 : memref<128x128xf32, #tpu.memory_space<vmem>>) target(%dma_start3A_139 : memref<10016x128xf32, #tpu.memory_space<vmem_shared>>) offsets(%dma_start3A_136 : memref<128xi32, #tpu.memory_space<vmem>>) semaphore(%run_scoped3A_129 : memref<!tpu.dma_semaphore, #tpu.memory_space<semaphore_mem>>) {add = true}
          %dma_wait3A_140 = arith.constant 0 : i32
          %dma_wait3A_141 = arith.constant 0 : i32
          %dma_wait3A_142 = tpu.memref_slice %arg5[%add3A_74, %dma_wait3A_140, %dma_wait3A_141] : memref<8x2x128xi32, #tpu.memory_space<vmem>> -> memref<1x2x128xi32, #tpu.memory_space<vmem>>
          %dma_wait3A_143 = tpu.memref_squeeze %dma_wait3A_142 : memref<1x2x128xi32, #tpu.memory_space<vmem>> -> memref<2x128xi32, #tpu.memory_space<vmem>>
          %dma_wait3A_144 = arith.constant 0 : i32
          %dma_wait3A_145 = tpu.memref_slice %dma_wait3A_143[%run_scoped3A_98, %dma_wait3A_144] : memref<2x128xi32, #tpu.memory_space<vmem>> -> memref<1x128xi32, #tpu.memory_space<vmem>>
          %dma_wait3A_146 = tpu.memref_squeeze %dma_wait3A_145 : memref<1x128xi32, #tpu.memory_space<vmem>> -> memref<128xi32, #tpu.memory_space<vmem>>
          %dma_wait3A_147 = arith.constant 0 : i32
          %dma_wait3A_148 = arith.constant 0 : i32
          %dma_wait3A_149 = tpu.memref_slice %arg10[%dma_wait3A_147, %dma_wait3A_148] : memref<10016x128xf32, #tpu.memory_space<vmem_shared>> -> memref<10016x128xf32, #tpu.memory_space<vmem_shared>>
          tpu.wait_indirect_dma semaphore(%run_scoped3A_129 : memref<!tpu.dma_semaphore, #tpu.memory_space<semaphore_mem>>) src(%arg7 : memref<128x128xf32, #tpu.memory_space<vmem>>) dst(%dma_wait3A_149 : memref<10016x128xf32, #tpu.memory_space<vmem_shared>>)
          tpu.yield
        }) : () -> ()
        %lt3A_99 = arith.constant 6 : i32
        %lt3A_100 = arith.cmpi slt, %add3A_74, %lt3A_99 : i32
        %convert_element_type3A_101 = arith.extui %lt3A_100 : i1 to i32
        %cond3A_102 = arith.constant 0 : i32
        %cond3A_103 = arith.cmpi ne, %convert_element_type3A_101, %cond3A_102 : i32
        scf.if %cond3A_103 {
          %add3A_129 = arith.constant 2 : i32
          %add3A_130 = arith.addi %add3A_74, %add3A_129 : i32
          %dma_start3A_131 = arith.constant 0 : i32
          %dma_start3A_132 = arith.constant 0 : i32
          %dma_start3A_133 = arith.constant 0 : i32
          %dma_start3A_134 = tpu.memref_slice %arg5[%add3A_130, %dma_start3A_132, %dma_start3A_133] : memref<8x2x128xi32, #tpu.memory_space<vmem>> -> memref<1x2x128xi32, #tpu.memory_space<vmem>>
          %dma_start3A_135 = tpu.memref_squeeze %dma_start3A_134 : memref<1x2x128xi32, #tpu.memory_space<vmem>> -> memref<2x128xi32, #tpu.memory_space<vmem>>
          %dma_start3A_136 = arith.constant 0 : i32
          %dma_start3A_137 = tpu.memref_slice %dma_start3A_135[%dma_start3A_131, %dma_start3A_136] : memref<2x128xi32, #tpu.memory_space<vmem>> -> memref<1x128xi32, #tpu.memory_space<vmem>>
          %dma_start3A_138 = tpu.memref_squeeze %dma_start3A_137 : memref<1x128xi32, #tpu.memory_space<vmem>> -> memref<128xi32, #tpu.memory_space<vmem>>
          %dma_start3A_139 = arith.constant 0 : i32
          %dma_start3A_140 = arith.constant 0 : i32
          %dma_start3A_141 = tpu.memref_slice %arg2[%dma_start3A_139, %dma_start3A_140] : memref<10000x128xf32, #tpu.memory_space<hbm>> -> memref<10000x128xf32, #tpu.memory_space<hbm>>
          tpu.enqueue_indirect_dma source(%dma_start3A_141 : memref<10000x128xf32, #tpu.memory_space<hbm>>) target(%arg7 : memref<128x128xf32, #tpu.memory_space<vmem>>) offsets(%dma_start3A_138 : memref<128xi32, #tpu.memory_space<vmem>>) semaphore(%arg11 : memref<!tpu.dma_semaphore, #tpu.memory_space<semaphore_mem>>)
        } else {
        }
        %eq3A_104 = arith.constant 6 : i32
        %eq3A_105 = arith.cmpi eq, %add3A_74, %eq3A_104 : i32
        %add3A_106 = arith.constant 1 : i32
        %add3A_107 = arith.addi %add3A_43, %add3A_106 : i32
        %lt3A_108 = arith.constant 10 : i32
        %lt3A_109 = arith.cmpi slt, %add3A_107, %lt3A_108 : i32
        %and3A = arith.andi %eq3A_105, %lt3A_109 : i1
        %convert_element_type3A_110 = arith.extui %and3A : i1 to i32
        %cond3A_111 = arith.constant 0 : i32
        %cond3A_112 = arith.cmpi ne, %convert_element_type3A_110, %cond3A_111 : i32
        scf.if %cond3A_112 {
          %add3A_129 = arith.constant 1 : i32
          %add3A_130 = arith.addi %add3A_43, %add3A_129 : i32
          %dma_wait3A_131 = arith.constant 0 : i32
          %dma_wait3A_132 = arith.constant 0 : i32
          %dma_wait3A_133 = arith.constant 0 : i32
          %dma_wait3A_134 = arith.constant 0 : i32
          %dma_wait3A_135 = arith.constant 0 : i32
          %dma_wait3A_136 = tpu.memref_slice %arg3[%arg0, %dma_wait3A_131, %dma_wait3A_132, %dma_wait3A_133, %dma_wait3A_134, %dma_wait3A_135] : memref<2x16x10x8x2x128xi32, #tpu.memory_space<hbm>> -> memref<1x16x10x8x2x128xi32, #tpu.memory_space<hbm>>
          %dma_wait3A_137 = tpu.memref_squeeze %dma_wait3A_136 : memref<1x16x10x8x2x128xi32, #tpu.memory_space<hbm>> -> memref<16x10x8x2x128xi32, #tpu.memory_space<hbm>>
          %dma_wait3A_138 = arith.constant 0 : i32
          %dma_wait3A_139 = arith.constant 0 : i32
          %dma_wait3A_140 = arith.constant 0 : i32
          %dma_wait3A_141 = arith.constant 0 : i32
          %dma_wait3A_142 = tpu.memref_slice %dma_wait3A_137[%arg1, %dma_wait3A_138, %dma_wait3A_139, %dma_wait3A_140, %dma_wait3A_141] : memref<16x10x8x2x128xi32, #tpu.memory_space<hbm>> -> memref<1x10x8x2x128xi32, #tpu.memory_space<hbm>>
          %dma_wait3A_143 = tpu.memref_squeeze %dma_wait3A_142 : memref<1x10x8x2x128xi32, #tpu.memory_space<hbm>> -> memref<10x8x2x128xi32, #tpu.memory_space<hbm>>
          %dma_wait3A_144 = arith.constant 0 : i32
          %dma_wait3A_145 = arith.constant 0 : i32
          %dma_wait3A_146 = arith.constant 0 : i32
          %dma_wait3A_147 = tpu.memref_slice %dma_wait3A_143[%add3A_130, %dma_wait3A_144, %dma_wait3A_145, %dma_wait3A_146] : memref<10x8x2x128xi32, #tpu.memory_space<hbm>> -> memref<1x8x2x128xi32, #tpu.memory_space<hbm>>
          %dma_wait3A_148 = tpu.memref_squeeze %dma_wait3A_147 : memref<1x8x2x128xi32, #tpu.memory_space<hbm>> -> memref<8x2x128xi32, #tpu.memory_space<hbm>>
          %dma_wait3A_149 = arith.constant 0 : i32
          %dma_wait3A_150 = arith.constant 0 : i32
          %dma_wait3A_151 = arith.constant 0 : i32
          %dma_wait3A_152 = arith.constant 0 : i32
          %dma_wait3A_153 = arith.constant 0 : i32
          %dma_wait3A_154 = tpu.memref_slice %arg3[%arg0, %dma_wait3A_149, %dma_wait3A_150, %dma_wait3A_151, %dma_wait3A_152, %dma_wait3A_153] : memref<2x16x10x8x2x128xi32, #tpu.memory_space<hbm>> -> memref<1x16x10x8x2x128xi32, #tpu.memory_space<hbm>>
          %dma_wait3A_155 = tpu.memref_squeeze %dma_wait3A_154 : memref<1x16x10x8x2x128xi32, #tpu.memory_space<hbm>> -> memref<16x10x8x2x128xi32, #tpu.memory_space<hbm>>
          %dma_wait3A_156 = arith.constant 0 : i32
          %dma_wait3A_157 = arith.constant 0 : i32
          %dma_wait3A_158 = arith.constant 0 : i32
          %dma_wait3A_159 = arith.constant 0 : i32
          %dma_wait3A_160 = tpu.memref_slice %dma_wait3A_155[%arg1, %dma_wait3A_156, %dma_wait3A_157, %dma_wait3A_158, %dma_wait3A_159] : memref<16x10x8x2x128xi32, #tpu.memory_space<hbm>> -> memref<1x10x8x2x128xi32, #tpu.memory_space<hbm>>
          %dma_wait3A_161 = tpu.memref_squeeze %dma_wait3A_160 : memref<1x10x8x2x128xi32, #tpu.memory_space<hbm>> -> memref<10x8x2x128xi32, #tpu.memory_space<hbm>>
          %dma_wait3A_162 = arith.constant 0 : i32
          %dma_wait3A_163 = arith.constant 0 : i32
          %dma_wait3A_164 = arith.constant 0 : i32
          %dma_wait3A_165 = tpu.memref_slice %dma_wait3A_161[%add3A_130, %dma_wait3A_162, %dma_wait3A_163, %dma_wait3A_164] : memref<10x8x2x128xi32, #tpu.memory_space<hbm>> -> memref<1x8x2x128xi32, #tpu.memory_space<hbm>>
          %dma_wait3A_166 = tpu.memref_squeeze %dma_wait3A_165 : memref<1x8x2x128xi32, #tpu.memory_space<hbm>> -> memref<8x2x128xi32, #tpu.memory_space<hbm>>
          tpu.wait_dma2 semaphore(%arg13 : memref<!tpu.dma_semaphore, #tpu.memory_space<semaphore_mem>>) src(%dma_wait3A_166 : memref<8x2x128xi32, #tpu.memory_space<hbm>>) dst(%arg6 : memref<8x2x128xi32, #tpu.memory_space<vmem>>)
          %dma_start3A_167 = arith.constant 0 : i32
          %dma_start3A_168 = arith.constant 0 : i32
          %dma_start3A_169 = arith.constant 0 : i32
          %dma_start3A_170 = arith.constant 0 : i32
          %dma_start3A_171 = tpu.memref_slice %arg6[%dma_start3A_167, %dma_start3A_169, %dma_start3A_170] : memref<8x2x128xi32, #tpu.memory_space<vmem>> -> memref<1x2x128xi32, #tpu.memory_space<vmem>>
          %dma_start3A_172 = tpu.memref_squeeze %dma_start3A_171 : memref<1x2x128xi32, #tpu.memory_space<vmem>> -> memref<2x128xi32, #tpu.memory_space<vmem>>
          %dma_start3A_173 = arith.constant 0 : i32
          %dma_start3A_174 = tpu.memref_slice %dma_start3A_172[%dma_start3A_168, %dma_start3A_173] : memref<2x128xi32, #tpu.memory_space<vmem>> -> memref<1x128xi32, #tpu.memory_space<vmem>>
          %dma_start3A_175 = tpu.memref_squeeze %dma_start3A_174 : memref<1x128xi32, #tpu.memory_space<vmem>> -> memref<128xi32, #tpu.memory_space<vmem>>
          %dma_start3A_176 = arith.constant 0 : i32
          %dma_start3A_177 = arith.constant 0 : i32
          %dma_start3A_178 = tpu.memref_slice %arg2[%dma_start3A_176, %dma_start3A_177] : memref<10000x128xf32, #tpu.memory_space<hbm>> -> memref<10000x128xf32, #tpu.memory_space<hbm>>
          tpu.enqueue_indirect_dma source(%dma_start3A_178 : memref<10000x128xf32, #tpu.memory_space<hbm>>) target(%arg7 : memref<128x128xf32, #tpu.memory_space<vmem>>) offsets(%dma_start3A_175 : memref<128xi32, #tpu.memory_space<vmem>>) semaphore(%arg11 : memref<!tpu.dma_semaphore, #tpu.memory_space<semaphore_mem>>)
        } else {
        }
        %add3A_113 = arith.constant 1 : i32
        %add3A_114 = arith.addi %add3A_74, %add3A_113 : i32
        %dma_wait3A_115 = arith.constant 0 : i32
        %dma_wait3A_116 = arith.constant 0 : i32
        %dma_wait3A_117 = arith.constant 0 : i32
        %dma_wait3A_118 = tpu.memref_slice %arg5[%add3A_114, %dma_wait3A_116, %dma_wait3A_117] : memref<8x2x128xi32, #tpu.memory_space<vmem>> -> memref<1x2x128xi32, #tpu.memory_space<vmem>>
        %dma_wait3A_119 = tpu.memref_squeeze %dma_wait3A_118 : memref<1x2x128xi32, #tpu.memory_space<vmem>> -> memref<2x128xi32, #tpu.memory_space<vmem>>
        %dma_wait3A_120 = arith.constant 0 : i32
        %dma_wait3A_121 = tpu.memref_slice %dma_wait3A_119[%dma_wait3A_115, %dma_wait3A_120] : memref<2x128xi32, #tpu.memory_space<vmem>> -> memref<1x128xi32, #tpu.memory_space<vmem>>
        %dma_wait3A_122 = tpu.memref_squeeze %dma_wait3A_121 : memref<1x128xi32, #tpu.memory_space<vmem>> -> memref<128xi32, #tpu.memory_space<vmem>>
        %dma_wait3A_123 = arith.constant 0 : i32
        %dma_wait3A_124 = arith.constant 0 : i32
        %dma_wait3A_125 = tpu.memref_slice %arg2[%dma_wait3A_123, %dma_wait3A_124] : memref<10000x128xf32, #tpu.memory_space<hbm>> -> memref<10000x128xf32, #tpu.memory_space<hbm>>
        tpu.wait_indirect_dma semaphore(%arg12 : memref<!tpu.dma_semaphore, #tpu.memory_space<semaphore_mem>>) src(%dma_wait3A_125 : memref<10000x128xf32, #tpu.memory_space<hbm>>) dst(%arg8 : memref<128x128xf32, #tpu.memory_space<vmem>>)
        %add3A_126 = arith.constant 1 : i32
        %add3A_127 = arith.addi %add3A_74, %add3A_126 : i32
        %run_scoped3A_128 = arith.constant 1 : i32
        "tpu.region"() ({
          %run_scoped3A_129 = tpu.sem_alloc : memref<!tpu.dma_semaphore, #tpu.memory_space<semaphore_mem>>
          %dma_start3A_130 = arith.constant 0 : i32
          %dma_start3A_131 = arith.constant 0 : i32
          %dma_start3A_132 = tpu.memref_slice %arg5[%add3A_127, %dma_start3A_130, %dma_start3A_131] : memref<8x2x128xi32, #tpu.memory_space<vmem>> -> memref<1x2x128xi32, #tpu.memory_space<vmem>>
          %dma_start3A_133 = tpu.memref_squeeze %dma_start3A_132 : memref<1x2x128xi32, #tpu.memory_space<vmem>> -> memref<2x128xi32, #tpu.memory_space<vmem>>
          %dma_start3A_134 = arith.constant 0 : i32
          %dma_start3A_135 = tpu.memref_slice %dma_start3A_133[%run_scoped3A_128, %dma_start3A_134] : memref<2x128xi32, #tpu.memory_space<vmem>> -> memref<1x128xi32, #tpu.memory_space<vmem>>
          %dma_start3A_136 = tpu.memref_squeeze %dma_start3A_135 : memref<1x128xi32, #tpu.memory_space<vmem>> -> memref<128xi32, #tpu.memory_space<vmem>>
          %dma_start3A_137 = arith.constant 0 : i32
          %dma_start3A_138 = arith.constant 0 : i32
          %dma_start3A_139 = tpu.memref_slice %arg10[%dma_start3A_137, %dma_start3A_138] : memref<10016x128xf32, #tpu.memory_space<vmem_shared>> -> memref<10016x128xf32, #tpu.memory_space<vmem_shared>>
          tpu.enqueue_indirect_dma source(%arg8 : memref<128x128xf32, #tpu.memory_space<vmem>>) target(%dma_start3A_139 : memref<10016x128xf32, #tpu.memory_space<vmem_shared>>) offsets(%dma_start3A_136 : memref<128xi32, #tpu.memory_space<vmem>>) semaphore(%run_scoped3A_129 : memref<!tpu.dma_semaphore, #tpu.memory_space<semaphore_mem>>) {add = true}
          %dma_wait3A_140 = arith.constant 0 : i32
          %dma_wait3A_141 = arith.constant 0 : i32
          %dma_wait3A_142 = tpu.memref_slice %arg5[%add3A_127, %dma_wait3A_140, %dma_wait3A_141] : memref<8x2x128xi32, #tpu.memory_space<vmem>> -> memref<1x2x128xi32, #tpu.memory_space<vmem>>
          %dma_wait3A_143 = tpu.memref_squeeze %dma_wait3A_142 : memref<1x2x128xi32, #tpu.memory_space<vmem>> -> memref<2x128xi32, #tpu.memory_space<vmem>>
          %dma_wait3A_144 = arith.constant 0 : i32
          %dma_wait3A_145 = tpu.memref_slice %dma_wait3A_143[%run_scoped3A_128, %dma_wait3A_144] : memref<2x128xi32, #tpu.memory_space<vmem>> -> memref<1x128xi32, #tpu.memory_space<vmem>>
          %dma_wait3A_146 = tpu.memref_squeeze %dma_wait3A_145 : memref<1x128xi32, #tpu.memory_space<vmem>> -> memref<128xi32, #tpu.memory_space<vmem>>
          %dma_wait3A_147 = arith.constant 0 : i32
          %dma_wait3A_148 = arith.constant 0 : i32
          %dma_wait3A_149 = tpu.memref_slice %arg10[%dma_wait3A_147, %dma_wait3A_148] : memref<10016x128xf32, #tpu.memory_space<vmem_shared>> -> memref<10016x128xf32, #tpu.memory_space<vmem_shared>>
          tpu.wait_indirect_dma semaphore(%run_scoped3A_129 : memref<!tpu.dma_semaphore, #tpu.memory_space<semaphore_mem>>) src(%arg8 : memref<128x128xf32, #tpu.memory_space<vmem>>) dst(%dma_wait3A_149 : memref<10016x128xf32, #tpu.memory_space<vmem_shared>>)
          tpu.yield
        }) : () -> ()
      }
      %scan3A_55 = arith.constant 4 : i32
      %add3A_56 = arith.constant 1 : i32
      %add3A_57 = arith.addi %add3A_41, %add3A_56 : i32
      %add3A_58 = arith.constant 1 : i32
      %add3A_59 = arith.addi %add3A_57, %add3A_58 : i32
      %lt3A_60 = arith.constant 10 : i32
      %lt3A_61 = arith.cmpi slt, %add3A_59, %lt3A_60 : i32
      %convert_element_type3A_62 = arith.extui %lt3A_61 : i1 to i32
      %cond3A_63 = arith.constant 0 : i32
      %cond3A_64 = arith.cmpi ne, %convert_element_type3A_62, %cond3A_63 : i32
      scf.if %cond3A_64 {
        %add3A_70 = arith.constant 1 : i32
        %add3A_71 = arith.addi %add3A_57, %add3A_70 : i32
        %dma_start3A_72 = arith.constant 0 : i32
        %dma_start3A_73 = arith.constant 0 : i32
        %dma_start3A_74 = arith.constant 0 : i32
        %dma_start3A_75 = arith.constant 0 : i32
        %dma_start3A_76 = arith.constant 0 : i32
        %dma_start3A_77 = tpu.memref_slice %arg3[%arg0, %dma_start3A_72, %dma_start3A_73, %dma_start3A_74, %dma_start3A_75, %dma_start3A_76] : memref<2x16x10x8x2x128xi32, #tpu.memory_space<hbm>> -> memref<1x16x10x8x2x128xi32, #tpu.memory_space<hbm>>
        %dma_start3A_78 = tpu.memref_squeeze %dma_start3A_77 : memref<1x16x10x8x2x128xi32, #tpu.memory_space<hbm>> -> memref<16x10x8x2x128xi32, #tpu.memory_space<hbm>>
        %dma_start3A_79 = arith.constant 0 : i32
        %dma_start3A_80 = arith.constant 0 : i32
        %dma_start3A_81 = arith.constant 0 : i32
        %dma_start3A_82 = arith.constant 0 : i32
        %dma_start3A_83 = tpu.memref_slice %dma_start3A_78[%arg1, %dma_start3A_79, %dma_start3A_80, %dma_start3A_81, %dma_start3A_82] : memref<16x10x8x2x128xi32, #tpu.memory_space<hbm>> -> memref<1x10x8x2x128xi32, #tpu.memory_space<hbm>>
        %dma_start3A_84 = tpu.memref_squeeze %dma_start3A_83 : memref<1x10x8x2x128xi32, #tpu.memory_space<hbm>> -> memref<10x8x2x128xi32, #tpu.memory_space<hbm>>
        %dma_start3A_85 = arith.constant 0 : i32
        %dma_start3A_86 = arith.constant 0 : i32
        %dma_start3A_87 = arith.constant 0 : i32
        %dma_start3A_88 = tpu.memref_slice %dma_start3A_84[%add3A_71, %dma_start3A_85, %dma_start3A_86, %dma_start3A_87] : memref<10x8x2x128xi32, #tpu.memory_space<hbm>> -> memref<1x8x2x128xi32, #tpu.memory_space<hbm>>
        %dma_start3A_89 = tpu.memref_squeeze %dma_start3A_88 : memref<1x8x2x128xi32, #tpu.memory_space<hbm>> -> memref<8x2x128xi32, #tpu.memory_space<hbm>>
        %dma_start3A_90 = arith.constant 0 : i32
        %dma_start3A_91 = arith.constant 0 : i32
        %dma_start3A_92 = arith.constant 0 : i32
        %dma_start3A_93 = arith.constant 0 : i32
        %dma_start3A_94 = arith.constant 0 : i32
        %dma_start3A_95 = tpu.memref_slice %arg3[%arg0, %dma_start3A_90, %dma_start3A_91, %dma_start3A_92, %dma_start3A_93, %dma_start3A_94] : memref<2x16x10x8x2x128xi32, #tpu.memory_space<hbm>> -> memref<1x16x10x8x2x128xi32, #tpu.memory_space<hbm>>
        %dma_start3A_96 = tpu.memref_squeeze %dma_start3A_95 : memref<1x16x10x8x2x128xi32, #tpu.memory_space<hbm>> -> memref<16x10x8x2x128xi32, #tpu.memory_space<hbm>>
        %dma_start3A_97 = arith.constant 0 : i32
        %dma_start3A_98 = arith.constant 0 : i32
        %dma_start3A_99 = arith.constant 0 : i32
        %dma_start3A_100 = arith.constant 0 : i32
        %dma_start3A_101 = tpu.memref_slice %dma_start3A_96[%arg1, %dma_start3A_97, %dma_start3A_98, %dma_start3A_99, %dma_start3A_100] : memref<16x10x8x2x128xi32, #tpu.memory_space<hbm>> -> memref<1x10x8x2x128xi32, #tpu.memory_space<hbm>>
        %dma_start3A_102 = tpu.memref_squeeze %dma_start3A_101 : memref<1x10x8x2x128xi32, #tpu.memory_space<hbm>> -> memref<10x8x2x128xi32, #tpu.memory_space<hbm>>
        %dma_start3A_103 = arith.constant 0 : i32
        %dma_start3A_104 = arith.constant 0 : i32
        %dma_start3A_105 = arith.constant 0 : i32
        %dma_start3A_106 = tpu.memref_slice %dma_start3A_102[%add3A_71, %dma_start3A_103, %dma_start3A_104, %dma_start3A_105] : memref<10x8x2x128xi32, #tpu.memory_space<hbm>> -> memref<1x8x2x128xi32, #tpu.memory_space<hbm>>
        %dma_start3A_107 = tpu.memref_squeeze %dma_start3A_106 : memref<1x8x2x128xi32, #tpu.memory_space<hbm>> -> memref<8x2x128xi32, #tpu.memory_space<hbm>>
        tpu.enqueue_dma source(%dma_start3A_107 : memref<8x2x128xi32, #tpu.memory_space<hbm>>) target(%arg5 : memref<8x2x128xi32, #tpu.memory_space<vmem>>) target_semaphore(%arg13 : memref<!tpu.dma_semaphore, #tpu.memory_space<semaphore_mem>>)
      } else {
      }
      %scan3A_65 = arith.constant 0 : i32
      %scan3A_66 = arith.constant 4 : i32
      %scan3A_67 = arith.addi %scan3A_65, %scan3A_66 : i32
      %scan3A_68 = arith.constant 1 : i32
      scf.for %scan3A_70 = %scan3A_65 to %scan3A_67 step %scan3A_68  : i32 {
        %mul3A_71 = arith.constant 2 : i32
        %mul3A_72 = arith.muli %scan3A_70, %mul3A_71 : i32
        %add3A_73 = arith.constant 0 : i32
        %add3A_74 = arith.addi %add3A_73, %mul3A_72 : i32
        %add3A_75 = arith.constant 1 : i32
        %add3A_76 = arith.addi %add3A_74, %add3A_75 : i32
        %dma_start3A_77 = arith.constant 0 : i32
        %dma_start3A_78 = arith.constant 0 : i32
        %dma_start3A_79 = arith.constant 0 : i32
        %dma_start3A_80 = tpu.memref_slice %arg6[%add3A_76, %dma_start3A_78, %dma_start3A_79] : memref<8x2x128xi32, #tpu.memory_space<vmem>> -> memref<1x2x128xi32, #tpu.memory_space<vmem>>
        %dma_start3A_81 = tpu.memref_squeeze %dma_start3A_80 : memref<1x2x128xi32, #tpu.memory_space<vmem>> -> memref<2x128xi32, #tpu.memory_space<vmem>>
        %dma_start3A_82 = arith.constant 0 : i32
        %dma_start3A_83 = tpu.memref_slice %dma_start3A_81[%dma_start3A_77, %dma_start3A_82] : memref<2x128xi32, #tpu.memory_space<vmem>> -> memref<1x128xi32, #tpu.memory_space<vmem>>
        %dma_start3A_84 = tpu.memref_squeeze %dma_start3A_83 : memref<1x128xi32, #tpu.memory_space<vmem>> -> memref<128xi32, #tpu.memory_space<vmem>>
        %dma_start3A_85 = arith.constant 0 : i32
        %dma_start3A_86 = arith.constant 0 : i32
        %dma_start3A_87 = tpu.memref_slice %arg2[%dma_start3A_85, %dma_start3A_86] : memref<10000x128xf32, #tpu.memory_space<hbm>> -> memref<10000x128xf32, #tpu.memory_space<hbm>>
        tpu.enqueue_indirect_dma source(%dma_start3A_87 : memref<10000x128xf32, #tpu.memory_space<hbm>>) target(%arg8 : memref<128x128xf32, #tpu.memory_space<vmem>>) offsets(%dma_start3A_84 : memref<128xi32, #tpu.memory_space<vmem>>) semaphore(%arg12 : memref<!tpu.dma_semaphore, #tpu.memory_space<semaphore_mem>>)
        %dma_wait3A = arith.constant 0 : i32
        %dma_wait3A_88 = arith.constant 0 : i32
        %dma_wait3A_89 = arith.constant 0 : i32
        %dma_wait3A_90 = tpu.memref_slice %arg6[%add3A_74, %dma_wait3A_88, %dma_wait3A_89] : memref<8x2x128xi32, #tpu.memory_space<vmem>> -> memref<1x2x128xi32, #tpu.memory_space<vmem>>
        %dma_wait3A_91 = tpu.memref_squeeze %dma_wait3A_90 : memref<1x2x128xi32, #tpu.memory_space<vmem>> -> memref<2x128xi32, #tpu.memory_space<vmem>>
        %dma_wait3A_92 = arith.constant 0 : i32
        %dma_wait3A_93 = tpu.memref_slice %dma_wait3A_91[%dma_wait3A, %dma_wait3A_92] : memref<2x128xi32, #tpu.memory_space<vmem>> -> memref<1x128xi32, #tpu.memory_space<vmem>>
        %dma_wait3A_94 = tpu.memref_squeeze %dma_wait3A_93 : memref<1x128xi32, #tpu.memory_space<vmem>> -> memref<128xi32, #tpu.memory_space<vmem>>
        %dma_wait3A_95 = arith.constant 0 : i32
        %dma_wait3A_96 = arith.constant 0 : i32
        %dma_wait3A_97 = tpu.memref_slice %arg2[%dma_wait3A_95, %dma_wait3A_96] : memref<10000x128xf32, #tpu.memory_space<hbm>> -> memref<10000x128xf32, #tpu.memory_space<hbm>>
        tpu.wait_indirect_dma semaphore(%arg11 : memref<!tpu.dma_semaphore, #tpu.memory_space<semaphore_mem>>) src(%dma_wait3A_97 : memref<10000x128xf32, #tpu.memory_space<hbm>>) dst(%arg7 : memref<128x128xf32, #tpu.memory_space<vmem>>)
        %run_scoped3A_98 = arith.constant 1 : i32
        "tpu.region"() ({
          %run_scoped3A_129 = tpu.sem_alloc : memref<!tpu.dma_semaphore, #tpu.memory_space<semaphore_mem>>
          %dma_start3A_130 = arith.constant 0 : i32
          %dma_start3A_131 = arith.constant 0 : i32
          %dma_start3A_132 = tpu.memref_slice %arg6[%add3A_74, %dma_start3A_130, %dma_start3A_131] : memref<8x2x128xi32, #tpu.memory_space<vmem>> -> memref<1x2x128xi32, #tpu.memory_space<vmem>>
          %dma_start3A_133 = tpu.memref_squeeze %dma_start3A_132 : memref<1x2x128xi32, #tpu.memory_space<vmem>> -> memref<2x128xi32, #tpu.memory_space<vmem>>
          %dma_start3A_134 = arith.constant 0 : i32
          %dma_start3A_135 = tpu.memref_slice %dma_start3A_133[%run_scoped3A_98, %dma_start3A_134] : memref<2x128xi32, #tpu.memory_space<vmem>> -> memref<1x128xi32, #tpu.memory_space<vmem>>
          %dma_start3A_136 = tpu.memref_squeeze %dma_start3A_135 : memref<1x128xi32, #tpu.memory_space<vmem>> -> memref<128xi32, #tpu.memory_space<vmem>>
          %dma_start3A_137 = arith.constant 0 : i32
          %dma_start3A_138 = arith.constant 0 : i32
          %dma_start3A_139 = tpu.memref_slice %arg10[%dma_start3A_137, %dma_start3A_138] : memref<10016x128xf32, #tpu.memory_space<vmem_shared>> -> memref<10016x128xf32, #tpu.memory_space<vmem_shared>>
          tpu.enqueue_indirect_dma source(%arg7 : memref<128x128xf32, #tpu.memory_space<vmem>>) target(%dma_start3A_139 : memref<10016x128xf32, #tpu.memory_space<vmem_shared>>) offsets(%dma_start3A_136 : memref<128xi32, #tpu.memory_space<vmem>>) semaphore(%run_scoped3A_129 : memref<!tpu.dma_semaphore, #tpu.memory_space<semaphore_mem>>) {add = true}
          %dma_wait3A_140 = arith.constant 0 : i32
          %dma_wait3A_141 = arith.constant 0 : i32
          %dma_wait3A_142 = tpu.memref_slice %arg6[%add3A_74, %dma_wait3A_140, %dma_wait3A_141] : memref<8x2x128xi32, #tpu.memory_space<vmem>> -> memref<1x2x128xi32, #tpu.memory_space<vmem>>
          %dma_wait3A_143 = tpu.memref_squeeze %dma_wait3A_142 : memref<1x2x128xi32, #tpu.memory_space<vmem>> -> memref<2x128xi32, #tpu.memory_space<vmem>>
          %dma_wait3A_144 = arith.constant 0 : i32
          %dma_wait3A_145 = tpu.memref_slice %dma_wait3A_143[%run_scoped3A_98, %dma_wait3A_144] : memref<2x128xi32, #tpu.memory_space<vmem>> -> memref<1x128xi32, #tpu.memory_space<vmem>>
          %dma_wait3A_146 = tpu.memref_squeeze %dma_wait3A_145 : memref<1x128xi32, #tpu.memory_space<vmem>> -> memref<128xi32, #tpu.memory_space<vmem>>
          %dma_wait3A_147 = arith.constant 0 : i32
          %dma_wait3A_148 = arith.constant 0 : i32
          %dma_wait3A_149 = tpu.memref_slice %arg10[%dma_wait3A_147, %dma_wait3A_148] : memref<10016x128xf32, #tpu.memory_space<vmem_shared>> -> memref<10016x128xf32, #tpu.memory_space<vmem_shared>>
          tpu.wait_indirect_dma semaphore(%run_scoped3A_129 : memref<!tpu.dma_semaphore, #tpu.memory_space<semaphore_mem>>) src(%arg7 : memref<128x128xf32, #tpu.memory_space<vmem>>) dst(%dma_wait3A_149 : memref<10016x128xf32, #tpu.memory_space<vmem_shared>>)
          tpu.yield
        }) : () -> ()
        %lt3A_99 = arith.constant 6 : i32
        %lt3A_100 = arith.cmpi slt, %add3A_74, %lt3A_99 : i32
        %convert_element_type3A_101 = arith.extui %lt3A_100 : i1 to i32
        %cond3A_102 = arith.constant 0 : i32
        %cond3A_103 = arith.cmpi ne, %convert_element_type3A_101, %cond3A_102 : i32
        scf.if %cond3A_103 {
          %add3A_129 = arith.constant 2 : i32
          %add3A_130 = arith.addi %add3A_74, %add3A_129 : i32
          %dma_start3A_131 = arith.constant 0 : i32
          %dma_start3A_132 = arith.constant 0 : i32
          %dma_start3A_133 = arith.constant 0 : i32
          %dma_start3A_134 = tpu.memref_slice %arg6[%add3A_130, %dma_start3A_132, %dma_start3A_133] : memref<8x2x128xi32, #tpu.memory_space<vmem>> -> memref<1x2x128xi32, #tpu.memory_space<vmem>>
          %dma_start3A_135 = tpu.memref_squeeze %dma_start3A_134 : memref<1x2x128xi32, #tpu.memory_space<vmem>> -> memref<2x128xi32, #tpu.memory_space<vmem>>
          %dma_start3A_136 = arith.constant 0 : i32
          %dma_start3A_137 = tpu.memref_slice %dma_start3A_135[%dma_start3A_131, %dma_start3A_136] : memref<2x128xi32, #tpu.memory_space<vmem>> -> memref<1x128xi32, #tpu.memory_space<vmem>>
          %dma_start3A_138 = tpu.memref_squeeze %dma_start3A_137 : memref<1x128xi32, #tpu.memory_space<vmem>> -> memref<128xi32, #tpu.memory_space<vmem>>
          %dma_start3A_139 = arith.constant 0 : i32
          %dma_start3A_140 = arith.constant 0 : i32
          %dma_start3A_141 = tpu.memref_slice %arg2[%dma_start3A_139, %dma_start3A_140] : memref<10000x128xf32, #tpu.memory_space<hbm>> -> memref<10000x128xf32, #tpu.memory_space<hbm>>
          tpu.enqueue_indirect_dma source(%dma_start3A_141 : memref<10000x128xf32, #tpu.memory_space<hbm>>) target(%arg7 : memref<128x128xf32, #tpu.memory_space<vmem>>) offsets(%dma_start3A_138 : memref<128xi32, #tpu.memory_space<vmem>>) semaphore(%arg11 : memref<!tpu.dma_semaphore, #tpu.memory_space<semaphore_mem>>)
        } else {
        }
        %eq3A_104 = arith.constant 6 : i32
        %eq3A_105 = arith.cmpi eq, %add3A_74, %eq3A_104 : i32
        %add3A_106 = arith.constant 1 : i32
        %add3A_107 = arith.addi %add3A_57, %add3A_106 : i32
        %lt3A_108 = arith.constant 10 : i32
        %lt3A_109 = arith.cmpi slt, %add3A_107, %lt3A_108 : i32
        %and3A = arith.andi %eq3A_105, %lt3A_109 : i1
        %convert_element_type3A_110 = arith.extui %and3A : i1 to i32
        %cond3A_111 = arith.constant 0 : i32
        %cond3A_112 = arith.cmpi ne, %convert_element_type3A_110, %cond3A_111 : i32
        scf.if %cond3A_112 {
          %add3A_129 = arith.constant 1 : i32
          %add3A_130 = arith.addi %add3A_57, %add3A_129 : i32
          %dma_wait3A_131 = arith.constant 0 : i32
          %dma_wait3A_132 = arith.constant 0 : i32
          %dma_wait3A_133 = arith.constant 0 : i32
          %dma_wait3A_134 = arith.constant 0 : i32
          %dma_wait3A_135 = arith.constant 0 : i32
          %dma_wait3A_136 = tpu.memref_slice %arg3[%arg0, %dma_wait3A_131, %dma_wait3A_132, %dma_wait3A_133, %dma_wait3A_134, %dma_wait3A_135] : memref<2x16x10x8x2x128xi32, #tpu.memory_space<hbm>> -> memref<1x16x10x8x2x128xi32, #tpu.memory_space<hbm>>
          %dma_wait3A_137 = tpu.memref_squeeze %dma_wait3A_136 : memref<1x16x10x8x2x128xi32, #tpu.memory_space<hbm>> -> memref<16x10x8x2x128xi32, #tpu.memory_space<hbm>>
          %dma_wait3A_138 = arith.constant 0 : i32
          %dma_wait3A_139 = arith.constant 0 : i32
          %dma_wait3A_140 = arith.constant 0 : i32
          %dma_wait3A_141 = arith.constant 0 : i32
          %dma_wait3A_142 = tpu.memref_slice %dma_wait3A_137[%arg1, %dma_wait3A_138, %dma_wait3A_139, %dma_wait3A_140, %dma_wait3A_141] : memref<16x10x8x2x128xi32, #tpu.memory_space<hbm>> -> memref<1x10x8x2x128xi32, #tpu.memory_space<hbm>>
          %dma_wait3A_143 = tpu.memref_squeeze %dma_wait3A_142 : memref<1x10x8x2x128xi32, #tpu.memory_space<hbm>> -> memref<10x8x2x128xi32, #tpu.memory_space<hbm>>
          %dma_wait3A_144 = arith.constant 0 : i32
          %dma_wait3A_145 = arith.constant 0 : i32
          %dma_wait3A_146 = arith.constant 0 : i32
          %dma_wait3A_147 = tpu.memref_slice %dma_wait3A_143[%add3A_130, %dma_wait3A_144, %dma_wait3A_145, %dma_wait3A_146] : memref<10x8x2x128xi32, #tpu.memory_space<hbm>> -> memref<1x8x2x128xi32, #tpu.memory_space<hbm>>
          %dma_wait3A_148 = tpu.memref_squeeze %dma_wait3A_147 : memref<1x8x2x128xi32, #tpu.memory_space<hbm>> -> memref<8x2x128xi32, #tpu.memory_space<hbm>>
          %dma_wait3A_149 = arith.constant 0 : i32
          %dma_wait3A_150 = arith.constant 0 : i32
          %dma_wait3A_151 = arith.constant 0 : i32
          %dma_wait3A_152 = arith.constant 0 : i32
          %dma_wait3A_153 = arith.constant 0 : i32
          %dma_wait3A_154 = tpu.memref_slice %arg3[%arg0, %dma_wait3A_149, %dma_wait3A_150, %dma_wait3A_151, %dma_wait3A_152, %dma_wait3A_153] : memref<2x16x10x8x2x128xi32, #tpu.memory_space<hbm>> -> memref<1x16x10x8x2x128xi32, #tpu.memory_space<hbm>>
          %dma_wait3A_155 = tpu.memref_squeeze %dma_wait3A_154 : memref<1x16x10x8x2x128xi32, #tpu.memory_space<hbm>> -> memref<16x10x8x2x128xi32, #tpu.memory_space<hbm>>
          %dma_wait3A_156 = arith.constant 0 : i32
          %dma_wait3A_157 = arith.constant 0 : i32
          %dma_wait3A_158 = arith.constant 0 : i32
          %dma_wait3A_159 = arith.constant 0 : i32
          %dma_wait3A_160 = tpu.memref_slice %dma_wait3A_155[%arg1, %dma_wait3A_156, %dma_wait3A_157, %dma_wait3A_158, %dma_wait3A_159] : memref<16x10x8x2x128xi32, #tpu.memory_space<hbm>> -> memref<1x10x8x2x128xi32, #tpu.memory_space<hbm>>
          %dma_wait3A_161 = tpu.memref_squeeze %dma_wait3A_160 : memref<1x10x8x2x128xi32, #tpu.memory_space<hbm>> -> memref<10x8x2x128xi32, #tpu.memory_space<hbm>>
          %dma_wait3A_162 = arith.constant 0 : i32
          %dma_wait3A_163 = arith.constant 0 : i32
          %dma_wait3A_164 = arith.constant 0 : i32
          %dma_wait3A_165 = tpu.memref_slice %dma_wait3A_161[%add3A_130, %dma_wait3A_162, %dma_wait3A_163, %dma_wait3A_164] : memref<10x8x2x128xi32, #tpu.memory_space<hbm>> -> memref<1x8x2x128xi32, #tpu.memory_space<hbm>>
          %dma_wait3A_166 = tpu.memref_squeeze %dma_wait3A_165 : memref<1x8x2x128xi32, #tpu.memory_space<hbm>> -> memref<8x2x128xi32, #tpu.memory_space<hbm>>
          tpu.wait_dma2 semaphore(%arg13 : memref<!tpu.dma_semaphore, #tpu.memory_space<semaphore_mem>>) src(%dma_wait3A_166 : memref<8x2x128xi32, #tpu.memory_space<hbm>>) dst(%arg5 : memref<8x2x128xi32, #tpu.memory_space<vmem>>)
          %dma_start3A_167 = arith.constant 0 : i32
          %dma_start3A_168 = arith.constant 0 : i32
          %dma_start3A_169 = arith.constant 0 : i32
          %dma_start3A_170 = arith.constant 0 : i32
          %dma_start3A_171 = tpu.memref_slice %arg5[%dma_start3A_167, %dma_start3A_169, %dma_start3A_170] : memref<8x2x128xi32, #tpu.memory_space<vmem>> -> memref<1x2x128xi32, #tpu.memory_space<vmem>>
          %dma_start3A_172 = tpu.memref_squeeze %dma_start3A_171 : memref<1x2x128xi32, #tpu.memory_space<vmem>> -> memref<2x128xi32, #tpu.memory_space<vmem>>
          %dma_start3A_173 = arith.constant 0 : i32
          %dma_start3A_174 = tpu.memref_slice %dma_start3A_172[%dma_start3A_168, %dma_start3A_173] : memref<2x128xi32, #tpu.memory_space<vmem>> -> memref<1x128xi32, #tpu.memory_space<vmem>>
          %dma_start3A_175 = tpu.memref_squeeze %dma_start3A_174 : memref<1x128xi32, #tpu.memory_space<vmem>> -> memref<128xi32, #tpu.memory_space<vmem>>
          %dma_start3A_176 = arith.constant 0 : i32
          %dma_start3A_177 = arith.constant 0 : i32
          %dma_start3A_178 = tpu.memref_slice %arg2[%dma_start3A_176, %dma_start3A_177] : memref<10000x128xf32, #tpu.memory_space<hbm>> -> memref<10000x128xf32, #tpu.memory_space<hbm>>
          tpu.enqueue_indirect_dma source(%dma_start3A_178 : memref<10000x128xf32, #tpu.memory_space<hbm>>) target(%arg7 : memref<128x128xf32, #tpu.memory_space<vmem>>) offsets(%dma_start3A_175 : memref<128xi32, #tpu.memory_space<vmem>>) semaphore(%arg11 : memref<!tpu.dma_semaphore, #tpu.memory_space<semaphore_mem>>)
        } else {
        }
        %add3A_113 = arith.constant 1 : i32
        %add3A_114 = arith.addi %add3A_74, %add3A_113 : i32
        %dma_wait3A_115 = arith.constant 0 : i32
        %dma_wait3A_116 = arith.constant 0 : i32
        %dma_wait3A_117 = arith.constant 0 : i32
        %dma_wait3A_118 = tpu.memref_slice %arg6[%add3A_114, %dma_wait3A_116, %dma_wait3A_117] : memref<8x2x128xi32, #tpu.memory_space<vmem>> -> memref<1x2x128xi32, #tpu.memory_space<vmem>>
        %dma_wait3A_119 = tpu.memref_squeeze %dma_wait3A_118 : memref<1x2x128xi32, #tpu.memory_space<vmem>> -> memref<2x128xi32, #tpu.memory_space<vmem>>
        %dma_wait3A_120 = arith.constant 0 : i32
        %dma_wait3A_121 = tpu.memref_slice %dma_wait3A_119[%dma_wait3A_115, %dma_wait3A_120] : memref<2x128xi32, #tpu.memory_space<vmem>> -> memref<1x128xi32, #tpu.memory_space<vmem>>
        %dma_wait3A_122 = tpu.memref_squeeze %dma_wait3A_121 : memref<1x128xi32, #tpu.memory_space<vmem>> -> memref<128xi32, #tpu.memory_space<vmem>>
        %dma_wait3A_123 = arith.constant 0 : i32
        %dma_wait3A_124 = arith.constant 0 : i32
        %dma_wait3A_125 = tpu.memref_slice %arg2[%dma_wait3A_123, %dma_wait3A_124] : memref<10000x128xf32, #tpu.memory_space<hbm>> -> memref<10000x128xf32, #tpu.memory_space<hbm>>
        tpu.wait_indirect_dma semaphore(%arg12 : memref<!tpu.dma_semaphore, #tpu.memory_space<semaphore_mem>>) src(%dma_wait3A_125 : memref<10000x128xf32, #tpu.memory_space<hbm>>) dst(%arg8 : memref<128x128xf32, #tpu.memory_space<vmem>>)
        %add3A_126 = arith.constant 1 : i32
        %add3A_127 = arith.addi %add3A_74, %add3A_126 : i32
        %run_scoped3A_128 = arith.constant 1 : i32
        "tpu.region"() ({
          %run_scoped3A_129 = tpu.sem_alloc : memref<!tpu.dma_semaphore, #tpu.memory_space<semaphore_mem>>
          %dma_start3A_130 = arith.constant 0 : i32
          %dma_start3A_131 = arith.constant 0 : i32
          %dma_start3A_132 = tpu.memref_slice %arg6[%add3A_127, %dma_start3A_130, %dma_start3A_131] : memref<8x2x128xi32, #tpu.memory_space<vmem>> -> memref<1x2x128xi32, #tpu.memory_space<vmem>>
          %dma_start3A_133 = tpu.memref_squeeze %dma_start3A_132 : memref<1x2x128xi32, #tpu.memory_space<vmem>> -> memref<2x128xi32, #tpu.memory_space<vmem>>
          %dma_start3A_134 = arith.constant 0 : i32
          %dma_start3A_135 = tpu.memref_slice %dma_start3A_133[%run_scoped3A_128, %dma_start3A_134] : memref<2x128xi32, #tpu.memory_space<vmem>> -> memref<1x128xi32, #tpu.memory_space<vmem>>
          %dma_start3A_136 = tpu.memref_squeeze %dma_start3A_135 : memref<1x128xi32, #tpu.memory_space<vmem>> -> memref<128xi32, #tpu.memory_space<vmem>>
          %dma_start3A_137 = arith.constant 0 : i32
          %dma_start3A_138 = arith.constant 0 : i32
          %dma_start3A_139 = tpu.memref_slice %arg10[%dma_start3A_137, %dma_start3A_138] : memref<10016x128xf32, #tpu.memory_space<vmem_shared>> -> memref<10016x128xf32, #tpu.memory_space<vmem_shared>>
          tpu.enqueue_indirect_dma source(%arg8 : memref<128x128xf32, #tpu.memory_space<vmem>>) target(%dma_start3A_139 : memref<10016x128xf32, #tpu.memory_space<vmem_shared>>) offsets(%dma_start3A_136 : memref<128xi32, #tpu.memory_space<vmem>>) semaphore(%run_scoped3A_129 : memref<!tpu.dma_semaphore, #tpu.memory_space<semaphore_mem>>) {add = true}
          %dma_wait3A_140 = arith.constant 0 : i32
          %dma_wait3A_141 = arith.constant 0 : i32
          %dma_wait3A_142 = tpu.memref_slice %arg6[%add3A_127, %dma_wait3A_140, %dma_wait3A_141] : memref<8x2x128xi32, #tpu.memory_space<vmem>> -> memref<1x2x128xi32, #tpu.memory_space<vmem>>
          %dma_wait3A_143 = tpu.memref_squeeze %dma_wait3A_142 : memref<1x2x128xi32, #tpu.memory_space<vmem>> -> memref<2x128xi32, #tpu.memory_space<vmem>>
          %dma_wait3A_144 = arith.constant 0 : i32
          %dma_wait3A_145 = tpu.memref_slice %dma_wait3A_143[%run_scoped3A_128, %dma_wait3A_144] : memref<2x128xi32, #tpu.memory_space<vmem>> -> memref<1x128xi32, #tpu.memory_space<vmem>>
          %dma_wait3A_146 = tpu.memref_squeeze %dma_wait3A_145 : memref<1x128xi32, #tpu.memory_space<vmem>> -> memref<128xi32, #tpu.memory_space<vmem>>
          %dma_wait3A_147 = arith.constant 0 : i32
          %dma_wait3A_148 = arith.constant 0 : i32
          %dma_wait3A_149 = tpu.memref_slice %arg10[%dma_wait3A_147, %dma_wait3A_148] : memref<10016x128xf32, #tpu.memory_space<vmem_shared>> -> memref<10016x128xf32, #tpu.memory_space<vmem_shared>>
          tpu.wait_indirect_dma semaphore(%run_scoped3A_129 : memref<!tpu.dma_semaphore, #tpu.memory_space<semaphore_mem>>) src(%arg8 : memref<128x128xf32, #tpu.memory_space<vmem>>) dst(%dma_wait3A_149 : memref<10016x128xf32, #tpu.memory_space<vmem_shared>>)
          tpu.yield
        }) : () -> ()
      }
      %scan3A_69 = arith.constant 4 : i32
    }
    %scan3A_27 = arith.constant 5 : i32
    %barrier3A_28 = arith.constant 0 : index
    tpu.barrier barrier_id(%barrier3A_28)
    %lt3A = arith.constant 15 : i32
    %lt3A_29 = arith.cmpi slt, %arg1, %lt3A : i32
    %convert_element_type3A_30 = arith.extui %lt3A_29 : i1 to i32
    %cond3A_31 = arith.constant 0 : i32
    %cond3A_32 = arith.cmpi ne, %convert_element_type3A_30, %cond3A_31 : i32
    scf.if %cond3A_32 {
      "tpu.region"() ({
        %run_scoped3A_38 = tpu.sem_alloc : memref<!tpu.dma_semaphore, #tpu.memory_space<semaphore_mem>>
        %dma_start3A_39 = arith.constant 0 : i32
        %dma_start3A_40 = arith.constant 0 : i32
        %dma_start3A_41 = tpu.memref_slice %arg4[%arg0, %dma_start3A_39, %dma_start3A_40] : memref<2x10000x128xf32, #tpu.memory_space<hbm>> -> memref<1x10000x128xf32, #tpu.memory_space<hbm>>
        %dma_start3A_42 = tpu.memref_squeeze %dma_start3A_41 : memref<1x10000x128xf32, #tpu.memory_space<hbm>> -> memref<10000x128xf32, #tpu.memory_space<hbm>>
        %dma_start3A_43 = arith.constant 0 : i32
        %dma_start3A_44 = tpu.memref_slice %dma_start3A_42[%mul3A_4, %dma_start3A_43] : memref<10000x128xf32, #tpu.memory_space<hbm>> -> memref<624x128xf32, #tpu.memory_space<hbm>>
        %dma_start3A_45 = arith.constant 0 : i32
        %dma_start3A_46 = tpu.memref_slice %arg10[%mul3A_4, %dma_start3A_45] : memref<10016x128xf32, #tpu.memory_space<vmem_shared>> -> memref<624x128xf32, #tpu.memory_space<vmem_shared>>
        tpu.enqueue_dma source(%dma_start3A_46 : memref<624x128xf32, #tpu.memory_space<vmem_shared>>) target(%dma_start3A_44 : memref<624x128xf32, #tpu.memory_space<hbm>>) target_semaphore(%run_scoped3A_38 : memref<!tpu.dma_semaphore, #tpu.memory_space<semaphore_mem>>)
        %dma_wait3A = arith.constant 0 : i32
        %dma_wait3A_47 = arith.constant 0 : i32
        %dma_wait3A_48 = tpu.memref_slice %arg4[%arg0, %dma_wait3A, %dma_wait3A_47] : memref<2x10000x128xf32, #tpu.memory_space<hbm>> -> memref<1x10000x128xf32, #tpu.memory_space<hbm>>
        %dma_wait3A_49 = tpu.memref_squeeze %dma_wait3A_48 : memref<1x10000x128xf32, #tpu.memory_space<hbm>> -> memref<10000x128xf32, #tpu.memory_space<hbm>>
        %dma_wait3A_50 = arith.constant 0 : i32
        %dma_wait3A_51 = tpu.memref_slice %dma_wait3A_49[%mul3A_4, %dma_wait3A_50] : memref<10000x128xf32, #tpu.memory_space<hbm>> -> memref<624x128xf32, #tpu.memory_space<hbm>>
        %dma_wait3A_52 = arith.constant 0 : i32
        %dma_wait3A_53 = tpu.memref_slice %arg10[%mul3A_4, %dma_wait3A_52] : memref<10016x128xf32, #tpu.memory_space<vmem_shared>> -> memref<624x128xf32, #tpu.memory_space<vmem_shared>>
        tpu.wait_dma2 semaphore(%run_scoped3A_38 : memref<!tpu.dma_semaphore, #tpu.memory_space<semaphore_mem>>) src(%dma_wait3A_53 : memref<624x128xf32, #tpu.memory_space<vmem_shared>>) dst(%dma_wait3A_51 : memref<624x128xf32, #tpu.memory_space<hbm>>)
        tpu.yield
      }) : () -> ()
    } else {
    }
    %eq3A_33 = arith.constant 15 : i32
    %eq3A_34 = arith.cmpi eq, %arg1, %eq3A_33 : i32
    %convert_element_type3A_35 = arith.extui %eq3A_34 : i1 to i32
    %cond3A_36 = arith.constant 0 : i32
    %cond3A_37 = arith.cmpi ne, %convert_element_type3A_35, %cond3A_36 : i32
    scf.if %cond3A_37 {
      "tpu.region"() ({
        %run_scoped3A_38 = tpu.sem_alloc : memref<!tpu.dma_semaphore, #tpu.memory_space<semaphore_mem>>
        %dma_start3A_39 = arith.constant 0 : i32
        %dma_start3A_40 = arith.constant 0 : i32
        %dma_start3A_41 = tpu.memref_slice %arg4[%arg0, %dma_start3A_39, %dma_start3A_40] : memref<2x10000x128xf32, #tpu.memory_space<hbm>> -> memref<1x10000x128xf32, #tpu.memory_space<hbm>>
        %dma_start3A_42 = tpu.memref_squeeze %dma_start3A_41 : memref<1x10000x128xf32, #tpu.memory_space<hbm>> -> memref<10000x128xf32, #tpu.memory_space<hbm>>
        %dma_start3A_43 = arith.constant 0 : i32
        %dma_start3A_44 = tpu.memref_slice %dma_start3A_42[%mul3A_4, %dma_start3A_43] : memref<10000x128xf32, #tpu.memory_space<hbm>> -> memref<640x128xf32, #tpu.memory_space<hbm>>
        %dma_start3A_45 = arith.constant 0 : i32
        %dma_start3A_46 = tpu.memref_slice %arg10[%mul3A_4, %dma_start3A_45] : memref<10016x128xf32, #tpu.memory_space<vmem_shared>> -> memref<640x128xf32, #tpu.memory_space<vmem_shared>>
        tpu.enqueue_dma source(%dma_start3A_46 : memref<640x128xf32, #tpu.memory_space<vmem_shared>>) target(%dma_start3A_44 : memref<640x128xf32, #tpu.memory_space<hbm>>) target_semaphore(%run_scoped3A_38 : memref<!tpu.dma_semaphore, #tpu.memory_space<semaphore_mem>>)
        %dma_wait3A = arith.constant 0 : i32
        %dma_wait3A_47 = arith.constant 0 : i32
        %dma_wait3A_48 = tpu.memref_slice %arg4[%arg0, %dma_wait3A, %dma_wait3A_47] : memref<2x10000x128xf32, #tpu.memory_space<hbm>> -> memref<1x10000x128xf32, #tpu.memory_space<hbm>>
        %dma_wait3A_49 = tpu.memref_squeeze %dma_wait3A_48 : memref<1x10000x128xf32, #tpu.memory_space<hbm>> -> memref<10000x128xf32, #tpu.memory_space<hbm>>
        %dma_wait3A_50 = arith.constant 0 : i32
        %dma_wait3A_51 = tpu.memref_slice %dma_wait3A_49[%mul3A_4, %dma_wait3A_50] : memref<10000x128xf32, #tpu.memory_space<hbm>> -> memref<640x128xf32, #tpu.memory_space<hbm>>
        %dma_wait3A_52 = arith.constant 0 : i32
        %dma_wait3A_53 = tpu.memref_slice %arg10[%mul3A_4, %dma_wait3A_52] : memref<10016x128xf32, #tpu.memory_space<vmem_shared>> -> memref<640x128xf32, #tpu.memory_space<vmem_shared>>
        tpu.wait_dma2 semaphore(%run_scoped3A_38 : memref<!tpu.dma_semaphore, #tpu.memory_space<semaphore_mem>>) src(%dma_wait3A_53 : memref<640x128xf32, #tpu.memory_space<vmem_shared>>) dst(%dma_wait3A_51 : memref<640x128xf32, #tpu.memory_space<hbm>>)
        tpu.yield
      }) : () -> ()
    } else {
    }
    return
  }
}

#map = affine_map<(d0, d1) -> (0, 0)>
#map1 = affine_map<(d0, d1) -> (0, 0, 0, 0, 0, 0)>
#map2 = affine_map<(d0, d1) -> (0, 0, 0)>
module attributes {stable_mosaic.version = 14 : i64} {
  func.func @k(%arg0: i32, %arg1: i32, %arg2: memref<10000x128xf32, #tpu.memory_space<hbm>>, %arg3: memref<2x16x10x8x2x128xi32, #tpu.memory_space<hbm>>, %arg4: memref<2x10000x128xf32, #tpu.memory_space<hbm>>, %arg5: memref<8x2x128xi32, #tpu.memory_space<vmem>>, %arg6: memref<8x2x128xi32, #tpu.memory_space<vmem>>, %arg7: memref<128x128xf32, #tpu.memory_space<vmem>>, %arg8: memref<128x128xf32, #tpu.memory_space<vmem>>, %arg9: memref<16x128xf32, #tpu.memory_space<vmem>>, %arg10: memref<10016x128xf32, #tpu.memory_space<vmem_shared>>, %arg11: memref<!tpu.dma_semaphore, #tpu.memory_space<semaphore_mem>>, %arg12: memref<!tpu.dma_semaphore, #tpu.memory_space<semaphore_mem>>, %arg13: memref<!tpu.dma_semaphore, #tpu.memory_space<semaphore_mem>>) attributes {dimension_semantics = [#tpu.dimension_semantics<core_parallel>, #tpu.dimension_semantics<subcore_parallel>], iteration_bounds = array<i64: 2, 16>, scalar_prefetch = 0 : i64, scratch_operands = 9 : i64, tpu.core_type = #tpu.core_type<sc_vector_subcore>, window_params = [{transform_indices = #map}, {transform_indices = #map1}, {transform_indices = #map2}]} {
    %scan3A = arith.constant 0 : i32
    %scan3A_0 = arith.constant 16 : i32
    %scan3A_1 = arith.addi %scan3A, %scan3A_0 : i32
    %scan3A_2 = arith.constant 1 : i32
    scf.for %scan3A_38 = %scan3A to %scan3A_1 step %scan3A_2  : i32 {
      %mul3A_39 = arith.constant 1 : i32
      %mul3A_40 = arith.muli %scan3A_38, %mul3A_39 : i32
      %add3A = arith.constant 0 : i32
      %add3A_41 = arith.addi %add3A, %mul3A_40 : i32
      %scan3A_42 = arith.constant 0 : i32
      %scan3A_43 = arith.constant 8 : i32
      %scan3A_44 = arith.addi %scan3A_42, %scan3A_43 : i32
      %scan3A_45 = arith.constant 1 : i32
      scf.for %scan3A_47 = %scan3A_42 to %scan3A_44 step %scan3A_45  : i32 {
        %mul3A_48 = arith.constant 16 : i32
        %mul3A_49 = arith.muli %scan3A_47, %mul3A_48 : i32
        %add3A_50 = arith.constant 0 : i32
        %add3A_51 = arith.addi %add3A_50, %mul3A_49 : i32
        %broadcast_in_dim3A = arith.constant 0.000000e+00 : f32
        %broadcast_in_dim3A_52 = vector.broadcast %broadcast_in_dim3A : f32 to vector<16xf32>
        %swap3A = arith.index_cast %add3A_41 : i32 to index
        %swap3A_53 = arith.index_cast %add3A_51 : i32 to index
        %swap3A_54 = tpu.vector_load %arg9[%swap3A, %swap3A_53] {strides = array<i32>} : memref<16x128xf32, #tpu.memory_space<vmem>>, vector<1x16xf32>,
        %swap3A_55 = vector.shape_cast %swap3A_54 : vector<1x16xf32> to vector<16xf32>
        %swap3A_56 = vector.shape_cast %broadcast_in_dim3A_52 : vector<16xf32> to vector<1x16xf32>
        tpu.vector_store %arg9[%swap3A, %swap3A_53], %swap3A_56 {strides = array<i32>} : memref<16x128xf32, #tpu.memory_space<vmem>>, vector<1x16xf32>,
      }
      %scan3A_46 = arith.constant 8 : i32
    }
    %scan3A_3 = arith.constant 16 : i32
    %mul3A = arith.constant 624 : i32
    %mul3A_4 = arith.muli %arg1, %mul3A : i32
    %scan3A_5 = arith.constant 0 : i32
    %scan3A_6 = arith.constant 39 : i32
    %scan3A_7 = arith.addi %scan3A_5, %scan3A_6 : i32
    %scan3A_8 = arith.constant 1 : i32
    scf.for %scan3A_38 = %scan3A_5 to %scan3A_7 step %scan3A_8  : i32 {
      %mul3A_39 = arith.constant 1 : i32
      %mul3A_40 = arith.muli %scan3A_38, %mul3A_39 : i32
      %add3A = arith.constant 0 : i32
      %add3A_41 = arith.addi %add3A, %mul3A_40 : i32
      %mul3A_42 = arith.constant 16 : i32
      %mul3A_43 = arith.muli %add3A_41, %mul3A_42 : i32
      %add3A_44 = arith.addi %mul3A_4, %mul3A_43 : i32
      "tpu.region"() ({
        %run_scoped3A_45 = tpu.sem_alloc : memref<!tpu.dma_semaphore, #tpu.memory_space<semaphore_mem>>
        %dma_start3A_46 = arith.constant 0 : i32
        %dma_start3A_47 = tpu.memref_slice %arg10[%add3A_44, %dma_start3A_46] : memref<10016x128xf32, #tpu.memory_space<vmem_shared>> -> memref<16x128xf32, #tpu.memory_space<vmem_shared>>
        %dma_start3A_48 = arith.constant 0 : i32
        %dma_start3A_49 = tpu.memref_slice %arg10[%add3A_44, %dma_start3A_48] : memref<10016x128xf32, #tpu.memory_space<vmem_shared>> -> memref<16x128xf32, #tpu.memory_space<vmem_shared>>
        tpu.enqueue_dma source(%arg9 : memref<16x128xf32, #tpu.memory_space<vmem>>) target(%dma_start3A_49 : memref<16x128xf32, #tpu.memory_space<vmem_shared>>) target_semaphore(%run_scoped3A_45 : memref<!tpu.dma_semaphore, #tpu.memory_space<semaphore_mem>>)
        %dma_wait3A = arith.constant 0 : i32
        %dma_wait3A_50 = tpu.memref_slice %arg10[%add3A_44, %dma_wait3A] : memref<10016x128xf32, #tpu.memory_space<vmem_shared>> -> memref<16x128xf32, #tpu.memory_space<vmem_shared>>
        %dma_wait3A_51 = arith.constant 0 : i32
        %dma_wait3A_52 = tpu.memref_slice %arg10[%add3A_44, %dma_wait3A_51] : memref<10016x128xf32, #tpu.memory_space<vmem_shared>> -> memref<16x128xf32, #tpu.memory_space<vmem_shared>>
        tpu.wait_dma2 semaphore(%run_scoped3A_45 : memref<!tpu.dma_semaphore, #tpu.memory_space<semaphore_mem>>) src(%arg9 : memref<16x128xf32, #tpu.memory_space<vmem>>) dst(%dma_wait3A_52 : memref<16x128xf32, #tpu.memory_space<vmem_shared>>)
        tpu.yield
      }) : () -> ()
    }
    %scan3A_9 = arith.constant 39 : i32
    %eq3A = arith.constant 15 : i32
    %eq3A_10 = arith.cmpi eq, %arg1, %eq3A : i32
    %convert_element_type3A = arith.extui %eq3A_10 : i1 to i32
    %cond3A = arith.constant 0 : i32
    %cond3A_11 = arith.cmpi ne, %convert_element_type3A, %cond3A : i32
    scf.if %cond3A_11 {
      %add3A = arith.constant 624 : i32
      %add3A_38 = arith.addi %mul3A_4, %add3A : i32
      "tpu.region"() ({
        %run_scoped3A_39 = tpu.sem_alloc : memref<!tpu.dma_semaphore, #tpu.memory_space<semaphore_mem>>
        %dma_start3A_40 = arith.constant 0 : i32
        %dma_start3A_41 = tpu.memref_slice %arg10[%add3A_38, %dma_start3A_40] : memref<10016x128xf32, #tpu.memory_space<vmem_shared>> -> memref<16x128xf32, #tpu.memory_space<vmem_shared>>
        %dma_start3A_42 = arith.constant 0 : i32
        %dma_start3A_43 = tpu.memref_slice %arg10[%add3A_38, %dma_start3A_42] : memref<10016x128xf32, #tpu.memory_space<vmem_shared>> -> memref<16x128xf32, #tpu.memory_space<vmem_shared>>
        tpu.enqueue_dma source(%arg9 : memref<16x128xf32, #tpu.memory_space<vmem>>) target(%dma_start3A_43 : memref<16x128xf32, #tpu.memory_space<vmem_shared>>) target_semaphore(%run_scoped3A_39 : memref<!tpu.dma_semaphore, #tpu.memory_space<semaphore_mem>>)
        %dma_wait3A = arith.constant 0 : i32
        %dma_wait3A_44 = tpu.memref_slice %arg10[%add3A_38, %dma_wait3A] : memref<10016x128xf32, #tpu.memory_space<vmem_shared>> -> memref<16x128xf32, #tpu.memory_space<vmem_shared>>
        %dma_wait3A_45 = arith.constant 0 : i32
        %dma_wait3A_46 = tpu.memref_slice %arg10[%add3A_38, %dma_wait3A_45] : memref<10016x128xf32, #tpu.memory_space<vmem_shared>> -> memref<16x128xf32, #tpu.memory_space<vmem_shared>>
        tpu.wait_dma2 semaphore(%run_scoped3A_39 : memref<!tpu.dma_semaphore, #tpu.memory_space<semaphore_mem>>) src(%arg9 : memref<16x128xf32, #tpu.memory_space<vmem>>) dst(%dma_wait3A_46 : memref<16x128xf32, #tpu.memory_space<vmem_shared>>)
        tpu.yield
      }) : () -> ()
    } else {
    }
    %barrier3A = arith.constant 0 : index
    tpu.barrier barrier_id(%barrier3A)
    %run_scoped3A = arith.constant 0 : i32
    "tpu.region"() ({
      %run_scoped3A_38 = tpu.sem_alloc : memref<!tpu.dma_semaphore, #tpu.memory_space<semaphore_mem>>
      %dma_start3A_39 = arith.constant 0 : i32
      %dma_start3A_40 = arith.constant 0 : i32
      %dma_start3A_41 = arith.constant 0 : i32
      %dma_start3A_42 = arith.constant 0 : i32
      %dma_start3A_43 = arith.constant 0 : i32
      %dma_start3A_44 = tpu.memref_slice %arg3[%arg0, %dma_start3A_39, %dma_start3A_40, %dma_start3A_41, %dma_start3A_42, %dma_start3A_43] : memref<2x16x10x8x2x128xi32, #tpu.memory_space<hbm>> -> memref<1x16x10x8x2x128xi32, #tpu.memory_space<hbm>>
      %dma_start3A_45 = tpu.memref_squeeze %dma_start3A_44 : memref<1x16x10x8x2x128xi32, #tpu.memory_space<hbm>> -> memref<16x10x8x2x128xi32, #tpu.memory_space<hbm>>
      %dma_start3A_46 = arith.constant 0 : i32
      %dma_start3A_47 = arith.constant 0 : i32
      %dma_start3A_48 = arith.constant 0 : i32
      %dma_start3A_49 = arith.constant 0 : i32
      %dma_start3A_50 = tpu.memref_slice %dma_start3A_45[%arg1, %dma_start3A_46, %dma_start3A_47, %dma_start3A_48, %dma_start3A_49] : memref<16x10x8x2x128xi32, #tpu.memory_space<hbm>> -> memref<1x10x8x2x128xi32, #tpu.memory_space<hbm>>
      %dma_start3A_51 = tpu.memref_squeeze %dma_start3A_50 : memref<1x10x8x2x128xi32, #tpu.memory_space<hbm>> -> memref<10x8x2x128xi32, #tpu.memory_space<hbm>>
      %dma_start3A_52 = arith.constant 0 : i32
      %dma_start3A_53 = arith.constant 0 : i32
      %dma_start3A_54 = arith.constant 0 : i32
      %dma_start3A_55 = tpu.memref_slice %dma_start3A_51[%run_scoped3A, %dma_start3A_52, %dma_start3A_53, %dma_start3A_54] : memref<10x8x2x128xi32, #tpu.memory_space<hbm>> -> memref<1x8x2x128xi32, #tpu.memory_space<hbm>>
      %dma_start3A_56 = tpu.memref_squeeze %dma_start3A_55 : memref<1x8x2x128xi32, #tpu.memory_space<hbm>> -> memref<8x2x128xi32, #tpu.memory_space<hbm>>
      %dma_start3A_57 = arith.constant 0 : i32
      %dma_start3A_58 = arith.constant 0 : i32
      %dma_start3A_59 = arith.constant 0 : i32
      %dma_start3A_60 = arith.constant 0 : i32
      %dma_start3A_61 = arith.constant 0 : i32
      %dma_start3A_62 = tpu.memref_slice %arg3[%arg0, %dma_start3A_57, %dma_start3A_58, %dma_start3A_59, %dma_start3A_60, %dma_start3A_61] : memref<2x16x10x8x2x128xi32, #tpu.memory_space<hbm>> -> memref<1x16x10x8x2x128xi32, #tpu.memory_space<hbm>>
      %dma_start3A_63 = tpu.memref_squeeze %dma_start3A_62 : memref<1x16x10x8x2x128xi32, #tpu.memory_space<hbm>> -> memref<16x10x8x2x128xi32, #tpu.memory_space<hbm>>
      %dma_start3A_64 = arith.constant 0 : i32
      %dma_start3A_65 = arith.constant 0 : i32
      %dma_start3A_66 = arith.constant 0 : i32
      %dma_start3A_67 = arith.constant 0 : i32
      %dma_start3A_68 = tpu.memref_slice %dma_start3A_63[%arg1, %dma_start3A_64, %dma_start3A_65, %dma_start3A_66, %dma_start3A_67] : memref<16x10x8x2x128xi32, #tpu.memory_space<hbm>> -> memref<1x10x8x2x128xi32, #tpu.memory_space<hbm>>
      %dma_start3A_69 = tpu.memref_squeeze %dma_start3A_68 : memref<1x10x8x2x128xi32, #tpu.memory_space<hbm>> -> memref<10x8x2x128xi32, #tpu.memory_space<hbm>>
      %dma_start3A_70 = arith.constant 0 : i32
      %dma_start3A_71 = arith.constant 0 : i32
      %dma_start3A_72 = arith.constant 0 : i32
      %dma_start3A_73 = tpu.memref_slice %dma_start3A_69[%run_scoped3A, %dma_start3A_70, %dma_start3A_71, %dma_start3A_72] : memref<10x8x2x128xi32, #tpu.memory_space<hbm>> -> memref<1x8x2x128xi32, #tpu.memory_space<hbm>>
      %dma_start3A_74 = tpu.memref_squeeze %dma_start3A_73 : memref<1x8x2x128xi32, #tpu.memory_space<hbm>> -> memref<8x2x128xi32, #tpu.memory_space<hbm>>
      tpu.enqueue_dma source(%dma_start3A_74 : memref<8x2x128xi32, #tpu.memory_space<hbm>>) target(%arg5 : memref<8x2x128xi32, #tpu.memory_space<vmem>>) target_semaphore(%run_scoped3A_38 : memref<!tpu.dma_semaphore, #tpu.memory_space<semaphore_mem>>)
      %dma_wait3A = arith.constant 0 : i32
      %dma_wait3A_75 = arith.constant 0 : i32
      %dma_wait3A_76 = arith.constant 0 : i32
      %dma_wait3A_77 = arith.constant 0 : i32
      %dma_wait3A_78 = arith.constant 0 : i32
      %dma_wait3A_79 = tpu.memref_slice %arg3[%arg0, %dma_wait3A, %dma_wait3A_75, %dma_wait3A_76, %dma_wait3A_77, %dma_wait3A_78] : memref<2x16x10x8x2x128xi32, #tpu.memory_space<hbm>> -> memref<1x16x10x8x2x128xi32, #tpu.memory_space<hbm>>
      %dma_wait3A_80 = tpu.memref_squeeze %dma_wait3A_79 : memref<1x16x10x8x2x128xi32, #tpu.memory_space<hbm>> -> memref<16x10x8x2x128xi32, #tpu.memory_space<hbm>>
      %dma_wait3A_81 = arith.constant 0 : i32
      %dma_wait3A_82 = arith.constant 0 : i32
      %dma_wait3A_83 = arith.constant 0 : i32
      %dma_wait3A_84 = arith.constant 0 : i32
      %dma_wait3A_85 = tpu.memref_slice %dma_wait3A_80[%arg1, %dma_wait3A_81, %dma_wait3A_82, %dma_wait3A_83, %dma_wait3A_84] : memref<16x10x8x2x128xi32, #tpu.memory_space<hbm>> -> memref<1x10x8x2x128xi32, #tpu.memory_space<hbm>>
      %dma_wait3A_86 = tpu.memref_squeeze %dma_wait3A_85 : memref<1x10x8x2x128xi32, #tpu.memory_space<hbm>> -> memref<10x8x2x128xi32, #tpu.memory_space<hbm>>
      %dma_wait3A_87 = arith.constant 0 : i32
      %dma_wait3A_88 = arith.constant 0 : i32
      %dma_wait3A_89 = arith.constant 0 : i32
      %dma_wait3A_90 = tpu.memref_slice %dma_wait3A_86[%run_scoped3A, %dma_wait3A_87, %dma_wait3A_88, %dma_wait3A_89] : memref<10x8x2x128xi32, #tpu.memory_space<hbm>> -> memref<1x8x2x128xi32, #tpu.memory_space<hbm>>
      %dma_wait3A_91 = tpu.memref_squeeze %dma_wait3A_90 : memref<1x8x2x128xi32, #tpu.memory_space<hbm>> -> memref<8x2x128xi32, #tpu.memory_space<hbm>>
      %dma_wait3A_92 = arith.constant 0 : i32
      %dma_wait3A_93 = arith.constant 0 : i32
      %dma_wait3A_94 = arith.constant 0 : i32
      %dma_wait3A_95 = arith.constant 0 : i32
      %dma_wait3A_96 = arith.constant 0 : i32
      %dma_wait3A_97 = tpu.memref_slice %arg3[%arg0, %dma_wait3A_92, %dma_wait3A_93, %dma_wait3A_94, %dma_wait3A_95, %dma_wait3A_96] : memref<2x16x10x8x2x128xi32, #tpu.memory_space<hbm>> -> memref<1x16x10x8x2x128xi32, #tpu.memory_space<hbm>>
      %dma_wait3A_98 = tpu.memref_squeeze %dma_wait3A_97 : memref<1x16x10x8x2x128xi32, #tpu.memory_space<hbm>> -> memref<16x10x8x2x128xi32, #tpu.memory_space<hbm>>
      %dma_wait3A_99 = arith.constant 0 : i32
      %dma_wait3A_100 = arith.constant 0 : i32
      %dma_wait3A_101 = arith.constant 0 : i32
      %dma_wait3A_102 = arith.constant 0 : i32
      %dma_wait3A_103 = tpu.memref_slice %dma_wait3A_98[%arg1, %dma_wait3A_99, %dma_wait3A_100, %dma_wait3A_101, %dma_wait3A_102] : memref<16x10x8x2x128xi32, #tpu.memory_space<hbm>> -> memref<1x10x8x2x128xi32, #tpu.memory_space<hbm>>
      %dma_wait3A_104 = tpu.memref_squeeze %dma_wait3A_103 : memref<1x10x8x2x128xi32, #tpu.memory_space<hbm>> -> memref<10x8x2x128xi32, #tpu.memory_space<hbm>>
      %dma_wait3A_105 = arith.constant 0 : i32
      %dma_wait3A_106 = arith.constant 0 : i32
      %dma_wait3A_107 = arith.constant 0 : i32
      %dma_wait3A_108 = tpu.memref_slice %dma_wait3A_104[%run_scoped3A, %dma_wait3A_105, %dma_wait3A_106, %dma_wait3A_107] : memref<10x8x2x128xi32, #tpu.memory_space<hbm>> -> memref<1x8x2x128xi32, #tpu.memory_space<hbm>>
      %dma_wait3A_109 = tpu.memref_squeeze %dma_wait3A_108 : memref<1x8x2x128xi32, #tpu.memory_space<hbm>> -> memref<8x2x128xi32, #tpu.memory_space<hbm>>
      tpu.wait_dma2 semaphore(%run_scoped3A_38 : memref<!tpu.dma_semaphore, #tpu.memory_space<semaphore_mem>>) src(%dma_wait3A_109 : memref<8x2x128xi32, #tpu.memory_space<hbm>>) dst(%arg5 : memref<8x2x128xi32, #tpu.memory_space<vmem>>)
      tpu.yield
    }) : () -> ()
    %dma_start3A = arith.constant 0 : i32
    %dma_start3A_12 = arith.constant 0 : i32
    %dma_start3A_13 = arith.constant 0 : i32
    %dma_start3A_14 = arith.constant 0 : i32
    %dma_start3A_15 = tpu.memref_slice %arg5[%dma_start3A, %dma_start3A_13, %dma_start3A_14] : memref<8x2x128xi32, #tpu.memory_space<vmem>> -> memref<1x2x128xi32, #tpu.memory_space<vmem>>
    %dma_start3A_16 = tpu.memref_squeeze %dma_start3A_15 : memref<1x2x128xi32, #tpu.memory_space<vmem>> -> memref<2x128xi32, #tpu.memory_space<vmem>>
    %dma_start3A_17 = arith.constant 0 : i32
    %dma_start3A_18 = tpu.memref_slice %dma_start3A_16[%dma_start3A_12, %dma_start3A_17] : memref<2x128xi32, #tpu.memory_space<vmem>> -> memref<1x128xi32, #tpu.memory_space<vmem>>
    %dma_start3A_19 = tpu.memref_squeeze %dma_start3A_18 : memref<1x128xi32, #tpu.memory_space<vmem>> -> memref<128xi32, #tpu.memory_space<vmem>>
    %dma_start3A_20 = arith.constant 0 : i32
    %dma_start3A_21 = arith.constant 0 : i32
    %dma_start3A_22 = tpu.memref_slice %arg2[%dma_start3A_20, %dma_start3A_21] : memref<10000x128xf32, #tpu.memory_space<hbm>> -> memref<10000x128xf32, #tpu.memory_space<hbm>>
    tpu.enqueue_indirect_dma source(%dma_start3A_22 : memref<10000x128xf32, #tpu.memory_space<hbm>>) target(%arg7 : memref<128x128xf32, #tpu.memory_space<vmem>>) offsets(%dma_start3A_19 : memref<128xi32, #tpu.memory_space<vmem>>) semaphore(%arg11 : memref<!tpu.dma_semaphore, #tpu.memory_space<semaphore_mem>>)
    %scan3A_23 = arith.constant 0 : i32
    %scan3A_24 = arith.constant 5 : i32
    %scan3A_25 = arith.addi %scan3A_23, %scan3A_24 : i32
    %scan3A_26 = arith.constant 1 : i32
    scf.for %scan3A_38 = %scan3A_23 to %scan3A_25 step %scan3A_26  : i32 {
      %mul3A_39 = arith.constant 2 : i32
      %mul3A_40 = arith.muli %scan3A_38, %mul3A_39 : i32
      %add3A = arith.constant 0 : i32
      %add3A_41 = arith.addi %add3A, %mul3A_40 : i32
      %add3A_42 = arith.constant 0 : i32
      %add3A_43 = arith.addi %add3A_41, %add3A_42 : i32
      %add3A_44 = arith.constant 1 : i32
      %add3A_45 = arith.addi %add3A_43, %add3A_44 : i32
      %lt3A_46 = arith.constant 10 : i32
      %lt3A_47 = arith.cmpi slt, %add3A_45, %lt3A_46 : i32
      %convert_element_type3A_48 = arith.extui %lt3A_47 : i1 to i32
      %cond3A_49 = arith.constant 0 : i32
      %cond3A_50 = arith.cmpi ne, %convert_element_type3A_48, %cond3A_49 : i32
      scf.if %cond3A_50 {
        %add3A_70 = arith.constant 1 : i32
        %add3A_71 = arith.addi %add3A_43, %add3A_70 : i32
        %dma_start3A_72 = arith.constant 0 : i32
        %dma_start3A_73 = arith.constant 0 : i32
        %dma_start3A_74 = arith.constant 0 : i32
        %dma_start3A_75 = arith.constant 0 : i32
        %dma_start3A_76 = arith.constant 0 : i32
        %dma_start3A_77 = tpu.memref_slice %arg3[%arg0, %dma_start3A_72, %dma_start3A_73, %dma_start3A_74, %dma_start3A_75, %dma_start3A_76] : memref<2x16x10x8x2x128xi32, #tpu.memory_space<hbm>> -> memref<1x16x10x8x2x128xi32, #tpu.memory_space<hbm>>
        %dma_start3A_78 = tpu.memref_squeeze %dma_start3A_77 : memref<1x16x10x8x2x128xi32, #tpu.memory_space<hbm>> -> memref<16x10x8x2x128xi32, #tpu.memory_space<hbm>>
        %dma_start3A_79 = arith.constant 0 : i32
        %dma_start3A_80 = arith.constant 0 : i32
        %dma_start3A_81 = arith.constant 0 : i32
        %dma_start3A_82 = arith.constant 0 : i32
        %dma_start3A_83 = tpu.memref_slice %dma_start3A_78[%arg1, %dma_start3A_79, %dma_start3A_80, %dma_start3A_81, %dma_start3A_82] : memref<16x10x8x2x128xi32, #tpu.memory_space<hbm>> -> memref<1x10x8x2x128xi32, #tpu.memory_space<hbm>>
        %dma_start3A_84 = tpu.memref_squeeze %dma_start3A_83 : memref<1x10x8x2x128xi32, #tpu.memory_space<hbm>> -> memref<10x8x2x128xi32, #tpu.memory_space<hbm>>
        %dma_start3A_85 = arith.constant 0 : i32
        %dma_start3A_86 = arith.constant 0 : i32
        %dma_start3A_87 = arith.constant 0 : i32
        %dma_start3A_88 = tpu.memref_slice %dma_start3A_84[%add3A_71, %dma_start3A_85, %dma_start3A_86, %dma_start3A_87] : memref<10x8x2x128xi32, #tpu.memory_space<hbm>> -> memref<1x8x2x128xi32, #tpu.memory_space<hbm>>
        %dma_start3A_89 = tpu.memref_squeeze %dma_start3A_88 : memref<1x8x2x128xi32, #tpu.memory_space<hbm>> -> memref<8x2x128xi32, #tpu.memory_space<hbm>>
        %dma_start3A_90 = arith.constant 0 : i32
        %dma_start3A_91 = arith.constant 0 : i32
        %dma_start3A_92 = arith.constant 0 : i32
        %dma_start3A_93 = arith.constant 0 : i32
        %dma_start3A_94 = arith.constant 0 : i32
        %dma_start3A_95 = tpu.memref_slice %arg3[%arg0, %dma_start3A_90, %dma_start3A_91, %dma_start3A_92, %dma_start3A_93, %dma_start3A_94] : memref<2x16x10x8x2x128xi32, #tpu.memory_space<hbm>> -> memref<1x16x10x8x2x128xi32, #tpu.memory_space<hbm>>
        %dma_start3A_96 = tpu.memref_squeeze %dma_start3A_95 : memref<1x16x10x8x2x128xi32, #tpu.memory_space<hbm>> -> memref<16x10x8x2x128xi32, #tpu.memory_space<hbm>>
        %dma_start3A_97 = arith.constant 0 : i32
        %dma_start3A_98 = arith.constant 0 : i32
        %dma_start3A_99 = arith.constant 0 : i32
        %dma_start3A_100 = arith.constant 0 : i32
        %dma_start3A_101 = tpu.memref_slice %dma_start3A_96[%arg1, %dma_start3A_97, %dma_start3A_98, %dma_start3A_99, %dma_start3A_100] : memref<16x10x8x2x128xi32, #tpu.memory_space<hbm>> -> memref<1x10x8x2x128xi32, #tpu.memory_space<hbm>>
        %dma_start3A_102 = tpu.memref_squeeze %dma_start3A_101 : memref<1x10x8x2x128xi32, #tpu.memory_space<hbm>> -> memref<10x8x2x128xi32, #tpu.memory_space<hbm>>
        %dma_start3A_103 = arith.constant 0 : i32
        %dma_start3A_104 = arith.constant 0 : i32
        %dma_start3A_105 = arith.constant 0 : i32
        %dma_start3A_106 = tpu.memref_slice %dma_start3A_102[%add3A_71, %dma_start3A_103, %dma_start3A_104, %dma_start3A_105] : memref<10x8x2x128xi32, #tpu.memory_space<hbm>> -> memref<1x8x2x128xi32, #tpu.memory_space<hbm>>
        %dma_start3A_107 = tpu.memref_squeeze %dma_start3A_106 : memref<1x8x2x128xi32, #tpu.memory_space<hbm>> -> memref<8x2x128xi32, #tpu.memory_space<hbm>>
        tpu.enqueue_dma source(%dma_start3A_107 : memref<8x2x128xi32, #tpu.memory_space<hbm>>) target(%arg6 : memref<8x2x128xi32, #tpu.memory_space<vmem>>) target_semaphore(%arg13 : memref<!tpu.dma_semaphore, #tpu.memory_space<semaphore_mem>>)
      } else {
      }
      %scan3A_51 = arith.constant 0 : i32
      %scan3A_52 = arith.constant 4 : i32
      %scan3A_53 = arith.addi %scan3A_51, %scan3A_52 : i32
      %scan3A_54 = arith.constant 1 : i32
      scf.for %scan3A_70 = %scan3A_51 to %scan3A_53 step %scan3A_54  : i32 {
        %mul3A_71 = arith.constant 2 : i32
        %mul3A_72 = arith.muli %scan3A_70, %mul3A_71 : i32
        %add3A_73 = arith.constant 0 : i32
        %add3A_74 = arith.addi %add3A_73, %mul3A_72 : i32
        %add3A_75 = arith.constant 1 : i32
        %add3A_76 = arith.addi %add3A_74, %add3A_75 : i32
        %dma_start3A_77 = arith.constant 0 : i32
        %dma_start3A_78 = arith.constant 0 : i32
        %dma_start3A_79 = arith.constant 0 : i32
        %dma_start3A_80 = tpu.memref_slice %arg5[%add3A_76, %dma_start3A_78, %dma_start3A_79] : memref<8x2x128xi32, #tpu.memory_space<vmem>> -> memref<1x2x128xi32, #tpu.memory_space<vmem>>
        %dma_start3A_81 = tpu.memref_squeeze %dma_start3A_80 : memref<1x2x128xi32, #tpu.memory_space<vmem>> -> memref<2x128xi32, #tpu.memory_space<vmem>>
        %dma_start3A_82 = arith.constant 0 : i32
        %dma_start3A_83 = tpu.memref_slice %dma_start3A_81[%dma_start3A_77, %dma_start3A_82] : memref<2x128xi32, #tpu.memory_space<vmem>> -> memref<1x128xi32, #tpu.memory_space<vmem>>
        %dma_start3A_84 = tpu.memref_squeeze %dma_start3A_83 : memref<1x128xi32, #tpu.memory_space<vmem>> -> memref<128xi32, #tpu.memory_space<vmem>>
        %dma_start3A_85 = arith.constant 0 : i32
        %dma_start3A_86 = arith.constant 0 : i32
        %dma_start3A_87 = tpu.memref_slice %arg2[%dma_start3A_85, %dma_start3A_86] : memref<10000x128xf32, #tpu.memory_space<hbm>> -> memref<10000x128xf32, #tpu.memory_space<hbm>>
        tpu.enqueue_indirect_dma source(%dma_start3A_87 : memref<10000x128xf32, #tpu.memory_space<hbm>>) target(%arg8 : memref<128x128xf32, #tpu.memory_space<vmem>>) offsets(%dma_start3A_84 : memref<128xi32, #tpu.memory_space<vmem>>) semaphore(%arg12 : memref<!tpu.dma_semaphore, #tpu.memory_space<semaphore_mem>>)
        %dma_wait3A = arith.constant 0 : i32
        %dma_wait3A_88 = arith.constant 0 : i32
        %dma_wait3A_89 = arith.constant 0 : i32
        %dma_wait3A_90 = tpu.memref_slice %arg5[%add3A_74, %dma_wait3A_88, %dma_wait3A_89] : memref<8x2x128xi32, #tpu.memory_space<vmem>> -> memref<1x2x128xi32, #tpu.memory_space<vmem>>
        %dma_wait3A_91 = tpu.memref_squeeze %dma_wait3A_90 : memref<1x2x128xi32, #tpu.memory_space<vmem>> -> memref<2x128xi32, #tpu.memory_space<vmem>>
        %dma_wait3A_92 = arith.constant 0 : i32
        %dma_wait3A_93 = tpu.memref_slice %dma_wait3A_91[%dma_wait3A, %dma_wait3A_92] : memref<2x128xi32, #tpu.memory_space<vmem>> -> memref<1x128xi32, #tpu.memory_space<vmem>>
        %dma_wait3A_94 = tpu.memref_squeeze %dma_wait3A_93 : memref<1x128xi32, #tpu.memory_space<vmem>> -> memref<128xi32, #tpu.memory_space<vmem>>
        %dma_wait3A_95 = arith.constant 0 : i32
        %dma_wait3A_96 = arith.constant 0 : i32
        %dma_wait3A_97 = tpu.memref_slice %arg2[%dma_wait3A_95, %dma_wait3A_96] : memref<10000x128xf32, #tpu.memory_space<hbm>> -> memref<10000x128xf32, #tpu.memory_space<hbm>>
        tpu.wait_indirect_dma semaphore(%arg11 : memref<!tpu.dma_semaphore, #tpu.memory_space<semaphore_mem>>) src(%dma_wait3A_97 : memref<10000x128xf32, #tpu.memory_space<hbm>>) dst(%arg7 : memref<128x128xf32, #tpu.memory_space<vmem>>)
        %run_scoped3A_98 = arith.constant 1 : i32
        "tpu.region"() ({
          %run_scoped3A_129 = tpu.sem_alloc : memref<!tpu.dma_semaphore, #tpu.memory_space<semaphore_mem>>
          %dma_start3A_130 = arith.constant 0 : i32
          %dma_start3A_131 = arith.constant 0 : i32
          %dma_start3A_132 = tpu.memref_slice %arg5[%add3A_74, %dma_start3A_130, %dma_start3A_131] : memref<8x2x128xi32, #tpu.memory_space<vmem>> -> memref<1x2x128xi32, #tpu.memory_space<vmem>>
          %dma_start3A_133 = tpu.memref_squeeze %dma_start3A_132 : memref<1x2x128xi32, #tpu.memory_space<vmem>> -> memref<2x128xi32, #tpu.memory_space<vmem>>
          %dma_start3A_134 = arith.constant 0 : i32
          %dma_start3A_135 = tpu.memref_slice %dma_start3A_133[%run_scoped3A_98, %dma_start3A_134] : memref<2x128xi32, #tpu.memory_space<vmem>> -> memref<1x128xi32, #tpu.memory_space<vmem>>
          %dma_start3A_136 = tpu.memref_squeeze %dma_start3A_135 : memref<1x128xi32, #tpu.memory_space<vmem>> -> memref<128xi32, #tpu.memory_space<vmem>>
          %dma_start3A_137 = arith.constant 0 : i32
          %dma_start3A_138 = arith.constant 0 : i32
          %dma_start3A_139 = tpu.memref_slice %arg10[%dma_start3A_137, %dma_start3A_138] : memref<10016x128xf32, #tpu.memory_space<vmem_shared>> -> memref<10016x128xf32, #tpu.memory_space<vmem_shared>>
          tpu.enqueue_indirect_dma source(%arg7 : memref<128x128xf32, #tpu.memory_space<vmem>>) target(%dma_start3A_139 : memref<10016x128xf32, #tpu.memory_space<vmem_shared>>) offsets(%dma_start3A_136 : memref<128xi32, #tpu.memory_space<vmem>>) semaphore(%run_scoped3A_129 : memref<!tpu.dma_semaphore, #tpu.memory_space<semaphore_mem>>) {add = true}
          %dma_wait3A_140 = arith.constant 0 : i32
          %dma_wait3A_141 = arith.constant 0 : i32
          %dma_wait3A_142 = tpu.memref_slice %arg5[%add3A_74, %dma_wait3A_140, %dma_wait3A_141] : memref<8x2x128xi32, #tpu.memory_space<vmem>> -> memref<1x2x128xi32, #tpu.memory_space<vmem>>
          %dma_wait3A_143 = tpu.memref_squeeze %dma_wait3A_142 : memref<1x2x128xi32, #tpu.memory_space<vmem>> -> memref<2x128xi32, #tpu.memory_space<vmem>>
          %dma_wait3A_144 = arith.constant 0 : i32
          %dma_wait3A_145 = tpu.memref_slice %dma_wait3A_143[%run_scoped3A_98, %dma_wait3A_144] : memref<2x128xi32, #tpu.memory_space<vmem>> -> memref<1x128xi32, #tpu.memory_space<vmem>>
          %dma_wait3A_146 = tpu.memref_squeeze %dma_wait3A_145 : memref<1x128xi32, #tpu.memory_space<vmem>> -> memref<128xi32, #tpu.memory_space<vmem>>
          %dma_wait3A_147 = arith.constant 0 : i32
          %dma_wait3A_148 = arith.constant 0 : i32
          %dma_wait3A_149 = tpu.memref_slice %arg10[%dma_wait3A_147, %dma_wait3A_148] : memref<10016x128xf32, #tpu.memory_space<vmem_shared>> -> memref<10016x128xf32, #tpu.memory_space<vmem_shared>>
          tpu.wait_indirect_dma semaphore(%run_scoped3A_129 : memref<!tpu.dma_semaphore, #tpu.memory_space<semaphore_mem>>) src(%arg7 : memref<128x128xf32, #tpu.memory_space<vmem>>) dst(%dma_wait3A_149 : memref<10016x128xf32, #tpu.memory_space<vmem_shared>>)
          tpu.yield
        }) : () -> ()
        %lt3A_99 = arith.constant 6 : i32
        %lt3A_100 = arith.cmpi slt, %add3A_74, %lt3A_99 : i32
        %convert_element_type3A_101 = arith.extui %lt3A_100 : i1 to i32
        %cond3A_102 = arith.constant 0 : i32
        %cond3A_103 = arith.cmpi ne, %convert_element_type3A_101, %cond3A_102 : i32
        scf.if %cond3A_103 {
          %add3A_129 = arith.constant 2 : i32
          %add3A_130 = arith.addi %add3A_74, %add3A_129 : i32
          %dma_start3A_131 = arith.constant 0 : i32
          %dma_start3A_132 = arith.constant 0 : i32
          %dma_start3A_133 = arith.constant 0 : i32
          %dma_start3A_134 = tpu.memref_slice %arg5[%add3A_130, %dma_start3A_132, %dma_start3A_133] : memref<8x2x128xi32, #tpu.memory_space<vmem>> -> memref<1x2x128xi32, #tpu.memory_space<vmem>>
          %dma_start3A_135 = tpu.memref_squeeze %dma_start3A_134 : memref<1x2x128xi32, #tpu.memory_space<vmem>> -> memref<2x128xi32, #tpu.memory_space<vmem>>
          %dma_start3A_136 = arith.constant 0 : i32
          %dma_start3A_137 = tpu.memref_slice %dma_start3A_135[%dma_start3A_131, %dma_start3A_136] : memref<2x128xi32, #tpu.memory_space<vmem>> -> memref<1x128xi32, #tpu.memory_space<vmem>>
          %dma_start3A_138 = tpu.memref_squeeze %dma_start3A_137 : memref<1x128xi32, #tpu.memory_space<vmem>> -> memref<128xi32, #tpu.memory_space<vmem>>
          %dma_start3A_139 = arith.constant 0 : i32
          %dma_start3A_140 = arith.constant 0 : i32
          %dma_start3A_141 = tpu.memref_slice %arg2[%dma_start3A_139, %dma_start3A_140] : memref<10000x128xf32, #tpu.memory_space<hbm>> -> memref<10000x128xf32, #tpu.memory_space<hbm>>
          tpu.enqueue_indirect_dma source(%dma_start3A_141 : memref<10000x128xf32, #tpu.memory_space<hbm>>) target(%arg7 : memref<128x128xf32, #tpu.memory_space<vmem>>) offsets(%dma_start3A_138 : memref<128xi32, #tpu.memory_space<vmem>>) semaphore(%arg11 : memref<!tpu.dma_semaphore, #tpu.memory_space<semaphore_mem>>)
        } else {
        }
        %eq3A_104 = arith.constant 6 : i32
        %eq3A_105 = arith.cmpi eq, %add3A_74, %eq3A_104 : i32
        %add3A_106 = arith.constant 1 : i32
        %add3A_107 = arith.addi %add3A_43, %add3A_106 : i32
        %lt3A_108 = arith.constant 10 : i32
        %lt3A_109 = arith.cmpi slt, %add3A_107, %lt3A_108 : i32
        %and3A = arith.andi %eq3A_105, %lt3A_109 : i1
        %convert_element_type3A_110 = arith.extui %and3A : i1 to i32
        %cond3A_111 = arith.constant 0 : i32
        %cond3A_112 = arith.cmpi ne, %convert_element_type3A_110, %cond3A_111 : i32
        scf.if %cond3A_112 {
          %add3A_129 = arith.constant 1 : i32
          %add3A_130 = arith.addi %add3A_43, %add3A_129 : i32
          %dma_wait3A_131 = arith.constant 0 : i32
          %dma_wait3A_132 = arith.constant 0 : i32
          %dma_wait3A_133 = arith.constant 0 : i32
          %dma_wait3A_134 = arith.constant 0 : i32
          %dma_wait3A_135 = arith.constant 0 : i32
          %dma_wait3A_136 = tpu.memref_slice %arg3[%arg0, %dma_wait3A_131, %dma_wait3A_132, %dma_wait3A_133, %dma_wait3A_134, %dma_wait3A_135] : memref<2x16x10x8x2x128xi32, #tpu.memory_space<hbm>> -> memref<1x16x10x8x2x128xi32, #tpu.memory_space<hbm>>
          %dma_wait3A_137 = tpu.memref_squeeze %dma_wait3A_136 : memref<1x16x10x8x2x128xi32, #tpu.memory_space<hbm>> -> memref<16x10x8x2x128xi32, #tpu.memory_space<hbm>>
          %dma_wait3A_138 = arith.constant 0 : i32
          %dma_wait3A_139 = arith.constant 0 : i32
          %dma_wait3A_140 = arith.constant 0 : i32
          %dma_wait3A_141 = arith.constant 0 : i32
          %dma_wait3A_142 = tpu.memref_slice %dma_wait3A_137[%arg1, %dma_wait3A_138, %dma_wait3A_139, %dma_wait3A_140, %dma_wait3A_141] : memref<16x10x8x2x128xi32, #tpu.memory_space<hbm>> -> memref<1x10x8x2x128xi32, #tpu.memory_space<hbm>>
          %dma_wait3A_143 = tpu.memref_squeeze %dma_wait3A_142 : memref<1x10x8x2x128xi32, #tpu.memory_space<hbm>> -> memref<10x8x2x128xi32, #tpu.memory_space<hbm>>
          %dma_wait3A_144 = arith.constant 0 : i32
          %dma_wait3A_145 = arith.constant 0 : i32
          %dma_wait3A_146 = arith.constant 0 : i32
          %dma_wait3A_147 = tpu.memref_slice %dma_wait3A_143[%add3A_130, %dma_wait3A_144, %dma_wait3A_145, %dma_wait3A_146] : memref<10x8x2x128xi32, #tpu.memory_space<hbm>> -> memref<1x8x2x128xi32, #tpu.memory_space<hbm>>
          %dma_wait3A_148 = tpu.memref_squeeze %dma_wait3A_147 : memref<1x8x2x128xi32, #tpu.memory_space<hbm>> -> memref<8x2x128xi32, #tpu.memory_space<hbm>>
          %dma_wait3A_149 = arith.constant 0 : i32
          %dma_wait3A_150 = arith.constant 0 : i32
          %dma_wait3A_151 = arith.constant 0 : i32
          %dma_wait3A_152 = arith.constant 0 : i32
          %dma_wait3A_153 = arith.constant 0 : i32
          %dma_wait3A_154 = tpu.memref_slice %arg3[%arg0, %dma_wait3A_149, %dma_wait3A_150, %dma_wait3A_151, %dma_wait3A_152, %dma_wait3A_153] : memref<2x16x10x8x2x128xi32, #tpu.memory_space<hbm>> -> memref<1x16x10x8x2x128xi32, #tpu.memory_space<hbm>>
          %dma_wait3A_155 = tpu.memref_squeeze %dma_wait3A_154 : memref<1x16x10x8x2x128xi32, #tpu.memory_space<hbm>> -> memref<16x10x8x2x128xi32, #tpu.memory_space<hbm>>
          %dma_wait3A_156 = arith.constant 0 : i32
          %dma_wait3A_157 = arith.constant 0 : i32
          %dma_wait3A_158 = arith.constant 0 : i32
          %dma_wait3A_159 = arith.constant 0 : i32
          %dma_wait3A_160 = tpu.memref_slice %dma_wait3A_155[%arg1, %dma_wait3A_156, %dma_wait3A_157, %dma_wait3A_158, %dma_wait3A_159] : memref<16x10x8x2x128xi32, #tpu.memory_space<hbm>> -> memref<1x10x8x2x128xi32, #tpu.memory_space<hbm>>
          %dma_wait3A_161 = tpu.memref_squeeze %dma_wait3A_160 : memref<1x10x8x2x128xi32, #tpu.memory_space<hbm>> -> memref<10x8x2x128xi32, #tpu.memory_space<hbm>>
          %dma_wait3A_162 = arith.constant 0 : i32
          %dma_wait3A_163 = arith.constant 0 : i32
          %dma_wait3A_164 = arith.constant 0 : i32
          %dma_wait3A_165 = tpu.memref_slice %dma_wait3A_161[%add3A_130, %dma_wait3A_162, %dma_wait3A_163, %dma_wait3A_164] : memref<10x8x2x128xi32, #tpu.memory_space<hbm>> -> memref<1x8x2x128xi32, #tpu.memory_space<hbm>>
          %dma_wait3A_166 = tpu.memref_squeeze %dma_wait3A_165 : memref<1x8x2x128xi32, #tpu.memory_space<hbm>> -> memref<8x2x128xi32, #tpu.memory_space<hbm>>
          tpu.wait_dma2 semaphore(%arg13 : memref<!tpu.dma_semaphore, #tpu.memory_space<semaphore_mem>>) src(%dma_wait3A_166 : memref<8x2x128xi32, #tpu.memory_space<hbm>>) dst(%arg6 : memref<8x2x128xi32, #tpu.memory_space<vmem>>)
          %dma_start3A_167 = arith.constant 0 : i32
          %dma_start3A_168 = arith.constant 0 : i32
          %dma_start3A_169 = arith.constant 0 : i32
          %dma_start3A_170 = arith.constant 0 : i32
          %dma_start3A_171 = tpu.memref_slice %arg6[%dma_start3A_167, %dma_start3A_169, %dma_start3A_170] : memref<8x2x128xi32, #tpu.memory_space<vmem>> -> memref<1x2x128xi32, #tpu.memory_space<vmem>>
          %dma_start3A_172 = tpu.memref_squeeze %dma_start3A_171 : memref<1x2x128xi32, #tpu.memory_space<vmem>> -> memref<2x128xi32, #tpu.memory_space<vmem>>
          %dma_start3A_173 = arith.constant 0 : i32
          %dma_start3A_174 = tpu.memref_slice %dma_start3A_172[%dma_start3A_168, %dma_start3A_173] : memref<2x128xi32, #tpu.memory_space<vmem>> -> memref<1x128xi32, #tpu.memory_space<vmem>>
          %dma_start3A_175 = tpu.memref_squeeze %dma_start3A_174 : memref<1x128xi32, #tpu.memory_space<vmem>> -> memref<128xi32, #tpu.memory_space<vmem>>
          %dma_start3A_176 = arith.constant 0 : i32
          %dma_start3A_177 = arith.constant 0 : i32
          %dma_start3A_178 = tpu.memref_slice %arg2[%dma_start3A_176, %dma_start3A_177] : memref<10000x128xf32, #tpu.memory_space<hbm>> -> memref<10000x128xf32, #tpu.memory_space<hbm>>
          tpu.enqueue_indirect_dma source(%dma_start3A_178 : memref<10000x128xf32, #tpu.memory_space<hbm>>) target(%arg7 : memref<128x128xf32, #tpu.memory_space<vmem>>) offsets(%dma_start3A_175 : memref<128xi32, #tpu.memory_space<vmem>>) semaphore(%arg11 : memref<!tpu.dma_semaphore, #tpu.memory_space<semaphore_mem>>)
        } else {
        }
        %add3A_113 = arith.constant 1 : i32
        %add3A_114 = arith.addi %add3A_74, %add3A_113 : i32
        %dma_wait3A_115 = arith.constant 0 : i32
        %dma_wait3A_116 = arith.constant 0 : i32
        %dma_wait3A_117 = arith.constant 0 : i32
        %dma_wait3A_118 = tpu.memref_slice %arg5[%add3A_114, %dma_wait3A_116, %dma_wait3A_117] : memref<8x2x128xi32, #tpu.memory_space<vmem>> -> memref<1x2x128xi32, #tpu.memory_space<vmem>>
        %dma_wait3A_119 = tpu.memref_squeeze %dma_wait3A_118 : memref<1x2x128xi32, #tpu.memory_space<vmem>> -> memref<2x128xi32, #tpu.memory_space<vmem>>
        %dma_wait3A_120 = arith.constant 0 : i32
        %dma_wait3A_121 = tpu.memref_slice %dma_wait3A_119[%dma_wait3A_115, %dma_wait3A_120] : memref<2x128xi32, #tpu.memory_space<vmem>> -> memref<1x128xi32, #tpu.memory_space<vmem>>
        %dma_wait3A_122 = tpu.memref_squeeze %dma_wait3A_121 : memref<1x128xi32, #tpu.memory_space<vmem>> -> memref<128xi32, #tpu.memory_space<vmem>>
        %dma_wait3A_123 = arith.constant 0 : i32
        %dma_wait3A_124 = arith.constant 0 : i32
        %dma_wait3A_125 = tpu.memref_slice %arg2[%dma_wait3A_123, %dma_wait3A_124] : memref<10000x128xf32, #tpu.memory_space<hbm>> -> memref<10000x128xf32, #tpu.memory_space<hbm>>
        tpu.wait_indirect_dma semaphore(%arg12 : memref<!tpu.dma_semaphore, #tpu.memory_space<semaphore_mem>>) src(%dma_wait3A_125 : memref<10000x128xf32, #tpu.memory_space<hbm>>) dst(%arg8 : memref<128x128xf32, #tpu.memory_space<vmem>>)
        %add3A_126 = arith.constant 1 : i32
        %add3A_127 = arith.addi %add3A_74, %add3A_126 : i32
        %run_scoped3A_128 = arith.constant 1 : i32
        "tpu.region"() ({
          %run_scoped3A_129 = tpu.sem_alloc : memref<!tpu.dma_semaphore, #tpu.memory_space<semaphore_mem>>
          %dma_start3A_130 = arith.constant 0 : i32
          %dma_start3A_131 = arith.constant 0 : i32
          %dma_start3A_132 = tpu.memref_slice %arg5[%add3A_127, %dma_start3A_130, %dma_start3A_131] : memref<8x2x128xi32, #tpu.memory_space<vmem>> -> memref<1x2x128xi32, #tpu.memory_space<vmem>>
          %dma_start3A_133 = tpu.memref_squeeze %dma_start3A_132 : memref<1x2x128xi32, #tpu.memory_space<vmem>> -> memref<2x128xi32, #tpu.memory_space<vmem>>
          %dma_start3A_134 = arith.constant 0 : i32
          %dma_start3A_135 = tpu.memref_slice %dma_start3A_133[%run_scoped3A_128, %dma_start3A_134] : memref<2x128xi32, #tpu.memory_space<vmem>> -> memref<1x128xi32, #tpu.memory_space<vmem>>
          %dma_start3A_136 = tpu.memref_squeeze %dma_start3A_135 : memref<1x128xi32, #tpu.memory_space<vmem>> -> memref<128xi32, #tpu.memory_space<vmem>>
          %dma_start3A_137 = arith.constant 0 : i32
          %dma_start3A_138 = arith.constant 0 : i32
          %dma_start3A_139 = tpu.memref_slice %arg10[%dma_start3A_137, %dma_start3A_138] : memref<10016x128xf32, #tpu.memory_space<vmem_shared>> -> memref<10016x128xf32, #tpu.memory_space<vmem_shared>>
          tpu.enqueue_indirect_dma source(%arg8 : memref<128x128xf32, #tpu.memory_space<vmem>>) target(%dma_start3A_139 : memref<10016x128xf32, #tpu.memory_space<vmem_shared>>) offsets(%dma_start3A_136 : memref<128xi32, #tpu.memory_space<vmem>>) semaphore(%run_scoped3A_129 : memref<!tpu.dma_semaphore, #tpu.memory_space<semaphore_mem>>) {add = true}
          %dma_wait3A_140 = arith.constant 0 : i32
          %dma_wait3A_141 = arith.constant 0 : i32
          %dma_wait3A_142 = tpu.memref_slice %arg5[%add3A_127, %dma_wait3A_140, %dma_wait3A_141] : memref<8x2x128xi32, #tpu.memory_space<vmem>> -> memref<1x2x128xi32, #tpu.memory_space<vmem>>
          %dma_wait3A_143 = tpu.memref_squeeze %dma_wait3A_142 : memref<1x2x128xi32, #tpu.memory_space<vmem>> -> memref<2x128xi32, #tpu.memory_space<vmem>>
          %dma_wait3A_144 = arith.constant 0 : i32
          %dma_wait3A_145 = tpu.memref_slice %dma_wait3A_143[%run_scoped3A_128, %dma_wait3A_144] : memref<2x128xi32, #tpu.memory_space<vmem>> -> memref<1x128xi32, #tpu.memory_space<vmem>>
          %dma_wait3A_146 = tpu.memref_squeeze %dma_wait3A_145 : memref<1x128xi32, #tpu.memory_space<vmem>> -> memref<128xi32, #tpu.memory_space<vmem>>
          %dma_wait3A_147 = arith.constant 0 : i32
          %dma_wait3A_148 = arith.constant 0 : i32
          %dma_wait3A_149 = tpu.memref_slice %arg10[%dma_wait3A_147, %dma_wait3A_148] : memref<10016x128xf32, #tpu.memory_space<vmem_shared>> -> memref<10016x128xf32, #tpu.memory_space<vmem_shared>>
          tpu.wait_indirect_dma semaphore(%run_scoped3A_129 : memref<!tpu.dma_semaphore, #tpu.memory_space<semaphore_mem>>) src(%arg8 : memref<128x128xf32, #tpu.memory_space<vmem>>) dst(%dma_wait3A_149 : memref<10016x128xf32, #tpu.memory_space<vmem_shared>>)
          tpu.yield
        }) : () -> ()
      }
      %scan3A_55 = arith.constant 4 : i32
      %add3A_56 = arith.constant 1 : i32
      %add3A_57 = arith.addi %add3A_41, %add3A_56 : i32
      %add3A_58 = arith.constant 1 : i32
      %add3A_59 = arith.addi %add3A_57, %add3A_58 : i32
      %lt3A_60 = arith.constant 10 : i32
      %lt3A_61 = arith.cmpi slt, %add3A_59, %lt3A_60 : i32
      %convert_element_type3A_62 = arith.extui %lt3A_61 : i1 to i32
      %cond3A_63 = arith.constant 0 : i32
      %cond3A_64 = arith.cmpi ne, %convert_element_type3A_62, %cond3A_63 : i32
      scf.if %cond3A_64 {
        %add3A_70 = arith.constant 1 : i32
        %add3A_71 = arith.addi %add3A_57, %add3A_70 : i32
        %dma_start3A_72 = arith.constant 0 : i32
        %dma_start3A_73 = arith.constant 0 : i32
        %dma_start3A_74 = arith.constant 0 : i32
        %dma_start3A_75 = arith.constant 0 : i32
        %dma_start3A_76 = arith.constant 0 : i32
        %dma_start3A_77 = tpu.memref_slice %arg3[%arg0, %dma_start3A_72, %dma_start3A_73, %dma_start3A_74, %dma_start3A_75, %dma_start3A_76] : memref<2x16x10x8x2x128xi32, #tpu.memory_space<hbm>> -> memref<1x16x10x8x2x128xi32, #tpu.memory_space<hbm>>
        %dma_start3A_78 = tpu.memref_squeeze %dma_start3A_77 : memref<1x16x10x8x2x128xi32, #tpu.memory_space<hbm>> -> memref<16x10x8x2x128xi32, #tpu.memory_space<hbm>>
        %dma_start3A_79 = arith.constant 0 : i32
        %dma_start3A_80 = arith.constant 0 : i32
        %dma_start3A_81 = arith.constant 0 : i32
        %dma_start3A_82 = arith.constant 0 : i32
        %dma_start3A_83 = tpu.memref_slice %dma_start3A_78[%arg1, %dma_start3A_79, %dma_start3A_80, %dma_start3A_81, %dma_start3A_82] : memref<16x10x8x2x128xi32, #tpu.memory_space<hbm>> -> memref<1x10x8x2x128xi32, #tpu.memory_space<hbm>>
        %dma_start3A_84 = tpu.memref_squeeze %dma_start3A_83 : memref<1x10x8x2x128xi32, #tpu.memory_space<hbm>> -> memref<10x8x2x128xi32, #tpu.memory_space<hbm>>
        %dma_start3A_85 = arith.constant 0 : i32
        %dma_start3A_86 = arith.constant 0 : i32
        %dma_start3A_87 = arith.constant 0 : i32
        %dma_start3A_88 = tpu.memref_slice %dma_start3A_84[%add3A_71, %dma_start3A_85, %dma_start3A_86, %dma_start3A_87] : memref<10x8x2x128xi32, #tpu.memory_space<hbm>> -> memref<1x8x2x128xi32, #tpu.memory_space<hbm>>
        %dma_start3A_89 = tpu.memref_squeeze %dma_start3A_88 : memref<1x8x2x128xi32, #tpu.memory_space<hbm>> -> memref<8x2x128xi32, #tpu.memory_space<hbm>>
        %dma_start3A_90 = arith.constant 0 : i32
        %dma_start3A_91 = arith.constant 0 : i32
        %dma_start3A_92 = arith.constant 0 : i32
        %dma_start3A_93 = arith.constant 0 : i32
        %dma_start3A_94 = arith.constant 0 : i32
        %dma_start3A_95 = tpu.memref_slice %arg3[%arg0, %dma_start3A_90, %dma_start3A_91, %dma_start3A_92, %dma_start3A_93, %dma_start3A_94] : memref<2x16x10x8x2x128xi32, #tpu.memory_space<hbm>> -> memref<1x16x10x8x2x128xi32, #tpu.memory_space<hbm>>
        %dma_start3A_96 = tpu.memref_squeeze %dma_start3A_95 : memref<1x16x10x8x2x128xi32, #tpu.memory_space<hbm>> -> memref<16x10x8x2x128xi32, #tpu.memory_space<hbm>>
        %dma_start3A_97 = arith.constant 0 : i32
        %dma_start3A_98 = arith.constant 0 : i32
        %dma_start3A_99 = arith.constant 0 : i32
        %dma_start3A_100 = arith.constant 0 : i32
        %dma_start3A_101 = tpu.memref_slice %dma_start3A_96[%arg1, %dma_start3A_97, %dma_start3A_98, %dma_start3A_99, %dma_start3A_100] : memref<16x10x8x2x128xi32, #tpu.memory_space<hbm>> -> memref<1x10x8x2x128xi32, #tpu.memory_space<hbm>>
        %dma_start3A_102 = tpu.memref_squeeze %dma_start3A_101 : memref<1x10x8x2x128xi32, #tpu.memory_space<hbm>> -> memref<10x8x2x128xi32, #tpu.memory_space<hbm>>
        %dma_start3A_103 = arith.constant 0 : i32
        %dma_start3A_104 = arith.constant 0 : i32
        %dma_start3A_105 = arith.constant 0 : i32
        %dma_start3A_106 = tpu.memref_slice %dma_start3A_102[%add3A_71, %dma_start3A_103, %dma_start3A_104, %dma_start3A_105] : memref<10x8x2x128xi32, #tpu.memory_space<hbm>> -> memref<1x8x2x128xi32, #tpu.memory_space<hbm>>
        %dma_start3A_107 = tpu.memref_squeeze %dma_start3A_106 : memref<1x8x2x128xi32, #tpu.memory_space<hbm>> -> memref<8x2x128xi32, #tpu.memory_space<hbm>>
        tpu.enqueue_dma source(%dma_start3A_107 : memref<8x2x128xi32, #tpu.memory_space<hbm>>) target(%arg5 : memref<8x2x128xi32, #tpu.memory_space<vmem>>) target_semaphore(%arg13 : memref<!tpu.dma_semaphore, #tpu.memory_space<semaphore_mem>>)
      } else {
      }
      %scan3A_65 = arith.constant 0 : i32
      %scan3A_66 = arith.constant 4 : i32
      %scan3A_67 = arith.addi %scan3A_65, %scan3A_66 : i32
      %scan3A_68 = arith.constant 1 : i32
      scf.for %scan3A_70 = %scan3A_65 to %scan3A_67 step %scan3A_68  : i32 {
        %mul3A_71 = arith.constant 2 : i32
        %mul3A_72 = arith.muli %scan3A_70, %mul3A_71 : i32
        %add3A_73 = arith.constant 0 : i32
        %add3A_74 = arith.addi %add3A_73, %mul3A_72 : i32
        %add3A_75 = arith.constant 1 : i32
        %add3A_76 = arith.addi %add3A_74, %add3A_75 : i32
        %dma_start3A_77 = arith.constant 0 : i32
        %dma_start3A_78 = arith.constant 0 : i32
        %dma_start3A_79 = arith.constant 0 : i32
        %dma_start3A_80 = tpu.memref_slice %arg6[%add3A_76, %dma_start3A_78, %dma_start3A_79] : memref<8x2x128xi32, #tpu.memory_space<vmem>> -> memref<1x2x128xi32, #tpu.memory_space<vmem>>
        %dma_start3A_81 = tpu.memref_squeeze %dma_start3A_80 : memref<1x2x128xi32, #tpu.memory_space<vmem>> -> memref<2x128xi32, #tpu.memory_space<vmem>>
        %dma_start3A_82 = arith.constant 0 : i32
        %dma_start3A_83 = tpu.memref_slice %dma_start3A_81[%dma_start3A_77, %dma_start3A_82] : memref<2x128xi32, #tpu.memory_space<vmem>> -> memref<1x128xi32, #tpu.memory_space<vmem>>
        %dma_start3A_84 = tpu.memref_squeeze %dma_start3A_83 : memref<1x128xi32, #tpu.memory_space<vmem>> -> memref<128xi32, #tpu.memory_space<vmem>>
        %dma_start3A_85 = arith.constant 0 : i32
        %dma_start3A_86 = arith.constant 0 : i32
        %dma_start3A_87 = tpu.memref_slice %arg2[%dma_start3A_85, %dma_start3A_86] : memref<10000x128xf32, #tpu.memory_space<hbm>> -> memref<10000x128xf32, #tpu.memory_space<hbm>>
        tpu.enqueue_indirect_dma source(%dma_start3A_87 : memref<10000x128xf32, #tpu.memory_space<hbm>>) target(%arg8 : memref<128x128xf32, #tpu.memory_space<vmem>>) offsets(%dma_start3A_84 : memref<128xi32, #tpu.memory_space<vmem>>) semaphore(%arg12 : memref<!tpu.dma_semaphore, #tpu.memory_space<semaphore_mem>>)
        %dma_wait3A = arith.constant 0 : i32
        %dma_wait3A_88 = arith.constant 0 : i32
        %dma_wait3A_89 = arith.constant 0 : i32
        %dma_wait3A_90 = tpu.memref_slice %arg6[%add3A_74, %dma_wait3A_88, %dma_wait3A_89] : memref<8x2x128xi32, #tpu.memory_space<vmem>> -> memref<1x2x128xi32, #tpu.memory_space<vmem>>
        %dma_wait3A_91 = tpu.memref_squeeze %dma_wait3A_90 : memref<1x2x128xi32, #tpu.memory_space<vmem>> -> memref<2x128xi32, #tpu.memory_space<vmem>>
        %dma_wait3A_92 = arith.constant 0 : i32
        %dma_wait3A_93 = tpu.memref_slice %dma_wait3A_91[%dma_wait3A, %dma_wait3A_92] : memref<2x128xi32, #tpu.memory_space<vmem>> -> memref<1x128xi32, #tpu.memory_space<vmem>>
        %dma_wait3A_94 = tpu.memref_squeeze %dma_wait3A_93 : memref<1x128xi32, #tpu.memory_space<vmem>> -> memref<128xi32, #tpu.memory_space<vmem>>
        %dma_wait3A_95 = arith.constant 0 : i32
        %dma_wait3A_96 = arith.constant 0 : i32
        %dma_wait3A_97 = tpu.memref_slice %arg2[%dma_wait3A_95, %dma_wait3A_96] : memref<10000x128xf32, #tpu.memory_space<hbm>> -> memref<10000x128xf32, #tpu.memory_space<hbm>>
        tpu.wait_indirect_dma semaphore(%arg11 : memref<!tpu.dma_semaphore, #tpu.memory_space<semaphore_mem>>) src(%dma_wait3A_97 : memref<10000x128xf32, #tpu.memory_space<hbm>>) dst(%arg7 : memref<128x128xf32, #tpu.memory_space<vmem>>)
        %run_scoped3A_98 = arith.constant 1 : i32
        "tpu.region"() ({
          %run_scoped3A_129 = tpu.sem_alloc : memref<!tpu.dma_semaphore, #tpu.memory_space<semaphore_mem>>
          %dma_start3A_130 = arith.constant 0 : i32
          %dma_start3A_131 = arith.constant 0 : i32
          %dma_start3A_132 = tpu.memref_slice %arg6[%add3A_74, %dma_start3A_130, %dma_start3A_131] : memref<8x2x128xi32, #tpu.memory_space<vmem>> -> memref<1x2x128xi32, #tpu.memory_space<vmem>>
          %dma_start3A_133 = tpu.memref_squeeze %dma_start3A_132 : memref<1x2x128xi32, #tpu.memory_space<vmem>> -> memref<2x128xi32, #tpu.memory_space<vmem>>
          %dma_start3A_134 = arith.constant 0 : i32
          %dma_start3A_135 = tpu.memref_slice %dma_start3A_133[%run_scoped3A_98, %dma_start3A_134] : memref<2x128xi32, #tpu.memory_space<vmem>> -> memref<1x128xi32, #tpu.memory_space<vmem>>
          %dma_start3A_136 = tpu.memref_squeeze %dma_start3A_135 : memref<1x128xi32, #tpu.memory_space<vmem>> -> memref<128xi32, #tpu.memory_space<vmem>>
          %dma_start3A_137 = arith.constant 0 : i32
          %dma_start3A_138 = arith.constant 0 : i32
          %dma_start3A_139 = tpu.memref_slice %arg10[%dma_start3A_137, %dma_start3A_138] : memref<10016x128xf32, #tpu.memory_space<vmem_shared>> -> memref<10016x128xf32, #tpu.memory_space<vmem_shared>>
          tpu.enqueue_indirect_dma source(%arg7 : memref<128x128xf32, #tpu.memory_space<vmem>>) target(%dma_start3A_139 : memref<10016x128xf32, #tpu.memory_space<vmem_shared>>) offsets(%dma_start3A_136 : memref<128xi32, #tpu.memory_space<vmem>>) semaphore(%run_scoped3A_129 : memref<!tpu.dma_semaphore, #tpu.memory_space<semaphore_mem>>) {add = true}
          %dma_wait3A_140 = arith.constant 0 : i32
          %dma_wait3A_141 = arith.constant 0 : i32
          %dma_wait3A_142 = tpu.memref_slice %arg6[%add3A_74, %dma_wait3A_140, %dma_wait3A_141] : memref<8x2x128xi32, #tpu.memory_space<vmem>> -> memref<1x2x128xi32, #tpu.memory_space<vmem>>
          %dma_wait3A_143 = tpu.memref_squeeze %dma_wait3A_142 : memref<1x2x128xi32, #tpu.memory_space<vmem>> -> memref<2x128xi32, #tpu.memory_space<vmem>>
          %dma_wait3A_144 = arith.constant 0 : i32
          %dma_wait3A_145 = tpu.memref_slice %dma_wait3A_143[%run_scoped3A_98, %dma_wait3A_144] : memref<2x128xi32, #tpu.memory_space<vmem>> -> memref<1x128xi32, #tpu.memory_space<vmem>>
          %dma_wait3A_146 = tpu.memref_squeeze %dma_wait3A_145 : memref<1x128xi32, #tpu.memory_space<vmem>> -> memref<128xi32, #tpu.memory_space<vmem>>
          %dma_wait3A_147 = arith.constant 0 : i32
          %dma_wait3A_148 = arith.constant 0 : i32
          %dma_wait3A_149 = tpu.memref_slice %arg10[%dma_wait3A_147, %dma_wait3A_148] : memref<10016x128xf32, #tpu.memory_space<vmem_shared>> -> memref<10016x128xf32, #tpu.memory_space<vmem_shared>>
          tpu.wait_indirect_dma semaphore(%run_scoped3A_129 : memref<!tpu.dma_semaphore, #tpu.memory_space<semaphore_mem>>) src(%arg7 : memref<128x128xf32, #tpu.memory_space<vmem>>) dst(%dma_wait3A_149 : memref<10016x128xf32, #tpu.memory_space<vmem_shared>>)
          tpu.yield
        }) : () -> ()
        %lt3A_99 = arith.constant 6 : i32
        %lt3A_100 = arith.cmpi slt, %add3A_74, %lt3A_99 : i32
        %convert_element_type3A_101 = arith.extui %lt3A_100 : i1 to i32
        %cond3A_102 = arith.constant 0 : i32
        %cond3A_103 = arith.cmpi ne, %convert_element_type3A_101, %cond3A_102 : i32
        scf.if %cond3A_103 {
          %add3A_129 = arith.constant 2 : i32
          %add3A_130 = arith.addi %add3A_74, %add3A_129 : i32
          %dma_start3A_131 = arith.constant 0 : i32
          %dma_start3A_132 = arith.constant 0 : i32
          %dma_start3A_133 = arith.constant 0 : i32
          %dma_start3A_134 = tpu.memref_slice %arg6[%add3A_130, %dma_start3A_132, %dma_start3A_133] : memref<8x2x128xi32, #tpu.memory_space<vmem>> -> memref<1x2x128xi32, #tpu.memory_space<vmem>>
          %dma_start3A_135 = tpu.memref_squeeze %dma_start3A_134 : memref<1x2x128xi32, #tpu.memory_space<vmem>> -> memref<2x128xi32, #tpu.memory_space<vmem>>
          %dma_start3A_136 = arith.constant 0 : i32
          %dma_start3A_137 = tpu.memref_slice %dma_start3A_135[%dma_start3A_131, %dma_start3A_136] : memref<2x128xi32, #tpu.memory_space<vmem>> -> memref<1x128xi32, #tpu.memory_space<vmem>>
          %dma_start3A_138 = tpu.memref_squeeze %dma_start3A_137 : memref<1x128xi32, #tpu.memory_space<vmem>> -> memref<128xi32, #tpu.memory_space<vmem>>
          %dma_start3A_139 = arith.constant 0 : i32
          %dma_start3A_140 = arith.constant 0 : i32
          %dma_start3A_141 = tpu.memref_slice %arg2[%dma_start3A_139, %dma_start3A_140] : memref<10000x128xf32, #tpu.memory_space<hbm>> -> memref<10000x128xf32, #tpu.memory_space<hbm>>
          tpu.enqueue_indirect_dma source(%dma_start3A_141 : memref<10000x128xf32, #tpu.memory_space<hbm>>) target(%arg7 : memref<128x128xf32, #tpu.memory_space<vmem>>) offsets(%dma_start3A_138 : memref<128xi32, #tpu.memory_space<vmem>>) semaphore(%arg11 : memref<!tpu.dma_semaphore, #tpu.memory_space<semaphore_mem>>)
        } else {
        }
        %eq3A_104 = arith.constant 6 : i32
        %eq3A_105 = arith.cmpi eq, %add3A_74, %eq3A_104 : i32
        %add3A_106 = arith.constant 1 : i32
        %add3A_107 = arith.addi %add3A_57, %add3A_106 : i32
        %lt3A_108 = arith.constant 10 : i32
        %lt3A_109 = arith.cmpi slt, %add3A_107, %lt3A_108 : i32
        %and3A = arith.andi %eq3A_105, %lt3A_109 : i1
        %convert_element_type3A_110 = arith.extui %and3A : i1 to i32
        %cond3A_111 = arith.constant 0 : i32
        %cond3A_112 = arith.cmpi ne, %convert_element_type3A_110, %cond3A_111 : i32
        scf.if %cond3A_112 {
          %add3A_129 = arith.constant 1 : i32
          %add3A_130 = arith.addi %add3A_57, %add3A_129 : i32
          %dma_wait3A_131 = arith.constant 0 : i32
          %dma_wait3A_132 = arith.constant 0 : i32
          %dma_wait3A_133 = arith.constant 0 : i32
          %dma_wait3A_134 = arith.constant 0 : i32
          %dma_wait3A_135 = arith.constant 0 : i32
          %dma_wait3A_136 = tpu.memref_slice %arg3[%arg0, %dma_wait3A_131, %dma_wait3A_132, %dma_wait3A_133, %dma_wait3A_134, %dma_wait3A_135] : memref<2x16x10x8x2x128xi32, #tpu.memory_space<hbm>> -> memref<1x16x10x8x2x128xi32, #tpu.memory_space<hbm>>
          %dma_wait3A_137 = tpu.memref_squeeze %dma_wait3A_136 : memref<1x16x10x8x2x128xi32, #tpu.memory_space<hbm>> -> memref<16x10x8x2x128xi32, #tpu.memory_space<hbm>>
          %dma_wait3A_138 = arith.constant 0 : i32
          %dma_wait3A_139 = arith.constant 0 : i32
          %dma_wait3A_140 = arith.constant 0 : i32
          %dma_wait3A_141 = arith.constant 0 : i32
          %dma_wait3A_142 = tpu.memref_slice %dma_wait3A_137[%arg1, %dma_wait3A_138, %dma_wait3A_139, %dma_wait3A_140, %dma_wait3A_141] : memref<16x10x8x2x128xi32, #tpu.memory_space<hbm>> -> memref<1x10x8x2x128xi32, #tpu.memory_space<hbm>>
          %dma_wait3A_143 = tpu.memref_squeeze %dma_wait3A_142 : memref<1x10x8x2x128xi32, #tpu.memory_space<hbm>> -> memref<10x8x2x128xi32, #tpu.memory_space<hbm>>
          %dma_wait3A_144 = arith.constant 0 : i32
          %dma_wait3A_145 = arith.constant 0 : i32
          %dma_wait3A_146 = arith.constant 0 : i32
          %dma_wait3A_147 = tpu.memref_slice %dma_wait3A_143[%add3A_130, %dma_wait3A_144, %dma_wait3A_145, %dma_wait3A_146] : memref<10x8x2x128xi32, #tpu.memory_space<hbm>> -> memref<1x8x2x128xi32, #tpu.memory_space<hbm>>
          %dma_wait3A_148 = tpu.memref_squeeze %dma_wait3A_147 : memref<1x8x2x128xi32, #tpu.memory_space<hbm>> -> memref<8x2x128xi32, #tpu.memory_space<hbm>>
          %dma_wait3A_149 = arith.constant 0 : i32
          %dma_wait3A_150 = arith.constant 0 : i32
          %dma_wait3A_151 = arith.constant 0 : i32
          %dma_wait3A_152 = arith.constant 0 : i32
          %dma_wait3A_153 = arith.constant 0 : i32
          %dma_wait3A_154 = tpu.memref_slice %arg3[%arg0, %dma_wait3A_149, %dma_wait3A_150, %dma_wait3A_151, %dma_wait3A_152, %dma_wait3A_153] : memref<2x16x10x8x2x128xi32, #tpu.memory_space<hbm>> -> memref<1x16x10x8x2x128xi32, #tpu.memory_space<hbm>>
          %dma_wait3A_155 = tpu.memref_squeeze %dma_wait3A_154 : memref<1x16x10x8x2x128xi32, #tpu.memory_space<hbm>> -> memref<16x10x8x2x128xi32, #tpu.memory_space<hbm>>
          %dma_wait3A_156 = arith.constant 0 : i32
          %dma_wait3A_157 = arith.constant 0 : i32
          %dma_wait3A_158 = arith.constant 0 : i32
          %dma_wait3A_159 = arith.constant 0 : i32
          %dma_wait3A_160 = tpu.memref_slice %dma_wait3A_155[%arg1, %dma_wait3A_156, %dma_wait3A_157, %dma_wait3A_158, %dma_wait3A_159] : memref<16x10x8x2x128xi32, #tpu.memory_space<hbm>> -> memref<1x10x8x2x128xi32, #tpu.memory_space<hbm>>
          %dma_wait3A_161 = tpu.memref_squeeze %dma_wait3A_160 : memref<1x10x8x2x128xi32, #tpu.memory_space<hbm>> -> memref<10x8x2x128xi32, #tpu.memory_space<hbm>>
          %dma_wait3A_162 = arith.constant 0 : i32
          %dma_wait3A_163 = arith.constant 0 : i32
          %dma_wait3A_164 = arith.constant 0 : i32
          %dma_wait3A_165 = tpu.memref_slice %dma_wait3A_161[%add3A_130, %dma_wait3A_162, %dma_wait3A_163, %dma_wait3A_164] : memref<10x8x2x128xi32, #tpu.memory_space<hbm>> -> memref<1x8x2x128xi32, #tpu.memory_space<hbm>>
          %dma_wait3A_166 = tpu.memref_squeeze %dma_wait3A_165 : memref<1x8x2x128xi32, #tpu.memory_space<hbm>> -> memref<8x2x128xi32, #tpu.memory_space<hbm>>
          tpu.wait_dma2 semaphore(%arg13 : memref<!tpu.dma_semaphore, #tpu.memory_space<semaphore_mem>>) src(%dma_wait3A_166 : memref<8x2x128xi32, #tpu.memory_space<hbm>>) dst(%arg5 : memref<8x2x128xi32, #tpu.memory_space<vmem>>)
          %dma_start3A_167 = arith.constant 0 : i32
          %dma_start3A_168 = arith.constant 0 : i32
          %dma_start3A_169 = arith.constant 0 : i32
          %dma_start3A_170 = arith.constant 0 : i32
          %dma_start3A_171 = tpu.memref_slice %arg5[%dma_start3A_167, %dma_start3A_169, %dma_start3A_170] : memref<8x2x128xi32, #tpu.memory_space<vmem>> -> memref<1x2x128xi32, #tpu.memory_space<vmem>>
          %dma_start3A_172 = tpu.memref_squeeze %dma_start3A_171 : memref<1x2x128xi32, #tpu.memory_space<vmem>> -> memref<2x128xi32, #tpu.memory_space<vmem>>
          %dma_start3A_173 = arith.constant 0 : i32
          %dma_start3A_174 = tpu.memref_slice %dma_start3A_172[%dma_start3A_168, %dma_start3A_173] : memref<2x128xi32, #tpu.memory_space<vmem>> -> memref<1x128xi32, #tpu.memory_space<vmem>>
          %dma_start3A_175 = tpu.memref_squeeze %dma_start3A_174 : memref<1x128xi32, #tpu.memory_space<vmem>> -> memref<128xi32, #tpu.memory_space<vmem>>
          %dma_start3A_176 = arith.constant 0 : i32
          %dma_start3A_177 = arith.constant 0 : i32
          %dma_start3A_178 = tpu.memref_slice %arg2[%dma_start3A_176, %dma_start3A_177] : memref<10000x128xf32, #tpu.memory_space<hbm>> -> memref<10000x128xf32, #tpu.memory_space<hbm>>
          tpu.enqueue_indirect_dma source(%dma_start3A_178 : memref<10000x128xf32, #tpu.memory_space<hbm>>) target(%arg7 : memref<128x128xf32, #tpu.memory_space<vmem>>) offsets(%dma_start3A_175 : memref<128xi32, #tpu.memory_space<vmem>>) semaphore(%arg11 : memref<!tpu.dma_semaphore, #tpu.memory_space<semaphore_mem>>)
        } else {
        }
        %add3A_113 = arith.constant 1 : i32
        %add3A_114 = arith.addi %add3A_74, %add3A_113 : i32
        %dma_wait3A_115 = arith.constant 0 : i32
        %dma_wait3A_116 = arith.constant 0 : i32
        %dma_wait3A_117 = arith.constant 0 : i32
        %dma_wait3A_118 = tpu.memref_slice %arg6[%add3A_114, %dma_wait3A_116, %dma_wait3A_117] : memref<8x2x128xi32, #tpu.memory_space<vmem>> -> memref<1x2x128xi32, #tpu.memory_space<vmem>>
        %dma_wait3A_119 = tpu.memref_squeeze %dma_wait3A_118 : memref<1x2x128xi32, #tpu.memory_space<vmem>> -> memref<2x128xi32, #tpu.memory_space<vmem>>
        %dma_wait3A_120 = arith.constant 0 : i32
        %dma_wait3A_121 = tpu.memref_slice %dma_wait3A_119[%dma_wait3A_115, %dma_wait3A_120] : memref<2x128xi32, #tpu.memory_space<vmem>> -> memref<1x128xi32, #tpu.memory_space<vmem>>
        %dma_wait3A_122 = tpu.memref_squeeze %dma_wait3A_121 : memref<1x128xi32, #tpu.memory_space<vmem>> -> memref<128xi32, #tpu.memory_space<vmem>>
        %dma_wait3A_123 = arith.constant 0 : i32
        %dma_wait3A_124 = arith.constant 0 : i32
        %dma_wait3A_125 = tpu.memref_slice %arg2[%dma_wait3A_123, %dma_wait3A_124] : memref<10000x128xf32, #tpu.memory_space<hbm>> -> memref<10000x128xf32, #tpu.memory_space<hbm>>
        tpu.wait_indirect_dma semaphore(%arg12 : memref<!tpu.dma_semaphore, #tpu.memory_space<semaphore_mem>>) src(%dma_wait3A_125 : memref<10000x128xf32, #tpu.memory_space<hbm>>) dst(%arg8 : memref<128x128xf32, #tpu.memory_space<vmem>>)
        %add3A_126 = arith.constant 1 : i32
        %add3A_127 = arith.addi %add3A_74, %add3A_126 : i32
        %run_scoped3A_128 = arith.constant 1 : i32
        "tpu.region"() ({
          %run_scoped3A_129 = tpu.sem_alloc : memref<!tpu.dma_semaphore, #tpu.memory_space<semaphore_mem>>
          %dma_start3A_130 = arith.constant 0 : i32
          %dma_start3A_131 = arith.constant 0 : i32
          %dma_start3A_132 = tpu.memref_slice %arg6[%add3A_127, %dma_start3A_130, %dma_start3A_131] : memref<8x2x128xi32, #tpu.memory_space<vmem>> -> memref<1x2x128xi32, #tpu.memory_space<vmem>>
          %dma_start3A_133 = tpu.memref_squeeze %dma_start3A_132 : memref<1x2x128xi32, #tpu.memory_space<vmem>> -> memref<2x128xi32, #tpu.memory_space<vmem>>
          %dma_start3A_134 = arith.constant 0 : i32
          %dma_start3A_135 = tpu.memref_slice %dma_start3A_133[%run_scoped3A_128, %dma_start3A_134] : memref<2x128xi32, #tpu.memory_space<vmem>> -> memref<1x128xi32, #tpu.memory_space<vmem>>
          %dma_start3A_136 = tpu.memref_squeeze %dma_start3A_135 : memref<1x128xi32, #tpu.memory_space<vmem>> -> memref<128xi32, #tpu.memory_space<vmem>>
          %dma_start3A_137 = arith.constant 0 : i32
          %dma_start3A_138 = arith.constant 0 : i32
          %dma_start3A_139 = tpu.memref_slice %arg10[%dma_start3A_137, %dma_start3A_138] : memref<10016x128xf32, #tpu.memory_space<vmem_shared>> -> memref<10016x128xf32, #tpu.memory_space<vmem_shared>>
          tpu.enqueue_indirect_dma source(%arg8 : memref<128x128xf32, #tpu.memory_space<vmem>>) target(%dma_start3A_139 : memref<10016x128xf32, #tpu.memory_space<vmem_shared>>) offsets(%dma_start3A_136 : memref<128xi32, #tpu.memory_space<vmem>>) semaphore(%run_scoped3A_129 : memref<!tpu.dma_semaphore, #tpu.memory_space<semaphore_mem>>) {add = true}
          %dma_wait3A_140 = arith.constant 0 : i32
          %dma_wait3A_141 = arith.constant 0 : i32
          %dma_wait3A_142 = tpu.memref_slice %arg6[%add3A_127, %dma_wait3A_140, %dma_wait3A_141] : memref<8x2x128xi32, #tpu.memory_space<vmem>> -> memref<1x2x128xi32, #tpu.memory_space<vmem>>
          %dma_wait3A_143 = tpu.memref_squeeze %dma_wait3A_142 : memref<1x2x128xi32, #tpu.memory_space<vmem>> -> memref<2x128xi32, #tpu.memory_space<vmem>>
          %dma_wait3A_144 = arith.constant 0 : i32
          %dma_wait3A_145 = tpu.memref_slice %dma_wait3A_143[%run_scoped3A_128, %dma_wait3A_144] : memref<2x128xi32, #tpu.memory_space<vmem>> -> memref<1x128xi32, #tpu.memory_space<vmem>>
          %dma_wait3A_146 = tpu.memref_squeeze %dma_wait3A_145 : memref<1x128xi32, #tpu.memory_space<vmem>> -> memref<128xi32, #tpu.memory_space<vmem>>
          %dma_wait3A_147 = arith.constant 0 : i32
          %dma_wait3A_148 = arith.constant 0 : i32
          %dma_wait3A_149 = tpu.memref_slice %arg10[%dma_wait3A_147, %dma_wait3A_148] : memref<10016x128xf32, #tpu.memory_space<vmem_shared>> -> memref<10016x128xf32, #tpu.memory_space<vmem_shared>>
          tpu.wait_indirect_dma semaphore(%run_scoped3A_129 : memref<!tpu.dma_semaphore, #tpu.memory_space<semaphore_mem>>) src(%arg8 : memref<128x128xf32, #tpu.memory_space<vmem>>) dst(%dma_wait3A_149 : memref<10016x128xf32, #tpu.memory_space<vmem_shared>>)
          tpu.yield
        }) : () -> ()
      }
      %scan3A_69 = arith.constant 4 : i32
    }
    %scan3A_27 = arith.constant 5 : i32
    %barrier3A_28 = arith.constant 0 : index
    tpu.barrier barrier_id(%barrier3A_28)
    %lt3A = arith.constant 15 : i32
    %lt3A_29 = arith.cmpi slt, %arg1, %lt3A : i32
    %convert_element_type3A_30 = arith.extui %lt3A_29 : i1 to i32
    %cond3A_31 = arith.constant 0 : i32
    %cond3A_32 = arith.cmpi ne, %convert_element_type3A_30, %cond3A_31 : i32
    scf.if %cond3A_32 {
      "tpu.region"() ({
        %run_scoped3A_38 = tpu.sem_alloc : memref<!tpu.dma_semaphore, #tpu.memory_space<semaphore_mem>>
        %dma_start3A_39 = arith.constant 0 : i32
        %dma_start3A_40 = arith.constant 0 : i32
        %dma_start3A_41 = tpu.memref_slice %arg4[%arg0, %dma_start3A_39, %dma_start3A_40] : memref<2x10000x128xf32, #tpu.memory_space<hbm>> -> memref<1x10000x128xf32, #tpu.memory_space<hbm>>
        %dma_start3A_42 = tpu.memref_squeeze %dma_start3A_41 : memref<1x10000x128xf32, #tpu.memory_space<hbm>> -> memref<10000x128xf32, #tpu.memory_space<hbm>>
        %dma_start3A_43 = arith.constant 0 : i32
        %dma_start3A_44 = tpu.memref_slice %dma_start3A_42[%mul3A_4, %dma_start3A_43] : memref<10000x128xf32, #tpu.memory_space<hbm>> -> memref<624x128xf32, #tpu.memory_space<hbm>>
        %dma_start3A_45 = arith.constant 0 : i32
        %dma_start3A_46 = tpu.memref_slice %arg10[%mul3A_4, %dma_start3A_45] : memref<10016x128xf32, #tpu.memory_space<vmem_shared>> -> memref<624x128xf32, #tpu.memory_space<vmem_shared>>
        tpu.enqueue_dma source(%dma_start3A_46 : memref<624x128xf32, #tpu.memory_space<vmem_shared>>) target(%dma_start3A_44 : memref<624x128xf32, #tpu.memory_space<hbm>>) target_semaphore(%run_scoped3A_38 : memref<!tpu.dma_semaphore, #tpu.memory_space<semaphore_mem>>)
        %dma_wait3A = arith.constant 0 : i32
        %dma_wait3A_47 = arith.constant 0 : i32
        %dma_wait3A_48 = tpu.memref_slice %arg4[%arg0, %dma_wait3A, %dma_wait3A_47] : memref<2x10000x128xf32, #tpu.memory_space<hbm>> -> memref<1x10000x128xf32, #tpu.memory_space<hbm>>
        %dma_wait3A_49 = tpu.memref_squeeze %dma_wait3A_48 : memref<1x10000x128xf32, #tpu.memory_space<hbm>> -> memref<10000x128xf32, #tpu.memory_space<hbm>>
        %dma_wait3A_50 = arith.constant 0 : i32
        %dma_wait3A_51 = tpu.memref_slice %dma_wait3A_49[%mul3A_4, %dma_wait3A_50] : memref<10000x128xf32, #tpu.memory_space<hbm>> -> memref<624x128xf32, #tpu.memory_space<hbm>>
        %dma_wait3A_52 = arith.constant 0 : i32
        %dma_wait3A_53 = tpu.memref_slice %arg10[%mul3A_4, %dma_wait3A_52] : memref<10016x128xf32, #tpu.memory_space<vmem_shared>> -> memref<624x128xf32, #tpu.memory_space<vmem_shared>>
        tpu.wait_dma2 semaphore(%run_scoped3A_38 : memref<!tpu.dma_semaphore, #tpu.memory_space<semaphore_mem>>) src(%dma_wait3A_53 : memref<624x128xf32, #tpu.memory_space<vmem_shared>>) dst(%dma_wait3A_51 : memref<624x128xf32, #tpu.memory_space<hbm>>)
        tpu.yield
      }) : () -> ()
    } else {
    }
    %eq3A_33 = arith.constant 15 : i32
    %eq3A_34 = arith.cmpi eq, %arg1, %eq3A_33 : i32
    %convert_element_type3A_35 = arith.extui %eq3A_34 : i1 to i32
    %cond3A_36 = arith.constant 0 : i32
    %cond3A_37 = arith.cmpi ne, %convert_element_type3A_35, %cond3A_36 : i32
    scf.if %cond3A_37 {
      "tpu.region"() ({
        %run_scoped3A_38 = tpu.sem_alloc : memref<!tpu.dma_semaphore, #tpu.memory_space<semaphore_mem>>
        %dma_start3A_39 = arith.constant 0 : i32
        %dma_start3A_40 = arith.constant 0 : i32
        %dma_start3A_41 = tpu.memref_slice %arg4[%arg0, %dma_start3A_39, %dma_start3A_40] : memref<2x10000x128xf32, #tpu.memory_space<hbm>> -> memref<1x10000x128xf32, #tpu.memory_space<hbm>>
        %dma_start3A_42 = tpu.memref_squeeze %dma_start3A_41 : memref<1x10000x128xf32, #tpu.memory_space<hbm>> -> memref<10000x128xf32, #tpu.memory_space<hbm>>
        %dma_start3A_43 = arith.constant 0 : i32
        %dma_start3A_44 = tpu.memref_slice %dma_start3A_42[%mul3A_4, %dma_start3A_43] : memref<10000x128xf32, #tpu.memory_space<hbm>> -> memref<640x128xf32, #tpu.memory_space<hbm>>
        %dma_start3A_45 = arith.constant 0 : i32
        %dma_start3A_46 = tpu.memref_slice %arg10[%mul3A_4, %dma_start3A_45] : memref<10016x128xf32, #tpu.memory_space<vmem_shared>> -> memref<640x128xf32, #tpu.memory_space<vmem_shared>>
        tpu.enqueue_dma source(%dma_start3A_46 : memref<640x128xf32, #tpu.memory_space<vmem_shared>>) target(%dma_start3A_44 : memref<640x128xf32, #tpu.memory_space<hbm>>) target_semaphore(%run_scoped3A_38 : memref<!tpu.dma_semaphore, #tpu.memory_space<semaphore_mem>>)
        %dma_wait3A = arith.constant 0 : i32
        %dma_wait3A_47 = arith.constant 0 : i32
        %dma_wait3A_48 = tpu.memref_slice %arg4[%arg0, %dma_wait3A, %dma_wait3A_47] : memref<2x10000x128xf32, #tpu.memory_space<hbm>> -> memref<1x10000x128xf32, #tpu.memory_space<hbm>>
        %dma_wait3A_49 = tpu.memref_squeeze %dma_wait3A_48 : memref<1x10000x128xf32, #tpu.memory_space<hbm>> -> memref<10000x128xf32, #tpu.memory_space<hbm>>
        %dma_wait3A_50 = arith.constant 0 : i32
        %dma_wait3A_51 = tpu.memref_slice %dma_wait3A_49[%mul3A_4, %dma_wait3A_50] : memref<10000x128xf32, #tpu.memory_space<hbm>> -> memref<640x128xf32, #tpu.memory_space<hbm>>
        %dma_wait3A_52 = arith.constant 0 : i32
        %dma_wait3A_53 = tpu.memref_slice %arg10[%mul3A_4, %dma_wait3A_52] : memref<10016x128xf32, #tpu.memory_space<vmem_shared>> -> memref<640x128xf32, #tpu.memory_space<vmem_shared>>
        tpu.wait_dma2 semaphore(%run_scoped3A_38 : memref<!tpu.dma_semaphore, #tpu.memory_space<semaphore_mem>>) src(%dma_wait3A_53 : memref<640x128xf32, #tpu.memory_space<vmem_shared>>) dst(%dma_wait3A_51 : memref<640x128xf32, #tpu.memory_space<hbm>>)
        tpu.yield
      }) : () -> ()
    } else {
    }
    return
  }
}

module attributes {stable_mosaic.version = 14 : i64} {
  func.func @_mlp_body(%arg0: i32, %arg1: memref<1000x128xf32, #tpu.memory_space<vmem>>, %arg2: memref<2x1000x128xf32, #tpu.memory_space<vmem>>, %arg3: memref<128x128xf32, #tpu.memory_space<vmem>>, %arg4: memref<1x128xf32, #tpu.memory_space<vmem>>, %arg5: memref<128x128xf32, #tpu.memory_space<vmem>>, %arg6: memref<1x128xf32, #tpu.memory_space<vmem>>, %arg7: memref<1000x128xf32, #tpu.memory_space<vmem>>) attributes {dimension_semantics = [#tpu.dimension_semantics<arbitrary>], iteration_bounds = array<i64: 10>, scalar_prefetch = 0 : i64, scratch_operands = 0 : i64, tpu.core_type = #tpu.core_type<tc>, window_params = [{transform_indices = @transform_0, window_bounds = array<i64: 1000, 128>}, {transform_indices = @transform_1, window_bounds = array<i64: 2, 1000, 128>}, {pipeline_mode = #tpu.pipeline_mode<synchronous>, transform_indices = @transform_2, window_bounds = array<i64: 128, 128>}, {pipeline_mode = #tpu.pipeline_mode<synchronous>, transform_indices = @transform_3, window_bounds = array<i64: 1, 128>}, {pipeline_mode = #tpu.pipeline_mode<synchronous>, transform_indices = @transform_4, window_bounds = array<i64: 128, 128>}, {pipeline_mode = #tpu.pipeline_mode<synchronous>, transform_indices = @transform_5, window_bounds = array<i64: 1, 128>}, {transform_indices = @transform_6, window_bounds = array<i64: 1000, 128>}]} {
    %get3A = arith.constant 0 : index
    %get3A_0 = arith.constant 0 : index
    %get3A_1 = vector.load %arg1[%get3A, %get3A_0] : memref<1000x128xf32, #tpu.memory_space<vmem>>, vector<1000x128xf32>
    %get3A_2 = arith.constant 0 : index
    %get3A_3 = arith.constant 0 : index
    %get3A_4 = arith.constant 0 : index
    %get3A_5 = vector.load %arg2[%get3A_2, %get3A_3, %get3A_4] : memref<2x1000x128xf32, #tpu.memory_space<vmem>>, vector<1x1000x128xf32>
    %get3A_6 = vector.shape_cast %get3A_5 : vector<1x1000x128xf32> to vector<1000x128xf32>
    %add3A = arith.addf %get3A_1, %get3A_6 : vector<1000x128xf32>
    %get3A_7 = arith.constant 1 : index
    %get3A_8 = arith.constant 0 : index
    %get3A_9 = arith.constant 0 : index
    %get3A_10 = vector.load %arg2[%get3A_7, %get3A_8, %get3A_9] : memref<2x1000x128xf32, #tpu.memory_space<vmem>>, vector<1x1000x128xf32>
    %get3A_11 = vector.shape_cast %get3A_10 : vector<1x1000x128xf32> to vector<1000x128xf32>
    %add3A_12 = arith.addf %add3A, %get3A_11 : vector<1000x128xf32>
    %get3A_13 = arith.constant 0 : index
    %get3A_14 = arith.constant 0 : index
    %get3A_15 = vector.load %arg3[%get3A_13, %get3A_14] : memref<128x128xf32, #tpu.memory_space<vmem>>, vector<128x128xf32>
    %dot_general3A = arith.constant dense<0.000000e+00> : vector<1000x128xf32>
    %dot_general3A_16 = tpu.matmul %add3A_12, %get3A_15, %dot_general3A {dimension_numbers = #tpu.dot_dimension_numbers<[1], [1], [0], [0], [0, 0, 1, 0], [], []>, transpose_lhs_hint = false} : vector<1000x128xf32>, vector<128x128xf32>, vector<1000x128xf32> -> vector<1000x128xf32>
    %get3A_17 = arith.constant 0 : index
    %get3A_18 = arith.constant 0 : index
    %get3A_19 = vector.load %arg4[%get3A_17, %get3A_18] : memref<1x128xf32, #tpu.memory_space<vmem>>, vector<1x128xf32>
    %add3A_20 = vector.broadcast %get3A_19 : vector<1x128xf32> to vector<1000x128xf32>
    %add3A_21 = arith.addf %dot_general3A_16, %add3A_20 : vector<1000x128xf32>
    %max3A = arith.constant 0.000000e+00 : f32
    %max3A_22 = vector.broadcast %max3A : f32 to vector<1000x128xf32>
    %max3A_23 = arith.maximumf %add3A_21, %max3A_22 : vector<1000x128xf32>
    %get3A_24 = arith.constant 0 : index
    %get3A_25 = arith.constant 0 : index
    %get3A_26 = vector.load %arg5[%get3A_24, %get3A_25] : memref<128x128xf32, #tpu.memory_space<vmem>>, vector<128x128xf32>
    %dot_general3A_27 = arith.constant dense<0.000000e+00> : vector<1000x128xf32>
    %dot_general3A_28 = tpu.matmul %max3A_23, %get3A_26, %dot_general3A_27 {dimension_numbers = #tpu.dot_dimension_numbers<[1], [1], [0], [0], [0, 0, 1, 0], [], []>, transpose_lhs_hint = false} : vector<1000x128xf32>, vector<128x128xf32>, vector<1000x128xf32> -> vector<1000x128xf32>
    %get3A_29 = arith.constant 0 : index
    %get3A_30 = arith.constant 0 : index
    %get3A_31 = vector.load %arg6[%get3A_29, %get3A_30] : memref<1x128xf32, #tpu.memory_space<vmem>>, vector<1x128xf32>
    %add3A_32 = vector.broadcast %get3A_31 : vector<1x128xf32> to vector<1000x128xf32>
    %add3A_33 = arith.addf %dot_general3A_28, %add3A_32 : vector<1000x128xf32>
    %max3A_34 = arith.constant 0.000000e+00 : f32
    %max3A_35 = vector.broadcast %max3A_34 : f32 to vector<1000x128xf32>
    %max3A_36 = arith.maximumf %add3A_33, %max3A_35 : vector<1000x128xf32>
    %swap3A = arith.constant 0 : index
    %swap3A_37 = arith.constant 0 : index
    %swap3A_38 = vector.load %arg7[%swap3A, %swap3A_37] : memref<1000x128xf32, #tpu.memory_space<vmem>>, vector<1000x128xf32>
    tpu.vector_store %arg7[%swap3A, %swap3A_37], %max3A_36 {strides = array<i32>} : memref<1000x128xf32, #tpu.memory_space<vmem>>, vector<1000x128xf32>,
    return
  }
  func.func @transform_0(%arg0: i32) -> (i32, i32) {
    %c0_i32 = arith.constant 0 : i32
    %c0_i32_0 = arith.constant 0 : i32
    return %arg0, %c0_i32 : i32, i32
  }
  func.func @transform_1(%arg0: i32) -> (i32, i32, i32) {
    %c0_i32 = arith.constant 0 : i32
    %c0_i32_0 = arith.constant 0 : i32
    %c0_i32_1 = arith.constant 0 : i32
    return %c0_i32, %arg0, %c0_i32_0 : i32, i32, i32
  }
  func.func @transform_2(%arg0: i32) -> (i32, i32) {
    %c0_i32 = arith.constant 0 : i32
    %c0_i32_0 = arith.constant 0 : i32
    %c0_i32_1 = arith.constant 0 : i32
    return %c0_i32, %c0_i32_0 : i32, i32
  }
  func.func @transform_3(%arg0: i32) -> (i32, i32) {
    %c0_i32 = arith.constant 0 : i32
    %c0_i32_0 = arith.constant 0 : i32
    %c0_i32_1 = arith.constant 0 : i32
    return %c0_i32, %c0_i32_0 : i32, i32
  }
  func.func @transform_4(%arg0: i32) -> (i32, i32) {
    %c0_i32 = arith.constant 0 : i32
    %c0_i32_0 = arith.constant 0 : i32
    %c0_i32_1 = arith.constant 0 : i32
    return %c0_i32, %c0_i32_0 : i32, i32
  }
  func.func @transform_5(%arg0: i32) -> (i32, i32) {
    %c0_i32 = arith.constant 0 : i32
    %c0_i32_0 = arith.constant 0 : i32
    %c0_i32_1 = arith.constant 0 : i32
    return %c0_i32, %c0_i32_0 : i32, i32
  }
  func.func @transform_6(%arg0: i32) -> (i32, i32) {
    %c0_i32 = arith.constant 0 : i32
    %c0_i32_0 = arith.constant 0 : i32
    return %arg0, %c0_i32 : i32, i32
  }
}

module attributes {stable_mosaic.version = 14 : i64} {
  func.func @_mlp_body(%arg0: i32, %arg1: memref<1000x128xf32, #tpu.memory_space<vmem>>, %arg2: memref<2x1000x128xf32, #tpu.memory_space<vmem>>, %arg3: memref<128x128xf32, #tpu.memory_space<vmem>>, %arg4: memref<1x128xf32, #tpu.memory_space<vmem>>, %arg5: memref<128x128xf32, #tpu.memory_space<vmem>>, %arg6: memref<1x128xf32, #tpu.memory_space<vmem>>, %arg7: memref<1000x128xf32, #tpu.memory_space<vmem>>) attributes {dimension_semantics = [#tpu.dimension_semantics<arbitrary>], iteration_bounds = array<i64: 10>, scalar_prefetch = 0 : i64, scratch_operands = 0 : i64, tpu.core_type = #tpu.core_type<tc>, window_params = [{transform_indices = @transform_0, window_bounds = array<i64: 1000, 128>}, {transform_indices = @transform_1, window_bounds = array<i64: 2, 1000, 128>}, {pipeline_mode = #tpu.pipeline_mode<synchronous>, transform_indices = @transform_2, window_bounds = array<i64: 128, 128>}, {pipeline_mode = #tpu.pipeline_mode<synchronous>, transform_indices = @transform_3, window_bounds = array<i64: 1, 128>}, {pipeline_mode = #tpu.pipeline_mode<synchronous>, transform_indices = @transform_4, window_bounds = array<i64: 128, 128>}, {pipeline_mode = #tpu.pipeline_mode<synchronous>, transform_indices = @transform_5, window_bounds = array<i64: 1, 128>}, {transform_indices = @transform_6, window_bounds = array<i64: 1000, 128>}]} {
    %get3A = arith.constant 0 : index
    %get3A_0 = arith.constant 0 : index
    %get3A_1 = vector.load %arg1[%get3A, %get3A_0] : memref<1000x128xf32, #tpu.memory_space<vmem>>, vector<1000x128xf32>
    %get3A_2 = arith.constant 0 : index
    %get3A_3 = arith.constant 0 : index
    %get3A_4 = arith.constant 0 : index
    %get3A_5 = vector.load %arg2[%get3A_2, %get3A_3, %get3A_4] : memref<2x1000x128xf32, #tpu.memory_space<vmem>>, vector<1x1000x128xf32>
    %get3A_6 = vector.shape_cast %get3A_5 : vector<1x1000x128xf32> to vector<1000x128xf32>
    %add3A = arith.addf %get3A_1, %get3A_6 : vector<1000x128xf32>
    %get3A_7 = arith.constant 1 : index
    %get3A_8 = arith.constant 0 : index
    %get3A_9 = arith.constant 0 : index
    %get3A_10 = vector.load %arg2[%get3A_7, %get3A_8, %get3A_9] : memref<2x1000x128xf32, #tpu.memory_space<vmem>>, vector<1x1000x128xf32>
    %get3A_11 = vector.shape_cast %get3A_10 : vector<1x1000x128xf32> to vector<1000x128xf32>
    %add3A_12 = arith.addf %add3A, %get3A_11 : vector<1000x128xf32>
    %get3A_13 = arith.constant 0 : index
    %get3A_14 = arith.constant 0 : index
    %get3A_15 = vector.load %arg3[%get3A_13, %get3A_14] : memref<128x128xf32, #tpu.memory_space<vmem>>, vector<128x128xf32>
    %dot_general3A = arith.constant dense<0.000000e+00> : vector<1000x128xf32>
    %dot_general3A_16 = tpu.matmul %add3A_12, %get3A_15, %dot_general3A {dimension_numbers = #tpu.dot_dimension_numbers<[1], [1], [0], [0], [0, 0, 1, 0], [], []>, transpose_lhs_hint = false} : vector<1000x128xf32>, vector<128x128xf32>, vector<1000x128xf32> -> vector<1000x128xf32>
    %get3A_17 = arith.constant 0 : index
    %get3A_18 = arith.constant 0 : index
    %get3A_19 = vector.load %arg4[%get3A_17, %get3A_18] : memref<1x128xf32, #tpu.memory_space<vmem>>, vector<1x128xf32>
    %add3A_20 = vector.broadcast %get3A_19 : vector<1x128xf32> to vector<1000x128xf32>
    %add3A_21 = arith.addf %dot_general3A_16, %add3A_20 : vector<1000x128xf32>
    %max3A = arith.constant 0.000000e+00 : f32
    %max3A_22 = vector.broadcast %max3A : f32 to vector<1000x128xf32>
    %max3A_23 = arith.maximumf %add3A_21, %max3A_22 : vector<1000x128xf32>
    %get3A_24 = arith.constant 0 : index
    %get3A_25 = arith.constant 0 : index
    %get3A_26 = vector.load %arg5[%get3A_24, %get3A_25] : memref<128x128xf32, #tpu.memory_space<vmem>>, vector<128x128xf32>
    %dot_general3A_27 = arith.constant dense<0.000000e+00> : vector<1000x128xf32>
    %dot_general3A_28 = tpu.matmul %max3A_23, %get3A_26, %dot_general3A_27 {dimension_numbers = #tpu.dot_dimension_numbers<[1], [1], [0], [0], [0, 0, 1, 0], [], []>, transpose_lhs_hint = false} : vector<1000x128xf32>, vector<128x128xf32>, vector<1000x128xf32> -> vector<1000x128xf32>
    %get3A_29 = arith.constant 0 : index
    %get3A_30 = arith.constant 0 : index
    %get3A_31 = vector.load %arg6[%get3A_29, %get3A_30] : memref<1x128xf32, #tpu.memory_space<vmem>>, vector<1x128xf32>
    %add3A_32 = vector.broadcast %get3A_31 : vector<1x128xf32> to vector<1000x128xf32>
    %add3A_33 = arith.addf %dot_general3A_28, %add3A_32 : vector<1000x128xf32>
    %swap3A = arith.constant 0 : index
    %swap3A_34 = arith.constant 0 : index
    %swap3A_35 = vector.load %arg7[%swap3A, %swap3A_34] : memref<1000x128xf32, #tpu.memory_space<vmem>>, vector<1000x128xf32>
    tpu.vector_store %arg7[%swap3A, %swap3A_34], %add3A_33 {strides = array<i32>} : memref<1000x128xf32, #tpu.memory_space<vmem>>, vector<1000x128xf32>,
    return
  }
  func.func @transform_0(%arg0: i32) -> (i32, i32) {
    %c0_i32 = arith.constant 0 : i32
    %c0_i32_0 = arith.constant 0 : i32
    return %arg0, %c0_i32 : i32, i32
  }
  func.func @transform_1(%arg0: i32) -> (i32, i32, i32) {
    %c0_i32 = arith.constant 0 : i32
    %c0_i32_0 = arith.constant 0 : i32
    %c0_i32_1 = arith.constant 0 : i32
    return %c0_i32, %arg0, %c0_i32_0 : i32, i32, i32
  }
  func.func @transform_2(%arg0: i32) -> (i32, i32) {
    %c0_i32 = arith.constant 0 : i32
    %c0_i32_0 = arith.constant 0 : i32
    %c0_i32_1 = arith.constant 0 : i32
    return %c0_i32, %c0_i32_0 : i32, i32
  }
  func.func @transform_3(%arg0: i32) -> (i32, i32) {
    %c0_i32 = arith.constant 0 : i32
    %c0_i32_0 = arith.constant 0 : i32
    %c0_i32_1 = arith.constant 0 : i32
    return %c0_i32, %c0_i32_0 : i32, i32
  }
  func.func @transform_4(%arg0: i32) -> (i32, i32) {
    %c0_i32 = arith.constant 0 : i32
    %c0_i32_0 = arith.constant 0 : i32
    %c0_i32_1 = arith.constant 0 : i32
    return %c0_i32, %c0_i32_0 : i32, i32
  }
  func.func @transform_5(%arg0: i32) -> (i32, i32) {
    %c0_i32 = arith.constant 0 : i32
    %c0_i32_0 = arith.constant 0 : i32
    %c0_i32_1 = arith.constant 0 : i32
    return %c0_i32, %c0_i32_0 : i32, i32
  }
  func.func @transform_6(%arg0: i32) -> (i32, i32) {
    %c0_i32 = arith.constant 0 : i32
    %c0_i32_0 = arith.constant 0 : i32
    return %arg0, %c0_i32 : i32, i32
  }
}

module attributes {stable_mosaic.version = 14 : i64} {
  func.func @_pool_body(%arg0: i32, %arg1: memref<1x1x1000xi32, #tpu.memory_space<vmem>>, %arg2: memref<1000x128xf32, #tpu.memory_space<vmem>>, %arg3: memref<10x128xf32, #tpu.memory_space<vmem>>, %arg4: memref<1x10xf32, #tpu.memory_space<vmem>>, %arg5: memref<64x10xf32, #tpu.memory_space<vmem>>, %arg6: memref<64x128xf32, #tpu.memory_space<vmem>>, %arg7: memref<64x1xf32, #tpu.memory_space<vmem>>) attributes {dimension_semantics = [#tpu.dimension_semantics<arbitrary>], iteration_bounds = array<i64: 10>, scalar_prefetch = 0 : i64, scratch_operands = 2 : i64, tpu.core_type = #tpu.core_type<tc>, window_params = [{transform_indices = @transform_0, window_bounds = array<i64: 1, 1, 1000>}, {transform_indices = @transform_1, window_bounds = array<i64: 1000, 128>}, {pipeline_mode = #tpu.pipeline_mode<synchronous>, transform_indices = @transform_2, window_bounds = array<i64: 10, 128>}, {pipeline_mode = #tpu.pipeline_mode<synchronous>, transform_indices = @transform_3, window_bounds = array<i64: 1, 10>}, {pipeline_mode = #tpu.pipeline_mode<synchronous>, transform_indices = @transform_4, window_bounds = array<i64: 64, 10>}]} {
    %eq3A = arith.constant 0 : i32
    %eq3A_0 = arith.cmpi eq, %arg0, %eq3A : i32
    %convert_element_type3A = arith.extui %eq3A_0 : i1 to i32
    %cond3A = arith.constant 0 : i32
    %cond3A_1 = arith.cmpi ne, %convert_element_type3A, %cond3A : i32
    scf.if %cond3A_1 {
      %broadcast_in_dim3A_33 = arith.constant 0.000000e+00 : f32
      %broadcast_in_dim3A_34 = vector.broadcast %broadcast_in_dim3A_33 : f32 to vector<64x128xf32>
      %swap3A_35 = arith.constant 0 : index
      %swap3A_36 = arith.constant 0 : index
      %swap3A_37 = vector.load %arg6[%swap3A_35, %swap3A_36] : memref<64x128xf32, #tpu.memory_space<vmem>>, vector<64x128xf32>
      tpu.vector_store %arg6[%swap3A_35, %swap3A_36], %broadcast_in_dim3A_34 {strides = array<i32>} : memref<64x128xf32, #tpu.memory_space<vmem>>, vector<64x128xf32>,
      %broadcast_in_dim3A_38 = arith.constant 0.000000e+00 : f32
      %broadcast_in_dim3A_39 = vector.broadcast %broadcast_in_dim3A_38 : f32 to vector<64x1xf32>
      %swap3A_40 = arith.constant 0 : index
      %swap3A_41 = arith.constant 0 : index
      %swap3A_42 = vector.load %arg7[%swap3A_40, %swap3A_41] : memref<64x1xf32, #tpu.memory_space<vmem>>, vector<64x1xf32>
      tpu.vector_store %arg7[%swap3A_40, %swap3A_41], %broadcast_in_dim3A_39 {strides = array<i32>} : memref<64x1xf32, #tpu.memory_space<vmem>>, vector<64x1xf32>,
    } else {
    }
    %get3A = arith.constant 0 : index
    %get3A_2 = arith.constant 0 : index
    %get3A_3 = arith.constant 0 : index
    %get3A_4 = vector.load %arg1[%get3A, %get3A_2, %get3A_3] : memref<1x1x1000xi32, #tpu.memory_space<vmem>>, vector<1x1x1000xi32>
    %get3A_5 = vector.shape_cast %get3A_4 : vector<1x1x1000xi32> to vector<1x1000xi32>
    %iota3A = tpu.iota {dimensions = array<i32: 0>} : vector<64x1000xi32>
    %eq3A_6 = vector.broadcast %get3A_5 : vector<1x1000xi32> to vector<64x1000xi32>
    %eq3A_7 = arith.cmpi eq, %iota3A, %eq3A_6 : vector<64x1000xi32>
    %jit3A = arith.constant 1.000000e+00 : f32
    %jit3A_8 = arith.constant 0.000000e+00 : f32
    %broadcast_in_dim3A = vector.broadcast %jit3A : f32 to vector<64x1000xf32>
    %broadcast_in_dim3A_9 = vector.broadcast %jit3A_8 : f32 to vector<64x1000xf32>
    %select_n3A = arith.select %eq3A_7, %broadcast_in_dim3A, %broadcast_in_dim3A_9 : vector<64x1000xi1>, vector<64x1000xf32>
    %get3A_10 = arith.constant 0 : index
    %get3A_11 = arith.constant 0 : index
    %get3A_12 = vector.load %arg6[%get3A_10, %get3A_11] : memref<64x128xf32, #tpu.memory_space<vmem>>, vector<64x128xf32>
    %get3A_13 = arith.constant 0 : index
    %get3A_14 = arith.constant 0 : index
    %get3A_15 = vector.load %arg2[%get3A_13, %get3A_14] : memref<1000x128xf32, #tpu.memory_space<vmem>>, vector<1000x128xf32>
    %dot_general3A = arith.constant dense<0.000000e+00> : vector<64x128xf32>
    %dot_general3A_16 = tpu.matmul %select_n3A, %get3A_15, %dot_general3A {dimension_numbers = #tpu.dot_dimension_numbers<[1], [0], [0], [1], [0, 0, 1, 1], [], []>, transpose_lhs_hint = false} : vector<64x1000xf32>, vector<1000x128xf32>, vector<64x128xf32> -> vector<64x128xf32>
    %add3A = arith.addf %get3A_12, %dot_general3A_16 : vector<64x128xf32>
    %swap3A = arith.constant 0 : index
    %swap3A_17 = arith.constant 0 : index
    %swap3A_18 = vector.load %arg6[%swap3A, %swap3A_17] : memref<64x128xf32, #tpu.memory_space<vmem>>, vector<64x128xf32>
    tpu.vector_store %arg6[%swap3A, %swap3A_17], %add3A {strides = array<i32>} : memref<64x128xf32, #tpu.memory_space<vmem>>, vector<64x128xf32>,
    %get3A_19 = arith.constant 0 : index
    %get3A_20 = arith.constant 0 : index
    %get3A_21 = vector.load %arg7[%get3A_19, %get3A_20] : memref<64x1xf32, #tpu.memory_space<vmem>>, vector<64x1xf32>
    %reduce_sum3A = arith.constant dense<0.000000e+00> : vector<64xf32>
    %reduce_sum3A_22 = vector.multi_reduction <add>, %select_n3A, %reduce_sum3A [1] : vector<64x1000xf32> to vector<64xf32>
    %broadcast_in_dim3A_23 = vector.shape_cast %reduce_sum3A_22 : vector<64xf32> to vector<64x1xf32>
    %add3A_24 = arith.addf %get3A_21, %broadcast_in_dim3A_23 : vector<64x1xf32>
    %swap3A_25 = arith.constant 0 : index
    %swap3A_26 = arith.constant 0 : index
    %swap3A_27 = vector.load %arg7[%swap3A_25, %swap3A_26] : memref<64x1xf32, #tpu.memory_space<vmem>>, vector<64x1xf32>
    tpu.vector_store %arg7[%swap3A_25, %swap3A_26], %add3A_24 {strides = array<i32>} : memref<64x1xf32, #tpu.memory_space<vmem>>, vector<64x1xf32>,
    %eq3A_28 = arith.constant 9 : i32
    %eq3A_29 = arith.cmpi eq, %arg0, %eq3A_28 : i32
    %convert_element_type3A_30 = arith.extui %eq3A_29 : i1 to i32
    %cond3A_31 = arith.constant 0 : i32
    %cond3A_32 = arith.cmpi ne, %convert_element_type3A_30, %cond3A_31 : i32
    scf.if %cond3A_32 {
      %get3A_33 = arith.constant 0 : index
      %get3A_34 = arith.constant 0 : index
      %get3A_35 = vector.load %arg6[%get3A_33, %get3A_34] : memref<64x128xf32, #tpu.memory_space<vmem>>, vector<64x128xf32>
      %get3A_36 = arith.constant 0 : index
      %get3A_37 = arith.constant 0 : index
      %get3A_38 = vector.load %arg7[%get3A_36, %get3A_37] : memref<64x1xf32, #tpu.memory_space<vmem>>, vector<64x1xf32>
      %max3A = arith.constant 1.000000e+00 : f32
      %max3A_39 = vector.broadcast %max3A : f32 to vector<64x1xf32>
      %max3A_40 = arith.maximumf %get3A_38, %max3A_39 : vector<64x1xf32>
      %div3A = vector.broadcast %max3A_40 : vector<64x1xf32> to vector<64x128xf32>
      %div3A_41 = arith.divf %get3A_35, %div3A : vector<64x128xf32>
      %get3A_42 = arith.constant 0 : index
      %get3A_43 = arith.constant 0 : index
      %get3A_44 = vector.load %arg3[%get3A_42, %get3A_43] : memref<10x128xf32, #tpu.memory_space<vmem>>, vector<10x128xf32>
      %dot_general3A_45 = arith.constant dense<0.000000e+00> : vector<64x10xf32>
      %dot_general3A_46 = tpu.matmul %div3A_41, %get3A_44, %dot_general3A_45 {dimension_numbers = #tpu.dot_dimension_numbers<[1], [1], [0], [0], [0, 0, 1, 0], [], []>, transpose_lhs_hint = false} : vector<64x128xf32>, vector<10x128xf32>, vector<64x10xf32> -> vector<64x10xf32>
      %get3A_47 = arith.constant 0 : index
      %get3A_48 = arith.constant 0 : index
      %get3A_49 = vector.load %arg4[%get3A_47, %get3A_48] : memref<1x10xf32, #tpu.memory_space<vmem>>, vector<1x10xf32>
      %add3A_50 = vector.broadcast %get3A_49 : vector<1x10xf32> to vector<64x10xf32>
      %add3A_51 = arith.addf %dot_general3A_46, %add3A_50 : vector<64x10xf32>
      %reduce_max3A = arith.constant dense<0xFF800000> : vector<64xf32>
      %reduce_max3A_52 = vector.multi_reduction <maximumf>, %add3A_51, %reduce_max3A [1] : vector<64x10xf32> to vector<64xf32>
      %broadcast_in_dim3A_53 = vector.shape_cast %reduce_max3A_52 : vector<64xf32> to vector<64x1xf32>
      %sub3A = vector.broadcast %broadcast_in_dim3A_53 : vector<64x1xf32> to vector<64x10xf32>
      %sub3A_54 = arith.subf %add3A_51, %sub3A : vector<64x10xf32>
      %exp3A = math.exp %sub3A_54 : vector<64x10xf32>
      %reduce_sum3A_55 = arith.constant dense<0.000000e+00> : vector<64xf32>
      %reduce_sum3A_56 = vector.multi_reduction <add>, %exp3A, %reduce_sum3A_55 [1] : vector<64x10xf32> to vector<64xf32>
      %broadcast_in_dim3A_57 = vector.shape_cast %reduce_sum3A_56 : vector<64xf32> to vector<64x1xf32>
      %log3A = math.log %broadcast_in_dim3A_57 : vector<64x1xf32>
      %add3A_58 = arith.addf %broadcast_in_dim3A_53, %log3A : vector<64x1xf32>
      %sub3A_59 = vector.broadcast %add3A_58 : vector<64x1xf32> to vector<64x10xf32>
      %sub3A_60 = arith.subf %add3A_51, %sub3A_59 : vector<64x10xf32>
      %swap3A_61 = arith.constant 0 : index
      %swap3A_62 = arith.constant 0 : index
      %swap3A_63 = vector.load %arg5[%swap3A_61, %swap3A_62] : memref<64x10xf32, #tpu.memory_space<vmem>>, vector<64x10xf32>
      tpu.vector_store %arg5[%swap3A_61, %swap3A_62], %sub3A_60 {strides = array<i32>} : memref<64x10xf32, #tpu.memory_space<vmem>>, vector<64x10xf32>,
    } else {
    }
    return
  }
  func.func @transform_0(%arg0: i32) -> (i32, i32, i32) {
    %c0_i32 = arith.constant 0 : i32
    %c0_i32_0 = arith.constant 0 : i32
    %c0_i32_1 = arith.constant 0 : i32
    return %arg0, %c0_i32, %c0_i32_0 : i32, i32, i32
  }
  func.func @transform_1(%arg0: i32) -> (i32, i32) {
    %c0_i32 = arith.constant 0 : i32
    %c0_i32_0 = arith.constant 0 : i32
    return %arg0, %c0_i32 : i32, i32
  }
  func.func @transform_2(%arg0: i32) -> (i32, i32) {
    %c0_i32 = arith.constant 0 : i32
    %c0_i32_0 = arith.constant 0 : i32
    %c0_i32_1 = arith.constant 0 : i32
    return %c0_i32, %c0_i32_0 : i32, i32
  }
  func.func @transform_3(%arg0: i32) -> (i32, i32) {
    %c0_i32 = arith.constant 0 : i32
    %c0_i32_0 = arith.constant 0 : i32
    %c0_i32_1 = arith.constant 0 : i32
    return %c0_i32, %c0_i32_0 : i32, i32
  }
  func.func @transform_4(%arg0: i32) -> (i32, i32) {
    %c0_i32 = arith.constant 0 : i32
    %c0_i32_0 = arith.constant 0 : i32
    %c0_i32_1 = arith.constant 0 : i32
    return %c0_i32, %c0_i32_0 : i32, i32
  }
}

</mosaic_0001>

<sc_bundles>
// kernel: kernel.12.cloned.1.call-start
scs
__scs_entry_jumppad:
0x0: {  	(pc) =	sbr.rel $0x88, $3  }
0x1: {  	(tag) =	ssettag $0x0;
	lr =	simm.s32 $0x1  }
0x2: {  	[smem:$0x3F90] =	sst lr;
	_ =	strace $0xD0000000  }
0x3: {  	_ = 	snop  }
0x4: {  	_ = 	snop  }
0x5: {  	_ = 	snop  }
0x6: {  	_ = 	snop  }
0x7: {  	_ = 	snop  }
__scs_overlays_trampoline_lowered:
0x8: {  	[smem:$0x3F9F] =	sst s0  }
0x9: {  	[smem:$0x3FA0] =	sst s1  }
0xa: {  	[smem:$0x3FA1] =	sst s2  }
0xb: {  	[smem:$0x3FA2] =	sst s3  }
0xc: {  	[smem:$0x3FA3] =	sst s4  }
0xd: {  	[smem:$0x3FA4] =	sst s5  }
0xe: {  	[smem:$0x3FA5] =	sst s6  }
0xf: {  	[smem:$0x3FA6] =	sst s7  }
0x10: {  	[smem:$0x3FA7] =	sst s8  }
0x11: {  	[smem:$0x3FA8] =	sst s9;
	s0 =	simm.s32 @!p0 $0x0  }
0x12: {  	s1 =	sld [smem:$0x3F8E];
	s0 =	simm.s32 @p0 $0x1  }
0x13: {  	[smem:$0x3FA9] =	sst s0;
	s0 =	simm.s32 @!p1 $0x0  }
0x14: {  	s2 =	sld [smem:$0x3F8D];
	s0 =	simm.s32 @p1 $0x1  }
0x15: {  	[smem:$0x3FAA] =	sst s0;
	s0 =	simm.s32 @!p2 $0x0  }
0x16: {  	s3 =	sld [smem:$0x3FDB];
	s0 =	simm.s32 @p2 $0x1  }
0x17: {  	s4 =	simm.s32 $0x1BF5;
	[smem:$0x3FAC] =	sst s0  }
0x18: {  	s0 =	sld [smem:$0x3F8F];
	_ =	swait.ge [sflag:s4], $0x0  }
0x19: {  	s7 =	sld [smem:$0x3F90]  }
0x1a: {  	s8 =	sadd.s32 $0xFFFFE003, lr  }
0x1b: {  	s9 =	sadd.s32 $0xFFFFFEF7, lr;
	s5 =	simm.s32 $0xFFFFFFFF;
	p2 =	slt.u32 s8, $0xFFFFF086  }
0x1c: {  	p1 =	slt.u32 s9, $0xF7A;
	s5 =	simm.s32 @!p2 $0x0  }
0x1d: {  	s5 =	simm.s32 @p1 $0x1;
	p0 =	seq.s32 s7, s2  }
0x1e: {  	s7 =	smul.u32 @!p0 $0xF7A, s2;
	p2 =	seq.s32 @!p0 s5, $0x0  }
0x1f: {  	s9 =	smul.u32 $0xF7A, s1;
	s8 =	simm.s32 @!p0 $0x1BF5;
	p2 =	por !p2, p0  }
0x20: {  	[sflag:s8] =	ssyncset.s32 @!p0 $0xFFFFF086;
	s6 =	sadd.s32 @!p0 s3, s7;
	s7 =	simm.s32 @!p0 $0x108  }
0x21: {  	s3 =	sadd.s32 s3, s9;
	s6 =	sadd.s32 @!p0 $0x88, s6;
	s7 =	simm.s32 @p2 $0x1082  }
0x22: {  	[simem:s7], [sflag:s8] =	dma.local @!p0 [hbm:s6], $0xF7A  }
0x23: {  	s9 =	sor.u32 $0xD0000000, s2;
	s6 =	simm.s32 $0x108;
	_ =	swait.ge @!p0 [sflag:s8], $0x0  }
0x24: {  	s3 =	sadd.s32 $0x88, s3;
	s6 =	simm.s32 @!p1 $0x1082;
	[sflag:s4] =	ssyncset.s32 $0xFFFFF086  }
0x25: {  	[simem:s6], [sflag:s4] =	dma.local [hbm:s3], $0xF7A  }
0x26: {  	[smem:$0x3F90] =	sst s1;
	(tag) =	ssettag s2;
	_ =	strace s9  }
0x27: {  	s1 =	sld [smem:$0x3FA0]  }
0x28: {  	s2 =	sld [smem:$0x3FA1]  }
0x29: {  	s4 =	sld [smem:$0x3FA3]  }
0x2a: {  	p0 =	seq.s32 s5, $0x0;
	s5 =	sld [smem:$0x3FA4]  }
0x2b: {  	s6 =	sld [smem:$0x3FA5]  }
0x2c: {  	s7 =	sld [smem:$0x3FA6]  }
0x2d: {  	s3 =	simm.s32 $0x108;
	s8 =	sld [smem:$0x3FA7]  }
0x2e: {  	s3 =	simm.s32 @!p0 $0x1082;
	s9 =	sld [smem:$0x3FA8]  }
0x2f: {  	lr =	sadd.s32 s0, s3;
	s0 =	sld [smem:$0x3F9F]  }
0x30: {  	s3 =	sld [smem:$0x3FA2]  }
0x31: {  	[smem:$0x3FAB] =	sst s10  }
0x32: {  	s10 =	sld [smem:$0x3FA9];
	_ =	sdelay $0x3  }
0x33: {  	p0 =	seq.s32 s10, $0x1;
	s10 =	sld [smem:$0x3FAB];
	_ =	sdelay $0x3  }
0x34: {  	[smem:$0x3FAB] =	sst s10  }
0x35: {  	s10 =	sld [smem:$0x3FAA];
	_ =	sdelay $0x3  }
0x36: {  	p1 =	seq.s32 s10, $0x1;
	s10 =	sld [smem:$0x3FAB];
	_ =	sdelay $0x3  }
0x37: {  	[smem:$0x3FAB] =	sst s10  }
0x38: {  	s10 =	sld [smem:$0x3FAC]  }
0x39: {  	_ = 	snop;
	(pc) =	sbr.ind lr, $3  }
0x3a: {  	_ = 	snop  }
0x3b: {  	_ = 	snop  }
0x3c: {  	p2 =	seq.s32 s10, $0x1;
	s10 =	sld [smem:$0x3FAB]  }
0x3d: {  	_ =	shalt  }
0x3e: {  	_ =	shalt  }
0x3f: {  	_ =	shalt  }
0x40: {  	_ =	shalt  }
0x41: {  	_ =	shalt  }
0x42: {  	_ =	shalt  }
0x43: {  	_ =	shalt  }
0x44: {  	_ =	shalt  }
0x45: {  	_ =	shalt  }
0x46: {  	_ =	shalt  }
0x47: {  	_ =	shalt  }
0x48: {  	_ =	shalt  }
0x49: {  	_ =	shalt  }
0x4a: {  	_ =	shalt  }
0x4b: {  	_ =	shalt  }
0x4c: {  	_ =	shalt  }
0x4d: {  	_ =	shalt  }
0x4e: {  	_ =	shalt  }
0x4f: {  	_ =	shalt  }
0x50: {  	_ =	shalt  }
0x51: {  	_ =	shalt  }
0x52: {  	_ =	shalt  }
0x53: {  	_ =	shalt  }
0x54: {  	_ =	shalt  }
0x55: {  	_ =	shalt  }
0x56: {  	_ =	shalt  }
0x57: {  	_ =	shalt  }
0x58: {  	_ =	shalt  }
0x59: {  	_ =	shalt  }
0x5a: {  	_ =	shalt  }
0x5b: {  	_ =	shalt  }
0x5c: {  	_ =	shalt  }
0x5d: {  	_ =	shalt  }
0x5e: {  	_ =	shalt  }
0x5f: {  	_ =	shalt  }
0x60: {  	_ =	shalt  }
0x61: {  	_ =	shalt  }
0x62: {  	_ =	shalt  }
0x63: {  	_ =	shalt  }
0x64: {  	_ =	shalt  }
0x65: {  	_ =	shalt  }
0x66: {  	_ =	shalt  }
0x67: {  	_ =	shalt  }
0x68: {  	_ =	shalt  }
0x69: {  	_ =	shalt  }
0x6a: {  	_ =	shalt  }
0x6b: {  	_ =	shalt  }
0x6c: {  	_ =	shalt  }
0x6d: {  	_ =	shalt  }
0x6e: {  	_ =	shalt  }
0x6f: {  	_ =	shalt  }
0x70: {  	_ =	shalt  }
0x71: {  	_ =	shalt  }
0x72: {  	_ =	shalt  }
0x73: {  	_ =	shalt  }
0x74: {  	_ =	shalt  }
0x75: {  	_ =	shalt  }
0x76: {  	_ =	shalt  }
0x77: {  	_ =	shalt  }
0x78: {  	_ =	shalt  }
0x79: {  	_ =	shalt  }
0x7a: {  	_ =	shalt  }
0x7b: {  	_ =	shalt  }
0x7c: {  	_ =	shalt  }
0x7d: {  	_ =	shalt  }
0x7e: {  	_ =	shalt  }
0x7f: {  	_ =	shalt  }
0x80: {  	_ =	shalt  }
0x81: {  	_ =	shalt  }
0x82: {  	_ =	shalt  }
0x83: {  	_ =	shalt  }
0x84: {  	_ =	shalt  }
0x85: {  	_ =	shalt  }
0x86: {  	_ =	shalt  }
0x87: {  	_ =	shalt  }
.Lfunc_end0:
.L_simem_size_0:
called_computation.1_lowered:
.L_overlay_start_0:
0x88: {  	s2 =	sld [smem:$0x3FD9]  }
0x89: {  	s3 =	sld [smem:$0x3FFE];
	_ =	sdelay $0x1  }
0x8a: {  	s1 =	srdreg.scid  }
0x8b: {  	s0 =	sand.u32 $0x1, s1  }
0x8c: {  	s16 =	sshll.u32 s0, $0xA;
	s2 =	sadd.s32 s3, s2  }
0x8d: {  	s2 =	sadd.s32 s2, s16  }
0x8e: {  	[smem:$0x3FB7] =	sst s2  }
0x8f: {  	_ = 	snop  }
0x90: {  	(tm) =	ssettm $0x1  }
0x91: {  	s17 =	sld [smem:$0x3FFB];
	_ =	sdelay $0x3  }
0x92: {  	_ =	strace s17  }
0x93: {  	s2 =	sld [smem:$0x3FFC];
	_ =	sdelay $0x3  }
0x94: {  	_ =	strace s2  }
0x95: {  	s2 =	sld [smem:$0x3FFD];
	_ =	sdelay $0x3  }
0x96: {  	_ =	strace s2  }
0x97: {  	_ =	strace $0x8FFFFFFF  }
0x98: {  	s18 =	sld [smem:$0x3FDB];
	_ =	sdelay $0x1  }
0x99: {  	s19 =	simm.s32 $_scs_section_size  }
0x9a: {  	s4 =	simm.s32 $_size__tile_overlayer_lowered;
	s5 =	simm.s32 $_tile_overlayer_lowered  }
0x9b: {  	s22 =	simm.s32 $0x1BFF;
	s21 =	sshll.u32 s5, $0x1;
	s2 =	sadd.s32 s19, s18  }
0x9c: {  	s6 =	simm.s32 $0x0;
	s20 =	sshll.u32 s4, $0x1;
	s4 =	sadd.s32 s21, s2  }
0x9d: {  	[timem:s6], [sflag:s22] =	dma.local [hbm:s4], s20  }
0x9e: {  	_ =	swait.ge [sflag:s22], s20  }
0x9f: {  	s3 =	ssub.s32 $0x0, s20;
	[sflag:s22] =	ssyncset.done $0x0  }
0xa0: {  	[sflag:s22] =	ssyncadd.s32 s3;
	_ =	sdelay $0x1  }
0xa1: {  	s23 =	simm.s32 $0x1B8B  }
0xa2: {  	_ =	swait.ge [sflag:s23], $0x1  }
0xa3: {  	[sflag:s23] =	ssyncset.done $0x0  }
0xa4: {  	s25 =	simm.s32 $0x1B8E;
	s24 =	sld [smem:$0x3FFE];
	[sflag:s23] =	ssyncadd.s32 $0xFFFFFFFF  }
0xa5: {  	s26 =	simm.s32 $execute0_lowered;
	[smem:$0x3FD2] =	sst s25  }
0xa6: {  	s4 =	sshll.u32 s26, $0x1;
	_ =	strace $0x80000049;
	[dreg:$0x1] =	wrdreg $0xFFFFFFFF  }
0xa7: {  	s28 =	simm.s32 $_size_execute0_lowered;
	s2 =	sadd.s32 s2, s4;
	[dreg:$0x0] =	wrdreg $0x0  }
0xa8: {  	s4 =	sshll.u32 s28, $0x1;
	[dreg:$0x2] =	wrdreg s2  }
0xa9: {  	[dreg:$0x3] =	wrdreg s4  }
0xaa: {  	[dreg:$0x4] =	wrdreg $0xC0  }
0xab: {  	_ =	task [dreg:s6], $0x5FFFF  }
0xac: {  	[dreg:$0x1] =	wrdreg $0xFFFFFFFF  }
0xad: {  	[dreg:$0x0] =	wrdreg $0x60  }
0xae: {  	[dreg:$0x2] =	wrdreg s24  }
0xaf: {  	[dreg:$0x3] =	wrdreg $0x98000  }
0xb0: {  	[dreg:$0x4] =	wrdreg $0x9  }
0xb1: {  	_ =	task.clear_ibuf [dreg:s6], $0x5FFFF;
	_ =	strace $0x90000049  }
0xb2: {  	s29 =	simm.s32 $0x9;
	_ =	strace $0x8000004B  }
0xb3: {  	_ =	swait.ge [sflag:s29], $0x1  }
0xb4: {  	[sflag:s29] =	ssyncadd.s32 $0xFFFFFFFF  }
0xb5: {  	_ =	strace $0x9000004B  }
0xb6: {  	_ =	sfence  }
0xb7: {  	s30 =	sld [smem:$0x0];
	_ =	sdelay $0x2  }
0xb8: {  	s31 =	sshll.u32 s1, $0xD;
	s1 =	sshrl.u32 s1, $0x2  }
0xb9: {  	s3 =	sand.u32 $0x4000, s31;
	s1 =	sadd.s32 s1, s30  }
0xba: {  	s0 =	sor.u32 s3, s0;
	s1 =	sshll.u32 s1, $0x11  }
0xbb: {  	s0 =	sor.u32 s1, s0  }
0xbc: {  	s0 =	sadd.s32 $0x8F2B, s0  }
0xbd: {  	[sflag:s0] =	ssyncadd.remote.s32 $0x1  }
0xbe: {  	_ =	sfence.sel $0xFFFF  }
0xbf: {  	[dreg:$0x0] =	wrdreg $0xFFFFFFFF;
	(pc) =	sbr.abs _section_cstart, $3  }
0xc0: {  	[dreg:$0x1] =	wrdreg $0xFFFFFFFF  }
0xc1: {  	_ =	task.clear_ibuf [dreg:s6], $0x2FFFF;
	_ =	strace $0x9FFFFFFF  }
0xc2: {  	(tm) =	ssettm $0x7FFFFFFF  }
0xc3: {  	_ =	shalt  }
tec
execute0_lowered:
.L_overlay_start_1:
0x0: {  	(tag) =	ssettag $0x1  }
0x1: {  	s0 =	rddreg [dreg:$0x0]  }
0x2: {  	s1 =	rddreg [dreg:$0x1];
	s3 =	srdreg.scid;
	s2 =	simm.s32 $0x0  }
0x3: {  	s23 =	stileid.u32;
	s17 =	simm.s32 $0x100;
	s19 =	simm.s32 $0x200  }
0x4: {  	s21 =	simm.s32 $0x180;
	s25 =	simm.s32 $0x300;
	s9 =	simm.s32 $0x280  }
0x5: {  	s10 =	simm.s32 $0x400;
	[smem:$0x7FF] =	sst s2;
	s18 =	sadd.s32 $0x138000, s1  }
0x6: {  	s11 =	simm.s32 $0x380;
	_ =	strace $0x8000004A;
	[dreg:$0x16] =	wrdreg s18  }
0x7: {  	s12 =	simm.s32 $0x500;
	s13 =	simm.s32 $0x480;
	[dreg:$0x3] =	wrdreg s17  }
0x8: {  	s14 =	simm.s32 $0x600;
	s28 =	simm.s32 $0xD80;
	[dreg:$0x4] =	wrdreg s19  }
0x9: {  	s29 =	simm.s32 $0xF00;
	s30 =	simm.s32 $0xE80;
	[dreg:$0x5] =	wrdreg s21  }
0xa: {  	s31 =	simm.s32 $0xF80;
	s3 =	sand.u32 $0x1, s3;
	[dreg:$0x6] =	wrdreg s25  }
0xb: {  	s7 =	smul.u32 $0x4E000, s23;
	s4 =	sadd.s32 $0x17800, s0;
	[dreg:$0x7] =	wrdreg s9  }
0xc: {  	s22 =	smul.u32 $0xA00, s23;
	s24 =	sadd.s32 $0x124800, s1;
	[dreg:$0x8] =	wrdreg s10  }
0xd: {  	p0 =	sne.s32 s23, $0xF;
	s5 =	smul.u32 $0xA000, s3;
	[dreg:$0x9] =	wrdreg s11  }
0xe: {  	p1 =	seq.s32 s23, $0xF;
	s6 =	smul.u32 $0x27100, s3;
	[dreg:$0xa] =	wrdreg s12  }
0xf: {  	s3 =	ssub.s32 $0x2, s3;
	s9 =	simm.s32 $0x9000;
	[dreg:$0xb] =	wrdreg s13  }
0x10: {  	s10 =	simm.s32 $0x4;
	[dreg:$0xc] =	wrdreg s14;
	s12 =	simm.s32 $0x80  }
0x11: {  	s17 =	simm.s32 $0x680;
	s13 =	simm.s32 $0x1000;
	s18 =	simm.s32 $0x780  }
0x12: {  	s14 =	simm.s32 $0x800;
	s19 =	simm.s32 $0x900;
	[dreg:$0xf] =	wrdreg s17  }
0x13: {  	s21 =	simm.s32 $0xA00;
	s25 =	simm.s32 $0xB00;
	[dreg:$0x10] =	wrdreg s18  }
0x14: {  	s15 =	sshrl.u32 s3, $0x1;
	s16 =	sshrl.u32 s7, $0x2;
	[dreg:$0x11] =	wrdreg s19  }
0x15: {  	s17 =	simm.s32 $0x2;
	[dreg:$0x13] =	wrdreg s21;
	s18 =	simm.s32 $0x3  }
0x16: {  	[dreg:$0x15] =	wrdreg s25;
	s19 =	simm.s32 $0xA80;
	s21 =	simm.s32 $0xB80  }
0x17: {  	s8 =	sadd.s32 s5, s0;
	s0 =	sadd.s32 s6, s0;
	s3 =	ssub.s32 s3, s15  }
0x18: {  	s5 =	sadd.s32 s16, s1;
	s6 =	smul.u32 $0x2700, s23;
	s15 =	simm.s32 $0x580  }
0x19: {  	s16 =	simm.s32 $0x700;
	s23 =	simm.s32 $0xC80;
	s20 =	sadd.s32 $0x3800, s8  }
0x1a: {  	s26 =	sadd.s32 $0x3EA00, s0;
	s3 =	smax.u32 s3, $0x1;
	[dreg:$0xd] =	wrdreg s15  }
0x1b: {  	[dreg:$0xe] =	wrdreg s16;
	s15 =	simm.s32 $0x5000;
	s16 =	simm.s32 $0x1  }
0x1c: {  	s0 =	sshrl.u32 @p1 s24, $0x3;
	[dreg:$0x17] =	wrdreg s3;
	s11 =	sadd.s32 s22, s20  }
0x1d: {  	s20 =	simm.s32 $0x880;
	s22 =	simm.s32 $0x980;
	[dreg:$0x18] =	wrdreg s0  }
0x1e: {  	s25 =	smov.u32 s26;
	s0 =	sadd.s32 @!p1 s6, s26;
	[dreg:$0x12] =	wrdreg s20  }
0x1f: {  	s26 =	simm.s32 $0xE00;
	[dreg:$0x14] =	wrdreg s22;
	s20 =	simm.s32 $0xC00  }
0x20: {  	v0 =	vimm.f32 $0.0e+00;
	s22 =	simm.s32 $0xD00;
	[dreg:$0x19] =	wrdreg s0;
	s0 =	simm.s32 $0x0  }
.LBB2_1:
0x21: {  	s3 =	simm.s32 $0x0;
	s6 =	simm.s32 $0x200  }
.LBB2_2:
0x22: {  	p2 =	sne.s32 s6, $0x1E00;
	[tilespmem:s3+$0x9070] =	vst v0  }
0x23: {  	[tilespmem:s3+$0x9000] =	vst v0  }
0x24: {  	[tilespmem:s3+$0x9010] =	vst v0  }
.Ltmp0:
0x25: {  	[tilespmem:s3+$0x9020] =	vst v0;
	(pc) =	sbr.rel @p2 .LBB2_2-.Ltmp0, $4  }
0x26: {  	[tilespmem:s3+$0x9030] =	vst v0  }
0x27: {  	[tilespmem:s3+$0x9040] =	vst v0  }
0x28: {  	[tilespmem:s3+$0x9050] =	vst v0  }
0x29: {  	[tilespmem:s3+$0x9060] =	vst v0;
	s3 =	sshra.s32 s6, $0x2;
	s6 =	sadd.s32 $0x200, s6  }
0x2a: {  	[tilespmem:s3+$0x9070] =	vst v0  }
0x2b: {  	[tilespmem:s3+$0x9000] =	vst v0  }
0x2c: {  	[tilespmem:s3+$0x9010] =	vst v0  }
0x2d: {  	[tilespmem:s3+$0x9020] =	vst v0  }
0x2e: {  	[tilespmem:s3+$0x9030] =	vst v0  }
0x2f: {  	[tilespmem:s3+$0x9040] =	vst v0  }
0x30: {  	[tilespmem:s3+$0x9050] =	vst v0  }
0x31: {  	[tilespmem:s3+$0x9060] =	vst v0;
	s24 =	sadd.s32 $0x0, s5  }
0x32: {  	[spmem:s24] =	stream.linear.scatter [tilespmem:s9], [sflag:$0x4], $0x800, $0x38;
	[tilespmem:$0x1D100] =	vst v63  }
0x33: {  	s3 =	simm.s32 $0x2000;
	_ =	swait.ge [sflag:s10], $0x800  }
.LBB2_4:
0x34: {  	s6 =	sshra.s32 s3, $0x2;
	[sflag:s10] =	ssyncset.done $0x0;
	p2 =	sne.s32 s3, $0x4C000  }
.Ltmp1:
0x35: {  	s6 =	sadd.s32 s6, s5;
	[sflag:s10] =	ssyncadd.s32 $0xFFFFF800;
	(pc) =	sbr.rel @p2 .LBB2_4-.Ltmp1, $3  }
0x36: {  	[spmem:s6] =	stream.linear.scatter [tilespmem:s9], [sflag:$0x4], $0x800, $0x38;
	[tilespmem:$0x1D100] =	vst v63  }
0x37: {  	s3 =	sadd.s32 $0x2000, s3;
	_ =	sdelay $0x1  }
0x38: {  	_ =	swait.ge [sflag:s10], $0x800  }
0x39: {  	[sflag:s10] =	ssyncset.done $0x0  }
0x3a: {  	s3 =	simm.s32 @!p0 $0x9000;
	s6 =	rddreg [dreg:$0x16];
	[sflag:s10] =	ssyncadd.s32 $0xFFFFF800  }
0x3b: {  	[spmem:s6] =	stream.linear.scatter @!p0 [tilespmem:s3], [sflag:$0x4], $0x800, $0x38;
	[tilespmem:$0x1D100] =	vst v63  }
0x3c: {  	s3 =	simm.s32 @!p0 $0x4  }
0x3d: {  	_ =	swait.ge @!p0 [sflag:s3], $0x800  }
0x3e: {  	[sflag:s3] =	ssyncset.done @!p0 $0x0  }
0x3f: {  	[sflag:s3] =	ssyncadd.s32 @!p0 $0xFFFFF800  }
0x40: {  	[bflag:$0x0] =	sbarrier.arrive $0xFFFF  }
0x41: {  	[tilespmem:s2], [sflag:$0x4] =	stream.linear.gather [hbm4b:s11+s2], $0x800, $0x38;
	[tilespmem:$0x1D100] =	vst v63  }
0x42: {  	_ =	swait.ge [sflag:s10], $0x800  }
0x43: {  	[sflag:s10] =	ssyncset.done $0x0  }
0x44: {  	s6 =	sadd.s32 $0xFFFFF600, s11;
	[sflag:s10] =	ssyncadd.s32 $0xFFFFF800  }
0x45: {  	[tilespmem:s13], [sflag:$0x1] =	stream.indirect.gather [hbm4b:s4+s12], $0x80, s2, s12, $0xb8;
	[tilespmem:$0x1D100] =	vst v63  }
0x46: {  	s3 =	sadd.s32 $0xB00, s6  }
0x47: {  	[tilespmem:s14], [sflag:$0x3] =	stream.linear.gather [hbm4b:s3+s2], $0x800, $0x38;
	[tilespmem:$0x1D100] =	vst v63  }
0x48: {  	s7 =	rddreg [dreg:$0x3]  }
0x49: {  	[tilespmem:s15], [sflag:$0x2] =	stream.indirect.gather [hbm4b:s4+s12], $0x80, s7, s12, $0xb8;
	[tilespmem:$0x1D100] =	vst v63  }
0x4a: {  	_ =	swait.ge [sflag:s16], $0x4000  }
0x4b: {  	[sflag:s16] =	ssyncset.done $0x0  }
0x4c: {  	[sflag:s16] =	ssyncadd.s32 $0xFFFFC000  }
0x4d: {  	[spmem:s1] =	stream.indirect.scatter.add.f32 [tilespmem:s13], [sflag:$0x4], $0x80, s12, s12, $0xb8;
	[tilespmem:$0x1D100] =	vst v63  }
0x4e: {  	_ =	swait.ge [sflag:s10], $0x4000  }
0x4f: {  	[sflag:s10] =	ssyncset.done $0x0  }
0x50: {  	s8 =	rddreg [dreg:$0x4];
	[sflag:s10] =	ssyncadd.s32 $0xFFFFC000  }
0x51: {  	[tilespmem:s13], [sflag:$0x1] =	stream.indirect.gather [hbm4b:s4+s12], $0x80, s8, s12, $0xb8;
	[tilespmem:$0x1D100] =	vst v63  }
0x52: {  	_ =	swait.ge [sflag:s17], $0x4000  }
0x53: {  	[sflag:s17] =	ssyncset.done $0x0  }
0x54: {  	s24 =	rddreg [dreg:$0x5];
	[sflag:s17] =	ssyncadd.s32 $0xFFFFC000  }
0x55: {  	[spmem:s1] =	stream.indirect.scatter.add.f32 [tilespmem:s15], [sflag:$0x4], $0x80, s24, s12, $0xb8;
	[tilespmem:$0x1D100] =	vst v63  }
0x56: {  	_ =	swait.ge [sflag:s10], $0x4000  }
0x57: {  	[sflag:s10] =	ssyncset.done $0x0  }
0x58: {  	s6 =	rddreg [dreg:$0x6];
	[sflag:s10] =	ssyncadd.s32 $0xFFFFC000  }
0x59: {  	[tilespmem:s15], [sflag:$0x2] =	stream.indirect.gather [hbm4b:s4+s12], $0x80, s6, s12, $0xb8;
	[tilespmem:$0x1D100] =	vst v63  }
0x5a: {  	_ =	swait.ge [sflag:s16], $0x4000  }
0x5b: {  	[sflag:s16] =	ssyncset.done $0x0  }
0x5c: {  	s7 =	rddreg [dreg:$0x7];
	[sflag:s16] =	ssyncadd.s32 $0xFFFFC000  }
0x5d: {  	[spmem:s1] =	stream.indirect.scatter.add.f32 [tilespmem:s13], [sflag:$0x4], $0x80, s7, s12, $0xb8;
	[tilespmem:$0x1D100] =	vst v63  }
0x5e: {  	_ =	swait.ge [sflag:s10], $0x4000  }
0x5f: {  	[sflag:s10] =	ssyncset.done $0x0  }
0x60: {  	s8 =	rddreg [dreg:$0x8];
	[sflag:s10] =	ssyncadd.s32 $0xFFFFC000  }
0x61: {  	[tilespmem:s13], [sflag:$0x1] =	stream.indirect.gather [hbm4b:s4+s12], $0x80, s8, s12, $0xb8;
	[tilespmem:$0x1D100] =	vst v63  }
0x62: {  	_ =	swait.ge [sflag:s17], $0x4000  }
0x63: {  	[sflag:s17] =	ssyncset.done $0x0  }
0x64: {  	s24 =	rddreg [dreg:$0x9];
	[sflag:s17] =	ssyncadd.s32 $0xFFFFC000  }
0x65: {  	[spmem:s1] =	stream.indirect.scatter.add.f32 [tilespmem:s15], [sflag:$0x4], $0x80, s24, s12, $0xb8;
	[tilespmem:$0x1D100] =	vst v63  }
0x66: {  	_ =	swait.ge [sflag:s10], $0x4000  }
0x67: {  	[sflag:s10] =	ssyncset.done $0x0  }
0x68: {  	s6 =	rddreg [dreg:$0xa];
	[sflag:s10] =	ssyncadd.s32 $0xFFFFC000  }
0x69: {  	[tilespmem:s15], [sflag:$0x2] =	stream.indirect.gather [hbm4b:s4+s12], $0x80, s6, s12, $0xb8;
	[tilespmem:$0x1D100] =	vst v63  }
0x6a: {  	_ =	swait.ge [sflag:s16], $0x4000  }
0x6b: {  	[sflag:s16] =	ssyncset.done $0x0  }
0x6c: {  	s7 =	rddreg [dreg:$0xb];
	[sflag:s16] =	ssyncadd.s32 $0xFFFFC000  }
0x6d: {  	[spmem:s1] =	stream.indirect.scatter.add.f32 [tilespmem:s13], [sflag:$0x4], $0x80, s7, s12, $0xb8;
	[tilespmem:$0x1D100] =	vst v63  }
0x6e: {  	_ =	swait.ge [sflag:s10], $0x4000  }
0x6f: {  	[sflag:s10] =	ssyncset.done $0x0  }
0x70: {  	s8 =	rddreg [dreg:$0xc];
	[sflag:s10] =	ssyncadd.s32 $0xFFFFC000  }
0x71: {  	[tilespmem:s13], [sflag:$0x1] =	stream.indirect.gather [hbm4b:s4+s12], $0x80, s8, s12, $0xb8;
	[tilespmem:$0x1D100] =	vst v63  }
0x72: {  	_ =	swait.ge [sflag:s17], $0x4000  }
0x73: {  	[sflag:s17] =	ssyncset.done $0x0  }
0x74: {  	s24 =	rddreg [dreg:$0xd];
	[sflag:s17] =	ssyncadd.s32 $0xFFFFC000  }
0x75: {  	[spmem:s1] =	stream.indirect.scatter.add.f32 [tilespmem:s15], [sflag:$0x4], $0x80, s24, s12, $0xb8;
	[tilespmem:$0x1D100] =	vst v63  }
0x76: {  	_ =	swait.ge [sflag:s10], $0x4000  }
0x77: {  	[sflag:s10] =	ssyncset.done $0x0  }
0x78: {  	s6 =	rddreg [dreg:$0xe];
	[sflag:s10] =	ssyncadd.s32 $0xFFFFC000  }
0x79: {  	[tilespmem:s15], [sflag:$0x2] =	stream.indirect.gather [hbm4b:s4+s12], $0x80, s6, s12, $0xb8;
	[tilespmem:$0x1D100] =	vst v63  }
0x7a: {  	_ =	swait.ge [sflag:s16], $0x4000  }
0x7b: {  	[sflag:s16] =	ssyncset.done $0x0  }
0x7c: {  	s7 =	rddreg [dreg:$0xf];
	[sflag:s16] =	ssyncadd.s32 $0xFFFFC000  }
0x7d: {  	[spmem:s1] =	stream.indirect.scatter.add.f32 [tilespmem:s13], [sflag:$0x4], $0x80, s7, s12, $0xb8;
	[tilespmem:$0x1D100] =	vst v63  }
0x7e: {  	_ =	swait.ge [sflag:s10], $0x4000  }
0x7f: {  	[sflag:s10] =	ssyncset.done $0x0  }
0x80: {  	[sflag:s10] =	ssyncadd.s32 $0xFFFFC000  }
0x81: {  	_ =	swait.ge [sflag:s18], $0x800  }
0x82: {  	[sflag:s18] =	ssyncset.done $0x0  }
0x83: {  	[sflag:s18] =	ssyncadd.s32 $0xFFFFF800  }
0x84: {  	[tilespmem:s13], [sflag:$0x1] =	stream.indirect.gather [hbm4b:s4+s12], $0x80, s14, s12, $0xb8;
	[tilespmem:$0x1D100] =	vst v63  }
0x85: {  	_ =	swait.ge [sflag:s17], $0x4000  }
0x86: {  	[sflag:s17] =	ssyncset.done $0x0  }
0x87: {  	s8 =	rddreg [dreg:$0x10];
	[sflag:s17] =	ssyncadd.s32 $0xFFFFC000  }
0x88: {  	[spmem:s1] =	stream.indirect.scatter.add.f32 [tilespmem:s15], [sflag:$0x4], $0x80, s8, s12, $0xb8;
	[tilespmem:$0x1D100] =	vst v63  }
0x89: {  	p2 =	por $0x0, $0x0;
	_ =	swait.ge [sflag:s10], $0x4000  }
0x8a: {  	s6 =	sadd.s32 @!p2 $0xFFFFF600, s11;
	[sflag:s10] =	ssyncset.done $0x0  }
0x8b: {  	s3 =	simm.s32 @!p2 $0x0;
	s6 =	sadd.s32 @!p2 $0xC00, s6;
	[sflag:s10] =	ssyncadd.s32 $0xFFFFC000  }
0x8c: {  	[tilespmem:s3], [sflag:$0x3] =	stream.linear.gather @!p2 [hbm4b:s6+s3], $0x800, $0x38;
	[tilespmem:$0x1D100] =	vst v63  }
0x8d: {  	s7 =	rddreg [dreg:$0x11]  }
0x8e: {  	[tilespmem:s15], [sflag:$0x2] =	stream.indirect.gather [hbm4b:s4+s12], $0x80, s7, s12, $0xb8;
	[tilespmem:$0x1D100] =	vst v63  }
0x8f: {  	_ =	swait.ge [sflag:s16], $0x4000  }
0x90: {  	[sflag:s16] =	ssyncset.done $0x0  }
0x91: {  	s24 =	rddreg [dreg:$0x12];
	[sflag:s16] =	ssyncadd.s32 $0xFFFFC000  }
0x92: {  	[spmem:s1] =	stream.indirect.scatter.add.f32 [tilespmem:s13], [sflag:$0x4], $0x80, s24, s12, $0xb8;
	[tilespmem:$0x1D100] =	vst v63  }
0x93: {  	_ =	swait.ge [sflag:s10], $0x4000  }
0x94: {  	[sflag:s10] =	ssyncset.done $0x0  }
0x95: {  	s7 =	rddreg [dreg:$0x13];
	[sflag:s10] =	ssyncadd.s32 $0xFFFFC000  }
0x96: {  	[tilespmem:s13], [sflag:$0x1] =	stream.indirect.gather [hbm4b:s4+s12], $0x80, s7, s12, $0xb8;
	[tilespmem:$0x1D100] =	vst v63  }
0x97: {  	_ =	swait.ge [sflag:s17], $0x4000  }
0x98: {  	[sflag:s17] =	ssyncset.done $0x0  }
0x99: {  	s8 =	rddreg [dreg:$0x14];
	[sflag:s17] =	ssyncadd.s32 $0xFFFFC000  }
0x9a: {  	[spmem:s1] =	stream.indirect.scatter.add.f32 [tilespmem:s15], [sflag:$0x4], $0x80, s8, s12, $0xb8;
	[tilespmem:$0x1D100] =	vst v63  }
0x9b: {  	_ =	swait.ge [sflag:s10], $0x4000  }
0x9c: {  	[sflag:s10] =	ssyncset.done $0x0  }
0x9d: {  	s24 =	rddreg [dreg:$0x15];
	[sflag:s10] =	ssyncadd.s32 $0xFFFFC000  }
0x9e: {  	[tilespmem:s15], [sflag:$0x2] =	stream.indirect.gather [hbm4b:s4+s12], $0x80, s24, s12, $0xb8;
	[tilespmem:$0x1D100] =	vst v63  }
0x9f: {  	_ =	swait.ge [sflag:s16], $0x4000  }
0xa0: {  	[sflag:s16] =	ssyncset.done $0x0  }
0xa1: {  	[sflag:s16] =	ssyncadd.s32 $0xFFFFC000  }
0xa2: {  	[spmem:s1] =	stream.indirect.scatter.add.f32 [tilespmem:s13], [sflag:$0x4], $0x80, s19, s12, $0xb8;
	[tilespmem:$0x1D100] =	vst v63  }
0xa3: {  	_ =	swait.ge [sflag:s10], $0x4000  }
0xa4: {  	[sflag:s10] =	ssyncset.done $0x0  }
0xa5: {  	[sflag:s10] =	ssyncadd.s32 $0xFFFFC000  }
0xa6: {  	[tilespmem:s13], [sflag:$0x1] =	stream.indirect.gather [hbm4b:s4+s12], $0x80, s20, s12, $0xb8;
	[tilespmem:$0x1D100] =	vst v63  }
0xa7: {  	_ =	swait.ge [sflag:s17], $0x4000  }
0xa8: {  	[sflag:s17] =	ssyncset.done $0x0  }
0xa9: {  	[sflag:s17] =	ssyncadd.s32 $0xFFFFC000  }
0xaa: {  	[spmem:s1] =	stream.indirect.scatter.add.f32 [tilespmem:s15], [sflag:$0x4], $0x80, s21, s12, $0xb8;
	[tilespmem:$0x1D100] =	vst v63  }
0xab: {  	_ =	swait.ge [sflag:s10], $0x4000  }
0xac: {  	[sflag:s10] =	ssyncset.done $0x0  }
0xad: {  	[sflag:s10] =	ssyncadd.s32 $0xFFFFC000  }
0xae: {  	[tilespmem:s15], [sflag:$0x2] =	stream.indirect.gather [hbm4b:s4+s12], $0x80, s22, s12, $0xb8;
	[tilespmem:$0x1D100] =	vst v63  }
0xaf: {  	_ =	swait.ge [sflag:s16], $0x4000  }
0xb0: {  	[sflag:s16] =	ssyncset.done $0x0  }
0xb1: {  	[sflag:s16] =	ssyncadd.s32 $0xFFFFC000  }
0xb2: {  	[spmem:s1] =	stream.indirect.scatter.add.f32 [tilespmem:s13], [sflag:$0x4], $0x80, s23, s12, $0xb8;
	[tilespmem:$0x1D100] =	vst v63  }
0xb3: {  	_ =	swait.ge [sflag:s10], $0x4000  }
0xb4: {  	[sflag:s10] =	ssyncset.done $0x0  }
0xb5: {  	[sflag:s10] =	ssyncadd.s32 $0xFFFFC000  }
0xb6: {  	[tilespmem:s13], [sflag:$0x1] =	stream.indirect.gather [hbm4b:s4+s12], $0x80, s26, s12, $0xb8;
	[tilespmem:$0x1D100] =	vst v63  }
0xb7: {  	_ =	swait.ge [sflag:s17], $0x4000  }
0xb8: {  	[sflag:s17] =	ssyncset.done $0x0  }
0xb9: {  	[sflag:s17] =	ssyncadd.s32 $0xFFFFC000  }
0xba: {  	[spmem:s1] =	stream.indirect.scatter.add.f32 [tilespmem:s15], [sflag:$0x4], $0x80, s28, s12, $0xb8;
	[tilespmem:$0x1D100] =	vst v63  }
0xbb: {  	_ =	swait.ge [sflag:s10], $0x4000  }
0xbc: {  	[sflag:s10] =	ssyncset.done $0x0  }
0xbd: {  	[sflag:s10] =	ssyncadd.s32 $0xFFFFC000  }
0xbe: {  	[tilespmem:s15], [sflag:$0x2] =	stream.indirect.gather [hbm4b:s4+s12], $0x80, s29, s12, $0xb8;
	[tilespmem:$0x1D100] =	vst v63  }
0xbf: {  	_ =	swait.ge [sflag:s16], $0x4000  }
0xc0: {  	[sflag:s16] =	ssyncset.done $0x0  }
0xc1: {  	[sflag:s16] =	ssyncadd.s32 $0xFFFFC000  }
0xc2: {  	[spmem:s1] =	stream.indirect.scatter.add.f32 [tilespmem:s13], [sflag:$0x4], $0x80, s30, s12, $0xb8;
	[tilespmem:$0x1D100] =	vst v63  }
0xc3: {  	_ =	swait.ge [sflag:s10], $0x4000  }
0xc4: {  	[sflag:s10] =	ssyncset.done $0x0  }
0xc5: {  	s6 =	simm.s32 @!p2 $0x3;
	[sflag:s10] =	ssyncadd.s32 $0xFFFFC000  }
0xc6: {  	_ =	swait.ge @!p2 [sflag:s6], $0x800  }
0xc7: {  	[sflag:s6] =	ssyncset.done @!p2 $0x0  }
0xc8: {  	s7 =	simm.s32 @!p2 $0x1000;
	[sflag:s6] =	ssyncadd.s32 @!p2 $0xFFFFF800;
	s6 =	simm.s32 @!p2 $0x80  }
0xc9: {  	[tilespmem:s7], [sflag:$0x1] =	stream.indirect.gather @!p2 [hbm4b:s4+s6], $0x80, s3, s6, $0xb8;
	[tilespmem:$0x1D100] =	vst v63  }
0xca: {  	_ =	swait.ge [sflag:s17], $0x4000  }
0xcb: {  	[sflag:s17] =	ssyncset.done $0x0  }
0xcc: {  	[sflag:s17] =	ssyncadd.s32 $0xFFFFC000  }
0xcd: {  	[spmem:s1] =	stream.indirect.scatter.add.f32 [tilespmem:s15], [sflag:$0x4], $0x80, s31, s12, $0xb8;
	[tilespmem:$0x1D100] =	vst v63  }
0xce: {  	s8 =	sadd.s32 $0xFFFFF800, s11;
	s3 =	simm.s32 $0xFFFFF800;
	_ =	swait.ge [sflag:s10], $0x4000  }
0xcf: {  	s6 =	simm.s32 $0xFFFFFA00;
	s7 =	rddreg [dreg:$0x3];
	[sflag:s10] =	ssyncset.done $0x0  }
.LBB2_6:
0xd0: {  	s24 =	sadd.s32 $0xB00, s8;
	[sflag:s10] =	ssyncadd.s32 $0xFFFFC000  }
0xd1: {  	[tilespmem:s14], [sflag:$0x3] =	stream.linear.gather [hbm4b:s24+s2], $0x800, $0x38;
	[tilespmem:$0x1D100] =	vst v63  }
0xd2: {  	_ = 	snop  }
0xd3: {  	[tilespmem:s15], [sflag:$0x2] =	stream.indirect.gather [hbm4b:s4+s12], $0x80, s7, s12, $0xb8;
	[tilespmem:$0x1D100] =	vst v63  }
0xd4: {  	_ =	swait.ge [sflag:s16], $0x4000  }
0xd5: {  	[sflag:s16] =	ssyncset.done $0x0  }
0xd6: {  	[sflag:s16] =	ssyncadd.s32 $0xFFFFC000  }
0xd7: {  	[spmem:s1] =	stream.indirect.scatter.add.f32 [tilespmem:s13], [sflag:$0x4], $0x80, s12, s12, $0xb8;
	[tilespmem:$0x1D100] =	vst v63  }
0xd8: {  	_ =	swait.ge [sflag:s10], $0x4000  }
0xd9: {  	[sflag:s10] =	ssyncset.done $0x0  }
0xda: {  	s24 =	rddreg [dreg:$0x4];
	[sflag:s10] =	ssyncadd.s32 $0xFFFFC000  }
0xdb: {  	[tilespmem:s13], [sflag:$0x1] =	stream.indirect.gather [hbm4b:s4+s12], $0x80, s24, s12, $0xb8;
	[tilespmem:$0x1D100] =	vst v63  }
0xdc: {  	_ =	swait.ge [sflag:s17], $0x4000  }
0xdd: {  	[sflag:s17] =	ssyncset.done $0x0  }
0xde: {  	s24 =	rddreg [dreg:$0x5];
	[sflag:s17] =	ssyncadd.s32 $0xFFFFC000  }
0xdf: {  	[spmem:s1] =	stream.indirect.scatter.add.f32 [tilespmem:s15], [sflag:$0x4], $0x80, s24, s12, $0xb8;
	[tilespmem:$0x1D100] =	vst v63  }
0xe0: {  	_ =	swait.ge [sflag:s10], $0x4000  }
0xe1: {  	[sflag:s10] =	ssyncset.done $0x0  }
0xe2: {  	s24 =	rddreg [dreg:$0x6];
	[sflag:s10] =	ssyncadd.s32 $0xFFFFC000  }
0xe3: {  	[tilespmem:s15], [sflag:$0x2] =	stream.indirect.gather [hbm4b:s4+s12], $0x80, s24, s12, $0xb8;
	[tilespmem:$0x1D100] =	vst v63  }
0xe4: {  	_ =	swait.ge [sflag:s16], $0x4000  }
0xe5: {  	[sflag:s16] =	ssyncset.done $0x0  }
0xe6: {  	s24 =	rddreg [dreg:$0x7];
	[sflag:s16] =	ssyncadd.s32 $0xFFFFC000  }
0xe7: {  	[spmem:s1] =	stream.indirect.scatter.add.f32 [tilespmem:s13], [sflag:$0x4], $0x80, s24, s12, $0xb8;
	[tilespmem:$0x1D100] =	vst v63  }
0xe8: {  	_ =	swait.ge [sflag:s10], $0x4000  }
0xe9: {  	[sflag:s10] =	ssyncset.done $0x0  }
0xea: {  	s24 =	rddreg [dreg:$0x8];
	[sflag:s10] =	ssyncadd.s32 $0xFFFFC000  }
0xeb: {  	[tilespmem:s13], [sflag:$0x1] =	stream.indirect.gather [hbm4b:s4+s12], $0x80, s24, s12, $0xb8;
	[tilespmem:$0x1D100] =	vst v63  }
0xec: {  	_ =	swait.ge [sflag:s17], $0x4000  }
0xed: {  	[sflag:s17] =	ssyncset.done $0x0  }
0xee: {  	s24 =	rddreg [dreg:$0x9];
	[sflag:s17] =	ssyncadd.s32 $0xFFFFC000  }
0xef: {  	[spmem:s1] =	stream.indirect.scatter.add.f32 [tilespmem:s15], [sflag:$0x4], $0x80, s24, s12, $0xb8;
	[tilespmem:$0x1D100] =	vst v63  }
0xf0: {  	_ =	swait.ge [sflag:s10], $0x4000  }
0xf1: {  	[sflag:s10] =	ssyncset.done $0x0  }
0xf2: {  	s24 =	rddreg [dreg:$0xa];
	[sflag:s10] =	ssyncadd.s32 $0xFFFFC000  }
0xf3: {  	[tilespmem:s15], [sflag:$0x2] =	stream.indirect.gather [hbm4b:s4+s12], $0x80, s24, s12, $0xb8;
	[tilespmem:$0x1D100] =	vst v63  }
0xf4: {  	_ =	swait.ge [sflag:s16], $0x4000  }
0xf5: {  	[sflag:s16] =	ssyncset.done $0x0  }
0xf6: {  	s24 =	rddreg [dreg:$0xb];
	[sflag:s16] =	ssyncadd.s32 $0xFFFFC000  }
0xf7: {  	[spmem:s1] =	stream.indirect.scatter.add.f32 [tilespmem:s13], [sflag:$0x4], $0x80, s24, s12, $0xb8;
	[tilespmem:$0x1D100] =	vst v63  }
0xf8: {  	_ =	swait.ge [sflag:s10], $0x4000  }
0xf9: {  	[sflag:s10] =	ssyncset.done $0x0  }
0xfa: {  	s24 =	rddreg [dreg:$0xc];
	[sflag:s10] =	ssyncadd.s32 $0xFFFFC000  }
0xfb: {  	[tilespmem:s13], [sflag:$0x1] =	stream.indirect.gather [hbm4b:s4+s12], $0x80, s24, s12, $0xb8;
	[tilespmem:$0x1D100] =	vst v63  }
0xfc: {  	_ =	swait.ge [sflag:s17], $0x4000  }
0xfd: {  	[sflag:s17] =	ssyncset.done $0x0  }
0xfe: {  	s24 =	rddreg [dreg:$0xd];
	[sflag:s17] =	ssyncadd.s32 $0xFFFFC000  }
0xff: {  	[spmem:s1] =	stream.indirect.scatter.add.f32 [tilespmem:s15], [sflag:$0x4], $0x80, s24, s12, $0xb8;
	[tilespmem:$0x1D100] =	vst v63  }
0x100: {  	_ =	swait.ge [sflag:s10], $0x4000  }
0x101: {  	[sflag:s10] =	ssyncset.done $0x0  }
0x102: {  	s24 =	rddreg [dreg:$0xe];
	[sflag:s10] =	ssyncadd.s32 $0xFFFFC000  }
0x103: {  	[tilespmem:s15], [sflag:$0x2] =	stream.indirect.gather [hbm4b:s4+s12], $0x80, s24, s12, $0xb8;
	[tilespmem:$0x1D100] =	vst v63  }
0x104: {  	_ =	swait.ge [sflag:s16], $0x4000  }
0x105: {  	[sflag:s16] =	ssyncset.done $0x0  }
0x106: {  	s24 =	rddreg [dreg:$0xf];
	[sflag:s16] =	ssyncadd.s32 $0xFFFFC000  }
0x107: {  	[spmem:s1] =	stream.indirect.scatter.add.f32 [tilespmem:s13], [sflag:$0x4], $0x80, s24, s12, $0xb8;
	[tilespmem:$0x1D100] =	vst v63  }
0x108: {  	_ =	swait.ge [sflag:s10], $0x4000  }
0x109: {  	[sflag:s10] =	ssyncset.done $0x0  }
0x10a: {  	[sflag:s10] =	ssyncadd.s32 $0xFFFFC000  }
0x10b: {  	_ =	swait.ge [sflag:s18], $0x800  }
0x10c: {  	[sflag:s18] =	ssyncset.done $0x0  }
0x10d: {  	[sflag:s18] =	ssyncadd.s32 $0xFFFFF800  }
0x10e: {  	[tilespmem:s13], [sflag:$0x1] =	stream.indirect.gather [hbm4b:s4+s12], $0x80, s14, s12, $0xb8;
	[tilespmem:$0x1D100] =	vst v63  }
0x10f: {  	_ =	swait.ge [sflag:s17], $0x4000  }
0x110: {  	[sflag:s17] =	ssyncset.done $0x0  }
0x111: {  	s24 =	rddreg [dreg:$0x10];
	[sflag:s17] =	ssyncadd.s32 $0xFFFFC000  }
0x112: {  	[spmem:s1] =	stream.indirect.scatter.add.f32 [tilespmem:s15], [sflag:$0x4], $0x80, s24, s12, $0xb8;
	[tilespmem:$0x1D100] =	vst v63  }
0x113: {  	p3 =	seq.s32 s3, $0xFFFFFE00;
	_ =	swait.ge [sflag:s10], $0x4000  }
0x114: {  	s3 =	sadd.s32 @!p3 s3, s11;
	[sflag:s10] =	ssyncset.done $0x0  }
0x115: {  	s3 =	sadd.s32 @!p3 $0xC00, s3;
	s7 =	simm.s32 @!p3 $0x0;
	[sflag:s10] =	ssyncadd.s32 $0xFFFFC000  }
0x116: {  	[tilespmem:s7], [sflag:$0x3] =	stream.linear.gather @!p3 [hbm4b:s3+s7], $0x800, $0x38;
	[tilespmem:$0x1D100] =	vst v63  }
0x117: {  	s24 =	rddreg [dreg:$0x11]  }
0x118: {  	[tilespmem:s15], [sflag:$0x2] =	stream.indirect.gather [hbm4b:s4+s12], $0x80, s24, s12, $0xb8;
	[tilespmem:$0x1D100] =	vst v63  }
0x119: {  	_ =	swait.ge [sflag:s16], $0x4000  }
0x11a: {  	[sflag:s16] =	ssyncset.done $0x0  }
0x11b: {  	s24 =	rddreg [dreg:$0x12];
	[sflag:s16] =	ssyncadd.s32 $0xFFFFC000  }
0x11c: {  	[spmem:s1] =	stream.indirect.scatter.add.f32 [tilespmem:s13], [sflag:$0x4], $0x80, s24, s12, $0xb8;
	[tilespmem:$0x1D100] =	vst v63  }
0x11d: {  	_ =	swait.ge [sflag:s10], $0x4000  }
0x11e: {  	[sflag:s10] =	ssyncset.done $0x0  }
0x11f: {  	s24 =	rddreg [dreg:$0x13];
	[sflag:s10] =	ssyncadd.s32 $0xFFFFC000  }
0x120: {  	[tilespmem:s13], [sflag:$0x1] =	stream.indirect.gather [hbm4b:s4+s12], $0x80, s24, s12, $0xb8;
	[tilespmem:$0x1D100] =	vst v63  }
0x121: {  	_ =	swait.ge [sflag:s17], $0x4000  }
0x122: {  	[sflag:s17] =	ssyncset.done $0x0  }
0x123: {  	s24 =	rddreg [dreg:$0x14];
	[sflag:s17] =	ssyncadd.s32 $0xFFFFC000  }
0x124: {  	[spmem:s1] =	stream.indirect.scatter.add.f32 [tilespmem:s15], [sflag:$0x4], $0x80, s24, s12, $0xb8;
	[tilespmem:$0x1D100] =	vst v63  }
0x125: {  	_ =	swait.ge [sflag:s10], $0x4000  }
0x126: {  	[sflag:s10] =	ssyncset.done $0x0  }
0x127: {  	s24 =	rddreg [dreg:$0x15];
	[sflag:s10] =	ssyncadd.s32 $0xFFFFC000  }
0x128: {  	[tilespmem:s15], [sflag:$0x2] =	stream.indirect.gather [hbm4b:s4+s12], $0x80, s24, s12, $0xb8;
	[tilespmem:$0x1D100] =	vst v63  }
0x129: {  	_ =	swait.ge [sflag:s16], $0x4000  }
0x12a: {  	[sflag:s16] =	ssyncset.done $0x0  }
0x12b: {  	[sflag:s16] =	ssyncadd.s32 $0xFFFFC000  }
0x12c: {  	[spmem:s1] =	stream.indirect.scatter.add.f32 [tilespmem:s13], [sflag:$0x4], $0x80, s19, s12, $0xb8;
	[tilespmem:$0x1D100] =	vst v63  }
0x12d: {  	_ =	swait.ge [sflag:s10], $0x4000  }
0x12e: {  	[sflag:s10] =	ssyncset.done $0x0  }
0x12f: {  	[sflag:s10] =	ssyncadd.s32 $0xFFFFC000  }
0x130: {  	[tilespmem:s13], [sflag:$0x1] =	stream.indirect.gather [hbm4b:s4+s12], $0x80, s20, s12, $0xb8;
	[tilespmem:$0x1D100] =	vst v63  }
0x131: {  	_ =	swait.ge [sflag:s17], $0x4000  }
0x132: {  	[sflag:s17] =	ssyncset.done $0x0  }
0x133: {  	[sflag:s17] =	ssyncadd.s32 $0xFFFFC000  }
0x134: {  	[spmem:s1] =	stream.indirect.scatter.add.f32 [tilespmem:s15], [sflag:$0x4], $0x80, s21, s12, $0xb8;
	[tilespmem:$0x1D100] =	vst v63  }
0x135: {  	_ =	swait.ge [sflag:s10], $0x4000  }
0x136: {  	[sflag:s10] =	ssyncset.done $0x0  }
0x137: {  	[sflag:s10] =	ssyncadd.s32 $0xFFFFC000  }
0x138: {  	[tilespmem:s15], [sflag:$0x2] =	stream.indirect.gather [hbm4b:s4+s12], $0x80, s22, s12, $0xb8;
	[tilespmem:$0x1D100] =	vst v63  }
0x139: {  	_ =	swait.ge [sflag:s16], $0x4000  }
0x13a: {  	[sflag:s16] =	ssyncset.done $0x0  }
0x13b: {  	[sflag:s16] =	ssyncadd.s32 $0xFFFFC000  }
0x13c: {  	[spmem:s1] =	stream.indirect.scatter.add.f32 [tilespmem:s13], [sflag:$0x4], $0x80, s23, s12, $0xb8;
	[tilespmem:$0x1D100] =	vst v63  }
0x13d: {  	_ =	swait.ge [sflag:s10], $0x4000  }
0x13e: {  	[sflag:s10] =	ssyncset.done $0x0  }
0x13f: {  	[sflag:s10] =	ssyncadd.s32 $0xFFFFC000  }
0x140: {  	[tilespmem:s13], [sflag:$0x1] =	stream.indirect.gather [hbm4b:s4+s12], $0x80, s26, s12, $0xb8;
	[tilespmem:$0x1D100] =	vst v63  }
0x141: {  	_ =	swait.ge [sflag:s17], $0x4000  }
0x142: {  	[sflag:s17] =	ssyncset.done $0x0  }
0x143: {  	[sflag:s17] =	ssyncadd.s32 $0xFFFFC000  }
0x144: {  	[spmem:s1] =	stream.indirect.scatter.add.f32 [tilespmem:s15], [sflag:$0x4], $0x80, s28, s12, $0xb8;
	[tilespmem:$0x1D100] =	vst v63  }
0x145: {  	_ =	swait.ge [sflag:s10], $0x4000  }
0x146: {  	[sflag:s10] =	ssyncset.done $0x0  }
0x147: {  	[sflag:s10] =	ssyncadd.s32 $0xFFFFC000  }
0x148: {  	[tilespmem:s15], [sflag:$0x2] =	stream.indirect.gather [hbm4b:s4+s12], $0x80, s29, s12, $0xb8;
	[tilespmem:$0x1D100] =	vst v63  }
0x149: {  	_ =	swait.ge [sflag:s16], $0x4000  }
0x14a: {  	[sflag:s16] =	ssyncset.done $0x0  }
0x14b: {  	[sflag:s16] =	ssyncadd.s32 $0xFFFFC000  }
0x14c: {  	[spmem:s1] =	stream.indirect.scatter.add.f32 [tilespmem:s13], [sflag:$0x4], $0x80, s30, s12, $0xb8;
	[tilespmem:$0x1D100] =	vst v63  }
0x14d: {  	_ =	swait.ge [sflag:s10], $0x4000  }
0x14e: {  	s8 =	smov.u32 s6;
	[sflag:s10] =	ssyncset.done $0x0  }
0x14f: {  	s3 =	smov.u32 s8;
	s8 =	simm.s32 @!p3 $0x3;
	[sflag:s10] =	ssyncadd.s32 $0xFFFFC000  }
0x150: {  	_ =	swait.ge @!p3 [sflag:s8], $0x800  }
0x151: {  	s6 =	sadd.s32 $0x200, s6;
	[sflag:s8] =	ssyncset.done @!p3 $0x0  }
0x152: {  	s24 =	simm.s32 @!p3 $0x1000;
	[sflag:s8] =	ssyncadd.s32 @!p3 $0xFFFFF800;
	s8 =	simm.s32 @!p3 $0x80  }
0x153: {  	[tilespmem:s24], [sflag:$0x1] =	stream.indirect.gather @!p3 [hbm4b:s4+s8], $0x80, s7, s8, $0xb8;
	[tilespmem:$0x1D100] =	vst v63  }
0x154: {  	p2 =	sne.s32 s6, $0x0;
	_ =	swait.ge [sflag:s17], $0x4000  }
.Ltmp2:
0x155: {  	[sflag:s17] =	ssyncset.done $0x0;
	(pc) =	sbr.rel @p2 .LBB2_6-.Ltmp2, $4  }
0x156: {  	[sflag:s17] =	ssyncadd.s32 $0xFFFFC000  }
0x157: {  	[spmem:s1] =	stream.indirect.scatter.add.f32 [tilespmem:s15], [sflag:$0x4], $0x80, s31, s12, $0xb8;
	[tilespmem:$0x1D100] =	vst v63  }
0x158: {  	_ =	swait.ge [sflag:s10], $0x4000  }
0x159: {  	s8 =	sadd.s32 s3, s11;
	s7 =	rddreg [dreg:$0x3];
	[sflag:s10] =	ssyncset.done $0x0  }
0x15a: {  	s6 =	sadd.s32 $0xB00, s8;
	[sflag:s10] =	ssyncadd.s32 $0xFFFFC000  }
0x15b: {  	[tilespmem:s14], [sflag:$0x3] =	stream.linear.gather [hbm4b:s6+s2], $0x800, $0x38;
	[tilespmem:$0x1D100] =	vst v63  }
0x15c: {  	_ = 	snop  }
0x15d: {  	[tilespmem:s15], [sflag:$0x2] =	stream.indirect.gather [hbm4b:s4+s12], $0x80, s7, s12, $0xb8;
	[tilespmem:$0x1D100] =	vst v63  }
0x15e: {  	_ =	swait.ge [sflag:s16], $0x4000  }
0x15f: {  	[sflag:s16] =	ssyncset.done $0x0  }
0x160: {  	[sflag:s16] =	ssyncadd.s32 $0xFFFFC000  }
0x161: {  	[spmem:s1] =	stream.indirect.scatter.add.f32 [tilespmem:s13], [sflag:$0x4], $0x80, s12, s12, $0xb8;
	[tilespmem:$0x1D100] =	vst v63  }
0x162: {  	_ =	swait.ge [sflag:s10], $0x4000  }
0x163: {  	[sflag:s10] =	ssyncset.done $0x0  }
0x164: {  	s8 =	rddreg [dreg:$0x4];
	[sflag:s10] =	ssyncadd.s32 $0xFFFFC000  }
0x165: {  	[tilespmem:s13], [sflag:$0x1] =	stream.indirect.gather [hbm4b:s4+s12], $0x80, s8, s12, $0xb8;
	[tilespmem:$0x1D100] =	vst v63  }
0x166: {  	_ =	swait.ge [sflag:s17], $0x4000  }
0x167: {  	[sflag:s17] =	ssyncset.done $0x0  }
0x168: {  	s24 =	rddreg [dreg:$0x5];
	[sflag:s17] =	ssyncadd.s32 $0xFFFFC000  }
0x169: {  	[spmem:s1] =	stream.indirect.scatter.add.f32 [tilespmem:s15], [sflag:$0x4], $0x80, s24, s12, $0xb8;
	[tilespmem:$0x1D100] =	vst v63  }
0x16a: {  	_ =	swait.ge [sflag:s10], $0x4000  }
0x16b: {  	[sflag:s10] =	ssyncset.done $0x0  }
0x16c: {  	s7 =	rddreg [dreg:$0x6];
	[sflag:s10] =	ssyncadd.s32 $0xFFFFC000  }
0x16d: {  	[tilespmem:s15], [sflag:$0x2] =	stream.indirect.gather [hbm4b:s4+s12], $0x80, s7, s12, $0xb8;
	[tilespmem:$0x1D100] =	vst v63  }
0x16e: {  	_ =	swait.ge [sflag:s16], $0x4000  }
0x16f: {  	[sflag:s16] =	ssyncset.done $0x0  }
0x170: {  	s8 =	rddreg [dreg:$0x7];
	[sflag:s16] =	ssyncadd.s32 $0xFFFFC000  }
0x171: {  	[spmem:s1] =	stream.indirect.scatter.add.f32 [tilespmem:s13], [sflag:$0x4], $0x80, s8, s12, $0xb8;
	[tilespmem:$0x1D100] =	vst v63  }
0x172: {  	_ =	swait.ge [sflag:s10], $0x4000  }
0x173: {  	[sflag:s10] =	ssyncset.done $0x0  }
0x174: {  	s24 =	rddreg [dreg:$0x8];
	[sflag:s10] =	ssyncadd.s32 $0xFFFFC000  }
0x175: {  	[tilespmem:s13], [sflag:$0x1] =	stream.indirect.gather [hbm4b:s4+s12], $0x80, s24, s12, $0xb8;
	[tilespmem:$0x1D100] =	vst v63  }
0x176: {  	_ =	swait.ge [sflag:s17], $0x4000  }
0x177: {  	[sflag:s17] =	ssyncset.done $0x0  }
0x178: {  	s7 =	rddreg [dreg:$0x9];
	[sflag:s17] =	ssyncadd.s32 $0xFFFFC000  }
0x179: {  	[spmem:s1] =	stream.indirect.scatter.add.f32 [tilespmem:s15], [sflag:$0x4], $0x80, s7, s12, $0xb8;
	[tilespmem:$0x1D100] =	vst v63  }
0x17a: {  	_ =	swait.ge [sflag:s10], $0x4000  }
0x17b: {  	[sflag:s10] =	ssyncset.done $0x0  }
0x17c: {  	s8 =	rddreg [dreg:$0xa];
	[sflag:s10] =	ssyncadd.s32 $0xFFFFC000  }
0x17d: {  	[tilespmem:s15], [sflag:$0x2] =	stream.indirect.gather [hbm4b:s4+s12], $0x80, s8, s12, $0xb8;
	[tilespmem:$0x1D100] =	vst v63  }
0x17e: {  	_ =	swait.ge [sflag:s16], $0x4000  }
0x17f: {  	[sflag:s16] =	ssyncset.done $0x0  }
0x180: {  	s24 =	rddreg [dreg:$0xb];
	[sflag:s16] =	ssyncadd.s32 $0xFFFFC000  }
0x181: {  	[spmem:s1] =	stream.indirect.scatter.add.f32 [tilespmem:s13], [sflag:$0x4], $0x80, s24, s12, $0xb8;
	[tilespmem:$0x1D100] =	vst v63  }
0x182: {  	_ =	swait.ge [sflag:s10], $0x4000  }
0x183: {  	[sflag:s10] =	ssyncset.done $0x0  }
0x184: {  	s7 =	rddreg [dreg:$0xc];
	[sflag:s10] =	ssyncadd.s32 $0xFFFFC000  }
0x185: {  	[tilespmem:s13], [sflag:$0x1] =	stream.indirect.gather [hbm4b:s4+s12], $0x80, s7, s12, $0xb8;
	[tilespmem:$0x1D100] =	vst v63  }
0x186: {  	_ =	swait.ge [sflag:s17], $0x4000  }
0x187: {  	[sflag:s17] =	ssyncset.done $0x0  }
0x188: {  	s8 =	rddreg [dreg:$0xd];
	[sflag:s17] =	ssyncadd.s32 $0xFFFFC000  }
0x189: {  	[spmem:s1] =	stream.indirect.scatter.add.f32 [tilespmem:s15], [sflag:$0x4], $0x80, s8, s12, $0xb8;
	[tilespmem:$0x1D100] =	vst v63  }
0x18a: {  	_ =	swait.ge [sflag:s10], $0x4000  }
0x18b: {  	[sflag:s10] =	ssyncset.done $0x0  }
0x18c: {  	s24 =	rddreg [dreg:$0xe];
	[sflag:s10] =	ssyncadd.s32 $0xFFFFC000  }
0x18d: {  	[tilespmem:s15], [sflag:$0x2] =	stream.indirect.gather [hbm4b:s4+s12], $0x80, s24, s12, $0xb8;
	[tilespmem:$0x1D100] =	vst v63  }
0x18e: {  	_ =	swait.ge [sflag:s16], $0x4000  }
0x18f: {  	[sflag:s16] =	ssyncset.done $0x0  }
0x190: {  	s7 =	rddreg [dreg:$0xf];
	[sflag:s16] =	ssyncadd.s32 $0xFFFFC000  }
0x191: {  	[spmem:s1] =	stream.indirect.scatter.add.f32 [tilespmem:s13], [sflag:$0x4], $0x80, s7, s12, $0xb8;
	[tilespmem:$0x1D100] =	vst v63  }
0x192: {  	_ =	swait.ge [sflag:s10], $0x4000  }
0x193: {  	[sflag:s10] =	ssyncset.done $0x0  }
0x194: {  	[sflag:s10] =	ssyncadd.s32 $0xFFFFC000  }
0x195: {  	_ =	swait.ge [sflag:s18], $0x800  }
0x196: {  	[sflag:s18] =	ssyncset.done $0x0  }
0x197: {  	[sflag:s18] =	ssyncadd.s32 $0xFFFFF800  }
0x198: {  	[tilespmem:s13], [sflag:$0x1] =	stream.indirect.gather [hbm4b:s4+s12], $0x80, s14, s12, $0xb8;
	[tilespmem:$0x1D100] =	vst v63  }
0x199: {  	_ =	swait.ge [sflag:s17], $0x4000  }
0x19a: {  	[sflag:s17] =	ssyncset.done $0x0  }
0x19b: {  	s8 =	rddreg [dreg:$0x10];
	[sflag:s17] =	ssyncadd.s32 $0xFFFFC000  }
0x19c: {  	[spmem:s1] =	stream.indirect.scatter.add.f32 [tilespmem:s15], [sflag:$0x4], $0x80, s8, s12, $0xb8;
	[tilespmem:$0x1D100] =	vst v63  }
0x19d: {  	p2 =	seq.s32 s3, $0xFFFFFE00;
	_ =	swait.ge [sflag:s10], $0x4000  }
0x19e: {  	s6 =	sadd.s32 @!p2 s3, s11;
	[sflag:s10] =	ssyncset.done $0x0  }
0x19f: {  	s3 =	simm.s32 @!p2 $0x0;
	s6 =	sadd.s32 @!p2 $0xC00, s6;
	[sflag:s10] =	ssyncadd.s32 $0xFFFFC000  }
0x1a0: {  	[tilespmem:s3], [sflag:$0x3] =	stream.linear.gather @!p2 [hbm4b:s6+s3], $0x800, $0x38;
	[tilespmem:$0x1D100] =	vst v63  }
0x1a1: {  	s24 =	rddreg [dreg:$0x11]  }
0x1a2: {  	[tilespmem:s15], [sflag:$0x2] =	stream.indirect.gather [hbm4b:s4+s12], $0x80, s24, s12, $0xb8;
	[tilespmem:$0x1D100] =	vst v63  }
0x1a3: {  	_ =	swait.ge [sflag:s16], $0x4000  }
0x1a4: {  	[sflag:s16] =	ssyncset.done $0x0  }
0x1a5: {  	s8 =	rddreg [dreg:$0x12];
	[sflag:s16] =	ssyncadd.s32 $0xFFFFC000  }
0x1a6: {  	[spmem:s1] =	stream.indirect.scatter.add.f32 [tilespmem:s13], [sflag:$0x4], $0x80, s8, s12, $0xb8;
	[tilespmem:$0x1D100] =	vst v63  }
0x1a7: {  	_ =	swait.ge [sflag:s10], $0x4000  }
0x1a8: {  	[sflag:s10] =	ssyncset.done $0x0  }
0x1a9: {  	s24 =	rddreg [dreg:$0x13];
	[sflag:s10] =	ssyncadd.s32 $0xFFFFC000  }
0x1aa: {  	[tilespmem:s13], [sflag:$0x1] =	stream.indirect.gather [hbm4b:s4+s12], $0x80, s24, s12, $0xb8;
	[tilespmem:$0x1D100] =	vst v63  }
0x1ab: {  	_ =	swait.ge [sflag:s17], $0x4000  }
0x1ac: {  	[sflag:s17] =	ssyncset.done $0x0  }
0x1ad: {  	s7 =	rddreg [dreg:$0x14];
	[sflag:s17] =	ssyncadd.s32 $0xFFFFC000  }
0x1ae: {  	[spmem:s1] =	stream.indirect.scatter.add.f32 [tilespmem:s15], [sflag:$0x4], $0x80, s7, s12, $0xb8;
	[tilespmem:$0x1D100] =	vst v63  }
0x1af: {  	_ =	swait.ge [sflag:s10], $0x4000  }
0x1b0: {  	[sflag:s10] =	ssyncset.done $0x0  }
0x1b1: {  	s8 =	rddreg [dreg:$0x15];
	[sflag:s10] =	ssyncadd.s32 $0xFFFFC000  }
0x1b2: {  	[tilespmem:s15], [sflag:$0x2] =	stream.indirect.gather [hbm4b:s4+s12], $0x80, s8, s12, $0xb8;
	[tilespmem:$0x1D100] =	vst v63  }
0x1b3: {  	_ =	swait.ge [sflag:s16], $0x4000  }
0x1b4: {  	[sflag:s16] =	ssyncset.done $0x0  }
0x1b5: {  	[sflag:s16] =	ssyncadd.s32 $0xFFFFC000  }
0x1b6: {  	[spmem:s1] =	stream.indirect.scatter.add.f32 [tilespmem:s13], [sflag:$0x4], $0x80, s19, s12, $0xb8;
	[tilespmem:$0x1D100] =	vst v63  }
0x1b7: {  	_ =	swait.ge [sflag:s10], $0x4000  }
0x1b8: {  	[sflag:s10] =	ssyncset.done $0x0  }
0x1b9: {  	[sflag:s10] =	ssyncadd.s32 $0xFFFFC000  }
0x1ba: {  	[tilespmem:s13], [sflag:$0x1] =	stream.indirect.gather [hbm4b:s4+s12], $0x80, s20, s12, $0xb8;
	[tilespmem:$0x1D100] =	vst v63  }
0x1bb: {  	_ =	swait.ge [sflag:s17], $0x4000  }
0x1bc: {  	[sflag:s17] =	ssyncset.done $0x0  }
0x1bd: {  	[sflag:s17] =	ssyncadd.s32 $0xFFFFC000  }
0x1be: {  	[spmem:s1] =	stream.indirect.scatter.add.f32 [tilespmem:s15], [sflag:$0x4], $0x80, s21, s12, $0xb8;
	[tilespmem:$0x1D100] =	vst v63  }
0x1bf: {  	_ =	swait.ge [sflag:s10], $0x4000  }
0x1c0: {  	[sflag:s10] =	ssyncset.done $0x0  }
0x1c1: {  	[sflag:s10] =	ssyncadd.s32 $0xFFFFC000  }
0x1c2: {  	[tilespmem:s15], [sflag:$0x2] =	stream.indirect.gather [hbm4b:s4+s12], $0x80, s22, s12, $0xb8;
	[tilespmem:$0x1D100] =	vst v63  }
0x1c3: {  	_ =	swait.ge [sflag:s16], $0x4000  }
0x1c4: {  	[sflag:s16] =	ssyncset.done $0x0  }
0x1c5: {  	[sflag:s16] =	ssyncadd.s32 $0xFFFFC000  }
0x1c6: {  	[spmem:s1] =	stream.indirect.scatter.add.f32 [tilespmem:s13], [sflag:$0x4], $0x80, s23, s12, $0xb8;
	[tilespmem:$0x1D100] =	vst v63  }
0x1c7: {  	_ =	swait.ge [sflag:s10], $0x4000  }
0x1c8: {  	[sflag:s10] =	ssyncset.done $0x0  }
0x1c9: {  	[sflag:s10] =	ssyncadd.s32 $0xFFFFC000  }
0x1ca: {  	[tilespmem:s13], [sflag:$0x1] =	stream.indirect.gather [hbm4b:s4+s12], $0x80, s26, s12, $0xb8;
	[tilespmem:$0x1D100] =	vst v63  }
0x1cb: {  	_ =	swait.ge [sflag:s17], $0x4000  }
0x1cc: {  	[sflag:s17] =	ssyncset.done $0x0  }
0x1cd: {  	[sflag:s17] =	ssyncadd.s32 $0xFFFFC000  }
0x1ce: {  	[spmem:s1] =	stream.indirect.scatter.add.f32 [tilespmem:s15], [sflag:$0x4], $0x80, s28, s12, $0xb8;
	[tilespmem:$0x1D100] =	vst v63  }
0x1cf: {  	_ =	swait.ge [sflag:s10], $0x4000  }
0x1d0: {  	[sflag:s10] =	ssyncset.done $0x0  }
0x1d1: {  	[sflag:s10] =	ssyncadd.s32 $0xFFFFC000  }
0x1d2: {  	[tilespmem:s15], [sflag:$0x2] =	stream.indirect.gather [hbm4b:s4+s12], $0x80, s29, s12, $0xb8;
	[tilespmem:$0x1D100] =	vst v63  }
0x1d3: {  	_ =	swait.ge [sflag:s16], $0x4000  }
0x1d4: {  	[sflag:s16] =	ssyncset.done $0x0  }
0x1d5: {  	[sflag:s16] =	ssyncadd.s32 $0xFFFFC000  }
0x1d6: {  	[spmem:s1] =	stream.indirect.scatter.add.f32 [tilespmem:s13], [sflag:$0x4], $0x80, s30, s12, $0xb8;
	[tilespmem:$0x1D100] =	vst v63  }
0x1d7: {  	_ =	swait.ge [sflag:s10], $0x4000  }
0x1d8: {  	[sflag:s10] =	ssyncset.done $0x0  }
0x1d9: {  	s6 =	simm.s32 @!p2 $0x3;
	[sflag:s10] =	ssyncadd.s32 $0xFFFFC000  }
0x1da: {  	_ =	swait.ge @!p2 [sflag:s6], $0x800  }
0x1db: {  	[sflag:s6] =	ssyncset.done @!p2 $0x0  }
0x1dc: {  	s7 =	simm.s32 @!p2 $0x1000;
	[sflag:s6] =	ssyncadd.s32 @!p2 $0xFFFFF800;
	s6 =	simm.s32 @!p2 $0x80  }
0x1dd: {  	[tilespmem:s7], [sflag:$0x1] =	stream.indirect.gather @!p2 [hbm4b:s4+s6], $0x80, s3, s6, $0xb8;
	[tilespmem:$0x1D100] =	vst v63  }
0x1de: {  	_ =	swait.ge [sflag:s17], $0x4000  }
0x1df: {  	[sflag:s17] =	ssyncset.done $0x0  }
0x1e0: {  	[sflag:s17] =	ssyncadd.s32 $0xFFFFC000  }
0x1e1: {  	[spmem:s1] =	stream.indirect.scatter.add.f32 [tilespmem:s15], [sflag:$0x4], $0x80, s31, s12, $0xb8;
	[tilespmem:$0x1D100] =	vst v63  }
0x1e2: {  	_ =	swait.ge [sflag:s10], $0x4000  }
0x1e3: {  	[sflag:s10] =	ssyncset.done $0x0  }
0x1e4: {  	[sflag:s10] =	ssyncadd.s32 $0xFFFFC000  }
0x1e5: {  	[bflag:$0x0] =	sbarrier.arrive $0xFFFF  }
0x1e6: {  	s3 =	sadd.s32 @p1 $0x24900, s25;
	s6 =	simm.s32 @p1 $0x1FC4;
	s7 =	rddreg [dreg:$0x18]  }
0x1e7: {  	[hbm:s3], [sflag:s6] =	dma.local @p1 [spmem:s7], $0x2800  }
0x1e8: {  	s3 =	simm.s32 @p1 $0x4  }
0x1e9: {  	s6 =	stileid.u32;
	_ =	swait.ge @p1 [sflag:s3], $0x2800  }
0x1ea: {  	s6 =	sshll.u32 @!p1 s6, $0x6;
	[sflag:s3] =	ssyncset.done @p1 $0x0;
	s7 =	rddreg [dreg:$0x19]  }
0x1eb: {  	[sflag:s3] =	ssyncadd.s32 @p1 $0xFFFFD800;
	s3 =	sor.u32 @!p1 $0x1C04, s6;
	s6 =	sshrl.u32 @!p1 s5, $0x3  }
0x1ec: {  	[hbm:s7], [sflag:s3] =	dma.local @!p1 [spmem:s6], $0x2700  }
0x1ed: {  	s3 =	simm.s32 @!p1 $0x4  }
0x1ee: {  	_ =	swait.ge @!p1 [sflag:s3], $0x2700  }
0x1ef: {  	s0 =	sadd.s32 $0x1, s0;
	s24 =	rddreg [dreg:$0x17]  }
0x1f0: {  	p2 =	sne.s32 s0, s24  }
.Ltmp3:
0x1f1: {  	_ = 	snop;
	(pc) =	sbr.rel @p2 .LBB2_1-.Ltmp3, $3  }
0x1f2: {  	_ =	sdelay $0x1  }
0x1f3: {  	[sflag:s3] =	ssyncset.done @!p1 $0x0  }
0x1f4: {  	[sflag:s3] =	ssyncadd.s32 @!p1 $0xFFFFD900  }
0x1f5: {  	_ =	sfence.sel $0x180000  }
0x1f6: {  	[bflag:$0x0] =	sbarrier.arrive $0xFFFF  }
0x1f7: {  	_ =	strace $0x9000004A  }
0x1f8: {  	s0 =	stileid.u32;
	[bflag:$0x2] =	sbarrier.arrive $0xFFFF  }
0x1f9: {  	p0 =	sne.s32 s0, $0x0;
	s0 =	rddreg [dreg:$0x2]  }
0x1fa: {  	s0 =	sadd.s32 @!p0 $0x100000, s0  }
0x1fb: {  	[sflag:s0] =	ssyncadd.tile.s32 @!p0 $0x1;
	_ =	shalt  }
.Lfunc_end2:
_tile_overlayer_lowered:
.L_overlay_start_2:
0x1fc: {  	(tag) =	ssettag $0x2  }
0x1fd: {  	s0 =	rddreg [dreg:$0x0];
	s2 =	stileid.u32  }
0x1fe: {  	s1 =	rddreg [dreg:$0x1];
	p0 =	sne.s32 s2, $0x0  }
0x1ff: {  	s3 =	rddreg [dreg:$0x2];
	[bflag:$0x3] =	sbarrier.arrive $0xFFFF;
	s2 =	simm.s32 @!p0 $0x1C04  }
0x200: {  	[timem:s3], [sflag:s2] =	dma.local @!p0 [hbm:s0], s1  }
0x201: {  	s0 =	simm.s32 @!p0 $0x4  }
0x202: {  	_ =	swait.ge @!p0 [sflag:s0], s1  }
0x203: {  	s1 =	ssub.s32 @!p0 $0x0, s1;
	[sflag:s0] =	ssyncset.done @!p0 $0x0  }
0x204: {  	[sflag:s0] =	ssyncadd.s32 @!p0 s1  }
0x205: {  	[bflag:$0x3] =	sbarrier.arrive $0xFFFF  }
0x206: {  	_ =	shalt  }

// kernel: kernel.15.cloned.1.call-start
scs
__scs_entry_jumppad:
0x0: {  	(pc) =	sbr.rel $0x88, $3  }
0x1: {  	(tag) =	ssettag $0x0;
	lr =	simm.s32 $0x1  }
0x2: {  	[smem:$0x3F90] =	sst lr;
	_ =	strace $0xD0000000  }
0x3: {  	_ = 	snop  }
0x4: {  	_ = 	snop  }
0x5: {  	_ = 	snop  }
0x6: {  	_ = 	snop  }
0x7: {  	_ = 	snop  }
__scs_overlays_trampoline_lowered:
0x8: {  	[smem:$0x3F9F] =	sst s0  }
0x9: {  	[smem:$0x3FA0] =	sst s1  }
0xa: {  	[smem:$0x3FA1] =	sst s2  }
0xb: {  	[smem:$0x3FA2] =	sst s3  }
0xc: {  	[smem:$0x3FA3] =	sst s4  }
0xd: {  	[smem:$0x3FA4] =	sst s5  }
0xe: {  	[smem:$0x3FA5] =	sst s6  }
0xf: {  	[smem:$0x3FA6] =	sst s7  }
0x10: {  	[smem:$0x3FA7] =	sst s8  }
0x11: {  	[smem:$0x3FA8] =	sst s9;
	s0 =	simm.s32 @!p0 $0x0  }
0x12: {  	s1 =	sld [smem:$0x3F8E];
	s0 =	simm.s32 @p0 $0x1  }
0x13: {  	[smem:$0x3FA9] =	sst s0;
	s0 =	simm.s32 @!p1 $0x0  }
0x14: {  	s2 =	sld [smem:$0x3F8D];
	s0 =	simm.s32 @p1 $0x1  }
0x15: {  	[smem:$0x3FAA] =	sst s0;
	s0 =	simm.s32 @!p2 $0x0  }
0x16: {  	s3 =	sld [smem:$0x3FDB];
	s0 =	simm.s32 @p2 $0x1  }
0x17: {  	s4 =	simm.s32 $0x1BF5;
	[smem:$0x3FAC] =	sst s0  }
0x18: {  	s0 =	sld [smem:$0x3F8F];
	_ =	swait.ge [sflag:s4], $0x0  }
0x19: {  	s7 =	sld [smem:$0x3F90]  }
0x1a: {  	s8 =	sadd.s32 $0xFFFFE003, lr  }
0x1b: {  	s9 =	sadd.s32 $0xFFFFFEF7, lr;
	s5 =	simm.s32 $0xFFFFFFFF;
	p2 =	slt.u32 s8, $0xFFFFF086  }
0x1c: {  	p1 =	slt.u32 s9, $0xF7A;
	s5 =	simm.s32 @!p2 $0x0  }
0x1d: {  	s5 =	simm.s32 @p1 $0x1;
	p0 =	seq.s32 s7, s2  }
0x1e: {  	s7 =	smul.u32 @!p0 $0xF7A, s2;
	p2 =	seq.s32 @!p0 s5, $0x0  }
0x1f: {  	s9 =	smul.u32 $0xF7A, s1;
	s8 =	simm.s32 @!p0 $0x1BF5;
	p2 =	por !p2, p0  }
0x20: {  	[sflag:s8] =	ssyncset.s32 @!p0 $0xFFFFF086;
	s6 =	sadd.s32 @!p0 s3, s7;
	s7 =	simm.s32 @!p0 $0x108  }
0x21: {  	s3 =	sadd.s32 s3, s9;
	s6 =	sadd.s32 @!p0 $0x88, s6;
	s7 =	simm.s32 @p2 $0x1082  }
0x22: {  	[simem:s7], [sflag:s8] =	dma.local @!p0 [hbm:s6], $0xF7A  }
0x23: {  	s9 =	sor.u32 $0xD0000000, s2;
	s6 =	simm.s32 $0x108;
	_ =	swait.ge @!p0 [sflag:s8], $0x0  }
0x24: {  	s3 =	sadd.s32 $0x88, s3;
	s6 =	simm.s32 @!p1 $0x1082;
	[sflag:s4] =	ssyncset.s32 $0xFFFFF086  }
0x25: {  	[simem:s6], [sflag:s4] =	dma.local [hbm:s3], $0xF7A  }
0x26: {  	[smem:$0x3F90] =	sst s1;
	(tag) =	ssettag s2;
	_ =	strace s9  }
0x27: {  	s1 =	sld [smem:$0x3FA0]  }
0x28: {  	s2 =	sld [smem:$0x3FA1]  }
0x29: {  	s4 =	sld [smem:$0x3FA3]  }
0x2a: {  	p0 =	seq.s32 s5, $0x0;
	s5 =	sld [smem:$0x3FA4]  }
0x2b: {  	s6 =	sld [smem:$0x3FA5]  }
0x2c: {  	s7 =	sld [smem:$0x3FA6]  }
0x2d: {  	s3 =	simm.s32 $0x108;
	s8 =	sld [smem:$0x3FA7]  }
0x2e: {  	s3 =	simm.s32 @!p0 $0x1082;
	s9 =	sld [smem:$0x3FA8]  }
0x2f: {  	lr =	sadd.s32 s0, s3;
	s0 =	sld [smem:$0x3F9F]  }
0x30: {  	s3 =	sld [smem:$0x3FA2]  }
0x31: {  	[smem:$0x3FAB] =	sst s10  }
0x32: {  	s10 =	sld [smem:$0x3FA9];
	_ =	sdelay $0x3  }
0x33: {  	p0 =	seq.s32 s10, $0x1;
	s10 =	sld [smem:$0x3FAB];
	_ =	sdelay $0x3  }
0x34: {  	[smem:$0x3FAB] =	sst s10  }
0x35: {  	s10 =	sld [smem:$0x3FAA];
	_ =	sdelay $0x3  }
0x36: {  	p1 =	seq.s32 s10, $0x1;
	s10 =	sld [smem:$0x3FAB];
	_ =	sdelay $0x3  }
0x37: {  	[smem:$0x3FAB] =	sst s10  }
0x38: {  	s10 =	sld [smem:$0x3FAC]  }
0x39: {  	_ = 	snop;
	(pc) =	sbr.ind lr, $3  }
0x3a: {  	_ = 	snop  }
0x3b: {  	_ = 	snop  }
0x3c: {  	p2 =	seq.s32 s10, $0x1;
	s10 =	sld [smem:$0x3FAB]  }
0x3d: {  	_ =	shalt  }
0x3e: {  	_ =	shalt  }
0x3f: {  	_ =	shalt  }
0x40: {  	_ =	shalt  }
0x41: {  	_ =	shalt  }
0x42: {  	_ =	shalt  }
0x43: {  	_ =	shalt  }
0x44: {  	_ =	shalt  }
0x45: {  	_ =	shalt  }
0x46: {  	_ =	shalt  }
0x47: {  	_ =	shalt  }
0x48: {  	_ =	shalt  }
0x49: {  	_ =	shalt  }
0x4a: {  	_ =	shalt  }
0x4b: {  	_ =	shalt  }
0x4c: {  	_ =	shalt  }
0x4d: {  	_ =	shalt  }
0x4e: {  	_ =	shalt  }
0x4f: {  	_ =	shalt  }
0x50: {  	_ =	shalt  }
0x51: {  	_ =	shalt  }
0x52: {  	_ =	shalt  }
0x53: {  	_ =	shalt  }
0x54: {  	_ =	shalt  }
0x55: {  	_ =	shalt  }
0x56: {  	_ =	shalt  }
0x57: {  	_ =	shalt  }
0x58: {  	_ =	shalt  }
0x59: {  	_ =	shalt  }
0x5a: {  	_ =	shalt  }
0x5b: {  	_ =	shalt  }
0x5c: {  	_ =	shalt  }
0x5d: {  	_ =	shalt  }
0x5e: {  	_ =	shalt  }
0x5f: {  	_ =	shalt  }
0x60: {  	_ =	shalt  }
0x61: {  	_ =	shalt  }
0x62: {  	_ =	shalt  }
0x63: {  	_ =	shalt  }
0x64: {  	_ =	shalt  }
0x65: {  	_ =	shalt  }
0x66: {  	_ =	shalt  }
0x67: {  	_ =	shalt  }
0x68: {  	_ =	shalt  }
0x69: {  	_ =	shalt  }
0x6a: {  	_ =	shalt  }
0x6b: {  	_ =	shalt  }
0x6c: {  	_ =	shalt  }
0x6d: {  	_ =	shalt  }
0x6e: {  	_ =	shalt  }
0x6f: {  	_ =	shalt  }
0x70: {  	_ =	shalt  }
0x71: {  	_ =	shalt  }
0x72: {  	_ =	shalt  }
0x73: {  	_ =	shalt  }
0x74: {  	_ =	shalt  }
0x75: {  	_ =	shalt  }
0x76: {  	_ =	shalt  }
0x77: {  	_ =	shalt  }
0x78: {  	_ =	shalt  }
0x79: {  	_ =	shalt  }
0x7a: {  	_ =	shalt  }
0x7b: {  	_ =	shalt  }
0x7c: {  	_ =	shalt  }
0x7d: {  	_ =	shalt  }
0x7e: {  	_ =	shalt  }
0x7f: {  	_ =	shalt  }
0x80: {  	_ =	shalt  }
0x81: {  	_ =	shalt  }
0x82: {  	_ =	shalt  }
0x83: {  	_ =	shalt  }
0x84: {  	_ =	shalt  }
0x85: {  	_ =	shalt  }
0x86: {  	_ =	shalt  }
0x87: {  	_ =	shalt  }
.Lfunc_end0:
.L_simem_size_0:
called_computation.2_lowered:
.L_overlay_start_0:
0x88: {  	s2 =	sld [smem:$0x3FD9]  }
0x89: {  	s3 =	sld [smem:$0x3FFE];
	_ =	sdelay $0x1  }
0x8a: {  	s1 =	srdreg.scid  }
0x8b: {  	s0 =	sand.u32 $0x1, s1  }
0x8c: {  	s16 =	sshll.u32 s0, $0xA;
	s2 =	sadd.s32 s3, s2  }
0x8d: {  	s2 =	sadd.s32 s2, s16  }
0x8e: {  	[smem:$0x3FB7] =	sst s2  }
0x8f: {  	_ = 	snop  }
0x90: {  	(tm) =	ssettm $0x1  }
0x91: {  	s17 =	sld [smem:$0x3FFB];
	_ =	sdelay $0x3  }
0x92: {  	_ =	strace s17  }
0x93: {  	s2 =	sld [smem:$0x3FFC];
	_ =	sdelay $0x3  }
0x94: {  	_ =	strace s2  }
0x95: {  	s2 =	sld [smem:$0x3FFD];
	_ =	sdelay $0x3  }
0x96: {  	_ =	strace s2  }
0x97: {  	_ =	strace $0x8FFFFFFF  }
0x98: {  	s18 =	sld [smem:$0x3FDB];
	_ =	sdelay $0x1  }
0x99: {  	s19 =	simm.s32 $_scs_section_size  }
0x9a: {  	s4 =	simm.s32 $_size__tile_overlayer_lowered;
	s5 =	simm.s32 $_tile_overlayer_lowered  }
0x9b: {  	s22 =	simm.s32 $0x1BFF;
	s21 =	sshll.u32 s5, $0x1;
	s2 =	sadd.s32 s19, s18  }
0x9c: {  	s6 =	simm.s32 $0x0;
	s20 =	sshll.u32 s4, $0x1;
	s4 =	sadd.s32 s21, s2  }
0x9d: {  	[timem:s6], [sflag:s22] =	dma.local [hbm:s4], s20  }
0x9e: {  	_ =	swait.ge [sflag:s22], s20  }
0x9f: {  	s3 =	ssub.s32 $0x0, s20;
	[sflag:s22] =	ssyncset.done $0x0  }
0xa0: {  	[sflag:s22] =	ssyncadd.s32 s3;
	_ =	sdelay $0x1  }
0xa1: {  	s23 =	simm.s32 $0x1B8B  }
0xa2: {  	_ =	swait.ge [sflag:s23], $0x1  }
0xa3: {  	[sflag:s23] =	ssyncset.done $0x0  }
0xa4: {  	s25 =	simm.s32 $0x1B8E;
	s24 =	sld [smem:$0x3FFE];
	[sflag:s23] =	ssyncadd.s32 $0xFFFFFFFF  }
0xa5: {  	s26 =	simm.s32 $execute0_lowered;
	[smem:$0x3FD2] =	sst s25  }
0xa6: {  	s4 =	sshll.u32 s26, $0x1;
	_ =	strace $0x8000004C;
	[dreg:$0x1] =	wrdreg $0xFFFFFFFF  }
0xa7: {  	s28 =	simm.s32 $_size_execute0_lowered;
	s2 =	sadd.s32 s2, s4;
	[dreg:$0x0] =	wrdreg $0x0  }
0xa8: {  	s4 =	sshll.u32 s28, $0x1;
	[dreg:$0x2] =	wrdreg s2  }
0xa9: {  	[dreg:$0x3] =	wrdreg s4  }
0xaa: {  	[dreg:$0x4] =	wrdreg $0xC0  }
0xab: {  	_ =	task [dreg:s6], $0x5FFFF  }
0xac: {  	[dreg:$0x1] =	wrdreg $0xFFFFFFFF  }
0xad: {  	[dreg:$0x0] =	wrdreg $0x60  }
0xae: {  	[dreg:$0x2] =	wrdreg s24  }
0xaf: {  	[dreg:$0x3] =	wrdreg $0x98000  }
0xb0: {  	[dreg:$0x4] =	wrdreg $0x9  }
0xb1: {  	_ =	task.clear_ibuf [dreg:s6], $0x5FFFF;
	_ =	strace $0x9000004C  }
0xb2: {  	s29 =	simm.s32 $0x9;
	_ =	strace $0x8000004E  }
0xb3: {  	_ =	swait.ge [sflag:s29], $0x1  }
0xb4: {  	[sflag:s29] =	ssyncadd.s32 $0xFFFFFFFF  }
0xb5: {  	_ =	strace $0x9000004E  }
0xb6: {  	_ =	sfence  }
0xb7: {  	s30 =	sld [smem:$0x0];
	_ =	sdelay $0x2  }
0xb8: {  	s31 =	sshll.u32 s1, $0xD;
	s1 =	sshrl.u32 s1, $0x2  }
0xb9: {  	s3 =	sand.u32 $0x4000, s31;
	s1 =	sadd.s32 s1, s30  }
0xba: {  	s0 =	sor.u32 s3, s0;
	s1 =	sshll.u32 s1, $0x11  }
0xbb: {  	s0 =	sor.u32 s1, s0  }
0xbc: {  	s0 =	sadd.s32 $0x8F2B, s0  }
0xbd: {  	[sflag:s0] =	ssyncadd.remote.s32 $0x1  }
0xbe: {  	_ =	sfence.sel $0xFFFF  }
0xbf: {  	[dreg:$0x0] =	wrdreg $0xFFFFFFFF;
	(pc) =	sbr.abs _section_cstart, $3  }
0xc0: {  	[dreg:$0x1] =	wrdreg $0xFFFFFFFF  }
0xc1: {  	_ =	task.clear_ibuf [dreg:s6], $0x2FFFF;
	_ =	strace $0x9FFFFFFF  }
0xc2: {  	(tm) =	ssettm $0x7FFFFFFF  }
0xc3: {  	_ =	shalt  }
tec
execute0_lowered:
.L_overlay_start_1:
0x0: {  	(tag) =	ssettag $0x1  }
0x1: {  	s0 =	rddreg [dreg:$0x0]  }
0x2: {  	s1 =	rddreg [dreg:$0x1];
	s3 =	srdreg.scid;
	s2 =	simm.s32 $0x0  }
0x3: {  	s23 =	stileid.u32;
	s17 =	simm.s32 $0x100;
	s19 =	simm.s32 $0x200  }
0x4: {  	s21 =	simm.s32 $0x180;
	s25 =	simm.s32 $0x300;
	s9 =	simm.s32 $0x280  }
0x5: {  	s10 =	simm.s32 $0x400;
	[smem:$0x7FF] =	sst s2;
	s18 =	sadd.s32 $0x138000, s1  }
0x6: {  	s11 =	simm.s32 $0x380;
	_ =	strace $0x8000004D;
	[dreg:$0x16] =	wrdreg s18  }
0x7: {  	s12 =	simm.s32 $0x500;
	s13 =	simm.s32 $0x480;
	[dreg:$0x3] =	wrdreg s17  }
0x8: {  	s14 =	simm.s32 $0x600;
	s28 =	simm.s32 $0xD80;
	[dreg:$0x4] =	wrdreg s19  }
0x9: {  	s29 =	simm.s32 $0xF00;
	s30 =	simm.s32 $0xE80;
	[dreg:$0x5] =	wrdreg s21  }
0xa: {  	s31 =	simm.s32 $0xF80;
	s3 =	sand.u32 $0x1, s3;
	[dreg:$0x6] =	wrdreg s25  }
0xb: {  	s7 =	smul.u32 $0x4E000, s23;
	s4 =	sadd.s32 $0x17800, s0;
	[dreg:$0x7] =	wrdreg s9  }
0xc: {  	s22 =	smul.u32 $0xA00, s23;
	s24 =	sadd.s32 $0x124800, s1;
	[dreg:$0x8] =	wrdreg s10  }
0xd: {  	p0 =	sne.s32 s23, $0xF;
	s5 =	smul.u32 $0xA000, s3;
	[dreg:$0x9] =	wrdreg s11  }
0xe: {  	p1 =	seq.s32 s23, $0xF;
	s6 =	smul.u32 $0x27100, s3;
	[dreg:$0xa] =	wrdreg s12  }
0xf: {  	s3 =	ssub.s32 $0x2, s3;
	s9 =	simm.s32 $0x9000;
	[dreg:$0xb] =	wrdreg s13  }
0x10: {  	s10 =	simm.s32 $0x4;
	[dreg:$0xc] =	wrdreg s14;
	s12 =	simm.s32 $0x80  }
0x11: {  	s17 =	simm.s32 $0x680;
	s13 =	simm.s32 $0x1000;
	s18 =	simm.s32 $0x780  }
0x12: {  	s14 =	simm.s32 $0x800;
	s19 =	simm.s32 $0x900;
	[dreg:$0xf] =	wrdreg s17  }
0x13: {  	s21 =	simm.s32 $0xA00;
	s25 =	simm.s32 $0xB00;
	[dreg:$0x10] =	wrdreg s18  }
0x14: {  	s15 =	sshrl.u32 s3, $0x1;
	s16 =	sshrl.u32 s7, $0x2;
	[dreg:$0x11] =	wrdreg s19  }
0x15: {  	s17 =	simm.s32 $0x2;
	[dreg:$0x13] =	wrdreg s21;
	s18 =	simm.s32 $0x3  }
0x16: {  	[dreg:$0x15] =	wrdreg s25;
	s19 =	simm.s32 $0xA80;
	s21 =	simm.s32 $0xB80  }
0x17: {  	s8 =	sadd.s32 s5, s0;
	s0 =	sadd.s32 s6, s0;
	s3 =	ssub.s32 s3, s15  }
0x18: {  	s5 =	sadd.s32 s16, s1;
	s6 =	smul.u32 $0x2700, s23;
	s15 =	simm.s32 $0x580  }
0x19: {  	s16 =	simm.s32 $0x700;
	s23 =	simm.s32 $0xC80;
	s20 =	sadd.s32 $0x3800, s8  }
0x1a: {  	s26 =	sadd.s32 $0x3EA00, s0;
	s3 =	smax.u32 s3, $0x1;
	[dreg:$0xd] =	wrdreg s15  }
0x1b: {  	[dreg:$0xe] =	wrdreg s16;
	s15 =	simm.s32 $0x5000;
	s16 =	simm.s32 $0x1  }
0x1c: {  	s0 =	sshrl.u32 @p1 s24, $0x3;
	[dreg:$0x17] =	wrdreg s3;
	s11 =	sadd.s32 s22, s20  }
0x1d: {  	s20 =	simm.s32 $0x880;
	s22 =	simm.s32 $0x980;
	[dreg:$0x18] =	wrdreg s0  }
0x1e: {  	s25 =	smov.u32 s26;
	s0 =	sadd.s32 @!p1 s6, s26;
	[dreg:$0x12] =	wrdreg s20  }
0x1f: {  	s26 =	simm.s32 $0xE00;
	[dreg:$0x14] =	wrdreg s22;
	s20 =	simm.s32 $0xC00  }
0x20: {  	v0 =	vimm.f32 $0.0e+00;
	s22 =	simm.s32 $0xD00;
	[dreg:$0x19] =	wrdreg s0;
	s0 =	simm.s32 $0x0  }
.LBB2_1:
0x21: {  	s3 =	simm.s32 $0x0;
	s6 =	simm.s32 $0x200  }
.LBB2_2:
0x22: {  	p2 =	sne.s32 s6, $0x1E00;
	[tilespmem:s3+$0x9070] =	vst v0  }
0x23: {  	[tilespmem:s3+$0x9000] =	vst v0  }
0x24: {  	[tilespmem:s3+$0x9010] =	vst v0  }
.Ltmp0:
0x25: {  	[tilespmem:s3+$0x9020] =	vst v0;
	(pc) =	sbr.rel @p2 .LBB2_2-.Ltmp0, $4  }
0x26: {  	[tilespmem:s3+$0x9030] =	vst v0  }
0x27: {  	[tilespmem:s3+$0x9040] =	vst v0  }
0x28: {  	[tilespmem:s3+$0x9050] =	vst v0  }
0x29: {  	[tilespmem:s3+$0x9060] =	vst v0;
	s3 =	sshra.s32 s6, $0x2;
	s6 =	sadd.s32 $0x200, s6  }
0x2a: {  	[tilespmem:s3+$0x9070] =	vst v0  }
0x2b: {  	[tilespmem:s3+$0x9000] =	vst v0  }
0x2c: {  	[tilespmem:s3+$0x9010] =	vst v0  }
0x2d: {  	[tilespmem:s3+$0x9020] =	vst v0  }
0x2e: {  	[tilespmem:s3+$0x9030] =	vst v0  }
0x2f: {  	[tilespmem:s3+$0x9040] =	vst v0  }
0x30: {  	[tilespmem:s3+$0x9050] =	vst v0  }
0x31: {  	[tilespmem:s3+$0x9060] =	vst v0;
	s24 =	sadd.s32 $0x0, s5  }
0x32: {  	[spmem:s24] =	stream.linear.scatter [tilespmem:s9], [sflag:$0x4], $0x800, $0x38;
	[tilespmem:$0x1D100] =	vst v63  }
0x33: {  	s3 =	simm.s32 $0x2000;
	_ =	swait.ge [sflag:s10], $0x800  }
.LBB2_4:
0x34: {  	s6 =	sshra.s32 s3, $0x2;
	[sflag:s10] =	ssyncset.done $0x0;
	p2 =	sne.s32 s3, $0x4C000  }
.Ltmp1:
0x35: {  	s6 =	sadd.s32 s6, s5;
	[sflag:s10] =	ssyncadd.s32 $0xFFFFF800;
	(pc) =	sbr.rel @p2 .LBB2_4-.Ltmp1, $3  }
0x36: {  	[spmem:s6] =	stream.linear.scatter [tilespmem:s9], [sflag:$0x4], $0x800, $0x38;
	[tilespmem:$0x1D100] =	vst v63  }
0x37: {  	s3 =	sadd.s32 $0x2000, s3;
	_ =	sdelay $0x1  }
0x38: {  	_ =	swait.ge [sflag:s10], $0x800  }
0x39: {  	[sflag:s10] =	ssyncset.done $0x0  }
0x3a: {  	s3 =	simm.s32 @!p0 $0x9000;
	s6 =	rddreg [dreg:$0x16];
	[sflag:s10] =	ssyncadd.s32 $0xFFFFF800  }
0x3b: {  	[spmem:s6] =	stream.linear.scatter @!p0 [tilespmem:s3], [sflag:$0x4], $0x800, $0x38;
	[tilespmem:$0x1D100] =	vst v63  }
0x3c: {  	s3 =	simm.s32 @!p0 $0x4  }
0x3d: {  	_ =	swait.ge @!p0 [sflag:s3], $0x800  }
0x3e: {  	[sflag:s3] =	ssyncset.done @!p0 $0x0  }
0x3f: {  	[sflag:s3] =	ssyncadd.s32 @!p0 $0xFFFFF800  }
0x40: {  	[bflag:$0x0] =	sbarrier.arrive $0xFFFF  }
0x41: {  	[tilespmem:s2], [sflag:$0x4] =	stream.linear.gather [hbm4b:s11+s2], $0x800, $0x38;
	[tilespmem:$0x1D100] =	vst v63  }
0x42: {  	_ =	swait.ge [sflag:s10], $0x800  }
0x43: {  	[sflag:s10] =	ssyncset.done $0x0  }
0x44: {  	s6 =	sadd.s32 $0xFFFFF600, s11;
	[sflag:s10] =	ssyncadd.s32 $0xFFFFF800  }
0x45: {  	[tilespmem:s13], [sflag:$0x1] =	stream.indirect.gather [hbm4b:s4+s12], $0x80, s2, s12, $0xb8;
	[tilespmem:$0x1D100] =	vst v63  }
0x46: {  	s3 =	sadd.s32 $0xB00, s6  }
0x47: {  	[tilespmem:s14], [sflag:$0x3] =	stream.linear.gather [hbm4b:s3+s2], $0x800, $0x38;
	[tilespmem:$0x1D100] =	vst v63  }
0x48: {  	s7 =	rddreg [dreg:$0x3]  }
0x49: {  	[tilespmem:s15], [sflag:$0x2] =	stream.indirect.gather [hbm4b:s4+s12], $0x80, s7, s12, $0xb8;
	[tilespmem:$0x1D100] =	vst v63  }
0x4a: {  	_ =	swait.ge [sflag:s16], $0x4000  }
0x4b: {  	[sflag:s16] =	ssyncset.done $0x0  }
0x4c: {  	[sflag:s16] =	ssyncadd.s32 $0xFFFFC000  }
0x4d: {  	[spmem:s1] =	stream.indirect.scatter.add.f32 [tilespmem:s13], [sflag:$0x4], $0x80, s12, s12, $0xb8;
	[tilespmem:$0x1D100] =	vst v63  }
0x4e: {  	_ =	swait.ge [sflag:s10], $0x4000  }
0x4f: {  	[sflag:s10] =	ssyncset.done $0x0  }
0x50: {  	s8 =	rddreg [dreg:$0x4];
	[sflag:s10] =	ssyncadd.s32 $0xFFFFC000  }
0x51: {  	[tilespmem:s13], [sflag:$0x1] =	stream.indirect.gather [hbm4b:s4+s12], $0x80, s8, s12, $0xb8;
	[tilespmem:$0x1D100] =	vst v63  }
0x52: {  	_ =	swait.ge [sflag:s17], $0x4000  }
0x53: {  	[sflag:s17] =	ssyncset.done $0x0  }
0x54: {  	s24 =	rddreg [dreg:$0x5];
	[sflag:s17] =	ssyncadd.s32 $0xFFFFC000  }
0x55: {  	[spmem:s1] =	stream.indirect.scatter.add.f32 [tilespmem:s15], [sflag:$0x4], $0x80, s24, s12, $0xb8;
	[tilespmem:$0x1D100] =	vst v63  }
0x56: {  	_ =	swait.ge [sflag:s10], $0x4000  }
0x57: {  	[sflag:s10] =	ssyncset.done $0x0  }
0x58: {  	s6 =	rddreg [dreg:$0x6];
	[sflag:s10] =	ssyncadd.s32 $0xFFFFC000  }
0x59: {  	[tilespmem:s15], [sflag:$0x2] =	stream.indirect.gather [hbm4b:s4+s12], $0x80, s6, s12, $0xb8;
	[tilespmem:$0x1D100] =	vst v63  }
0x5a: {  	_ =	swait.ge [sflag:s16], $0x4000  }
0x5b: {  	[sflag:s16] =	ssyncset.done $0x0  }
0x5c: {  	s7 =	rddreg [dreg:$0x7];
	[sflag:s16] =	ssyncadd.s32 $0xFFFFC000  }
0x5d: {  	[spmem:s1] =	stream.indirect.scatter.add.f32 [tilespmem:s13], [sflag:$0x4], $0x80, s7, s12, $0xb8;
	[tilespmem:$0x1D100] =	vst v63  }
0x5e: {  	_ =	swait.ge [sflag:s10], $0x4000  }
0x5f: {  	[sflag:s10] =	ssyncset.done $0x0  }
0x60: {  	s8 =	rddreg [dreg:$0x8];
	[sflag:s10] =	ssyncadd.s32 $0xFFFFC000  }
0x61: {  	[tilespmem:s13], [sflag:$0x1] =	stream.indirect.gather [hbm4b:s4+s12], $0x80, s8, s12, $0xb8;
	[tilespmem:$0x1D100] =	vst v63  }
0x62: {  	_ =	swait.ge [sflag:s17], $0x4000  }
0x63: {  	[sflag:s17] =	ssyncset.done $0x0  }
0x64: {  	s24 =	rddreg [dreg:$0x9];
	[sflag:s17] =	ssyncadd.s32 $0xFFFFC000  }
0x65: {  	[spmem:s1] =	stream.indirect.scatter.add.f32 [tilespmem:s15], [sflag:$0x4], $0x80, s24, s12, $0xb8;
	[tilespmem:$0x1D100] =	vst v63  }
0x66: {  	_ =	swait.ge [sflag:s10], $0x4000  }
0x67: {  	[sflag:s10] =	ssyncset.done $0x0  }
0x68: {  	s6 =	rddreg [dreg:$0xa];
	[sflag:s10] =	ssyncadd.s32 $0xFFFFC000  }
0x69: {  	[tilespmem:s15], [sflag:$0x2] =	stream.indirect.gather [hbm4b:s4+s12], $0x80, s6, s12, $0xb8;
	[tilespmem:$0x1D100] =	vst v63  }
0x6a: {  	_ =	swait.ge [sflag:s16], $0x4000  }
0x6b: {  	[sflag:s16] =	ssyncset.done $0x0  }
0x6c: {  	s7 =	rddreg [dreg:$0xb];
	[sflag:s16] =	ssyncadd.s32 $0xFFFFC000  }
0x6d: {  	[spmem:s1] =	stream.indirect.scatter.add.f32 [tilespmem:s13], [sflag:$0x4], $0x80, s7, s12, $0xb8;
	[tilespmem:$0x1D100] =	vst v63  }
0x6e: {  	_ =	swait.ge [sflag:s10], $0x4000  }
0x6f: {  	[sflag:s10] =	ssyncset.done $0x0  }
0x70: {  	s8 =	rddreg [dreg:$0xc];
	[sflag:s10] =	ssyncadd.s32 $0xFFFFC000  }
0x71: {  	[tilespmem:s13], [sflag:$0x1] =	stream.indirect.gather [hbm4b:s4+s12], $0x80, s8, s12, $0xb8;
	[tilespmem:$0x1D100] =	vst v63  }
0x72: {  	_ =	swait.ge [sflag:s17], $0x4000  }
0x73: {  	[sflag:s17] =	ssyncset.done $0x0  }
0x74: {  	s24 =	rddreg [dreg:$0xd];
	[sflag:s17] =	ssyncadd.s32 $0xFFFFC000  }
0x75: {  	[spmem:s1] =	stream.indirect.scatter.add.f32 [tilespmem:s15], [sflag:$0x4], $0x80, s24, s12, $0xb8;
	[tilespmem:$0x1D100] =	vst v63  }
0x76: {  	_ =	swait.ge [sflag:s10], $0x4000  }
0x77: {  	[sflag:s10] =	ssyncset.done $0x0  }
0x78: {  	s6 =	rddreg [dreg:$0xe];
	[sflag:s10] =	ssyncadd.s32 $0xFFFFC000  }
0x79: {  	[tilespmem:s15], [sflag:$0x2] =	stream.indirect.gather [hbm4b:s4+s12], $0x80, s6, s12, $0xb8;
	[tilespmem:$0x1D100] =	vst v63  }
0x7a: {  	_ =	swait.ge [sflag:s16], $0x4000  }
0x7b: {  	[sflag:s16] =	ssyncset.done $0x0  }
0x7c: {  	s7 =	rddreg [dreg:$0xf];
	[sflag:s16] =	ssyncadd.s32 $0xFFFFC000  }
0x7d: {  	[spmem:s1] =	stream.indirect.scatter.add.f32 [tilespmem:s13], [sflag:$0x4], $0x80, s7, s12, $0xb8;
	[tilespmem:$0x1D100] =	vst v63  }
0x7e: {  	_ =	swait.ge [sflag:s10], $0x4000  }
0x7f: {  	[sflag:s10] =	ssyncset.done $0x0  }
0x80: {  	[sflag:s10] =	ssyncadd.s32 $0xFFFFC000  }
0x81: {  	_ =	swait.ge [sflag:s18], $0x800  }
0x82: {  	[sflag:s18] =	ssyncset.done $0x0  }
0x83: {  	[sflag:s18] =	ssyncadd.s32 $0xFFFFF800  }
0x84: {  	[tilespmem:s13], [sflag:$0x1] =	stream.indirect.gather [hbm4b:s4+s12], $0x80, s14, s12, $0xb8;
	[tilespmem:$0x1D100] =	vst v63  }
0x85: {  	_ =	swait.ge [sflag:s17], $0x4000  }
0x86: {  	[sflag:s17] =	ssyncset.done $0x0  }
0x87: {  	s8 =	rddreg [dreg:$0x10];
	[sflag:s17] =	ssyncadd.s32 $0xFFFFC000  }
0x88: {  	[spmem:s1] =	stream.indirect.scatter.add.f32 [tilespmem:s15], [sflag:$0x4], $0x80, s8, s12, $0xb8;
	[tilespmem:$0x1D100] =	vst v63  }
0x89: {  	p2 =	por $0x0, $0x0;
	_ =	swait.ge [sflag:s10], $0x4000  }
0x8a: {  	s6 =	sadd.s32 @!p2 $0xFFFFF600, s11;
	[sflag:s10] =	ssyncset.done $0x0  }
0x8b: {  	s3 =	simm.s32 @!p2 $0x0;
	s6 =	sadd.s32 @!p2 $0xC00, s6;
	[sflag:s10] =	ssyncadd.s32 $0xFFFFC000  }
0x8c: {  	[tilespmem:s3], [sflag:$0x3] =	stream.linear.gather @!p2 [hbm4b:s6+s3], $0x800, $0x38;
	[tilespmem:$0x1D100] =	vst v63  }
0x8d: {  	s7 =	rddreg [dreg:$0x11]  }
0x8e: {  	[tilespmem:s15], [sflag:$0x2] =	stream.indirect.gather [hbm4b:s4+s12], $0x80, s7, s12, $0xb8;
	[tilespmem:$0x1D100] =	vst v63  }
0x8f: {  	_ =	swait.ge [sflag:s16], $0x4000  }
0x90: {  	[sflag:s16] =	ssyncset.done $0x0  }
0x91: {  	s24 =	rddreg [dreg:$0x12];
	[sflag:s16] =	ssyncadd.s32 $0xFFFFC000  }
0x92: {  	[spmem:s1] =	stream.indirect.scatter.add.f32 [tilespmem:s13], [sflag:$0x4], $0x80, s24, s12, $0xb8;
	[tilespmem:$0x1D100] =	vst v63  }
0x93: {  	_ =	swait.ge [sflag:s10], $0x4000  }
0x94: {  	[sflag:s10] =	ssyncset.done $0x0  }
0x95: {  	s7 =	rddreg [dreg:$0x13];
	[sflag:s10] =	ssyncadd.s32 $0xFFFFC000  }
0x96: {  	[tilespmem:s13], [sflag:$0x1] =	stream.indirect.gather [hbm4b:s4+s12], $0x80, s7, s12, $0xb8;
	[tilespmem:$0x1D100] =	vst v63  }
0x97: {  	_ =	swait.ge [sflag:s17], $0x4000  }
0x98: {  	[sflag:s17] =	ssyncset.done $0x0  }
0x99: {  	s8 =	rddreg [dreg:$0x14];
	[sflag:s17] =	ssyncadd.s32 $0xFFFFC000  }
0x9a: {  	[spmem:s1] =	stream.indirect.scatter.add.f32 [tilespmem:s15], [sflag:$0x4], $0x80, s8, s12, $0xb8;
	[tilespmem:$0x1D100] =	vst v63  }
0x9b: {  	_ =	swait.ge [sflag:s10], $0x4000  }
0x9c: {  	[sflag:s10] =	ssyncset.done $0x0  }
0x9d: {  	s24 =	rddreg [dreg:$0x15];
	[sflag:s10] =	ssyncadd.s32 $0xFFFFC000  }
0x9e: {  	[tilespmem:s15], [sflag:$0x2] =	stream.indirect.gather [hbm4b:s4+s12], $0x80, s24, s12, $0xb8;
	[tilespmem:$0x1D100] =	vst v63  }
0x9f: {  	_ =	swait.ge [sflag:s16], $0x4000  }
0xa0: {  	[sflag:s16] =	ssyncset.done $0x0  }
0xa1: {  	[sflag:s16] =	ssyncadd.s32 $0xFFFFC000  }
0xa2: {  	[spmem:s1] =	stream.indirect.scatter.add.f32 [tilespmem:s13], [sflag:$0x4], $0x80, s19, s12, $0xb8;
	[tilespmem:$0x1D100] =	vst v63  }
0xa3: {  	_ =	swait.ge [sflag:s10], $0x4000  }
0xa4: {  	[sflag:s10] =	ssyncset.done $0x0  }
0xa5: {  	[sflag:s10] =	ssyncadd.s32 $0xFFFFC000  }
0xa6: {  	[tilespmem:s13], [sflag:$0x1] =	stream.indirect.gather [hbm4b:s4+s12], $0x80, s20, s12, $0xb8;
	[tilespmem:$0x1D100] =	vst v63  }
0xa7: {  	_ =	swait.ge [sflag:s17], $0x4000  }
0xa8: {  	[sflag:s17] =	ssyncset.done $0x0  }
0xa9: {  	[sflag:s17] =	ssyncadd.s32 $0xFFFFC000  }
0xaa: {  	[spmem:s1] =	stream.indirect.scatter.add.f32 [tilespmem:s15], [sflag:$0x4], $0x80, s21, s12, $0xb8;
	[tilespmem:$0x1D100] =	vst v63  }
0xab: {  	_ =	swait.ge [sflag:s10], $0x4000  }
0xac: {  	[sflag:s10] =	ssyncset.done $0x0  }
0xad: {  	[sflag:s10] =	ssyncadd.s32 $0xFFFFC000  }
0xae: {  	[tilespmem:s15], [sflag:$0x2] =	stream.indirect.gather [hbm4b:s4+s12], $0x80, s22, s12, $0xb8;
	[tilespmem:$0x1D100] =	vst v63  }
0xaf: {  	_ =	swait.ge [sflag:s16], $0x4000  }
0xb0: {  	[sflag:s16] =	ssyncset.done $0x0  }
0xb1: {  	[sflag:s16] =	ssyncadd.s32 $0xFFFFC000  }
0xb2: {  	[spmem:s1] =	stream.indirect.scatter.add.f32 [tilespmem:s13], [sflag:$0x4], $0x80, s23, s12, $0xb8;
	[tilespmem:$0x1D100] =	vst v63  }
0xb3: {  	_ =	swait.ge [sflag:s10], $0x4000  }
0xb4: {  	[sflag:s10] =	ssyncset.done $0x0  }
0xb5: {  	[sflag:s10] =	ssyncadd.s32 $0xFFFFC000  }
0xb6: {  	[tilespmem:s13], [sflag:$0x1] =	stream.indirect.gather [hbm4b:s4+s12], $0x80, s26, s12, $0xb8;
	[tilespmem:$0x1D100] =	vst v63  }
0xb7: {  	_ =	swait.ge [sflag:s17], $0x4000  }
0xb8: {  	[sflag:s17] =	ssyncset.done $0x0  }
0xb9: {  	[sflag:s17] =	ssyncadd.s32 $0xFFFFC000  }
0xba: {  	[spmem:s1] =	stream.indirect.scatter.add.f32 [tilespmem:s15], [sflag:$0x4], $0x80, s28, s12, $0xb8;
	[tilespmem:$0x1D100] =	vst v63  }
0xbb: {  	_ =	swait.ge [sflag:s10], $0x4000  }
0xbc: {  	[sflag:s10] =	ssyncset.done $0x0  }
0xbd: {  	[sflag:s10] =	ssyncadd.s32 $0xFFFFC000  }
0xbe: {  	[tilespmem:s15], [sflag:$0x2] =	stream.indirect.gather [hbm4b:s4+s12], $0x80, s29, s12, $0xb8;
	[tilespmem:$0x1D100] =	vst v63  }
0xbf: {  	_ =	swait.ge [sflag:s16], $0x4000  }
0xc0: {  	[sflag:s16] =	ssyncset.done $0x0  }
0xc1: {  	[sflag:s16] =	ssyncadd.s32 $0xFFFFC000  }
0xc2: {  	[spmem:s1] =	stream.indirect.scatter.add.f32 [tilespmem:s13], [sflag:$0x4], $0x80, s30, s12, $0xb8;
	[tilespmem:$0x1D100] =	vst v63  }
0xc3: {  	_ =	swait.ge [sflag:s10], $0x4000  }
0xc4: {  	[sflag:s10] =	ssyncset.done $0x0  }
0xc5: {  	s6 =	simm.s32 @!p2 $0x3;
	[sflag:s10] =	ssyncadd.s32 $0xFFFFC000  }
0xc6: {  	_ =	swait.ge @!p2 [sflag:s6], $0x800  }
0xc7: {  	[sflag:s6] =	ssyncset.done @!p2 $0x0  }
0xc8: {  	s7 =	simm.s32 @!p2 $0x1000;
	[sflag:s6] =	ssyncadd.s32 @!p2 $0xFFFFF800;
	s6 =	simm.s32 @!p2 $0x80  }
0xc9: {  	[tilespmem:s7], [sflag:$0x1] =	stream.indirect.gather @!p2 [hbm4b:s4+s6], $0x80, s3, s6, $0xb8;
	[tilespmem:$0x1D100] =	vst v63  }
0xca: {  	_ =	swait.ge [sflag:s17], $0x4000  }
0xcb: {  	[sflag:s17] =	ssyncset.done $0x0  }
0xcc: {  	[sflag:s17] =	ssyncadd.s32 $0xFFFFC000  }
0xcd: {  	[spmem:s1] =	stream.indirect.scatter.add.f32 [tilespmem:s15], [sflag:$0x4], $0x80, s31, s12, $0xb8;
	[tilespmem:$0x1D100] =	vst v63  }
0xce: {  	s8 =	sadd.s32 $0xFFFFF800, s11;
	s3 =	simm.s32 $0xFFFFF800;
	_ =	swait.ge [sflag:s10], $0x4000  }
0xcf: {  	s6 =	simm.s32 $0xFFFFFA00;
	s7 =	rddreg [dreg:$0x3];
	[sflag:s10] =	ssyncset.done $0x0  }
.LBB2_6:
0xd0: {  	s24 =	sadd.s32 $0xB00, s8;
	[sflag:s10] =	ssyncadd.s32 $0xFFFFC000  }
0xd1: {  	[tilespmem:s14], [sflag:$0x3] =	stream.linear.gather [hbm4b:s24+s2], $0x800, $0x38;
	[tilespmem:$0x1D100] =	vst v63  }
0xd2: {  	_ = 	snop  }
0xd3: {  	[tilespmem:s15], [sflag:$0x2] =	stream.indirect.gather [hbm4b:s4+s12], $0x80, s7, s12, $0xb8;
	[tilespmem:$0x1D100] =	vst v63  }
0xd4: {  	_ =	swait.ge [sflag:s16], $0x4000  }
0xd5: {  	[sflag:s16] =	ssyncset.done $0x0  }
0xd6: {  	[sflag:s16] =	ssyncadd.s32 $0xFFFFC000  }
0xd7: {  	[spmem:s1] =	stream.indirect.scatter.add.f32 [tilespmem:s13], [sflag:$0x4], $0x80, s12, s12, $0xb8;
	[tilespmem:$0x1D100] =	vst v63  }
0xd8: {  	_ =	swait.ge [sflag:s10], $0x4000  }
0xd9: {  	[sflag:s10] =	ssyncset.done $0x0  }
0xda: {  	s24 =	rddreg [dreg:$0x4];
	[sflag:s10] =	ssyncadd.s32 $0xFFFFC000  }
0xdb: {  	[tilespmem:s13], [sflag:$0x1] =	stream.indirect.gather [hbm4b:s4+s12], $0x80, s24, s12, $0xb8;
	[tilespmem:$0x1D100] =	vst v63  }
0xdc: {  	_ =	swait.ge [sflag:s17], $0x4000  }
0xdd: {  	[sflag:s17] =	ssyncset.done $0x0  }
0xde: {  	s24 =	rddreg [dreg:$0x5];
	[sflag:s17] =	ssyncadd.s32 $0xFFFFC000  }
0xdf: {  	[spmem:s1] =	stream.indirect.scatter.add.f32 [tilespmem:s15], [sflag:$0x4], $0x80, s24, s12, $0xb8;
	[tilespmem:$0x1D100] =	vst v63  }
0xe0: {  	_ =	swait.ge [sflag:s10], $0x4000  }
0xe1: {  	[sflag:s10] =	ssyncset.done $0x0  }
0xe2: {  	s24 =	rddreg [dreg:$0x6];
	[sflag:s10] =	ssyncadd.s32 $0xFFFFC000  }
0xe3: {  	[tilespmem:s15], [sflag:$0x2] =	stream.indirect.gather [hbm4b:s4+s12], $0x80, s24, s12, $0xb8;
	[tilespmem:$0x1D100] =	vst v63  }
0xe4: {  	_ =	swait.ge [sflag:s16], $0x4000  }
0xe5: {  	[sflag:s16] =	ssyncset.done $0x0  }
0xe6: {  	s24 =	rddreg [dreg:$0x7];
	[sflag:s16] =	ssyncadd.s32 $0xFFFFC000  }
0xe7: {  	[spmem:s1] =	stream.indirect.scatter.add.f32 [tilespmem:s13], [sflag:$0x4], $0x80, s24, s12, $0xb8;
	[tilespmem:$0x1D100] =	vst v63  }
0xe8: {  	_ =	swait.ge [sflag:s10], $0x4000  }
0xe9: {  	[sflag:s10] =	ssyncset.done $0x0  }
0xea: {  	s24 =	rddreg [dreg:$0x8];
	[sflag:s10] =	ssyncadd.s32 $0xFFFFC000  }
0xeb: {  	[tilespmem:s13], [sflag:$0x1] =	stream.indirect.gather [hbm4b:s4+s12], $0x80, s24, s12, $0xb8;
	[tilespmem:$0x1D100] =	vst v63  }
0xec: {  	_ =	swait.ge [sflag:s17], $0x4000  }
0xed: {  	[sflag:s17] =	ssyncset.done $0x0  }
0xee: {  	s24 =	rddreg [dreg:$0x9];
	[sflag:s17] =	ssyncadd.s32 $0xFFFFC000  }
0xef: {  	[spmem:s1] =	stream.indirect.scatter.add.f32 [tilespmem:s15], [sflag:$0x4], $0x80, s24, s12, $0xb8;
	[tilespmem:$0x1D100] =	vst v63  }
0xf0: {  	_ =	swait.ge [sflag:s10], $0x4000  }
0xf1: {  	[sflag:s10] =	ssyncset.done $0x0  }
0xf2: {  	s24 =	rddreg [dreg:$0xa];
	[sflag:s10] =	ssyncadd.s32 $0xFFFFC000  }
0xf3: {  	[tilespmem:s15], [sflag:$0x2] =	stream.indirect.gather [hbm4b:s4+s12], $0x80, s24, s12, $0xb8;
	[tilespmem:$0x1D100] =	vst v63  }
0xf4: {  	_ =	swait.ge [sflag:s16], $0x4000  }
0xf5: {  	[sflag:s16] =	ssyncset.done $0x0  }
0xf6: {  	s24 =	rddreg [dreg:$0xb];
	[sflag:s16] =	ssyncadd.s32 $0xFFFFC000  }
0xf7: {  	[spmem:s1] =	stream.indirect.scatter.add.f32 [tilespmem:s13], [sflag:$0x4], $0x80, s24, s12, $0xb8;
	[tilespmem:$0x1D100] =	vst v63  }
0xf8: {  	_ =	swait.ge [sflag:s10], $0x4000  }
0xf9: {  	[sflag:s10] =	ssyncset.done $0x0  }
0xfa: {  	s24 =	rddreg [dreg:$0xc];
	[sflag:s10] =	ssyncadd.s32 $0xFFFFC000  }
0xfb: {  	[tilespmem:s13], [sflag:$0x1] =	stream.indirect.gather [hbm4b:s4+s12], $0x80, s24, s12, $0xb8;
	[tilespmem:$0x1D100] =	vst v63  }
0xfc: {  	_ =	swait.ge [sflag:s17], $0x4000  }
0xfd: {  	[sflag:s17] =	ssyncset.done $0x0  }
0xfe: {  	s24 =	rddreg [dreg:$0xd];
	[sflag:s17] =	ssyncadd.s32 $0xFFFFC000  }
0xff: {  	[spmem:s1] =	stream.indirect.scatter.add.f32 [tilespmem:s15], [sflag:$0x4], $0x80, s24, s12, $0xb8;
	[tilespmem:$0x1D100] =	vst v63  }
0x100: {  	_ =	swait.ge [sflag:s10], $0x4000  }
0x101: {  	[sflag:s10] =	ssyncset.done $0x0  }
0x102: {  	s24 =	rddreg [dreg:$0xe];
	[sflag:s10] =	ssyncadd.s32 $0xFFFFC000  }
0x103: {  	[tilespmem:s15], [sflag:$0x2] =	stream.indirect.gather [hbm4b:s4+s12], $0x80, s24, s12, $0xb8;
	[tilespmem:$0x1D100] =	vst v63  }
0x104: {  	_ =	swait.ge [sflag:s16], $0x4000  }
0x105: {  	[sflag:s16] =	ssyncset.done $0x0  }
0x106: {  	s24 =	rddreg [dreg:$0xf];
	[sflag:s16] =	ssyncadd.s32 $0xFFFFC000  }
0x107: {  	[spmem:s1] =	stream.indirect.scatter.add.f32 [tilespmem:s13], [sflag:$0x4], $0x80, s24, s12, $0xb8;
	[tilespmem:$0x1D100] =	vst v63  }
0x108: {  	_ =	swait.ge [sflag:s10], $0x4000  }
0x109: {  	[sflag:s10] =	ssyncset.done $0x0  }
0x10a: {  	[sflag:s10] =	ssyncadd.s32 $0xFFFFC000  }
0x10b: {  	_ =	swait.ge [sflag:s18], $0x800  }
0x10c: {  	[sflag:s18] =	ssyncset.done $0x0  }
0x10d: {  	[sflag:s18] =	ssyncadd.s32 $0xFFFFF800  }
0x10e: {  	[tilespmem:s13], [sflag:$0x1] =	stream.indirect.gather [hbm4b:s4+s12], $0x80, s14, s12, $0xb8;
	[tilespmem:$0x1D100] =	vst v63  }
0x10f: {  	_ =	swait.ge [sflag:s17], $0x4000  }
0x110: {  	[sflag:s17] =	ssyncset.done $0x0  }
0x111: {  	s24 =	rddreg [dreg:$0x10];
	[sflag:s17] =	ssyncadd.s32 $0xFFFFC000  }
0x112: {  	[spmem:s1] =	stream.indirect.scatter.add.f32 [tilespmem:s15], [sflag:$0x4], $0x80, s24, s12, $0xb8;
	[tilespmem:$0x1D100] =	vst v63  }
0x113: {  	p3 =	seq.s32 s3, $0xFFFFFE00;
	_ =	swait.ge [sflag:s10], $0x4000  }
0x114: {  	s3 =	sadd.s32 @!p3 s3, s11;
	[sflag:s10] =	ssyncset.done $0x0  }
0x115: {  	s3 =	sadd.s32 @!p3 $0xC00, s3;
	s7 =	simm.s32 @!p3 $0x0;
	[sflag:s10] =	ssyncadd.s32 $0xFFFFC000  }
0x116: {  	[tilespmem:s7], [sflag:$0x3] =	stream.linear.gather @!p3 [hbm4b:s3+s7], $0x800, $0x38;
	[tilespmem:$0x1D100] =	vst v63  }
0x117: {  	s24 =	rddreg [dreg:$0x11]  }
0x118: {  	[tilespmem:s15], [sflag:$0x2] =	stream.indirect.gather [hbm4b:s4+s12], $0x80, s24, s12, $0xb8;
	[tilespmem:$0x1D100] =	vst v63  }
0x119: {  	_ =	swait.ge [sflag:s16], $0x4000  }
0x11a: {  	[sflag:s16] =	ssyncset.done $0x0  }
0x11b: {  	s24 =	rddreg [dreg:$0x12];
	[sflag:s16] =	ssyncadd.s32 $0xFFFFC000  }
0x11c: {  	[spmem:s1] =	stream.indirect.scatter.add.f32 [tilespmem:s13], [sflag:$0x4], $0x80, s24, s12, $0xb8;
	[tilespmem:$0x1D100] =	vst v63  }
0x11d: {  	_ =	swait.ge [sflag:s10], $0x4000  }
0x11e: {  	[sflag:s10] =	ssyncset.done $0x0  }
0x11f: {  	s24 =	rddreg [dreg:$0x13];
	[sflag:s10] =	ssyncadd.s32 $0xFFFFC000  }
0x120: {  	[tilespmem:s13], [sflag:$0x1] =	stream.indirect.gather [hbm4b:s4+s12], $0x80, s24, s12, $0xb8;
	[tilespmem:$0x1D100] =	vst v63  }
0x121: {  	_ =	swait.ge [sflag:s17], $0x4000  }
0x122: {  	[sflag:s17] =	ssyncset.done $0x0  }
0x123: {  	s24 =	rddreg [dreg:$0x14];
	[sflag:s17] =	ssyncadd.s32 $0xFFFFC000  }
0x124: {  	[spmem:s1] =	stream.indirect.scatter.add.f32 [tilespmem:s15], [sflag:$0x4], $0x80, s24, s12, $0xb8;
	[tilespmem:$0x1D100] =	vst v63  }
0x125: {  	_ =	swait.ge [sflag:s10], $0x4000  }
0x126: {  	[sflag:s10] =	ssyncset.done $0x0  }
0x127: {  	s24 =	rddreg [dreg:$0x15];
	[sflag:s10] =	ssyncadd.s32 $0xFFFFC000  }
0x128: {  	[tilespmem:s15], [sflag:$0x2] =	stream.indirect.gather [hbm4b:s4+s12], $0x80, s24, s12, $0xb8;
	[tilespmem:$0x1D100] =	vst v63  }
0x129: {  	_ =	swait.ge [sflag:s16], $0x4000  }
0x12a: {  	[sflag:s16] =	ssyncset.done $0x0  }
0x12b: {  	[sflag:s16] =	ssyncadd.s32 $0xFFFFC000  }
0x12c: {  	[spmem:s1] =	stream.indirect.scatter.add.f32 [tilespmem:s13], [sflag:$0x4], $0x80, s19, s12, $0xb8;
	[tilespmem:$0x1D100] =	vst v63  }
0x12d: {  	_ =	swait.ge [sflag:s10], $0x4000  }
0x12e: {  	[sflag:s10] =	ssyncset.done $0x0  }
0x12f: {  	[sflag:s10] =	ssyncadd.s32 $0xFFFFC000  }
0x130: {  	[tilespmem:s13], [sflag:$0x1] =	stream.indirect.gather [hbm4b:s4+s12], $0x80, s20, s12, $0xb8;
	[tilespmem:$0x1D100] =	vst v63  }
0x131: {  	_ =	swait.ge [sflag:s17], $0x4000  }
0x132: {  	[sflag:s17] =	ssyncset.done $0x0  }
0x133: {  	[sflag:s17] =	ssyncadd.s32 $0xFFFFC000  }
0x134: {  	[spmem:s1] =	stream.indirect.scatter.add.f32 [tilespmem:s15], [sflag:$0x4], $0x80, s21, s12, $0xb8;
	[tilespmem:$0x1D100] =	vst v63  }
0x135: {  	_ =	swait.ge [sflag:s10], $0x4000  }
0x136: {  	[sflag:s10] =	ssyncset.done $0x0  }
0x137: {  	[sflag:s10] =	ssyncadd.s32 $0xFFFFC000  }
0x138: {  	[tilespmem:s15], [sflag:$0x2] =	stream.indirect.gather [hbm4b:s4+s12], $0x80, s22, s12, $0xb8;
	[tilespmem:$0x1D100] =	vst v63  }
0x139: {  	_ =	swait.ge [sflag:s16], $0x4000  }
0x13a: {  	[sflag:s16] =	ssyncset.done $0x0  }
0x13b: {  	[sflag:s16] =	ssyncadd.s32 $0xFFFFC000  }
0x13c: {  	[spmem:s1] =	stream.indirect.scatter.add.f32 [tilespmem:s13], [sflag:$0x4], $0x80, s23, s12, $0xb8;
	[tilespmem:$0x1D100] =	vst v63  }
0x13d: {  	_ =	swait.ge [sflag:s10], $0x4000  }
0x13e: {  	[sflag:s10] =	ssyncset.done $0x0  }
0x13f: {  	[sflag:s10] =	ssyncadd.s32 $0xFFFFC000  }
0x140: {  	[tilespmem:s13], [sflag:$0x1] =	stream.indirect.gather [hbm4b:s4+s12], $0x80, s26, s12, $0xb8;
	[tilespmem:$0x1D100] =	vst v63  }
0x141: {  	_ =	swait.ge [sflag:s17], $0x4000  }
0x142: {  	[sflag:s17] =	ssyncset.done $0x0  }
0x143: {  	[sflag:s17] =	ssyncadd.s32 $0xFFFFC000  }
0x144: {  	[spmem:s1] =	stream.indirect.scatter.add.f32 [tilespmem:s15], [sflag:$0x4], $0x80, s28, s12, $0xb8;
	[tilespmem:$0x1D100] =	vst v63  }
0x145: {  	_ =	swait.ge [sflag:s10], $0x4000  }
0x146: {  	[sflag:s10] =	ssyncset.done $0x0  }
0x147: {  	[sflag:s10] =	ssyncadd.s32 $0xFFFFC000  }
0x148: {  	[tilespmem:s15], [sflag:$0x2] =	stream.indirect.gather [hbm4b:s4+s12], $0x80, s29, s12, $0xb8;
	[tilespmem:$0x1D100] =	vst v63  }
0x149: {  	_ =	swait.ge [sflag:s16], $0x4000  }
0x14a: {  	[sflag:s16] =	ssyncset.done $0x0  }
0x14b: {  	[sflag:s16] =	ssyncadd.s32 $0xFFFFC000  }
0x14c: {  	[spmem:s1] =	stream.indirect.scatter.add.f32 [tilespmem:s13], [sflag:$0x4], $0x80, s30, s12, $0xb8;
	[tilespmem:$0x1D100] =	vst v63  }
0x14d: {  	_ =	swait.ge [sflag:s10], $0x4000  }
0x14e: {  	s8 =	smov.u32 s6;
	[sflag:s10] =	ssyncset.done $0x0  }
0x14f: {  	s3 =	smov.u32 s8;
	s8 =	simm.s32 @!p3 $0x3;
	[sflag:s10] =	ssyncadd.s32 $0xFFFFC000  }
0x150: {  	_ =	swait.ge @!p3 [sflag:s8], $0x800  }
0x151: {  	s6 =	sadd.s32 $0x200, s6;
	[sflag:s8] =	ssyncset.done @!p3 $0x0  }
0x152: {  	s24 =	simm.s32 @!p3 $0x1000;
	[sflag:s8] =	ssyncadd.s32 @!p3 $0xFFFFF800;
	s8 =	simm.s32 @!p3 $0x80  }
0x153: {  	[tilespmem:s24], [sflag:$0x1] =	stream.indirect.gather @!p3 [hbm4b:s4+s8], $0x80, s7, s8, $0xb8;
	[tilespmem:$0x1D100] =	vst v63  }
0x154: {  	p2 =	sne.s32 s6, $0x0;
	_ =	swait.ge [sflag:s17], $0x4000  }
.Ltmp2:
0x155: {  	[sflag:s17] =	ssyncset.done $0x0;
	(pc) =	sbr.rel @p2 .LBB2_6-.Ltmp2, $4  }
0x156: {  	[sflag:s17] =	ssyncadd.s32 $0xFFFFC000  }
0x157: {  	[spmem:s1] =	stream.indirect.scatter.add.f32 [tilespmem:s15], [sflag:$0x4], $0x80, s31, s12, $0xb8;
	[tilespmem:$0x1D100] =	vst v63  }
0x158: {  	_ =	swait.ge [sflag:s10], $0x4000  }
0x159: {  	s8 =	sadd.s32 s3, s11;
	s7 =	rddreg [dreg:$0x3];
	[sflag:s10] =	ssyncset.done $0x0  }
0x15a: {  	s6 =	sadd.s32 $0xB00, s8;
	[sflag:s10] =	ssyncadd.s32 $0xFFFFC000  }
0x15b: {  	[tilespmem:s14], [sflag:$0x3] =	stream.linear.gather [hbm4b:s6+s2], $0x800, $0x38;
	[tilespmem:$0x1D100] =	vst v63  }
0x15c: {  	_ = 	snop  }
0x15d: {  	[tilespmem:s15], [sflag:$0x2] =	stream.indirect.gather [hbm4b:s4+s12], $0x80, s7, s12, $0xb8;
	[tilespmem:$0x1D100] =	vst v63  }
0x15e: {  	_ =	swait.ge [sflag:s16], $0x4000  }
0x15f: {  	[sflag:s16] =	ssyncset.done $0x0  }
0x160: {  	[sflag:s16] =	ssyncadd.s32 $0xFFFFC000  }
0x161: {  	[spmem:s1] =	stream.indirect.scatter.add.f32 [tilespmem:s13], [sflag:$0x4], $0x80, s12, s12, $0xb8;
	[tilespmem:$0x1D100] =	vst v63  }
0x162: {  	_ =	swait.ge [sflag:s10], $0x4000  }
0x163: {  	[sflag:s10] =	ssyncset.done $0x0  }
0x164: {  	s8 =	rddreg [dreg:$0x4];
	[sflag:s10] =	ssyncadd.s32 $0xFFFFC000  }
0x165: {  	[tilespmem:s13], [sflag:$0x1] =	stream.indirect.gather [hbm4b:s4+s12], $0x80, s8, s12, $0xb8;
	[tilespmem:$0x1D100] =	vst v63  }
0x166: {  	_ =	swait.ge [sflag:s17], $0x4000  }
0x167: {  	[sflag:s17] =	ssyncset.done $0x0  }
0x168: {  	s24 =	rddreg [dreg:$0x5];
	[sflag:s17] =	ssyncadd.s32 $0xFFFFC000  }
0x169: {  	[spmem:s1] =	stream.indirect.scatter.add.f32 [tilespmem:s15], [sflag:$0x4], $0x80, s24, s12, $0xb8;
	[tilespmem:$0x1D100] =	vst v63  }
0x16a: {  	_ =	swait.ge [sflag:s10], $0x4000  }
0x16b: {  	[sflag:s10] =	ssyncset.done $0x0  }
0x16c: {  	s7 =	rddreg [dreg:$0x6];
	[sflag:s10] =	ssyncadd.s32 $0xFFFFC000  }
0x16d: {  	[tilespmem:s15], [sflag:$0x2] =	stream.indirect.gather [hbm4b:s4+s12], $0x80, s7, s12, $0xb8;
	[tilespmem:$0x1D100] =	vst v63  }
0x16e: {  	_ =	swait.ge [sflag:s16], $0x4000  }
0x16f: {  	[sflag:s16] =	ssyncset.done $0x0  }
0x170: {  	s8 =	rddreg [dreg:$0x7];
	[sflag:s16] =	ssyncadd.s32 $0xFFFFC000  }
0x171: {  	[spmem:s1] =	stream.indirect.scatter.add.f32 [tilespmem:s13], [sflag:$0x4], $0x80, s8, s12, $0xb8;
	[tilespmem:$0x1D100] =	vst v63  }
0x172: {  	_ =	swait.ge [sflag:s10], $0x4000  }
0x173: {  	[sflag:s10] =	ssyncset.done $0x0  }
0x174: {  	s24 =	rddreg [dreg:$0x8];
	[sflag:s10] =	ssyncadd.s32 $0xFFFFC000  }
0x175: {  	[tilespmem:s13], [sflag:$0x1] =	stream.indirect.gather [hbm4b:s4+s12], $0x80, s24, s12, $0xb8;
	[tilespmem:$0x1D100] =	vst v63  }
0x176: {  	_ =	swait.ge [sflag:s17], $0x4000  }
0x177: {  	[sflag:s17] =	ssyncset.done $0x0  }
0x178: {  	s7 =	rddreg [dreg:$0x9];
	[sflag:s17] =	ssyncadd.s32 $0xFFFFC000  }
0x179: {  	[spmem:s1] =	stream.indirect.scatter.add.f32 [tilespmem:s15], [sflag:$0x4], $0x80, s7, s12, $0xb8;
	[tilespmem:$0x1D100] =	vst v63  }
0x17a: {  	_ =	swait.ge [sflag:s10], $0x4000  }
0x17b: {  	[sflag:s10] =	ssyncset.done $0x0  }
0x17c: {  	s8 =	rddreg [dreg:$0xa];
	[sflag:s10] =	ssyncadd.s32 $0xFFFFC000  }
0x17d: {  	[tilespmem:s15], [sflag:$0x2] =	stream.indirect.gather [hbm4b:s4+s12], $0x80, s8, s12, $0xb8;
	[tilespmem:$0x1D100] =	vst v63  }
0x17e: {  	_ =	swait.ge [sflag:s16], $0x4000  }
0x17f: {  	[sflag:s16] =	ssyncset.done $0x0  }
0x180: {  	s24 =	rddreg [dreg:$0xb];
	[sflag:s16] =	ssyncadd.s32 $0xFFFFC000  }
0x181: {  	[spmem:s1] =	stream.indirect.scatter.add.f32 [tilespmem:s13], [sflag:$0x4], $0x80, s24, s12, $0xb8;
	[tilespmem:$0x1D100] =	vst v63  }
0x182: {  	_ =	swait.ge [sflag:s10], $0x4000  }
0x183: {  	[sflag:s10] =	ssyncset.done $0x0  }
0x184: {  	s7 =	rddreg [dreg:$0xc];
	[sflag:s10] =	ssyncadd.s32 $0xFFFFC000  }
0x185: {  	[tilespmem:s13], [sflag:$0x1] =	stream.indirect.gather [hbm4b:s4+s12], $0x80, s7, s12, $0xb8;
	[tilespmem:$0x1D100] =	vst v63  }
0x186: {  	_ =	swait.ge [sflag:s17], $0x4000  }
0x187: {  	[sflag:s17] =	ssyncset.done $0x0  }
0x188: {  	s8 =	rddreg [dreg:$0xd];
	[sflag:s17] =	ssyncadd.s32 $0xFFFFC000  }
0x189: {  	[spmem:s1] =	stream.indirect.scatter.add.f32 [tilespmem:s15], [sflag:$0x4], $0x80, s8, s12, $0xb8;
	[tilespmem:$0x1D100] =	vst v63  }
0x18a: {  	_ =	swait.ge [sflag:s10], $0x4000  }
0x18b: {  	[sflag:s10] =	ssyncset.done $0x0  }
0x18c: {  	s24 =	rddreg [dreg:$0xe];
	[sflag:s10] =	ssyncadd.s32 $0xFFFFC000  }
0x18d: {  	[tilespmem:s15], [sflag:$0x2] =	stream.indirect.gather [hbm4b:s4+s12], $0x80, s24, s12, $0xb8;
	[tilespmem:$0x1D100] =	vst v63  }
0x18e: {  	_ =	swait.ge [sflag:s16], $0x4000  }
0x18f: {  	[sflag:s16] =	ssyncset.done $0x0  }
0x190: {  	s7 =	rddreg [dreg:$0xf];
	[sflag:s16] =	ssyncadd.s32 $0xFFFFC000  }
0x191: {  	[spmem:s1] =	stream.indirect.scatter.add.f32 [tilespmem:s13], [sflag:$0x4], $0x80, s7, s12, $0xb8;
	[tilespmem:$0x1D100] =	vst v63  }
0x192: {  	_ =	swait.ge [sflag:s10], $0x4000  }
0x193: {  	[sflag:s10] =	ssyncset.done $0x0  }
0x194: {  	[sflag:s10] =	ssyncadd.s32 $0xFFFFC000  }
0x195: {  	_ =	swait.ge [sflag:s18], $0x800  }
0x196: {  	[sflag:s18] =	ssyncset.done $0x0  }
0x197: {  	[sflag:s18] =	ssyncadd.s32 $0xFFFFF800  }
0x198: {  	[tilespmem:s13], [sflag:$0x1] =	stream.indirect.gather [hbm4b:s4+s12], $0x80, s14, s12, $0xb8;
	[tilespmem:$0x1D100] =	vst v63  }
0x199: {  	_ =	swait.ge [sflag:s17], $0x4000  }
0x19a: {  	[sflag:s17] =	ssyncset.done $0x0  }
0x19b: {  	s8 =	rddreg [dreg:$0x10];
	[sflag:s17] =	ssyncadd.s32 $0xFFFFC000  }
0x19c: {  	[spmem:s1] =	stream.indirect.scatter.add.f32 [tilespmem:s15], [sflag:$0x4], $0x80, s8, s12, $0xb8;
	[tilespmem:$0x1D100] =	vst v63  }
0x19d: {  	p2 =	seq.s32 s3, $0xFFFFFE00;
	_ =	swait.ge [sflag:s10], $0x4000  }
0x19e: {  	s6 =	sadd.s32 @!p2 s3, s11;
	[sflag:s10] =	ssyncset.done $0x0  }
0x19f: {  	s3 =	simm.s32 @!p2 $0x0;
	s6 =	sadd.s32 @!p2 $0xC00, s6;
	[sflag:s10] =	ssyncadd.s32 $0xFFFFC000  }
0x1a0: {  	[tilespmem:s3], [sflag:$0x3] =	stream.linear.gather @!p2 [hbm4b:s6+s3], $0x800, $0x38;
	[tilespmem:$0x1D100] =	vst v63  }
0x1a1: {  	s24 =	rddreg [dreg:$0x11]  }
0x1a2: {  	[tilespmem:s15], [sflag:$0x2] =	stream.indirect.gather [hbm4b:s4+s12], $0x80, s24, s12, $0xb8;
	[tilespmem:$0x1D100] =	vst v63  }
0x1a3: {  	_ =	swait.ge [sflag:s16], $0x4000  }
0x1a4: {  	[sflag:s16] =	ssyncset.done $0x0  }
0x1a5: {  	s8 =	rddreg [dreg:$0x12];
	[sflag:s16] =	ssyncadd.s32 $0xFFFFC000  }
0x1a6: {  	[spmem:s1] =	stream.indirect.scatter.add.f32 [tilespmem:s13], [sflag:$0x4], $0x80, s8, s12, $0xb8;
	[tilespmem:$0x1D100] =	vst v63  }
0x1a7: {  	_ =	swait.ge [sflag:s10], $0x4000  }
0x1a8: {  	[sflag:s10] =	ssyncset.done $0x0  }
0x1a9: {  	s24 =	rddreg [dreg:$0x13];
	[sflag:s10] =	ssyncadd.s32 $0xFFFFC000  }
0x1aa: {  	[tilespmem:s13], [sflag:$0x1] =	stream.indirect.gather [hbm4b:s4+s12], $0x80, s24, s12, $0xb8;
	[tilespmem:$0x1D100] =	vst v63  }
0x1ab: {  	_ =	swait.ge [sflag:s17], $0x4000  }
0x1ac: {  	[sflag:s17] =	ssyncset.done $0x0  }
0x1ad: {  	s7 =	rddreg [dreg:$0x14];
	[sflag:s17] =	ssyncadd.s32 $0xFFFFC000  }
0x1ae: {  	[spmem:s1] =	stream.indirect.scatter.add.f32 [tilespmem:s15], [sflag:$0x4], $0x80, s7, s12, $0xb8;
	[tilespmem:$0x1D100] =	vst v63  }
0x1af: {  	_ =	swait.ge [sflag:s10], $0x4000  }
0x1b0: {  	[sflag:s10] =	ssyncset.done $0x0  }
0x1b1: {  	s8 =	rddreg [dreg:$0x15];
	[sflag:s10] =	ssyncadd.s32 $0xFFFFC000  }
0x1b2: {  	[tilespmem:s15], [sflag:$0x2] =	stream.indirect.gather [hbm4b:s4+s12], $0x80, s8, s12, $0xb8;
	[tilespmem:$0x1D100] =	vst v63  }
0x1b3: {  	_ =	swait.ge [sflag:s16], $0x4000  }
0x1b4: {  	[sflag:s16] =	ssyncset.done $0x0  }
0x1b5: {  	[sflag:s16] =	ssyncadd.s32 $0xFFFFC000  }
0x1b6: {  	[spmem:s1] =	stream.indirect.scatter.add.f32 [tilespmem:s13], [sflag:$0x4], $0x80, s19, s12, $0xb8;
	[tilespmem:$0x1D100] =	vst v63  }
0x1b7: {  	_ =	swait.ge [sflag:s10], $0x4000  }
0x1b8: {  	[sflag:s10] =	ssyncset.done $0x0  }
0x1b9: {  	[sflag:s10] =	ssyncadd.s32 $0xFFFFC000  }
0x1ba: {  	[tilespmem:s13], [sflag:$0x1] =	stream.indirect.gather [hbm4b:s4+s12], $0x80, s20, s12, $0xb8;
	[tilespmem:$0x1D100] =	vst v63  }
0x1bb: {  	_ =	swait.ge [sflag:s17], $0x4000  }
0x1bc: {  	[sflag:s17] =	ssyncset.done $0x0  }
0x1bd: {  	[sflag:s17] =	ssyncadd.s32 $0xFFFFC000  }
0x1be: {  	[spmem:s1] =	stream.indirect.scatter.add.f32 [tilespmem:s15], [sflag:$0x4], $0x80, s21, s12, $0xb8;
	[tilespmem:$0x1D100] =	vst v63  }
0x1bf: {  	_ =	swait.ge [sflag:s10], $0x4000  }
0x1c0: {  	[sflag:s10] =	ssyncset.done $0x0  }
0x1c1: {  	[sflag:s10] =	ssyncadd.s32 $0xFFFFC000  }
0x1c2: {  	[tilespmem:s15], [sflag:$0x2] =	stream.indirect.gather [hbm4b:s4+s12], $0x80, s22, s12, $0xb8;
	[tilespmem:$0x1D100] =	vst v63  }
0x1c3: {  	_ =	swait.ge [sflag:s16], $0x4000  }
0x1c4: {  	[sflag:s16] =	ssyncset.done $0x0  }
0x1c5: {  	[sflag:s16] =	ssyncadd.s32 $0xFFFFC000  }
0x1c6: {  	[spmem:s1] =	stream.indirect.scatter.add.f32 [tilespmem:s13], [sflag:$0x4], $0x80, s23, s12, $0xb8;
	[tilespmem:$0x1D100] =	vst v63  }
0x1c7: {  	_ =	swait.ge [sflag:s10], $0x4000  }
0x1c8: {  	[sflag:s10] =	ssyncset.done $0x0  }
0x1c9: {  	[sflag:s10] =	ssyncadd.s32 $0xFFFFC000  }
0x1ca: {  	[tilespmem:s13], [sflag:$0x1] =	stream.indirect.gather [hbm4b:s4+s12], $0x80, s26, s12, $0xb8;
	[tilespmem:$0x1D100] =	vst v63  }
0x1cb: {  	_ =	swait.ge [sflag:s17], $0x4000  }
0x1cc: {  	[sflag:s17] =	ssyncset.done $0x0  }
0x1cd: {  	[sflag:s17] =	ssyncadd.s32 $0xFFFFC000  }
0x1ce: {  	[spmem:s1] =	stream.indirect.scatter.add.f32 [tilespmem:s15], [sflag:$0x4], $0x80, s28, s12, $0xb8;
	[tilespmem:$0x1D100] =	vst v63  }
0x1cf: {  	_ =	swait.ge [sflag:s10], $0x4000  }
0x1d0: {  	[sflag:s10] =	ssyncset.done $0x0  }
0x1d1: {  	[sflag:s10] =	ssyncadd.s32 $0xFFFFC000  }
0x1d2: {  	[tilespmem:s15], [sflag:$0x2] =	stream.indirect.gather [hbm4b:s4+s12], $0x80, s29, s12, $0xb8;
	[tilespmem:$0x1D100] =	vst v63  }
0x1d3: {  	_ =	swait.ge [sflag:s16], $0x4000  }
0x1d4: {  	[sflag:s16] =	ssyncset.done $0x0  }
0x1d5: {  	[sflag:s16] =	ssyncadd.s32 $0xFFFFC000  }
0x1d6: {  	[spmem:s1] =	stream.indirect.scatter.add.f32 [tilespmem:s13], [sflag:$0x4], $0x80, s30, s12, $0xb8;
	[tilespmem:$0x1D100] =	vst v63  }
0x1d7: {  	_ =	swait.ge [sflag:s10], $0x4000  }
0x1d8: {  	[sflag:s10] =	ssyncset.done $0x0  }
0x1d9: {  	s6 =	simm.s32 @!p2 $0x3;
	[sflag:s10] =	ssyncadd.s32 $0xFFFFC000  }
0x1da: {  	_ =	swait.ge @!p2 [sflag:s6], $0x800  }
0x1db: {  	[sflag:s6] =	ssyncset.done @!p2 $0x0  }
0x1dc: {  	s7 =	simm.s32 @!p2 $0x1000;
	[sflag:s6] =	ssyncadd.s32 @!p2 $0xFFFFF800;
	s6 =	simm.s32 @!p2 $0x80  }
0x1dd: {  	[tilespmem:s7], [sflag:$0x1] =	stream.indirect.gather @!p2 [hbm4b:s4+s6], $0x80, s3, s6, $0xb8;
	[tilespmem:$0x1D100] =	vst v63  }
0x1de: {  	_ =	swait.ge [sflag:s17], $0x4000  }
0x1df: {  	[sflag:s17] =	ssyncset.done $0x0  }
0x1e0: {  	[sflag:s17] =	ssyncadd.s32 $0xFFFFC000  }
0x1e1: {  	[spmem:s1] =	stream.indirect.scatter.add.f32 [tilespmem:s15], [sflag:$0x4], $0x80, s31, s12, $0xb8;
	[tilespmem:$0x1D100] =	vst v63  }
0x1e2: {  	_ =	swait.ge [sflag:s10], $0x4000  }
0x1e3: {  	[sflag:s10] =	ssyncset.done $0x0  }
0x1e4: {  	[sflag:s10] =	ssyncadd.s32 $0xFFFFC000  }
0x1e5: {  	[bflag:$0x0] =	sbarrier.arrive $0xFFFF  }
0x1e6: {  	s3 =	sadd.s32 @p1 $0x24900, s25;
	s6 =	simm.s32 @p1 $0x1FC4;
	s7 =	rddreg [dreg:$0x18]  }
0x1e7: {  	[hbm:s3], [sflag:s6] =	dma.local @p1 [spmem:s7], $0x2800  }
0x1e8: {  	s3 =	simm.s32 @p1 $0x4  }
0x1e9: {  	s6 =	stileid.u32;
	_ =	swait.ge @p1 [sflag:s3], $0x2800  }
0x1ea: {  	s6 =	sshll.u32 @!p1 s6, $0x6;
	[sflag:s3] =	ssyncset.done @p1 $0x0;
	s7 =	rddreg [dreg:$0x19]  }
0x1eb: {  	[sflag:s3] =	ssyncadd.s32 @p1 $0xFFFFD800;
	s3 =	sor.u32 @!p1 $0x1C04, s6;
	s6 =	sshrl.u32 @!p1 s5, $0x3  }
0x1ec: {  	[hbm:s7], [sflag:s3] =	dma.local @!p1 [spmem:s6], $0x2700  }
0x1ed: {  	s3 =	simm.s32 @!p1 $0x4  }
0x1ee: {  	_ =	swait.ge @!p1 [sflag:s3], $0x2700  }
0x1ef: {  	s0 =	sadd.s32 $0x1, s0;
	s24 =	rddreg [dreg:$0x17]  }
0x1f0: {  	p2 =	sne.s32 s0, s24  }
.Ltmp3:
0x1f1: {  	_ = 	snop;
	(pc) =	sbr.rel @p2 .LBB2_1-.Ltmp3, $3  }
0x1f2: {  	_ =	sdelay $0x1  }
0x1f3: {  	[sflag:s3] =	ssyncset.done @!p1 $0x0  }
0x1f4: {  	[sflag:s3] =	ssyncadd.s32 @!p1 $0xFFFFD900  }
0x1f5: {  	_ =	sfence.sel $0x180000  }
0x1f6: {  	[bflag:$0x0] =	sbarrier.arrive $0xFFFF  }
0x1f7: {  	_ =	strace $0x9000004D  }
0x1f8: {  	s0 =	stileid.u32;
	[bflag:$0x2] =	sbarrier.arrive $0xFFFF  }
0x1f9: {  	p0 =	sne.s32 s0, $0x0;
	s0 =	rddreg [dreg:$0x2]  }
0x1fa: {  	s0 =	sadd.s32 @!p0 $0x100000, s0  }
0x1fb: {  	[sflag:s0] =	ssyncadd.tile.s32 @!p0 $0x1;
	_ =	shalt  }
.Lfunc_end2:
_tile_overlayer_lowered:
.L_overlay_start_2:
0x1fc: {  	(tag) =	ssettag $0x2  }
0x1fd: {  	s0 =	rddreg [dreg:$0x0];
	s2 =	stileid.u32  }
0x1fe: {  	s1 =	rddreg [dreg:$0x1];
	p0 =	sne.s32 s2, $0x0  }
0x1ff: {  	s3 =	rddreg [dreg:$0x2];
	[bflag:$0x3] =	sbarrier.arrive $0xFFFF;
	s2 =	simm.s32 @!p0 $0x1C04  }
0x200: {  	[timem:s3], [sflag:s2] =	dma.local @!p0 [hbm:s0], s1  }
0x201: {  	s0 =	simm.s32 @!p0 $0x4  }
0x202: {  	_ =	swait.ge @!p0 [sflag:s0], s1  }
0x203: {  	s1 =	ssub.s32 @!p0 $0x0, s1;
	[sflag:s0] =	ssyncset.done @!p0 $0x0  }
0x204: {  	[sflag:s0] =	ssyncadd.s32 @!p0 s1  }
0x205: {  	[bflag:$0x3] =	sbarrier.arrive $0xFFFF  }
0x206: {  	_ =	shalt  }

// kernel: kernel.9.cloned.1.call-start
scs
__scs_entry_jumppad:
0x0: {  	(pc) =	sbr.rel $0x88, $3  }
0x1: {  	(tag) =	ssettag $0x0;
	lr =	simm.s32 $0x1  }
0x2: {  	[smem:$0x3F90] =	sst lr;
	_ =	strace $0xD0000000  }
0x3: {  	_ = 	snop  }
0x4: {  	_ = 	snop  }
0x5: {  	_ = 	snop  }
0x6: {  	_ = 	snop  }
0x7: {  	_ = 	snop  }
__scs_overlays_trampoline_lowered:
0x8: {  	[smem:$0x3F9F] =	sst s0  }
0x9: {  	[smem:$0x3FA0] =	sst s1  }
0xa: {  	[smem:$0x3FA1] =	sst s2  }
0xb: {  	[smem:$0x3FA2] =	sst s3  }
0xc: {  	[smem:$0x3FA3] =	sst s4  }
0xd: {  	[smem:$0x3FA4] =	sst s5  }
0xe: {  	[smem:$0x3FA5] =	sst s6  }
0xf: {  	[smem:$0x3FA6] =	sst s7  }
0x10: {  	[smem:$0x3FA7] =	sst s8  }
0x11: {  	[smem:$0x3FA8] =	sst s9;
	s0 =	simm.s32 @!p0 $0x0  }
0x12: {  	s1 =	sld [smem:$0x3F8E];
	s0 =	simm.s32 @p0 $0x1  }
0x13: {  	[smem:$0x3FA9] =	sst s0;
	s0 =	simm.s32 @!p1 $0x0  }
0x14: {  	s2 =	sld [smem:$0x3F8D];
	s0 =	simm.s32 @p1 $0x1  }
0x15: {  	[smem:$0x3FAA] =	sst s0;
	s0 =	simm.s32 @!p2 $0x0  }
0x16: {  	s3 =	sld [smem:$0x3FDB];
	s0 =	simm.s32 @p2 $0x1  }
0x17: {  	s4 =	simm.s32 $0x1BF5;
	[smem:$0x3FAC] =	sst s0  }
0x18: {  	s0 =	sld [smem:$0x3F8F];
	_ =	swait.ge [sflag:s4], $0x0  }
0x19: {  	s7 =	sld [smem:$0x3F90]  }
0x1a: {  	s8 =	sadd.s32 $0xFFFFE003, lr  }
0x1b: {  	s9 =	sadd.s32 $0xFFFFFEF7, lr;
	s5 =	simm.s32 $0xFFFFFFFF;
	p2 =	slt.u32 s8, $0xFFFFF086  }
0x1c: {  	p1 =	slt.u32 s9, $0xF7A;
	s5 =	simm.s32 @!p2 $0x0  }
0x1d: {  	s5 =	simm.s32 @p1 $0x1;
	p0 =	seq.s32 s7, s2  }
0x1e: {  	s7 =	smul.u32 @!p0 $0xF7A, s2;
	p2 =	seq.s32 @!p0 s5, $0x0  }
0x1f: {  	s9 =	smul.u32 $0xF7A, s1;
	s8 =	simm.s32 @!p0 $0x1BF5;
	p2 =	por !p2, p0  }
0x20: {  	[sflag:s8] =	ssyncset.s32 @!p0 $0xFFFFF086;
	s6 =	sadd.s32 @!p0 s3, s7;
	s7 =	simm.s32 @!p0 $0x108  }
0x21: {  	s3 =	sadd.s32 s3, s9;
	s6 =	sadd.s32 @!p0 $0x88, s6;
	s7 =	simm.s32 @p2 $0x1082  }
0x22: {  	[simem:s7], [sflag:s8] =	dma.local @!p0 [hbm:s6], $0xF7A  }
0x23: {  	s9 =	sor.u32 $0xD0000000, s2;
	s6 =	simm.s32 $0x108;
	_ =	swait.ge @!p0 [sflag:s8], $0x0  }
0x24: {  	s3 =	sadd.s32 $0x88, s3;
	s6 =	simm.s32 @!p1 $0x1082;
	[sflag:s4] =	ssyncset.s32 $0xFFFFF086  }
0x25: {  	[simem:s6], [sflag:s4] =	dma.local [hbm:s3], $0xF7A  }
0x26: {  	[smem:$0x3F90] =	sst s1;
	(tag) =	ssettag s2;
	_ =	strace s9  }
0x27: {  	s1 =	sld [smem:$0x3FA0]  }
0x28: {  	s2 =	sld [smem:$0x3FA1]  }
0x29: {  	s4 =	sld [smem:$0x3FA3]  }
0x2a: {  	p0 =	seq.s32 s5, $0x0;
	s5 =	sld [smem:$0x3FA4]  }
0x2b: {  	s6 =	sld [smem:$0x3FA5]  }
0x2c: {  	s7 =	sld [smem:$0x3FA6]  }
0x2d: {  	s3 =	simm.s32 $0x108;
	s8 =	sld [smem:$0x3FA7]  }
0x2e: {  	s3 =	simm.s32 @!p0 $0x1082;
	s9 =	sld [smem:$0x3FA8]  }
0x2f: {  	lr =	sadd.s32 s0, s3;
	s0 =	sld [smem:$0x3F9F]  }
0x30: {  	s3 =	sld [smem:$0x3FA2]  }
0x31: {  	[smem:$0x3FAB] =	sst s10  }
0x32: {  	s10 =	sld [smem:$0x3FA9];
	_ =	sdelay $0x3  }
0x33: {  	p0 =	seq.s32 s10, $0x1;
	s10 =	sld [smem:$0x3FAB];
	_ =	sdelay $0x3  }
0x34: {  	[smem:$0x3FAB] =	sst s10  }
0x35: {  	s10 =	sld [smem:$0x3FAA];
	_ =	sdelay $0x3  }
0x36: {  	p1 =	seq.s32 s10, $0x1;
	s10 =	sld [smem:$0x3FAB];
	_ =	sdelay $0x3  }
0x37: {  	[smem:$0x3FAB] =	sst s10  }
0x38: {  	s10 =	sld [smem:$0x3FAC]  }
0x39: {  	_ = 	snop;
	(pc) =	sbr.ind lr, $3  }
0x3a: {  	_ = 	snop  }
0x3b: {  	_ = 	snop  }
0x3c: {  	p2 =	seq.s32 s10, $0x1;
	s10 =	sld [smem:$0x3FAB]  }
0x3d: {  	_ =	shalt  }
0x3e: {  	_ =	shalt  }
0x3f: {  	_ =	shalt  }
0x40: {  	_ =	shalt  }
0x41: {  	_ =	shalt  }
0x42: {  	_ =	shalt  }
0x43: {  	_ =	shalt  }
0x44: {  	_ =	shalt  }
0x45: {  	_ =	shalt  }
0x46: {  	_ =	shalt  }
0x47: {  	_ =	shalt  }
0x48: {  	_ =	shalt  }
0x49: {  	_ =	shalt  }
0x4a: {  	_ =	shalt  }
0x4b: {  	_ =	shalt  }
0x4c: {  	_ =	shalt  }
0x4d: {  	_ =	shalt  }
0x4e: {  	_ =	shalt  }
0x4f: {  	_ =	shalt  }
0x50: {  	_ =	shalt  }
0x51: {  	_ =	shalt  }
0x52: {  	_ =	shalt  }
0x53: {  	_ =	shalt  }
0x54: {  	_ =	shalt  }
0x55: {  	_ =	shalt  }
0x56: {  	_ =	shalt  }
0x57: {  	_ =	shalt  }
0x58: {  	_ =	shalt  }
0x59: {  	_ =	shalt  }
0x5a: {  	_ =	shalt  }
0x5b: {  	_ =	shalt  }
0x5c: {  	_ =	shalt  }
0x5d: {  	_ =	shalt  }
0x5e: {  	_ =	shalt  }
0x5f: {  	_ =	shalt  }
0x60: {  	_ =	shalt  }
0x61: {  	_ =	shalt  }
0x62: {  	_ =	shalt  }
0x63: {  	_ =	shalt  }
0x64: {  	_ =	shalt  }
0x65: {  	_ =	shalt  }
0x66: {  	_ =	shalt  }
0x67: {  	_ =	shalt  }
0x68: {  	_ =	shalt  }
0x69: {  	_ =	shalt  }
0x6a: {  	_ =	shalt  }
0x6b: {  	_ =	shalt  }
0x6c: {  	_ =	shalt  }
0x6d: {  	_ =	shalt  }
0x6e: {  	_ =	shalt  }
0x6f: {  	_ =	shalt  }
0x70: {  	_ =	shalt  }
0x71: {  	_ =	shalt  }
0x72: {  	_ =	shalt  }
0x73: {  	_ =	shalt  }
0x74: {  	_ =	shalt  }
0x75: {  	_ =	shalt  }
0x76: {  	_ =	shalt  }
0x77: {  	_ =	shalt  }
0x78: {  	_ =	shalt  }
0x79: {  	_ =	shalt  }
0x7a: {  	_ =	shalt  }
0x7b: {  	_ =	shalt  }
0x7c: {  	_ =	shalt  }
0x7d: {  	_ =	shalt  }
0x7e: {  	_ =	shalt  }
0x7f: {  	_ =	shalt  }
0x80: {  	_ =	shalt  }
0x81: {  	_ =	shalt  }
0x82: {  	_ =	shalt  }
0x83: {  	_ =	shalt  }
0x84: {  	_ =	shalt  }
0x85: {  	_ =	shalt  }
0x86: {  	_ =	shalt  }
0x87: {  	_ =	shalt  }
.Lfunc_end0:
.L_simem_size_0:
called_computation_lowered:
.L_overlay_start_0:
0x88: {  	s2 =	sld [smem:$0x3FD9]  }
0x89: {  	s3 =	sld [smem:$0x3FFE];
	_ =	sdelay $0x1  }
0x8a: {  	s1 =	srdreg.scid  }
0x8b: {  	s0 =	sand.u32 $0x1, s1  }
0x8c: {  	s17 =	sshll.u32 s0, $0xA;
	s2 =	sadd.s32 s3, s2  }
0x8d: {  	s2 =	sadd.s32 s2, s17  }
0x8e: {  	[smem:$0x3FB7] =	sst s2  }
0x8f: {  	_ = 	snop  }
0x90: {  	s2 =	sld [smem:$0x3FC9];
	(tm) =	ssettm $0x1  }
0x91: {  	s18 =	sld [smem:$0x3FFB];
	_ =	sdelay $0x3  }
0x92: {  	_ =	strace s18  }
0x93: {  	s3 =	sld [smem:$0x3FFC];
	_ =	sdelay $0x3  }
0x94: {  	_ =	strace s3  }
0x95: {  	s3 =	sld [smem:$0x3FFD];
	_ =	sdelay $0x3  }
0x96: {  	_ =	strace s3  }
0x97: {  	_ =	strace $0x8FFFFFFF  }
0x98: {  	s19 =	sld [smem:$0x3FDB];
	_ =	sdelay $0x1  }
0x99: {  	s4 =	simm.s32 $_scs_section_size  }
0x9a: {  	s5 =	simm.s32 $_size__tile_overlayer_lowered;
	s6 =	simm.s32 $_tile_overlayer_lowered  }
0x9b: {  	s22 =	simm.s32 $0x1BFF;
	s21 =	sshll.u32 s6, $0x1;
	s3 =	sadd.s32 s4, s19  }
0x9c: {  	s7 =	simm.s32 $0x0;
	s20 =	sshll.u32 s5, $0x1;
	s5 =	sadd.s32 s21, s3  }
0x9d: {  	[timem:s7], [sflag:s22] =	dma.local [hbm:s5], s20  }
0x9e: {  	_ =	swait.ge [sflag:s22], s20  }
0x9f: {  	s4 =	ssub.s32 $0x0, s20;
	[sflag:s22] =	ssyncset.done $0x0  }
0xa0: {  	[sflag:s22] =	ssyncadd.s32 s4;
	_ =	sdelay $0x1  }
0xa1: {  	s23 =	simm.s32 $0x1B8B  }
0xa2: {  	_ =	swait.ge [sflag:s23], $0x1  }
0xa3: {  	[sflag:s23] =	ssyncset.done $0x0  }
0xa4: {  	s25 =	simm.s32 $0x1B8E;
	s24 =	sld [smem:$0x3FFE];
	[sflag:s23] =	ssyncadd.s32 $0xFFFFFFFF  }
0xa5: {  	s26 =	simm.s32 $execute0_lowered;
	[smem:$0x3FD2] =	sst s25  }
0xa6: {  	s5 =	sshll.u32 s26, $0x1;
	_ =	strace $0x80000046;
	[dreg:$0x1] =	wrdreg $0xFFFFFFFF  }
0xa7: {  	s28 =	simm.s32 $_size_execute0_lowered;
	s3 =	sadd.s32 s3, s5;
	[dreg:$0x0] =	wrdreg $0x0  }
0xa8: {  	s5 =	sshll.u32 s28, $0x1;
	[dreg:$0x2] =	wrdreg s3  }
0xa9: {  	[dreg:$0x3] =	wrdreg s5  }
0xaa: {  	[dreg:$0x4] =	wrdreg $0xC0  }
0xab: {  	_ =	task [dreg:s7], $0x5FFFF  }
0xac: {  	[dreg:$0x1] =	wrdreg $0xFFFFFFFF  }
0xad: {  	[dreg:$0x0] =	wrdreg $0x60  }
0xae: {  	[dreg:$0x2] =	wrdreg s2  }
0xaf: {  	[dreg:$0x3] =	wrdreg s24  }
0xb0: {  	[dreg:$0x4] =	wrdreg $0x98000  }
0xb1: {  	[dreg:$0x5] =	wrdreg $0x9  }
0xb2: {  	_ =	task.clear_ibuf [dreg:s7], $0x6FFFF;
	_ =	strace $0x90000046  }
0xb3: {  	s29 =	simm.s32 $0x9;
	_ =	strace $0x80000048  }
0xb4: {  	_ =	swait.ge [sflag:s29], $0x1  }
0xb5: {  	[sflag:s29] =	ssyncadd.s32 $0xFFFFFFFF  }
0xb6: {  	_ =	strace $0x90000048  }
0xb7: {  	_ =	sfence  }
0xb8: {  	s30 =	sld [smem:$0x0];
	_ =	sdelay $0x2  }
0xb9: {  	s31 =	sshll.u32 s1, $0xD;
	s1 =	sshrl.u32 s1, $0x2  }
0xba: {  	s3 =	sand.u32 $0x4000, s31;
	s1 =	sadd.s32 s1, s30  }
0xbb: {  	s0 =	sor.u32 s3, s0;
	s1 =	sshll.u32 s1, $0x11  }
0xbc: {  	s0 =	sor.u32 s1, s0  }
0xbd: {  	s0 =	sadd.s32 $0x8F2B, s0  }
0xbe: {  	[sflag:s0] =	ssyncadd.remote.s32 $0x1  }
0xbf: {  	_ =	sfence.sel $0xFFFF  }
0xc0: {  	[dreg:$0x0] =	wrdreg $0xFFFFFFFF;
	(pc) =	sbr.abs _section_cstart, $3  }
0xc1: {  	[dreg:$0x1] =	wrdreg $0xFFFFFFFF  }
0xc2: {  	_ =	task.clear_ibuf [dreg:s7], $0x2FFFF;
	_ =	strace $0x9FFFFFFF  }
0xc3: {  	(tm) =	ssettm $0x7FFFFFFF  }
tec
execute0_lowered:
.L_overlay_start_1:
0x0: {  	(tag) =	ssettag $0x1  }
0x1: {  	s1 =	rddreg [dreg:$0x0]  }
0x2: {  	s0 =	rddreg [dreg:$0x1]  }
0x3: {  	s3 =	srdreg.scid;
	s2 =	rddreg [dreg:$0x2]  }
0x4: {  	s4 =	simm.s32 $0x0;
	s23 =	stileid.u32;
	s17 =	simm.s32 $0x100  }
0x5: {  	s19 =	simm.s32 $0x200;
	s21 =	simm.s32 $0x180;
	s25 =	simm.s32 $0x300  }
0x6: {  	s9 =	simm.s32 $0x280;
	[smem:$0x7FF] =	sst s4;
	s18 =	sadd.s32 $0x138000, s2  }
0x7: {  	s10 =	simm.s32 $0x400;
	_ =	strace $0x80000047;
	[dreg:$0x17] =	wrdreg s18  }
0x8: {  	s11 =	simm.s32 $0x380;
	s12 =	simm.s32 $0x500;
	[dreg:$0x4] =	wrdreg s17  }
0x9: {  	s13 =	simm.s32 $0x480;
	s14 =	simm.s32 $0x600;
	[dreg:$0x5] =	wrdreg s19  }
0xa: {  	s28 =	simm.s32 $0xD80;
	s29 =	simm.s32 $0xF00;
	[dreg:$0x6] =	wrdreg s21  }
0xb: {  	s30 =	simm.s32 $0xE80;
	s31 =	simm.s32 $0xF80;
	[dreg:$0x7] =	wrdreg s25  }
0xc: {  	s3 =	sand.u32 $0x1, s3;
	s7 =	smul.u32 $0x4E000, s23;
	[dreg:$0x8] =	wrdreg s9  }
0xd: {  	s22 =	smul.u32 $0xA00, s23;
	s24 =	sadd.s32 $0x124800, s2;
	[dreg:$0x9] =	wrdreg s10  }
0xe: {  	p0 =	sne.s32 s23, $0xF;
	s5 =	smul.u32 $0xA000, s3;
	[dreg:$0xa] =	wrdreg s11  }
0xf: {  	p1 =	seq.s32 s23, $0xF;
	s6 =	smul.u32 $0x27100, s3;
	[dreg:$0xb] =	wrdreg s12  }
0x10: {  	s3 =	ssub.s32 $0x2, s3;
	s9 =	simm.s32 $0x9000;
	[dreg:$0xc] =	wrdreg s13  }
0x11: {  	s10 =	simm.s32 $0x4;
	[dreg:$0xd] =	wrdreg s14;
	s12 =	simm.s32 $0x80  }
0x12: {  	s17 =	simm.s32 $0x680;
	s13 =	simm.s32 $0x1000;
	s18 =	simm.s32 $0x780  }
0x13: {  	s14 =	simm.s32 $0x800;
	s19 =	simm.s32 $0x900;
	[dreg:$0x10] =	wrdreg s17  }
0x14: {  	s21 =	simm.s32 $0xA00;
	s25 =	simm.s32 $0xB00;
	[dreg:$0x11] =	wrdreg s18  }
0x15: {  	s15 =	sshrl.u32 s3, $0x1;
	s16 =	sshrl.u32 s7, $0x2;
	[dreg:$0x12] =	wrdreg s19  }
0x16: {  	s17 =	simm.s32 $0x2;
	[dreg:$0x14] =	wrdreg s21;
	s18 =	simm.s32 $0x3  }
0x17: {  	[dreg:$0x16] =	wrdreg s25;
	s19 =	simm.s32 $0xA80;
	s21 =	simm.s32 $0xB80  }
0x18: {  	s8 =	sadd.s32 s5, s0;
	s0 =	sadd.s32 s6, s0;
	s3 =	ssub.s32 s3, s15  }
0x19: {  	s5 =	sadd.s32 s16, s2;
	s6 =	smul.u32 $0x2700, s23;
	s15 =	simm.s32 $0x580  }
0x1a: {  	s16 =	simm.s32 $0x700;
	s23 =	simm.s32 $0xC80;
	s20 =	sadd.s32 $0x3800, s8  }
0x1b: {  	s26 =	sadd.s32 $0x17800, s0;
	s3 =	smax.u32 s3, $0x1;
	[dreg:$0xe] =	wrdreg s15  }
0x1c: {  	[dreg:$0xf] =	wrdreg s16;
	s15 =	simm.s32 $0x5000;
	s16 =	simm.s32 $0x1  }
0x1d: {  	s0 =	sshrl.u32 @p1 s24, $0x3;
	[dreg:$0x18] =	wrdreg s3;
	s11 =	sadd.s32 s22, s20  }
0x1e: {  	s20 =	simm.s32 $0x880;
	s22 =	simm.s32 $0x980;
	[dreg:$0x19] =	wrdreg s0  }
0x1f: {  	s25 =	smov.u32 s26;
	s0 =	sadd.s32 @!p1 s6, s26;
	[dreg:$0x13] =	wrdreg s20  }
0x20: {  	s26 =	simm.s32 $0xE00;
	[dreg:$0x15] =	wrdreg s22;
	s20 =	simm.s32 $0xC00  }
0x21: {  	v0 =	vimm.f32 $0.0e+00;
	s22 =	simm.s32 $0xD00;
	[dreg:$0x1a] =	wrdreg s0;
	s0 =	simm.s32 $0x0  }
.LBB2_1:
0x22: {  	s3 =	simm.s32 $0x0;
	s6 =	simm.s32 $0x200  }
.LBB2_2:
0x23: {  	p2 =	sne.s32 s6, $0x1E00;
	[tilespmem:s3+$0x9070] =	vst v0  }
0x24: {  	[tilespmem:s3+$0x9000] =	vst v0  }
0x25: {  	[tilespmem:s3+$0x9010] =	vst v0  }
.Ltmp0:
0x26: {  	[tilespmem:s3+$0x9020] =	vst v0;
	(pc) =	sbr.rel @p2 .LBB2_2-.Ltmp0, $4  }
0x27: {  	[tilespmem:s3+$0x9030] =	vst v0  }
0x28: {  	[tilespmem:s3+$0x9040] =	vst v0  }
0x29: {  	[tilespmem:s3+$0x9050] =	vst v0  }
0x2a: {  	[tilespmem:s3+$0x9060] =	vst v0;
	s3 =	sshra.s32 s6, $0x2;
	s6 =	sadd.s32 $0x200, s6  }
0x2b: {  	[tilespmem:s3+$0x9070] =	vst v0  }
0x2c: {  	[tilespmem:s3+$0x9000] =	vst v0  }
0x2d: {  	[tilespmem:s3+$0x9010] =	vst v0  }
0x2e: {  	[tilespmem:s3+$0x9020] =	vst v0  }
0x2f: {  	[tilespmem:s3+$0x9030] =	vst v0  }
0x30: {  	[tilespmem:s3+$0x9040] =	vst v0  }
0x31: {  	[tilespmem:s3+$0x9050] =	vst v0  }
0x32: {  	[tilespmem:s3+$0x9060] =	vst v0;
	s24 =	sadd.s32 $0x0, s5  }
0x33: {  	[spmem:s24] =	stream.linear.scatter [tilespmem:s9], [sflag:$0x4], $0x800, $0x38;
	[tilespmem:$0x1D100] =	vst v63  }
0x34: {  	s3 =	simm.s32 $0x2000;
	_ =	swait.ge [sflag:s10], $0x800  }
.LBB2_4:
0x35: {  	s6 =	sshra.s32 s3, $0x2;
	[sflag:s10] =	ssyncset.done $0x0;
	p2 =	sne.s32 s3, $0x4C000  }
.Ltmp1:
0x36: {  	s6 =	sadd.s32 s6, s5;
	[sflag:s10] =	ssyncadd.s32 $0xFFFFF800;
	(pc) =	sbr.rel @p2 .LBB2_4-.Ltmp1, $3  }
0x37: {  	[spmem:s6] =	stream.linear.scatter [tilespmem:s9], [sflag:$0x4], $0x800, $0x38;
	[tilespmem:$0x1D100] =	vst v63  }
0x38: {  	s3 =	sadd.s32 $0x2000, s3;
	_ =	sdelay $0x1  }
0x39: {  	_ =	swait.ge [sflag:s10], $0x800  }
0x3a: {  	[sflag:s10] =	ssyncset.done $0x0  }
0x3b: {  	s3 =	simm.s32 @!p0 $0x9000;
	s6 =	rddreg [dreg:$0x17];
	[sflag:s10] =	ssyncadd.s32 $0xFFFFF800  }
0x3c: {  	[spmem:s6] =	stream.linear.scatter @!p0 [tilespmem:s3], [sflag:$0x4], $0x800, $0x38;
	[tilespmem:$0x1D100] =	vst v63  }
0x3d: {  	s3 =	simm.s32 @!p0 $0x4  }
0x3e: {  	_ =	swait.ge @!p0 [sflag:s3], $0x800  }
0x3f: {  	[sflag:s3] =	ssyncset.done @!p0 $0x0  }
0x40: {  	[sflag:s3] =	ssyncadd.s32 @!p0 $0xFFFFF800  }
0x41: {  	[bflag:$0x0] =	sbarrier.arrive $0xFFFF  }
0x42: {  	[tilespmem:s4], [sflag:$0x4] =	stream.linear.gather [hbm4b:s11+s4], $0x800, $0x38;
	[tilespmem:$0x1D100] =	vst v63  }
0x43: {  	_ =	swait.ge [sflag:s10], $0x800  }
0x44: {  	[sflag:s10] =	ssyncset.done $0x0  }
0x45: {  	s6 =	sadd.s32 $0xFFFFF600, s11;
	[sflag:s10] =	ssyncadd.s32 $0xFFFFF800  }
0x46: {  	[tilespmem:s13], [sflag:$0x1] =	stream.indirect.gather [hbm4b:s1+s12], $0x80, s4, s12, $0xb8;
	[tilespmem:$0x1D100] =	vst v63  }
0x47: {  	s3 =	sadd.s32 $0xB00, s6  }
0x48: {  	[tilespmem:s14], [sflag:$0x3] =	stream.linear.gather [hbm4b:s3+s4], $0x800, $0x38;
	[tilespmem:$0x1D100] =	vst v63  }
0x49: {  	s7 =	rddreg [dreg:$0x4]  }
0x4a: {  	[tilespmem:s15], [sflag:$0x2] =	stream.indirect.gather [hbm4b:s1+s12], $0x80, s7, s12, $0xb8;
	[tilespmem:$0x1D100] =	vst v63  }
0x4b: {  	_ =	swait.ge [sflag:s16], $0x4000  }
0x4c: {  	[sflag:s16] =	ssyncset.done $0x0  }
0x4d: {  	[sflag:s16] =	ssyncadd.s32 $0xFFFFC000  }
0x4e: {  	[spmem:s2] =	stream.indirect.scatter.add.f32 [tilespmem:s13], [sflag:$0x4], $0x80, s12, s12, $0xb8;
	[tilespmem:$0x1D100] =	vst v63  }
0x4f: {  	_ =	swait.ge [sflag:s10], $0x4000  }
0x50: {  	[sflag:s10] =	ssyncset.done $0x0  }
0x51: {  	s8 =	rddreg [dreg:$0x5];
	[sflag:s10] =	ssyncadd.s32 $0xFFFFC000  }
0x52: {  	[tilespmem:s13], [sflag:$0x1] =	stream.indirect.gather [hbm4b:s1+s12], $0x80, s8, s12, $0xb8;
	[tilespmem:$0x1D100] =	vst v63  }
0x53: {  	_ =	swait.ge [sflag:s17], $0x4000  }
0x54: {  	[sflag:s17] =	ssyncset.done $0x0  }
0x55: {  	s24 =	rddreg [dreg:$0x6];
	[sflag:s17] =	ssyncadd.s32 $0xFFFFC000  }
0x56: {  	[spmem:s2] =	stream.indirect.scatter.add.f32 [tilespmem:s15], [sflag:$0x4], $0x80, s24, s12, $0xb8;
	[tilespmem:$0x1D100] =	vst v63  }
0x57: {  	_ =	swait.ge [sflag:s10], $0x4000  }
0x58: {  	[sflag:s10] =	ssyncset.done $0x0  }
0x59: {  	s6 =	rddreg [dreg:$0x7];
	[sflag:s10] =	ssyncadd.s32 $0xFFFFC000  }
0x5a: {  	[tilespmem:s15], [sflag:$0x2] =	stream.indirect.gather [hbm4b:s1+s12], $0x80, s6, s12, $0xb8;
	[tilespmem:$0x1D100] =	vst v63  }
0x5b: {  	_ =	swait.ge [sflag:s16], $0x4000  }
0x5c: {  	[sflag:s16] =	ssyncset.done $0x0  }
0x5d: {  	s7 =	rddreg [dreg:$0x8];
	[sflag:s16] =	ssyncadd.s32 $0xFFFFC000  }
0x5e: {  	[spmem:s2] =	stream.indirect.scatter.add.f32 [tilespmem:s13], [sflag:$0x4], $0x80, s7, s12, $0xb8;
	[tilespmem:$0x1D100] =	vst v63  }
0x5f: {  	_ =	swait.ge [sflag:s10], $0x4000  }
0x60: {  	[sflag:s10] =	ssyncset.done $0x0  }
0x61: {  	s8 =	rddreg [dreg:$0x9];
	[sflag:s10] =	ssyncadd.s32 $0xFFFFC000  }
0x62: {  	[tilespmem:s13], [sflag:$0x1] =	stream.indirect.gather [hbm4b:s1+s12], $0x80, s8, s12, $0xb8;
	[tilespmem:$0x1D100] =	vst v63  }
0x63: {  	_ =	swait.ge [sflag:s17], $0x4000  }
0x64: {  	[sflag:s17] =	ssyncset.done $0x0  }
0x65: {  	s24 =	rddreg [dreg:$0xa];
	[sflag:s17] =	ssyncadd.s32 $0xFFFFC000  }
0x66: {  	[spmem:s2] =	stream.indirect.scatter.add.f32 [tilespmem:s15], [sflag:$0x4], $0x80, s24, s12, $0xb8;
	[tilespmem:$0x1D100] =	vst v63  }
0x67: {  	_ =	swait.ge [sflag:s10], $0x4000  }
0x68: {  	[sflag:s10] =	ssyncset.done $0x0  }
0x69: {  	s6 =	rddreg [dreg:$0xb];
	[sflag:s10] =	ssyncadd.s32 $0xFFFFC000  }
0x6a: {  	[tilespmem:s15], [sflag:$0x2] =	stream.indirect.gather [hbm4b:s1+s12], $0x80, s6, s12, $0xb8;
	[tilespmem:$0x1D100] =	vst v63  }
0x6b: {  	_ =	swait.ge [sflag:s16], $0x4000  }
0x6c: {  	[sflag:s16] =	ssyncset.done $0x0  }
0x6d: {  	s7 =	rddreg [dreg:$0xc];
	[sflag:s16] =	ssyncadd.s32 $0xFFFFC000  }
0x6e: {  	[spmem:s2] =	stream.indirect.scatter.add.f32 [tilespmem:s13], [sflag:$0x4], $0x80, s7, s12, $0xb8;
	[tilespmem:$0x1D100] =	vst v63  }
0x6f: {  	_ =	swait.ge [sflag:s10], $0x4000  }
0x70: {  	[sflag:s10] =	ssyncset.done $0x0  }
0x71: {  	s8 =	rddreg [dreg:$0xd];
	[sflag:s10] =	ssyncadd.s32 $0xFFFFC000  }
0x72: {  	[tilespmem:s13], [sflag:$0x1] =	stream.indirect.gather [hbm4b:s1+s12], $0x80, s8, s12, $0xb8;
	[tilespmem:$0x1D100] =	vst v63  }
0x73: {  	_ =	swait.ge [sflag:s17], $0x4000  }
0x74: {  	[sflag:s17] =	ssyncset.done $0x0  }
0x75: {  	s24 =	rddreg [dreg:$0xe];
	[sflag:s17] =	ssyncadd.s32 $0xFFFFC000  }
0x76: {  	[spmem:s2] =	stream.indirect.scatter.add.f32 [tilespmem:s15], [sflag:$0x4], $0x80, s24, s12, $0xb8;
	[tilespmem:$0x1D100] =	vst v63  }
0x77: {  	_ =	swait.ge [sflag:s10], $0x4000  }
0x78: {  	[sflag:s10] =	ssyncset.done $0x0  }
0x79: {  	s6 =	rddreg [dreg:$0xf];
	[sflag:s10] =	ssyncadd.s32 $0xFFFFC000  }
0x7a: {  	[tilespmem:s15], [sflag:$0x2] =	stream.indirect.gather [hbm4b:s1+s12], $0x80, s6, s12, $0xb8;
	[tilespmem:$0x1D100] =	vst v63  }
0x7b: {  	_ =	swait.ge [sflag:s16], $0x4000  }
0x7c: {  	[sflag:s16] =	ssyncset.done $0x0  }
0x7d: {  	s7 =	rddreg [dreg:$0x10];
	[sflag:s16] =	ssyncadd.s32 $0xFFFFC000  }
0x7e: {  	[spmem:s2] =	stream.indirect.scatter.add.f32 [tilespmem:s13], [sflag:$0x4], $0x80, s7, s12, $0xb8;
	[tilespmem:$0x1D100] =	vst v63  }
0x7f: {  	_ =	swait.ge [sflag:s10], $0x4000  }
0x80: {  	[sflag:s10] =	ssyncset.done $0x0  }
0x81: {  	[sflag:s10] =	ssyncadd.s32 $0xFFFFC000  }
0x82: {  	_ =	swait.ge [sflag:s18], $0x800  }
0x83: {  	[sflag:s18] =	ssyncset.done $0x0  }
0x84: {  	[sflag:s18] =	ssyncadd.s32 $0xFFFFF800  }
0x85: {  	[tilespmem:s13], [sflag:$0x1] =	stream.indirect.gather [hbm4b:s1+s12], $0x80, s14, s12, $0xb8;
	[tilespmem:$0x1D100] =	vst v63  }
0x86: {  	_ =	swait.ge [sflag:s17], $0x4000  }
0x87: {  	[sflag:s17] =	ssyncset.done $0x0  }
0x88: {  	s8 =	rddreg [dreg:$0x11];
	[sflag:s17] =	ssyncadd.s32 $0xFFFFC000  }
0x89: {  	[spmem:s2] =	stream.indirect.scatter.add.f32 [tilespmem:s15], [sflag:$0x4], $0x80, s8, s12, $0xb8;
	[tilespmem:$0x1D100] =	vst v63  }
0x8a: {  	p2 =	por $0x0, $0x0;
	_ =	swait.ge [sflag:s10], $0x4000  }
0x8b: {  	s6 =	sadd.s32 @!p2 $0xFFFFF600, s11;
	[sflag:s10] =	ssyncset.done $0x0  }
0x8c: {  	s3 =	simm.s32 @!p2 $0x0;
	s6 =	sadd.s32 @!p2 $0xC00, s6;
	[sflag:s10] =	ssyncadd.s32 $0xFFFFC000  }
0x8d: {  	[tilespmem:s3], [sflag:$0x3] =	stream.linear.gather @!p2 [hbm4b:s6+s3], $0x800, $0x38;
	[tilespmem:$0x1D100] =	vst v63  }
0x8e: {  	s7 =	rddreg [dreg:$0x12]  }
0x8f: {  	[tilespmem:s15], [sflag:$0x2] =	stream.indirect.gather [hbm4b:s1+s12], $0x80, s7, s12, $0xb8;
	[tilespmem:$0x1D100] =	vst v63  }
0x90: {  	_ =	swait.ge [sflag:s16], $0x4000  }
0x91: {  	[sflag:s16] =	ssyncset.done $0x0  }
0x92: {  	s24 =	rddreg [dreg:$0x13];
	[sflag:s16] =	ssyncadd.s32 $0xFFFFC000  }
0x93: {  	[spmem:s2] =	stream.indirect.scatter.add.f32 [tilespmem:s13], [sflag:$0x4], $0x80, s24, s12, $0xb8;
	[tilespmem:$0x1D100] =	vst v63  }
0x94: {  	_ =	swait.ge [sflag:s10], $0x4000  }
0x95: {  	[sflag:s10] =	ssyncset.done $0x0  }
0x96: {  	s7 =	rddreg [dreg:$0x14];
	[sflag:s10] =	ssyncadd.s32 $0xFFFFC000  }
0x97: {  	[tilespmem:s13], [sflag:$0x1] =	stream.indirect.gather [hbm4b:s1+s12], $0x80, s7, s12, $0xb8;
	[tilespmem:$0x1D100] =	vst v63  }
0x98: {  	_ =	swait.ge [sflag:s17], $0x4000  }
0x99: {  	[sflag:s17] =	ssyncset.done $0x0  }
0x9a: {  	s8 =	rddreg [dreg:$0x15];
	[sflag:s17] =	ssyncadd.s32 $0xFFFFC000  }
0x9b: {  	[spmem:s2] =	stream.indirect.scatter.add.f32 [tilespmem:s15], [sflag:$0x4], $0x80, s8, s12, $0xb8;
	[tilespmem:$0x1D100] =	vst v63  }
0x9c: {  	_ =	swait.ge [sflag:s10], $0x4000  }
0x9d: {  	[sflag:s10] =	ssyncset.done $0x0  }
0x9e: {  	s24 =	rddreg [dreg:$0x16];
	[sflag:s10] =	ssyncadd.s32 $0xFFFFC000  }
0x9f: {  	[tilespmem:s15], [sflag:$0x2] =	stream.indirect.gather [hbm4b:s1+s12], $0x80, s24, s12, $0xb8;
	[tilespmem:$0x1D100] =	vst v63  }
0xa0: {  	_ =	swait.ge [sflag:s16], $0x4000  }
0xa1: {  	[sflag:s16] =	ssyncset.done $0x0  }
0xa2: {  	[sflag:s16] =	ssyncadd.s32 $0xFFFFC000  }
0xa3: {  	[spmem:s2] =	stream.indirect.scatter.add.f32 [tilespmem:s13], [sflag:$0x4], $0x80, s19, s12, $0xb8;
	[tilespmem:$0x1D100] =	vst v63  }
0xa4: {  	_ =	swait.ge [sflag:s10], $0x4000  }
0xa5: {  	[sflag:s10] =	ssyncset.done $0x0  }
0xa6: {  	[sflag:s10] =	ssyncadd.s32 $0xFFFFC000  }
0xa7: {  	[tilespmem:s13], [sflag:$0x1] =	stream.indirect.gather [hbm4b:s1+s12], $0x80, s20, s12, $0xb8;
	[tilespmem:$0x1D100] =	vst v63  }
0xa8: {  	_ =	swait.ge [sflag:s17], $0x4000  }
0xa9: {  	[sflag:s17] =	ssyncset.done $0x0  }
0xaa: {  	[sflag:s17] =	ssyncadd.s32 $0xFFFFC000  }
0xab: {  	[spmem:s2] =	stream.indirect.scatter.add.f32 [tilespmem:s15], [sflag:$0x4], $0x80, s21, s12, $0xb8;
	[tilespmem:$0x1D100] =	vst v63  }
0xac: {  	_ =	swait.ge [sflag:s10], $0x4000  }
0xad: {  	[sflag:s10] =	ssyncset.done $0x0  }
0xae: {  	[sflag:s10] =	ssyncadd.s32 $0xFFFFC000  }
0xaf: {  	[tilespmem:s15], [sflag:$0x2] =	stream.indirect.gather [hbm4b:s1+s12], $0x80, s22, s12, $0xb8;
	[tilespmem:$0x1D100] =	vst v63  }
0xb0: {  	_ =	swait.ge [sflag:s16], $0x4000  }
0xb1: {  	[sflag:s16] =	ssyncset.done $0x0  }
0xb2: {  	[sflag:s16] =	ssyncadd.s32 $0xFFFFC000  }
0xb3: {  	[spmem:s2] =	stream.indirect.scatter.add.f32 [tilespmem:s13], [sflag:$0x4], $0x80, s23, s12, $0xb8;
	[tilespmem:$0x1D100] =	vst v63  }
0xb4: {  	_ =	swait.ge [sflag:s10], $0x4000  }
0xb5: {  	[sflag:s10] =	ssyncset.done $0x0  }
0xb6: {  	[sflag:s10] =	ssyncadd.s32 $0xFFFFC000  }
0xb7: {  	[tilespmem:s13], [sflag:$0x1] =	stream.indirect.gather [hbm4b:s1+s12], $0x80, s26, s12, $0xb8;
	[tilespmem:$0x1D100] =	vst v63  }
0xb8: {  	_ =	swait.ge [sflag:s17], $0x4000  }
0xb9: {  	[sflag:s17] =	ssyncset.done $0x0  }
0xba: {  	[sflag:s17] =	ssyncadd.s32 $0xFFFFC000  }
0xbb: {  	[spmem:s2] =	stream.indirect.scatter.add.f32 [tilespmem:s15], [sflag:$0x4], $0x80, s28, s12, $0xb8;
	[tilespmem:$0x1D100] =	vst v63  }
0xbc: {  	_ =	swait.ge [sflag:s10], $0x4000  }
0xbd: {  	[sflag:s10] =	ssyncset.done $0x0  }
0xbe: {  	[sflag:s10] =	ssyncadd.s32 $0xFFFFC000  }
0xbf: {  	[tilespmem:s15], [sflag:$0x2] =	stream.indirect.gather [hbm4b:s1+s12], $0x80, s29, s12, $0xb8;
	[tilespmem:$0x1D100] =	vst v63  }
0xc0: {  	_ =	swait.ge [sflag:s16], $0x4000  }
0xc1: {  	[sflag:s16] =	ssyncset.done $0x0  }
0xc2: {  	[sflag:s16] =	ssyncadd.s32 $0xFFFFC000  }
0xc3: {  	[spmem:s2] =	stream.indirect.scatter.add.f32 [tilespmem:s13], [sflag:$0x4], $0x80, s30, s12, $0xb8;
	[tilespmem:$0x1D100] =	vst v63  }
0xc4: {  	_ =	swait.ge [sflag:s10], $0x4000  }
0xc5: {  	[sflag:s10] =	ssyncset.done $0x0  }
0xc6: {  	s6 =	simm.s32 @!p2 $0x3;
	[sflag:s10] =	ssyncadd.s32 $0xFFFFC000  }
0xc7: {  	_ =	swait.ge @!p2 [sflag:s6], $0x800  }
0xc8: {  	[sflag:s6] =	ssyncset.done @!p2 $0x0  }
0xc9: {  	s7 =	simm.s32 @!p2 $0x1000;
	[sflag:s6] =	ssyncadd.s32 @!p2 $0xFFFFF800;
	s6 =	simm.s32 @!p2 $0x80  }
0xca: {  	[tilespmem:s7], [sflag:$0x1] =	stream.indirect.gather @!p2 [hbm4b:s1+s6], $0x80, s3, s6, $0xb8;
	[tilespmem:$0x1D100] =	vst v63  }
0xcb: {  	_ =	swait.ge [sflag:s17], $0x4000  }
0xcc: {  	[sflag:s17] =	ssyncset.done $0x0  }
0xcd: {  	[sflag:s17] =	ssyncadd.s32 $0xFFFFC000  }
0xce: {  	[spmem:s2] =	stream.indirect.scatter.add.f32 [tilespmem:s15], [sflag:$0x4], $0x80, s31, s12, $0xb8;
	[tilespmem:$0x1D100] =	vst v63  }
0xcf: {  	s8 =	sadd.s32 $0xFFFFF800, s11;
	s3 =	simm.s32 $0xFFFFF800;
	_ =	swait.ge [sflag:s10], $0x4000  }
0xd0: {  	s6 =	simm.s32 $0xFFFFFA00;
	s7 =	rddreg [dreg:$0x4];
	[sflag:s10] =	ssyncset.done $0x0  }
.LBB2_6:
0xd1: {  	s24 =	sadd.s32 $0xB00, s8;
	[sflag:s10] =	ssyncadd.s32 $0xFFFFC000  }
0xd2: {  	[tilespmem:s14], [sflag:$0x3] =	stream.linear.gather [hbm4b:s24+s4], $0x800, $0x38;
	[tilespmem:$0x1D100] =	vst v63  }
0xd3: {  	_ = 	snop  }
0xd4: {  	[tilespmem:s15], [sflag:$0x2] =	stream.indirect.gather [hbm4b:s1+s12], $0x80, s7, s12, $0xb8;
	[tilespmem:$0x1D100] =	vst v63  }
0xd5: {  	_ =	swait.ge [sflag:s16], $0x4000  }
0xd6: {  	[sflag:s16] =	ssyncset.done $0x0  }
0xd7: {  	[sflag:s16] =	ssyncadd.s32 $0xFFFFC000  }
0xd8: {  	[spmem:s2] =	stream.indirect.scatter.add.f32 [tilespmem:s13], [sflag:$0x4], $0x80, s12, s12, $0xb8;
	[tilespmem:$0x1D100] =	vst v63  }
0xd9: {  	_ =	swait.ge [sflag:s10], $0x4000  }
0xda: {  	[sflag:s10] =	ssyncset.done $0x0  }
0xdb: {  	s24 =	rddreg [dreg:$0x5];
	[sflag:s10] =	ssyncadd.s32 $0xFFFFC000  }
0xdc: {  	[tilespmem:s13], [sflag:$0x1] =	stream.indirect.gather [hbm4b:s1+s12], $0x80, s24, s12, $0xb8;
	[tilespmem:$0x1D100] =	vst v63  }
0xdd: {  	_ =	swait.ge [sflag:s17], $0x4000  }
0xde: {  	[sflag:s17] =	ssyncset.done $0x0  }
0xdf: {  	s24 =	rddreg [dreg:$0x6];
	[sflag:s17] =	ssyncadd.s32 $0xFFFFC000  }
0xe0: {  	[spmem:s2] =	stream.indirect.scatter.add.f32 [tilespmem:s15], [sflag:$0x4], $0x80, s24, s12, $0xb8;
	[tilespmem:$0x1D100] =	vst v63  }
0xe1: {  	_ =	swait.ge [sflag:s10], $0x4000  }
0xe2: {  	[sflag:s10] =	ssyncset.done $0x0  }
0xe3: {  	s24 =	rddreg [dreg:$0x7];
	[sflag:s10] =	ssyncadd.s32 $0xFFFFC000  }
0xe4: {  	[tilespmem:s15], [sflag:$0x2] =	stream.indirect.gather [hbm4b:s1+s12], $0x80, s24, s12, $0xb8;
	[tilespmem:$0x1D100] =	vst v63  }
0xe5: {  	_ =	swait.ge [sflag:s16], $0x4000  }
0xe6: {  	[sflag:s16] =	ssyncset.done $0x0  }
0xe7: {  	s24 =	rddreg [dreg:$0x8];
	[sflag:s16] =	ssyncadd.s32 $0xFFFFC000  }
0xe8: {  	[spmem:s2] =	stream.indirect.scatter.add.f32 [tilespmem:s13], [sflag:$0x4], $0x80, s24, s12, $0xb8;
	[tilespmem:$0x1D100] =	vst v63  }
0xe9: {  	_ =	swait.ge [sflag:s10], $0x4000  }
0xea: {  	[sflag:s10] =	ssyncset.done $0x0  }
0xeb: {  	s24 =	rddreg [dreg:$0x9];
	[sflag:s10] =	ssyncadd.s32 $0xFFFFC000  }
0xec: {  	[tilespmem:s13], [sflag:$0x1] =	stream.indirect.gather [hbm4b:s1+s12], $0x80, s24, s12, $0xb8;
	[tilespmem:$0x1D100] =	vst v63  }
0xed: {  	_ =	swait.ge [sflag:s17], $0x4000  }
0xee: {  	[sflag:s17] =	ssyncset.done $0x0  }
0xef: {  	s24 =	rddreg [dreg:$0xa];
	[sflag:s17] =	ssyncadd.s32 $0xFFFFC000  }
0xf0: {  	[spmem:s2] =	stream.indirect.scatter.add.f32 [tilespmem:s15], [sflag:$0x4], $0x80, s24, s12, $0xb8;
	[tilespmem:$0x1D100] =	vst v63  }
0xf1: {  	_ =	swait.ge [sflag:s10], $0x4000  }
0xf2: {  	[sflag:s10] =	ssyncset.done $0x0  }
0xf3: {  	s24 =	rddreg [dreg:$0xb];
	[sflag:s10] =	ssyncadd.s32 $0xFFFFC000  }
0xf4: {  	[tilespmem:s15], [sflag:$0x2] =	stream.indirect.gather [hbm4b:s1+s12], $0x80, s24, s12, $0xb8;
	[tilespmem:$0x1D100] =	vst v63  }
0xf5: {  	_ =	swait.ge [sflag:s16], $0x4000  }
0xf6: {  	[sflag:s16] =	ssyncset.done $0x0  }
0xf7: {  	s24 =	rddreg [dreg:$0xc];
	[sflag:s16] =	ssyncadd.s32 $0xFFFFC000  }
0xf8: {  	[spmem:s2] =	stream.indirect.scatter.add.f32 [tilespmem:s13], [sflag:$0x4], $0x80, s24, s12, $0xb8;
	[tilespmem:$0x1D100] =	vst v63  }
0xf9: {  	_ =	swait.ge [sflag:s10], $0x4000  }
0xfa: {  	[sflag:s10] =	ssyncset.done $0x0  }
0xfb: {  	s24 =	rddreg [dreg:$0xd];
	[sflag:s10] =	ssyncadd.s32 $0xFFFFC000  }
0xfc: {  	[tilespmem:s13], [sflag:$0x1] =	stream.indirect.gather [hbm4b:s1+s12], $0x80, s24, s12, $0xb8;
	[tilespmem:$0x1D100] =	vst v63  }
0xfd: {  	_ =	swait.ge [sflag:s17], $0x4000  }
0xfe: {  	[sflag:s17] =	ssyncset.done $0x0  }
0xff: {  	s24 =	rddreg [dreg:$0xe];
	[sflag:s17] =	ssyncadd.s32 $0xFFFFC000  }
0x100: {  	[spmem:s2] =	stream.indirect.scatter.add.f32 [tilespmem:s15], [sflag:$0x4], $0x80, s24, s12, $0xb8;
	[tilespmem:$0x1D100] =	vst v63  }
0x101: {  	_ =	swait.ge [sflag:s10], $0x4000  }
0x102: {  	[sflag:s10] =	ssyncset.done $0x0  }
0x103: {  	s24 =	rddreg [dreg:$0xf];
	[sflag:s10] =	ssyncadd.s32 $0xFFFFC000  }
0x104: {  	[tilespmem:s15], [sflag:$0x2] =	stream.indirect.gather [hbm4b:s1+s12], $0x80, s24, s12, $0xb8;
	[tilespmem:$0x1D100] =	vst v63  }
0x105: {  	_ =	swait.ge [sflag:s16], $0x4000  }
0x106: {  	[sflag:s16] =	ssyncset.done $0x0  }
0x107: {  	s24 =	rddreg [dreg:$0x10];
	[sflag:s16] =	ssyncadd.s32 $0xFFFFC000  }
0x108: {  	[spmem:s2] =	stream.indirect.scatter.add.f32 [tilespmem:s13], [sflag:$0x4], $0x80, s24, s12, $0xb8;
	[tilespmem:$0x1D100] =	vst v63  }
0x109: {  	_ =	swait.ge [sflag:s10], $0x4000  }
0x10a: {  	[sflag:s10] =	ssyncset.done $0x0  }
0x10b: {  	[sflag:s10] =	ssyncadd.s32 $0xFFFFC000  }
0x10c: {  	_ =	swait.ge [sflag:s18], $0x800  }
0x10d: {  	[sflag:s18] =	ssyncset.done $0x0  }
0x10e: {  	[sflag:s18] =	ssyncadd.s32 $0xFFFFF800  }
0x10f: {  	[tilespmem:s13], [sflag:$0x1] =	stream.indirect.gather [hbm4b:s1+s12], $0x80, s14, s12, $0xb8;
	[tilespmem:$0x1D100] =	vst v63  }
0x110: {  	_ =	swait.ge [sflag:s17], $0x4000  }
0x111: {  	[sflag:s17] =	ssyncset.done $0x0  }
0x112: {  	s24 =	rddreg [dreg:$0x11];
	[sflag:s17] =	ssyncadd.s32 $0xFFFFC000  }
0x113: {  	[spmem:s2] =	stream.indirect.scatter.add.f32 [tilespmem:s15], [sflag:$0x4], $0x80, s24, s12, $0xb8;
	[tilespmem:$0x1D100] =	vst v63  }
0x114: {  	p3 =	seq.s32 s3, $0xFFFFFE00;
	_ =	swait.ge [sflag:s10], $0x4000  }
0x115: {  	s3 =	sadd.s32 @!p3 s3, s11;
	[sflag:s10] =	ssyncset.done $0x0  }
0x116: {  	s3 =	sadd.s32 @!p3 $0xC00, s3;
	s7 =	simm.s32 @!p3 $0x0;
	[sflag:s10] =	ssyncadd.s32 $0xFFFFC000  }
0x117: {  	[tilespmem:s7], [sflag:$0x3] =	stream.linear.gather @!p3 [hbm4b:s3+s7], $0x800, $0x38;
	[tilespmem:$0x1D100] =	vst v63  }
0x118: {  	s24 =	rddreg [dreg:$0x12]  }
0x119: {  	[tilespmem:s15], [sflag:$0x2] =	stream.indirect.gather [hbm4b:s1+s12], $0x80, s24, s12, $0xb8;
	[tilespmem:$0x1D100] =	vst v63  }
0x11a: {  	_ =	swait.ge [sflag:s16], $0x4000  }
0x11b: {  	[sflag:s16] =	ssyncset.done $0x0  }
0x11c: {  	s24 =	rddreg [dreg:$0x13];
	[sflag:s16] =	ssyncadd.s32 $0xFFFFC000  }
0x11d: {  	[spmem:s2] =	stream.indirect.scatter.add.f32 [tilespmem:s13], [sflag:$0x4], $0x80, s24, s12, $0xb8;
	[tilespmem:$0x1D100] =	vst v63  }
0x11e: {  	_ =	swait.ge [sflag:s10], $0x4000  }
0x11f: {  	[sflag:s10] =	ssyncset.done $0x0  }
0x120: {  	s24 =	rddreg [dreg:$0x14];
	[sflag:s10] =	ssyncadd.s32 $0xFFFFC000  }
0x121: {  	[tilespmem:s13], [sflag:$0x1] =	stream.indirect.gather [hbm4b:s1+s12], $0x80, s24, s12, $0xb8;
	[tilespmem:$0x1D100] =	vst v63  }
0x122: {  	_ =	swait.ge [sflag:s17], $0x4000  }
0x123: {  	[sflag:s17] =	ssyncset.done $0x0  }
0x124: {  	s24 =	rddreg [dreg:$0x15];
	[sflag:s17] =	ssyncadd.s32 $0xFFFFC000  }
0x125: {  	[spmem:s2] =	stream.indirect.scatter.add.f32 [tilespmem:s15], [sflag:$0x4], $0x80, s24, s12, $0xb8;
	[tilespmem:$0x1D100] =	vst v63  }
0x126: {  	_ =	swait.ge [sflag:s10], $0x4000  }
0x127: {  	[sflag:s10] =	ssyncset.done $0x0  }
0x128: {  	s24 =	rddreg [dreg:$0x16];
	[sflag:s10] =	ssyncadd.s32 $0xFFFFC000  }
0x129: {  	[tilespmem:s15], [sflag:$0x2] =	stream.indirect.gather [hbm4b:s1+s12], $0x80, s24, s12, $0xb8;
	[tilespmem:$0x1D100] =	vst v63  }
0x12a: {  	_ =	swait.ge [sflag:s16], $0x4000  }
0x12b: {  	[sflag:s16] =	ssyncset.done $0x0  }
0x12c: {  	[sflag:s16] =	ssyncadd.s32 $0xFFFFC000  }
0x12d: {  	[spmem:s2] =	stream.indirect.scatter.add.f32 [tilespmem:s13], [sflag:$0x4], $0x80, s19, s12, $0xb8;
	[tilespmem:$0x1D100] =	vst v63  }
0x12e: {  	_ =	swait.ge [sflag:s10], $0x4000  }
0x12f: {  	[sflag:s10] =	ssyncset.done $0x0  }
0x130: {  	[sflag:s10] =	ssyncadd.s32 $0xFFFFC000  }
0x131: {  	[tilespmem:s13], [sflag:$0x1] =	stream.indirect.gather [hbm4b:s1+s12], $0x80, s20, s12, $0xb8;
	[tilespmem:$0x1D100] =	vst v63  }
0x132: {  	_ =	swait.ge [sflag:s17], $0x4000  }
0x133: {  	[sflag:s17] =	ssyncset.done $0x0  }
0x134: {  	[sflag:s17] =	ssyncadd.s32 $0xFFFFC000  }
0x135: {  	[spmem:s2] =	stream.indirect.scatter.add.f32 [tilespmem:s15], [sflag:$0x4], $0x80, s21, s12, $0xb8;
	[tilespmem:$0x1D100] =	vst v63  }
0x136: {  	_ =	swait.ge [sflag:s10], $0x4000  }
0x137: {  	[sflag:s10] =	ssyncset.done $0x0  }
0x138: {  	[sflag:s10] =	ssyncadd.s32 $0xFFFFC000  }
0x139: {  	[tilespmem:s15], [sflag:$0x2] =	stream.indirect.gather [hbm4b:s1+s12], $0x80, s22, s12, $0xb8;
	[tilespmem:$0x1D100] =	vst v63  }
0x13a: {  	_ =	swait.ge [sflag:s16], $0x4000  }
0x13b: {  	[sflag:s16] =	ssyncset.done $0x0  }
0x13c: {  	[sflag:s16] =	ssyncadd.s32 $0xFFFFC000  }
0x13d: {  	[spmem:s2] =	stream.indirect.scatter.add.f32 [tilespmem:s13], [sflag:$0x4], $0x80, s23, s12, $0xb8;
	[tilespmem:$0x1D100] =	vst v63  }
0x13e: {  	_ =	swait.ge [sflag:s10], $0x4000  }
0x13f: {  	[sflag:s10] =	ssyncset.done $0x0  }
0x140: {  	[sflag:s10] =	ssyncadd.s32 $0xFFFFC000  }
0x141: {  	[tilespmem:s13], [sflag:$0x1] =	stream.indirect.gather [hbm4b:s1+s12], $0x80, s26, s12, $0xb8;
	[tilespmem:$0x1D100] =	vst v63  }
0x142: {  	_ =	swait.ge [sflag:s17], $0x4000  }
0x143: {  	[sflag:s17] =	ssyncset.done $0x0  }
0x144: {  	[sflag:s17] =	ssyncadd.s32 $0xFFFFC000  }
0x145: {  	[spmem:s2] =	stream.indirect.scatter.add.f32 [tilespmem:s15], [sflag:$0x4], $0x80, s28, s12, $0xb8;
	[tilespmem:$0x1D100] =	vst v63  }
0x146: {  	_ =	swait.ge [sflag:s10], $0x4000  }
0x147: {  	[sflag:s10] =	ssyncset.done $0x0  }
0x148: {  	[sflag:s10] =	ssyncadd.s32 $0xFFFFC000  }
0x149: {  	[tilespmem:s15], [sflag:$0x2] =	stream.indirect.gather [hbm4b:s1+s12], $0x80, s29, s12, $0xb8;
	[tilespmem:$0x1D100] =	vst v63  }
0x14a: {  	_ =	swait.ge [sflag:s16], $0x4000  }
0x14b: {  	[sflag:s16] =	ssyncset.done $0x0  }
0x14c: {  	[sflag:s16] =	ssyncadd.s32 $0xFFFFC000  }
0x14d: {  	[spmem:s2] =	stream.indirect.scatter.add.f32 [tilespmem:s13], [sflag:$0x4], $0x80, s30, s12, $0xb8;
	[tilespmem:$0x1D100] =	vst v63  }
0x14e: {  	_ =	swait.ge [sflag:s10], $0x4000  }
0x14f: {  	s8 =	smov.u32 s6;
	[sflag:s10] =	ssyncset.done $0x0  }
0x150: {  	s3 =	smov.u32 s8;
	s8 =	simm.s32 @!p3 $0x3;
	[sflag:s10] =	ssyncadd.s32 $0xFFFFC000  }
0x151: {  	_ =	swait.ge @!p3 [sflag:s8], $0x800  }
0x152: {  	s6 =	sadd.s32 $0x200, s6;
	[sflag:s8] =	ssyncset.done @!p3 $0x0  }
0x153: {  	s24 =	simm.s32 @!p3 $0x1000;
	[sflag:s8] =	ssyncadd.s32 @!p3 $0xFFFFF800;
	s8 =	simm.s32 @!p3 $0x80  }
0x154: {  	[tilespmem:s24], [sflag:$0x1] =	stream.indirect.gather @!p3 [hbm4b:s1+s8], $0x80, s7, s8, $0xb8;
	[tilespmem:$0x1D100] =	vst v63  }
0x155: {  	p2 =	sne.s32 s6, $0x0;
	_ =	swait.ge [sflag:s17], $0x4000  }
.Ltmp2:
0x156: {  	[sflag:s17] =	ssyncset.done $0x0;
	(pc) =	sbr.rel @p2 .LBB2_6-.Ltmp2, $4  }
0x157: {  	[sflag:s17] =	ssyncadd.s32 $0xFFFFC000  }
0x158: {  	[spmem:s2] =	stream.indirect.scatter.add.f32 [tilespmem:s15], [sflag:$0x4], $0x80, s31, s12, $0xb8;
	[tilespmem:$0x1D100] =	vst v63  }
0x159: {  	_ =	swait.ge [sflag:s10], $0x4000  }
0x15a: {  	s8 =	sadd.s32 s3, s11;
	s7 =	rddreg [dreg:$0x4];
	[sflag:s10] =	ssyncset.done $0x0  }
0x15b: {  	s6 =	sadd.s32 $0xB00, s8;
	[sflag:s10] =	ssyncadd.s32 $0xFFFFC000  }
0x15c: {  	[tilespmem:s14], [sflag:$0x3] =	stream.linear.gather [hbm4b:s6+s4], $0x800, $0x38;
	[tilespmem:$0x1D100] =	vst v63  }
0x15d: {  	_ = 	snop  }
0x15e: {  	[tilespmem:s15], [sflag:$0x2] =	stream.indirect.gather [hbm4b:s1+s12], $0x80, s7, s12, $0xb8;
	[tilespmem:$0x1D100] =	vst v63  }
0x15f: {  	_ =	swait.ge [sflag:s16], $0x4000  }
0x160: {  	[sflag:s16] =	ssyncset.done $0x0  }
0x161: {  	[sflag:s16] =	ssyncadd.s32 $0xFFFFC000  }
0x162: {  	[spmem:s2] =	stream.indirect.scatter.add.f32 [tilespmem:s13], [sflag:$0x4], $0x80, s12, s12, $0xb8;
	[tilespmem:$0x1D100] =	vst v63  }
0x163: {  	_ =	swait.ge [sflag:s10], $0x4000  }
0x164: {  	[sflag:s10] =	ssyncset.done $0x0  }
0x165: {  	s8 =	rddreg [dreg:$0x5];
	[sflag:s10] =	ssyncadd.s32 $0xFFFFC000  }
0x166: {  	[tilespmem:s13], [sflag:$0x1] =	stream.indirect.gather [hbm4b:s1+s12], $0x80, s8, s12, $0xb8;
	[tilespmem:$0x1D100] =	vst v63  }
0x167: {  	_ =	swait.ge [sflag:s17], $0x4000  }
0x168: {  	[sflag:s17] =	ssyncset.done $0x0  }
0x169: {  	s24 =	rddreg [dreg:$0x6];
	[sflag:s17] =	ssyncadd.s32 $0xFFFFC000  }
0x16a: {  	[spmem:s2] =	stream.indirect.scatter.add.f32 [tilespmem:s15], [sflag:$0x4], $0x80, s24, s12, $0xb8;
	[tilespmem:$0x1D100] =	vst v63  }
0x16b: {  	_ =	swait.ge [sflag:s10], $0x4000  }
0x16c: {  	[sflag:s10] =	ssyncset.done $0x0  }
0x16d: {  	s7 =	rddreg [dreg:$0x7];
	[sflag:s10] =	ssyncadd.s32 $0xFFFFC000  }
0x16e: {  	[tilespmem:s15], [sflag:$0x2] =	stream.indirect.gather [hbm4b:s1+s12], $0x80, s7, s12, $0xb8;
	[tilespmem:$0x1D100] =	vst v63  }
0x16f: {  	_ =	swait.ge [sflag:s16], $0x4000  }
0x170: {  	[sflag:s16] =	ssyncset.done $0x0  }
0x171: {  	s8 =	rddreg [dreg:$0x8];
	[sflag:s16] =	ssyncadd.s32 $0xFFFFC000  }
0x172: {  	[spmem:s2] =	stream.indirect.scatter.add.f32 [tilespmem:s13], [sflag:$0x4], $0x80, s8, s12, $0xb8;
	[tilespmem:$0x1D100] =	vst v63  }
0x173: {  	_ =	swait.ge [sflag:s10], $0x4000  }
0x174: {  	[sflag:s10] =	ssyncset.done $0x0  }
0x175: {  	s24 =	rddreg [dreg:$0x9];
	[sflag:s10] =	ssyncadd.s32 $0xFFFFC000  }
0x176: {  	[tilespmem:s13], [sflag:$0x1] =	stream.indirect.gather [hbm4b:s1+s12], $0x80, s24, s12, $0xb8;
	[tilespmem:$0x1D100] =	vst v63  }
0x177: {  	_ =	swait.ge [sflag:s17], $0x4000  }
0x178: {  	[sflag:s17] =	ssyncset.done $0x0  }
0x179: {  	s7 =	rddreg [dreg:$0xa];
	[sflag:s17] =	ssyncadd.s32 $0xFFFFC000  }
0x17a: {  	[spmem:s2] =	stream.indirect.scatter.add.f32 [tilespmem:s15], [sflag:$0x4], $0x80, s7, s12, $0xb8;
	[tilespmem:$0x1D100] =	vst v63  }
0x17b: {  	_ =	swait.ge [sflag:s10], $0x4000  }
0x17c: {  	[sflag:s10] =	ssyncset.done $0x0  }
0x17d: {  	s8 =	rddreg [dreg:$0xb];
	[sflag:s10] =	ssyncadd.s32 $0xFFFFC000  }
0x17e: {  	[tilespmem:s15], [sflag:$0x2] =	stream.indirect.gather [hbm4b:s1+s12], $0x80, s8, s12, $0xb8;
	[tilespmem:$0x1D100] =	vst v63  }
0x17f: {  	_ =	swait.ge [sflag:s16], $0x4000  }
0x180: {  	[sflag:s16] =	ssyncset.done $0x0  }
0x181: {  	s24 =	rddreg [dreg:$0xc];
	[sflag:s16] =	ssyncadd.s32 $0xFFFFC000  }
0x182: {  	[spmem:s2] =	stream.indirect.scatter.add.f32 [tilespmem:s13], [sflag:$0x4], $0x80, s24, s12, $0xb8;
	[tilespmem:$0x1D100] =	vst v63  }
0x183: {  	_ =	swait.ge [sflag:s10], $0x4000  }
0x184: {  	[sflag:s10] =	ssyncset.done $0x0  }
0x185: {  	s7 =	rddreg [dreg:$0xd];
	[sflag:s10] =	ssyncadd.s32 $0xFFFFC000  }
0x186: {  	[tilespmem:s13], [sflag:$0x1] =	stream.indirect.gather [hbm4b:s1+s12], $0x80, s7, s12, $0xb8;
	[tilespmem:$0x1D100] =	vst v63  }
0x187: {  	_ =	swait.ge [sflag:s17], $0x4000  }
0x188: {  	[sflag:s17] =	ssyncset.done $0x0  }
0x189: {  	s8 =	rddreg [dreg:$0xe];
	[sflag:s17] =	ssyncadd.s32 $0xFFFFC000  }
0x18a: {  	[spmem:s2] =	stream.indirect.scatter.add.f32 [tilespmem:s15], [sflag:$0x4], $0x80, s8, s12, $0xb8;
	[tilespmem:$0x1D100] =	vst v63  }
0x18b: {  	_ =	swait.ge [sflag:s10], $0x4000  }
0x18c: {  	[sflag:s10] =	ssyncset.done $0x0  }
0x18d: {  	s24 =	rddreg [dreg:$0xf];
	[sflag:s10] =	ssyncadd.s32 $0xFFFFC000  }
0x18e: {  	[tilespmem:s15], [sflag:$0x2] =	stream.indirect.gather [hbm4b:s1+s12], $0x80, s24, s12, $0xb8;
	[tilespmem:$0x1D100] =	vst v63  }
0x18f: {  	_ =	swait.ge [sflag:s16], $0x4000  }
0x190: {  	[sflag:s16] =	ssyncset.done $0x0  }
0x191: {  	s7 =	rddreg [dreg:$0x10];
	[sflag:s16] =	ssyncadd.s32 $0xFFFFC000  }
0x192: {  	[spmem:s2] =	stream.indirect.scatter.add.f32 [tilespmem:s13], [sflag:$0x4], $0x80, s7, s12, $0xb8;
	[tilespmem:$0x1D100] =	vst v63  }
0x193: {  	_ =	swait.ge [sflag:s10], $0x4000  }
0x194: {  	[sflag:s10] =	ssyncset.done $0x0  }
0x195: {  	[sflag:s10] =	ssyncadd.s32 $0xFFFFC000  }
0x196: {  	_ =	swait.ge [sflag:s18], $0x800  }
0x197: {  	[sflag:s18] =	ssyncset.done $0x0  }
0x198: {  	[sflag:s18] =	ssyncadd.s32 $0xFFFFF800  }
0x199: {  	[tilespmem:s13], [sflag:$0x1] =	stream.indirect.gather [hbm4b:s1+s12], $0x80, s14, s12, $0xb8;
	[tilespmem:$0x1D100] =	vst v63  }
0x19a: {  	_ =	swait.ge [sflag:s17], $0x4000  }
0x19b: {  	[sflag:s17] =	ssyncset.done $0x0  }
0x19c: {  	s8 =	rddreg [dreg:$0x11];
	[sflag:s17] =	ssyncadd.s32 $0xFFFFC000  }
0x19d: {  	[spmem:s2] =	stream.indirect.scatter.add.f32 [tilespmem:s15], [sflag:$0x4], $0x80, s8, s12, $0xb8;
	[tilespmem:$0x1D100] =	vst v63  }
0x19e: {  	p2 =	seq.s32 s3, $0xFFFFFE00;
	_ =	swait.ge [sflag:s10], $0x4000  }
0x19f: {  	s6 =	sadd.s32 @!p2 s3, s11;
	[sflag:s10] =	ssyncset.done $0x0  }
0x1a0: {  	s3 =	simm.s32 @!p2 $0x0;
	s6 =	sadd.s32 @!p2 $0xC00, s6;
	[sflag:s10] =	ssyncadd.s32 $0xFFFFC000  }
0x1a1: {  	[tilespmem:s3], [sflag:$0x3] =	stream.linear.gather @!p2 [hbm4b:s6+s3], $0x800, $0x38;
	[tilespmem:$0x1D100] =	vst v63  }
0x1a2: {  	s24 =	rddreg [dreg:$0x12]  }
0x1a3: {  	[tilespmem:s15], [sflag:$0x2] =	stream.indirect.gather [hbm4b:s1+s12], $0x80, s24, s12, $0xb8;
	[tilespmem:$0x1D100] =	vst v63  }
0x1a4: {  	_ =	swait.ge [sflag:s16], $0x4000  }
0x1a5: {  	[sflag:s16] =	ssyncset.done $0x0  }
0x1a6: {  	s8 =	rddreg [dreg:$0x13];
	[sflag:s16] =	ssyncadd.s32 $0xFFFFC000  }
0x1a7: {  	[spmem:s2] =	stream.indirect.scatter.add.f32 [tilespmem:s13], [sflag:$0x4], $0x80, s8, s12, $0xb8;
	[tilespmem:$0x1D100] =	vst v63  }
0x1a8: {  	_ =	swait.ge [sflag:s10], $0x4000  }
0x1a9: {  	[sflag:s10] =	ssyncset.done $0x0  }
0x1aa: {  	s24 =	rddreg [dreg:$0x14];
	[sflag:s10] =	ssyncadd.s32 $0xFFFFC000  }
0x1ab: {  	[tilespmem:s13], [sflag:$0x1] =	stream.indirect.gather [hbm4b:s1+s12], $0x80, s24, s12, $0xb8;
	[tilespmem:$0x1D100] =	vst v63  }
0x1ac: {  	_ =	swait.ge [sflag:s17], $0x4000  }
0x1ad: {  	[sflag:s17] =	ssyncset.done $0x0  }
0x1ae: {  	s7 =	rddreg [dreg:$0x15];
	[sflag:s17] =	ssyncadd.s32 $0xFFFFC000  }
0x1af: {  	[spmem:s2] =	stream.indirect.scatter.add.f32 [tilespmem:s15], [sflag:$0x4], $0x80, s7, s12, $0xb8;
	[tilespmem:$0x1D100] =	vst v63  }
0x1b0: {  	_ =	swait.ge [sflag:s10], $0x4000  }
0x1b1: {  	[sflag:s10] =	ssyncset.done $0x0  }
0x1b2: {  	s8 =	rddreg [dreg:$0x16];
	[sflag:s10] =	ssyncadd.s32 $0xFFFFC000  }
0x1b3: {  	[tilespmem:s15], [sflag:$0x2] =	stream.indirect.gather [hbm4b:s1+s12], $0x80, s8, s12, $0xb8;
	[tilespmem:$0x1D100] =	vst v63  }
0x1b4: {  	_ =	swait.ge [sflag:s16], $0x4000  }
0x1b5: {  	[sflag:s16] =	ssyncset.done $0x0  }
0x1b6: {  	[sflag:s16] =	ssyncadd.s32 $0xFFFFC000  }
0x1b7: {  	[spmem:s2] =	stream.indirect.scatter.add.f32 [tilespmem:s13], [sflag:$0x4], $0x80, s19, s12, $0xb8;
	[tilespmem:$0x1D100] =	vst v63  }
0x1b8: {  	_ =	swait.ge [sflag:s10], $0x4000  }
0x1b9: {  	[sflag:s10] =	ssyncset.done $0x0  }
0x1ba: {  	[sflag:s10] =	ssyncadd.s32 $0xFFFFC000  }
0x1bb: {  	[tilespmem:s13], [sflag:$0x1] =	stream.indirect.gather [hbm4b:s1+s12], $0x80, s20, s12, $0xb8;
	[tilespmem:$0x1D100] =	vst v63  }
0x1bc: {  	_ =	swait.ge [sflag:s17], $0x4000  }
0x1bd: {  	[sflag:s17] =	ssyncset.done $0x0  }
0x1be: {  	[sflag:s17] =	ssyncadd.s32 $0xFFFFC000  }
0x1bf: {  	[spmem:s2] =	stream.indirect.scatter.add.f32 [tilespmem:s15], [sflag:$0x4], $0x80, s21, s12, $0xb8;
	[tilespmem:$0x1D100] =	vst v63  }
0x1c0: {  	_ =	swait.ge [sflag:s10], $0x4000  }
0x1c1: {  	[sflag:s10] =	ssyncset.done $0x0  }
0x1c2: {  	[sflag:s10] =	ssyncadd.s32 $0xFFFFC000  }
0x1c3: {  	[tilespmem:s15], [sflag:$0x2] =	stream.indirect.gather [hbm4b:s1+s12], $0x80, s22, s12, $0xb8;
	[tilespmem:$0x1D100] =	vst v63  }
0x1c4: {  	_ =	swait.ge [sflag:s16], $0x4000  }
0x1c5: {  	[sflag:s16] =	ssyncset.done $0x0  }
0x1c6: {  	[sflag:s16] =	ssyncadd.s32 $0xFFFFC000  }
0x1c7: {  	[spmem:s2] =	stream.indirect.scatter.add.f32 [tilespmem:s13], [sflag:$0x4], $0x80, s23, s12, $0xb8;
	[tilespmem:$0x1D100] =	vst v63  }
0x1c8: {  	_ =	swait.ge [sflag:s10], $0x4000  }
0x1c9: {  	[sflag:s10] =	ssyncset.done $0x0  }
0x1ca: {  	[sflag:s10] =	ssyncadd.s32 $0xFFFFC000  }
0x1cb: {  	[tilespmem:s13], [sflag:$0x1] =	stream.indirect.gather [hbm4b:s1+s12], $0x80, s26, s12, $0xb8;
	[tilespmem:$0x1D100] =	vst v63  }
0x1cc: {  	_ =	swait.ge [sflag:s17], $0x4000  }
0x1cd: {  	[sflag:s17] =	ssyncset.done $0x0  }
0x1ce: {  	[sflag:s17] =	ssyncadd.s32 $0xFFFFC000  }
0x1cf: {  	[spmem:s2] =	stream.indirect.scatter.add.f32 [tilespmem:s15], [sflag:$0x4], $0x80, s28, s12, $0xb8;
	[tilespmem:$0x1D100] =	vst v63  }
0x1d0: {  	_ =	swait.ge [sflag:s10], $0x4000  }
0x1d1: {  	[sflag:s10] =	ssyncset.done $0x0  }
0x1d2: {  	[sflag:s10] =	ssyncadd.s32 $0xFFFFC000  }
0x1d3: {  	[tilespmem:s15], [sflag:$0x2] =	stream.indirect.gather [hbm4b:s1+s12], $0x80, s29, s12, $0xb8;
	[tilespmem:$0x1D100] =	vst v63  }
0x1d4: {  	_ =	swait.ge [sflag:s16], $0x4000  }
0x1d5: {  	[sflag:s16] =	ssyncset.done $0x0  }
0x1d6: {  	[sflag:s16] =	ssyncadd.s32 $0xFFFFC000  }
0x1d7: {  	[spmem:s2] =	stream.indirect.scatter.add.f32 [tilespmem:s13], [sflag:$0x4], $0x80, s30, s12, $0xb8;
	[tilespmem:$0x1D100] =	vst v63  }
0x1d8: {  	_ =	swait.ge [sflag:s10], $0x4000  }
0x1d9: {  	[sflag:s10] =	ssyncset.done $0x0  }
0x1da: {  	s6 =	simm.s32 @!p2 $0x3;
	[sflag:s10] =	ssyncadd.s32 $0xFFFFC000  }
0x1db: {  	_ =	swait.ge @!p2 [sflag:s6], $0x800  }
0x1dc: {  	[sflag:s6] =	ssyncset.done @!p2 $0x0  }
0x1dd: {  	s7 =	simm.s32 @!p2 $0x1000;
	[sflag:s6] =	ssyncadd.s32 @!p2 $0xFFFFF800;
	s6 =	simm.s32 @!p2 $0x80  }
0x1de: {  	[tilespmem:s7], [sflag:$0x1] =	stream.indirect.gather @!p2 [hbm4b:s1+s6], $0x80, s3, s6, $0xb8;
	[tilespmem:$0x1D100] =	vst v63  }
0x1df: {  	_ =	swait.ge [sflag:s17], $0x4000  }
0x1e0: {  	[sflag:s17] =	ssyncset.done $0x0  }
0x1e1: {  	[sflag:s17] =	ssyncadd.s32 $0xFFFFC000  }
0x1e2: {  	[spmem:s2] =	stream.indirect.scatter.add.f32 [tilespmem:s15], [sflag:$0x4], $0x80, s31, s12, $0xb8;
	[tilespmem:$0x1D100] =	vst v63  }
0x1e3: {  	_ =	swait.ge [sflag:s10], $0x4000  }
0x1e4: {  	[sflag:s10] =	ssyncset.done $0x0  }
0x1e5: {  	[sflag:s10] =	ssyncadd.s32 $0xFFFFC000  }
0x1e6: {  	[bflag:$0x0] =	sbarrier.arrive $0xFFFF  }
0x1e7: {  	s3 =	sadd.s32 @p1 $0x24900, s25;
	s6 =	simm.s32 @p1 $0x1FC4;
	s7 =	rddreg [dreg:$0x19]  }
0x1e8: {  	[hbm:s3], [sflag:s6] =	dma.local @p1 [spmem:s7], $0x2800  }
0x1e9: {  	s3 =	simm.s32 @p1 $0x4  }
0x1ea: {  	s6 =	stileid.u32;
	_ =	swait.ge @p1 [sflag:s3], $0x2800  }
0x1eb: {  	s6 =	sshll.u32 @!p1 s6, $0x6;
	[sflag:s3] =	ssyncset.done @p1 $0x0;
	s7 =	rddreg [dreg:$0x1a]  }
0x1ec: {  	[sflag:s3] =	ssyncadd.s32 @p1 $0xFFFFD800;
	s3 =	sor.u32 @!p1 $0x1C04, s6;
	s6 =	sshrl.u32 @!p1 s5, $0x3  }
0x1ed: {  	[hbm:s7], [sflag:s3] =	dma.local @!p1 [spmem:s6], $0x2700  }
0x1ee: {  	s3 =	simm.s32 @!p1 $0x4  }
0x1ef: {  	_ =	swait.ge @!p1 [sflag:s3], $0x2700  }
0x1f0: {  	s0 =	sadd.s32 $0x1, s0;
	s24 =	rddreg [dreg:$0x18]  }
0x1f1: {  	p2 =	sne.s32 s0, s24  }
.Ltmp3:
0x1f2: {  	_ = 	snop;
	(pc) =	sbr.rel @p2 .LBB2_1-.Ltmp3, $3  }
0x1f3: {  	_ =	sdelay $0x1  }
0x1f4: {  	[sflag:s3] =	ssyncset.done @!p1 $0x0  }
0x1f5: {  	[sflag:s3] =	ssyncadd.s32 @!p1 $0xFFFFD900  }
0x1f6: {  	_ =	sfence.sel $0x180000  }
0x1f7: {  	[bflag:$0x0] =	sbarrier.arrive $0xFFFF  }
0x1f8: {  	_ =	strace $0x90000047  }
0x1f9: {  	s0 =	stileid.u32;
	[bflag:$0x2] =	sbarrier.arrive $0xFFFF  }
0x1fa: {  	p0 =	sne.s32 s0, $0x0;
	s0 =	rddreg [dreg:$0x3]  }
0x1fb: {  	s0 =	sadd.s32 @!p0 $0x100000, s0  }
0x1fc: {  	[sflag:s0] =	ssyncadd.tile.s32 @!p0 $0x1;
	_ =	shalt  }
.Lfunc_end2:
_tile_overlayer_lowered:
.L_overlay_start_2:
0x1fd: {  	(tag) =	ssettag $0x2  }
0x1fe: {  	s0 =	rddreg [dreg:$0x0];
	s2 =	stileid.u32  }
0x1ff: {  	s1 =	rddreg [dreg:$0x1];
	p0 =	sne.s32 s2, $0x0  }
0x200: {  	s3 =	rddreg [dreg:$0x2];
	[bflag:$0x3] =	sbarrier.arrive $0xFFFF;
	s2 =	simm.s32 @!p0 $0x1C04  }
0x201: {  	[timem:s3], [sflag:s2] =	dma.local @!p0 [hbm:s0], s1  }
0x202: {  	s0 =	simm.s32 @!p0 $0x4  }
0x203: {  	_ =	swait.ge @!p0 [sflag:s0], s1  }
0x204: {  	s1 =	ssub.s32 @!p0 $0x0, s1;
	[sflag:s0] =	ssyncset.done @!p0 $0x0  }
0x205: {  	[sflag:s0] =	ssyncadd.s32 @!p0 s1  }
0x206: {  	[bflag:$0x3] =	sbarrier.arrive $0xFFFF  }
0x207: {  	_ =	shalt  }

</sc_bundles>
